<compile_context>
chip_gen: v7x
topology: tpu7x:2x2x1
jax: 0.10.2.dev20260603
libtpu: 0.0.44.dev20260713+nightly
codegen_flags: <defaults>
</compile_context>

<pallas_src>
import jax
import jax.numpy as jnp
from jax import lax
from jax.experimental import pallas as pl
from jax.experimental.pallas import tpu as pltpu
from jax.experimental.pallas import tpu_sc as plsc

N = 32768
BLK = 8192
NBLK = N // BLK
NSEG = 512
NC = 2
NS = 16
NW = NC * NS
RPW = N // NW
IC = 128
NIC = RPW // IC
D = 128
NSG = NSEG // NS


def _leaky(v):
    return jnp.where(v >= 0, v, 0.01 * v)


def _dot(a, b):
    return jnp.dot(a, b, preferred_element_type=jnp.float32)



def _mlp1_kernel(x_ref, w1, b1, w2, b2, w3, b3, hp_ref, h16_ref):
    h = _leaky(_dot(x_ref[...], w1[...]) + b1[...])
    h = _leaky(_dot(h, w2[...]) + b2[...])
    h = _dot(h, w3[...]) + b3[...]
    hp_ref[...] = jnp.concatenate(
        [h, jnp.ones((BLK, 16), jnp.float32), jnp.zeros((BLK, 48), jnp.float32)],
        axis=1)
    h16_ref[...] = h.astype(jnp.bfloat16)


def _mlp2_kernel(h_ref, emb_ref, w4a, w4b, b4, w5, b5, w6, b6, out_ref):
    h = h_ref[...]
    emb = emb_ref[...][:, :64]
    h2 = _leaky(_dot(h, w4a[...]) + _dot(emb, w4b[...]) + b4[...])
    h2 = _leaky(_dot(h2, w5[...]) + b5[...])
    out_ref[...] = _dot(h2, w6[...]) + b6[...]


def _full2(shape):
    return pl.BlockSpec(shape, lambda i: (0, 0))



def _sc_scatter_body(hp_hbm, ids_hbm, z_hbm, psums_hbm,
                     hv0, hv1, hv2, idv0, idv1, idv2, ssum,
                     sh0, sh1, sh2, si0, si1, si2, sc0, sc1, sc2):
    cid = lax.axis_index("c")
    sid = lax.axis_index("s")
    seg0 = sid * NSG
    pltpu.sync_copy(z_hbm.at[pl.ds(seg0, NSG)], ssum.at[pl.ds(seg0, NSG)])
    plsc.subcore_barrier()

    wid = sid * NC + cid
    base = wid * RPW
    hv = (hv0, hv1, hv2)
    idv = (idv0, idv1, idv2)
    sh = (sh0, sh1, sh2)
    si = (si0, si1, si2)
    sc = (sc0, sc1, sc2)

    def _stage(b, j):
        return (
            pltpu.async_copy(hp_hbm.at[pl.ds(base + j * IC, IC)], hv[b], sh[b]),
            pltpu.async_copy(ids_hbm.at[wid, j], idv[b], si[b]),
        )

    stage = [_stage(b, b) for b in range(3)]
    scat = [None, None, None]
    for j in range(NIC):
        b = j % 3
        stage[b][0].wait()
        stage[b][1].wait()
        scat[b] = pltpu.async_copy(hv[b], ssum.at[idv[b]], sc[b], add=True)
        jj = j - 2
        if jj >= 0 and jj + 3 < NIC:
            bb = jj % 3
            scat[bb].wait()
            scat[bb] = None
            stage[bb] = _stage(bb, jj + 3)
    for b in range(3):
        if scat[b] is not None:
            scat[b].wait()
    plsc.subcore_barrier()

    pltpu.sync_copy(ssum.at[pl.ds(seg0, NSG)], psums_hbm.at[cid, pl.ds(seg0, NSG)])



def _sc_gather_body(s0_hbm, s1_hbm, ids_hbm, emb_hbm,
                    s0v, s1v, idv, rowsv0, rowsv1, rowsv2, smeans,
                    si0, sg0, sg1, sg2, so0, so1, so2):
    cid = lax.axis_index("c")
    sid = lax.axis_index("s")
    seg0 = sid * NSG
    pltpu.sync_copy(s0_hbm.at[pl.ds(seg0, NSG)], s0v)
    pltpu.sync_copy(s1_hbm.at[pl.ds(seg0, NSG)], s1v)
    for r in range(NSG):
        cnt = jnp.maximum(s0v[r, pl.ds(64, 16)] + s1v[r, pl.ds(64, 16)], 1.0)
        rcp = 1.0 / cnt
        for k in range(4):
            s = s0v[r, pl.ds(k * 16, 16)] + s1v[r, pl.ds(k * 16, 16)]
            s0v[r, pl.ds(k * 16, 16)] = s * rcp
    pltpu.sync_copy(s0v, smeans.at[pl.ds(seg0, NSG)])
    plsc.subcore_barrier()

    wid = sid * NC + cid
    base = wid * RPW
    rv = (rowsv0, rowsv1, rowsv2)
    sg = (sg0, sg1, sg2)
    so = (so0, so1, so2)

    pltpu.async_copy(ids_hbm.at[wid], idv, si0).wait()
    gat = [None, None, None]
    out = [None, None, None]
    for j in range(NIC):
        b = j % 3
        if out[b] is not None:
            out[b].wait()
            out[b] = None
        gat[b] = pltpu.async_copy(smeans.at[idv.at[j]], rv[b], sg[b])
        jj = j - 2
        if jj >= 0:
            bb = jj % 3
            gat[bb].wait()
            gat[bb] = None
            out[bb] = pltpu.async_copy(rv[bb], emb_hbm.at[pl.ds(base + jj * IC, IC)], so[bb])
    for jj in range(NIC - 2, NIC):
        bb = jj % 3
        gat[bb].wait()
        out[bb] = pltpu.async_copy(rv[bb], emb_hbm.at[pl.ds(base + jj * IC, IC)], so[bb])
    for b in range(3):
        if out[b] is not None:
            out[b].wait()


def _sc_scatter(hp, ids3, z):
    mesh = plsc.VectorSubcoreMesh(core_axis_name="c", subcore_axis_name="s")
    return pl.kernel(
        _sc_scatter_body,
        out_type=jax.ShapeDtypeStruct((NC, NSEG, D), jnp.float32),
        mesh=mesh,
        scratch_types=[
            pltpu.VMEM((IC, D), jnp.float32),
            pltpu.VMEM((IC, D), jnp.float32),
            pltpu.VMEM((IC, D), jnp.float32),
            pltpu.VMEM((IC,), jnp.int32),
            pltpu.VMEM((IC,), jnp.int32),
            pltpu.VMEM((IC,), jnp.int32),
            pltpu.VMEM_SHARED((NSEG, D), jnp.float32),
            pltpu.SemaphoreType.DMA,
            pltpu.SemaphoreType.DMA,
            pltpu.SemaphoreType.DMA,
            pltpu.SemaphoreType.DMA,
            pltpu.SemaphoreType.DMA,
            pltpu.SemaphoreType.DMA,
            pltpu.SemaphoreType.DMA,
            pltpu.SemaphoreType.DMA,
            pltpu.SemaphoreType.DMA,
        ],
    )(hp, ids3, z)


def _sc_gather(s0, s1, ids3):
    mesh = plsc.VectorSubcoreMesh(core_axis_name="c", subcore_axis_name="s")
    return pl.kernel(
        _sc_gather_body,
        out_type=jax.ShapeDtypeStruct((N, D), jnp.float32),
        mesh=mesh,
        scratch_types=[
            pltpu.VMEM((NSG, D), jnp.float32),
            pltpu.VMEM((NSG, D), jnp.float32),
            pltpu.VMEM((NIC, IC), jnp.int32),
            pltpu.VMEM((IC, D), jnp.float32),
            pltpu.VMEM((IC, D), jnp.float32),
            pltpu.VMEM((IC, D), jnp.float32),
            pltpu.VMEM_SHARED((NSEG, D), jnp.float32),
            pltpu.SemaphoreType.DMA,
            pltpu.SemaphoreType.DMA,
            pltpu.SemaphoreType.DMA,
            pltpu.SemaphoreType.DMA,
            pltpu.SemaphoreType.DMA,
            pltpu.SemaphoreType.DMA,
            pltpu.SemaphoreType.DMA,
        ],
    )(s0, s1, ids3)


def kernel(x, aisle_nrs, batch, picks_left, W1, b1, W2, b2, W3, b3, W4, b4, W5, b5, W6, b6):
    ids = aisle_nrs + batch * 32
    ids3 = ids.reshape(NW, NIC, IC)
    b1r, b2r, b3r = b1.reshape(1, -1), b2.reshape(1, -1), b3.reshape(1, -1)
    b4r, b5r, b6r = b4.reshape(1, -1), b5.reshape(1, -1), b6.reshape(1, -1)
    W4a, W4b = W4[:64], W4[64:]
    z = jnp.zeros((NSEG, D), jnp.float32)

    hp, h16 = pl.pallas_call(
        _mlp1_kernel,
        grid=(NBLK,),
        in_specs=[
            pl.BlockSpec((BLK, 16), lambda i: (i, 0)),
            _full2((16, 128)), _full2((1, 128)),
            _full2((128, 128)), _full2((1, 128)),
            _full2((128, 64)), _full2((1, 64)),
        ],
        out_specs=[
            pl.BlockSpec((BLK, D), lambda i: (i, 0)),
            pl.BlockSpec((BLK, 64), lambda i: (i, 0)),
        ],
        out_shape=[
            jax.ShapeDtypeStruct((N, D), jnp.float32),
            jax.ShapeDtypeStruct((N, 64), jnp.bfloat16),
        ],
    )(x, W1, b1r, W2, b2r, W3, b3r)

    psums = _sc_scatter(hp, ids3, z)
    emb = _sc_gather(psums[0], psums[1], ids3)

    out = pl.pallas_call(
        _mlp2_kernel,
        grid=(NBLK,),
        in_specs=[
            pl.BlockSpec((BLK, 64), lambda i: (i, 0)),
            pl.BlockSpec((BLK, D), lambda i: (i, 0)),
            _full2((64, 128)), _full2((64, 128)), _full2((1, 128)),
            _full2((128, 128)), _full2((1, 128)),
            _full2((128, 1)), _full2((1, 1)),
        ],
        out_specs=pl.BlockSpec((BLK, 1), lambda i: (i, 0)),
        out_shape=jax.ShapeDtypeStruct((N, 1), jnp.float32),
    )(h16, emb, W4a.astype(jnp.bfloat16), W4b, b4r, W5, b5r, W6, b6r)

    return out

# --- scband reference (transcript-rebuilt; emitter-appended) ---
"""Pipeline reference for scband-inv-mlp-embedding-forward-44976897524026 (READ-ONLY COPY).

The authoritative reference and input builder live on the scoring server;
editing this copy changes nothing except your own understanding.
"""

import jax, jax.numpy as jnp
import numpy as np

N = 32768
IN_DIM = 16


def _leaky_relu(v):
    return jnp.where(v >= 0, v, 0.01 * v)


def setup_inputs(seed: int = 0) -> dict:
    key = jax.random.key(seed)
    ks = jax.random.split(key, 16)
    x = jax.random.normal(ks[0], (N, IN_DIM), dtype=jnp.float32)
    aisle_nrs = jax.random.randint(ks[1], (N,), 0, 32, dtype=jnp.int32)
    batch = jnp.sort(jax.random.randint(ks[2], (N,), 0, 16, dtype=jnp.int32))
    picks_left = jax.random.randint(ks[3], (N,), 0, 100, dtype=jnp.int32)
    def lin(k, fan_in, fan_out):
        bound = 1.0 / np.sqrt(fan_in)
        k1, k2 = jax.random.split(k)
        W = jax.random.uniform(k1, (fan_in, fan_out), minval=-bound, maxval=bound, dtype=jnp.float32)
        b = jax.random.uniform(k2, (fan_out,), minval=-bound, maxval=bound, dtype=jnp.float32)
        return W, b
    W1, b1 = lin(ks[4], 16, 128)
    W2, b2 = lin(ks[5], 128, 128)
    W3, b3 = lin(ks[6], 128, 64)
    W4, b4 = lin(ks[7], 128, 128)
    W5, b5 = lin(ks[8], 128, 128)
    W6, b6 = lin(ks[9], 128, 1)
    return {"x": x, "aisle_nrs": aisle_nrs, "batch": batch, "picks_left": picks_left,
            "W1": W1, "b1": b1, "W2": W2, "b2": b2, "W3": W3, "b3": b3,
            "W4": W4, "b4": b4, "W5": W5, "b5": b5, "W6": W6, "b6": b6}


def reference(x, aisle_nrs, batch, picks_left, W1, b1, W2, b2, W3, b3, W4, b4, W5, b5, W6, b6):
    h = _leaky_relu(x @ W1 + b1)
    h = _leaky_relu(h @ W2 + b2)
    h = h @ W3 + b3
    aisle_ids = aisle_nrs + batch * (jnp.max(aisle_nrs) + 1)
    num_seg = 32 + 15 * 32
    sums = jax.ops.segment_sum(h, aisle_ids, num_segments=num_seg)
    counts = jax.ops.segment_sum(jnp.ones((h.shape[0],), dtype=h.dtype), aisle_ids, num_segments=num_seg)
    aisle_embeddings = sums / jnp.maximum(counts, 1.0)[:, None]
    h2 = jnp.concatenate([h, aisle_embeddings[aisle_ids]], axis=1)
    h2 = _leaky_relu(h2 @ W4 + b4)
    h2 = _leaky_relu(h2 @ W5 + b5)
    out = h2 @ W6 + b6
    return out


if False:  # reference __main__ guard neutralized (emitter)
    inp = setup_inputs()
    out = reference(**inp)
    print(out.shape)

if __name__ == "__main__":
    import jax
    _d = setup_inputs()
    print(jax.jit(kernel)(*tuple(_d.values())))

</pallas_src>

<mosaic_0001>
#map = affine_map<(d0, d1) -> (0, 0)>
#map1 = affine_map<(d0, d1) -> (0, 0, 0)>
module attributes {stable_mosaic.version = 14 : i64} {
  func.func @_sc_scatter_body(%arg0: i32, %arg1: i32, %arg2: memref<32768x128xf32, #tpu.memory_space<hbm>>, %arg3: memref<32x8x128xi32, #tpu.memory_space<hbm>>, %arg4: memref<512x128xf32, #tpu.memory_space<hbm>>, %arg5: memref<2x512x128xf32, #tpu.memory_space<hbm>>, %arg6: memref<128x128xf32, #tpu.memory_space<vmem>>, %arg7: memref<128x128xf32, #tpu.memory_space<vmem>>, %arg8: memref<128x128xf32, #tpu.memory_space<vmem>>, %arg9: memref<128xi32, #tpu.memory_space<vmem>>, %arg10: memref<128xi32, #tpu.memory_space<vmem>>, %arg11: memref<128xi32, #tpu.memory_space<vmem>>, %arg12: memref<512x128xf32, #tpu.memory_space<vmem_shared>>, %arg13: memref<!tpu.dma_semaphore, #tpu.memory_space<semaphore_mem>>, %arg14: memref<!tpu.dma_semaphore, #tpu.memory_space<semaphore_mem>>, %arg15: memref<!tpu.dma_semaphore, #tpu.memory_space<semaphore_mem>>, %arg16: memref<!tpu.dma_semaphore, #tpu.memory_space<semaphore_mem>>, %arg17: memref<!tpu.dma_semaphore, #tpu.memory_space<semaphore_mem>>, %arg18: memref<!tpu.dma_semaphore, #tpu.memory_space<semaphore_mem>>, %arg19: memref<!tpu.dma_semaphore, #tpu.memory_space<semaphore_mem>>, %arg20: memref<!tpu.dma_semaphore, #tpu.memory_space<semaphore_mem>>, %arg21: memref<!tpu.dma_semaphore, #tpu.memory_space<semaphore_mem>>) attributes {dimension_semantics = [#tpu.dimension_semantics<core_parallel>, #tpu.dimension_semantics<subcore_parallel>], iteration_bounds = array<i64: 2, 16>, scalar_prefetch = 0 : i64, scratch_operands = 16 : i64, tpu.core_type = #tpu.core_type<sc_vector_subcore>, window_params = [{transform_indices = #map}, {transform_indices = #map1}, {transform_indices = #map}, {transform_indices = #map1}]} {
    %mul3A = arith.constant 32 : i32
    %mul3A_0 = arith.muli %arg1, %mul3A : i32
    "tpu.region"() ({
      %run_scoped3A = tpu.sem_alloc : memref<!tpu.dma_semaphore, #tpu.memory_space<semaphore_mem>>
      %dma_start3A_244 = arith.constant 0 : i32
      %dma_start3A_245 = tpu.memref_slice %arg12[%mul3A_0, %dma_start3A_244] : memref<512x128xf32, #tpu.memory_space<vmem_shared>> -> memref<32x128xf32, #tpu.memory_space<vmem_shared>>
      %dma_start3A_246 = arith.constant 0 : i32
      %dma_start3A_247 = tpu.memref_slice %arg4[%mul3A_0, %dma_start3A_246] : memref<512x128xf32, #tpu.memory_space<hbm>> -> memref<32x128xf32, #tpu.memory_space<hbm>>
      tpu.enqueue_dma source(%dma_start3A_247 : memref<32x128xf32, #tpu.memory_space<hbm>>) target(%dma_start3A_245 : memref<32x128xf32, #tpu.memory_space<vmem_shared>>) target_semaphore(%run_scoped3A : memref<!tpu.dma_semaphore, #tpu.memory_space<semaphore_mem>>)
      %dma_wait3A_248 = arith.constant 0 : i32
      %dma_wait3A_249 = tpu.memref_slice %arg12[%mul3A_0, %dma_wait3A_248] : memref<512x128xf32, #tpu.memory_space<vmem_shared>> -> memref<32x128xf32, #tpu.memory_space<vmem_shared>>
      %dma_wait3A_250 = arith.constant 0 : i32
      %dma_wait3A_251 = tpu.memref_slice %arg4[%mul3A_0, %dma_wait3A_250] : memref<512x128xf32, #tpu.memory_space<hbm>> -> memref<32x128xf32, #tpu.memory_space<hbm>>
      tpu.wait_dma2 semaphore(%run_scoped3A : memref<!tpu.dma_semaphore, #tpu.memory_space<semaphore_mem>>) src(%dma_wait3A_251 : memref<32x128xf32, #tpu.memory_space<hbm>>) dst(%dma_wait3A_249 : memref<32x128xf32, #tpu.memory_space<vmem_shared>>)
      tpu.yield
    }) : () -> ()
    %barrier3A = arith.constant 0 : index
    tpu.barrier barrier_id(%barrier3A)
    %mul3A_1 = arith.constant 2 : i32
    %mul3A_2 = arith.muli %arg1, %mul3A_1 : i32
    %add3A = arith.addi %mul3A_2, %arg0 : i32
    %mul3A_3 = arith.constant 1024 : i32
    %mul3A_4 = arith.muli %add3A, %mul3A_3 : i32
    %add3A_5 = arith.constant 0 : i32
    %add3A_6 = arith.addi %mul3A_4, %add3A_5 : i32
    %dma_start3A = arith.constant 0 : i32
    %dma_start3A_7 = tpu.memref_slice %arg2[%add3A_6, %dma_start3A] : memref<32768x128xf32, #tpu.memory_space<hbm>> -> memref<128x128xf32, #tpu.memory_space<hbm>>
    %dma_start3A_8 = arith.constant 0 : i32
    %dma_start3A_9 = tpu.memref_slice %arg2[%add3A_6, %dma_start3A_8] : memref<32768x128xf32, #tpu.memory_space<hbm>> -> memref<128x128xf32, #tpu.memory_space<hbm>>
    tpu.enqueue_dma source(%dma_start3A_9 : memref<128x128xf32, #tpu.memory_space<hbm>>) target(%arg6 : memref<128x128xf32, #tpu.memory_space<vmem>>) target_semaphore(%arg13 : memref<!tpu.dma_semaphore, #tpu.memory_space<semaphore_mem>>)
    %dma_start3A_10 = arith.constant 0 : i32
    %dma_start3A_11 = arith.constant 0 : i32
    %dma_start3A_12 = tpu.memref_slice %arg3[%add3A, %dma_start3A_10, %dma_start3A_11] : memref<32x8x128xi32, #tpu.memory_space<hbm>> -> memref<1x1x128xi32, #tpu.memory_space<hbm>>
    %dma_start3A_13 = tpu.memref_squeeze %dma_start3A_12 : memref<1x1x128xi32, #tpu.memory_space<hbm>> -> memref<128xi32, #tpu.memory_space<hbm>>
    %dma_start3A_14 = arith.constant 0 : i32
    %dma_start3A_15 = tpu.memref_slice %arg3[%add3A, %dma_start3A_10, %dma_start3A_14] : memref<32x8x128xi32, #tpu.memory_space<hbm>> -> memref<1x1x128xi32, #tpu.memory_space<hbm>>
    %dma_start3A_16 = tpu.memref_squeeze %dma_start3A_15 : memref<1x1x128xi32, #tpu.memory_space<hbm>> -> memref<128xi32, #tpu.memory_space<hbm>>
    tpu.enqueue_dma source(%dma_start3A_16 : memref<128xi32, #tpu.memory_space<hbm>>) target(%arg9 : memref<128xi32, #tpu.memory_space<vmem>>) target_semaphore(%arg16 : memref<!tpu.dma_semaphore, #tpu.memory_space<semaphore_mem>>)
    %add3A_17 = arith.constant 128 : i32
    %add3A_18 = arith.addi %mul3A_4, %add3A_17 : i32
    %dma_start3A_19 = arith.constant 0 : i32
    %dma_start3A_20 = tpu.memref_slice %arg2[%add3A_18, %dma_start3A_19] : memref<32768x128xf32, #tpu.memory_space<hbm>> -> memref<128x128xf32, #tpu.memory_space<hbm>>
    %dma_start3A_21 = arith.constant 0 : i32
    %dma_start3A_22 = tpu.memref_slice %arg2[%add3A_18, %dma_start3A_21] : memref<32768x128xf32, #tpu.memory_space<hbm>> -> memref<128x128xf32, #tpu.memory_space<hbm>>
    tpu.enqueue_dma source(%dma_start3A_22 : memref<128x128xf32, #tpu.memory_space<hbm>>) target(%arg7 : memref<128x128xf32, #tpu.memory_space<vmem>>) target_semaphore(%arg14 : memref<!tpu.dma_semaphore, #tpu.memory_space<semaphore_mem>>)
    %dma_start3A_23 = arith.constant 1 : i32
    %dma_start3A_24 = arith.constant 0 : i32
    %dma_start3A_25 = tpu.memref_slice %arg3[%add3A, %dma_start3A_23, %dma_start3A_24] : memref<32x8x128xi32, #tpu.memory_space<hbm>> -> memref<1x1x128xi32, #tpu.memory_space<hbm>>
    %dma_start3A_26 = tpu.memref_squeeze %dma_start3A_25 : memref<1x1x128xi32, #tpu.memory_space<hbm>> -> memref<128xi32, #tpu.memory_space<hbm>>
    %dma_start3A_27 = arith.constant 0 : i32
    %dma_start3A_28 = tpu.memref_slice %arg3[%add3A, %dma_start3A_23, %dma_start3A_27] : memref<32x8x128xi32, #tpu.memory_space<hbm>> -> memref<1x1x128xi32, #tpu.memory_space<hbm>>
    %dma_start3A_29 = tpu.memref_squeeze %dma_start3A_28 : memref<1x1x128xi32, #tpu.memory_space<hbm>> -> memref<128xi32, #tpu.memory_space<hbm>>
    tpu.enqueue_dma source(%dma_start3A_29 : memref<128xi32, #tpu.memory_space<hbm>>) target(%arg10 : memref<128xi32, #tpu.memory_space<vmem>>) target_semaphore(%arg17 : memref<!tpu.dma_semaphore, #tpu.memory_space<semaphore_mem>>)
    %add3A_30 = arith.constant 256 : i32
    %add3A_31 = arith.addi %mul3A_4, %add3A_30 : i32
    %dma_start3A_32 = arith.constant 0 : i32
    %dma_start3A_33 = tpu.memref_slice %arg2[%add3A_31, %dma_start3A_32] : memref<32768x128xf32, #tpu.memory_space<hbm>> -> memref<128x128xf32, #tpu.memory_space<hbm>>
    %dma_start3A_34 = arith.constant 0 : i32
    %dma_start3A_35 = tpu.memref_slice %arg2[%add3A_31, %dma_start3A_34] : memref<32768x128xf32, #tpu.memory_space<hbm>> -> memref<128x128xf32, #tpu.memory_space<hbm>>
    tpu.enqueue_dma source(%dma_start3A_35 : memref<128x128xf32, #tpu.memory_space<hbm>>) target(%arg8 : memref<128x128xf32, #tpu.memory_space<vmem>>) target_semaphore(%arg15 : memref<!tpu.dma_semaphore, #tpu.memory_space<semaphore_mem>>)
    %dma_start3A_36 = arith.constant 2 : i32
    %dma_start3A_37 = arith.constant 0 : i32
    %dma_start3A_38 = tpu.memref_slice %arg3[%add3A, %dma_start3A_36, %dma_start3A_37] : memref<32x8x128xi32, #tpu.memory_space<hbm>> -> memref<1x1x128xi32, #tpu.memory_space<hbm>>
    %dma_start3A_39 = tpu.memref_squeeze %dma_start3A_38 : memref<1x1x128xi32, #tpu.memory_space<hbm>> -> memref<128xi32, #tpu.memory_space<hbm>>
    %dma_start3A_40 = arith.constant 0 : i32
    %dma_start3A_41 = tpu.memref_slice %arg3[%add3A, %dma_start3A_36, %dma_start3A_40] : memref<32x8x128xi32, #tpu.memory_space<hbm>> -> memref<1x1x128xi32, #tpu.memory_space<hbm>>
    %dma_start3A_42 = tpu.memref_squeeze %dma_start3A_41 : memref<1x1x128xi32, #tpu.memory_space<hbm>> -> memref<128xi32, #tpu.memory_space<hbm>>
    tpu.enqueue_dma source(%dma_start3A_42 : memref<128xi32, #tpu.memory_space<hbm>>) target(%arg11 : memref<128xi32, #tpu.memory_space<vmem>>) target_semaphore(%arg18 : memref<!tpu.dma_semaphore, #tpu.memory_space<semaphore_mem>>)
    %dma_wait3A = arith.constant 0 : i32
    %dma_wait3A_43 = tpu.memref_slice %arg2[%add3A_6, %dma_wait3A] : memref<32768x128xf32, #tpu.memory_space<hbm>> -> memref<128x128xf32, #tpu.memory_space<hbm>>
    %dma_wait3A_44 = arith.constant 0 : i32
    %dma_wait3A_45 = tpu.memref_slice %arg2[%add3A_6, %dma_wait3A_44] : memref<32768x128xf32, #tpu.memory_space<hbm>> -> memref<128x128xf32, #tpu.memory_space<hbm>>
    tpu.wait_dma2 semaphore(%arg13 : memref<!tpu.dma_semaphore, #tpu.memory_space<semaphore_mem>>) src(%dma_wait3A_45 : memref<128x128xf32, #tpu.memory_space<hbm>>) dst(%arg6 : memref<128x128xf32, #tpu.memory_space<vmem>>)
    %dma_wait3A_46 = arith.constant 0 : i32
    %dma_wait3A_47 = arith.constant 0 : i32
    %dma_wait3A_48 = tpu.memref_slice %arg3[%add3A, %dma_wait3A_46, %dma_wait3A_47] : memref<32x8x128xi32, #tpu.memory_space<hbm>> -> memref<1x1x128xi32, #tpu.memory_space<hbm>>
    %dma_wait3A_49 = tpu.memref_squeeze %dma_wait3A_48 : memref<1x1x128xi32, #tpu.memory_space<hbm>> -> memref<128xi32, #tpu.memory_space<hbm>>
    %dma_wait3A_50 = arith.constant 0 : i32
    %dma_wait3A_51 = tpu.memref_slice %arg3[%add3A, %dma_wait3A_46, %dma_wait3A_50] : memref<32x8x128xi32, #tpu.memory_space<hbm>> -> memref<1x1x128xi32, #tpu.memory_space<hbm>>
    %dma_wait3A_52 = tpu.memref_squeeze %dma_wait3A_51 : memref<1x1x128xi32, #tpu.memory_space<hbm>> -> memref<128xi32, #tpu.memory_space<hbm>>
    tpu.wait_dma2 semaphore(%arg16 : memref<!tpu.dma_semaphore, #tpu.memory_space<semaphore_mem>>) src(%dma_wait3A_52 : memref<128xi32, #tpu.memory_space<hbm>>) dst(%arg9 : memref<128xi32, #tpu.memory_space<vmem>>)
    %dma_start3A_53 = arith.constant 0 : i32
    %dma_start3A_54 = arith.constant 0 : i32
    %dma_start3A_55 = tpu.memref_slice %arg12[%dma_start3A_53, %dma_start3A_54] : memref<512x128xf32, #tpu.memory_space<vmem_shared>> -> memref<512x128xf32, #tpu.memory_space<vmem_shared>>
    tpu.enqueue_indirect_dma source(%arg6 : memref<128x128xf32, #tpu.memory_space<vmem>>) target(%dma_start3A_55 : memref<512x128xf32, #tpu.memory_space<vmem_shared>>) offsets(%arg9 : memref<128xi32, #tpu.memory_space<vmem>>) semaphore(%arg19 : memref<!tpu.dma_semaphore, #tpu.memory_space<semaphore_mem>>) {add = true}
    %dma_wait3A_56 = arith.constant 0 : i32
    %dma_wait3A_57 = tpu.memref_slice %arg2[%add3A_18, %dma_wait3A_56] : memref<32768x128xf32, #tpu.memory_space<hbm>> -> memref<128x128xf32, #tpu.memory_space<hbm>>
    %dma_wait3A_58 = arith.constant 0 : i32
    %dma_wait3A_59 = tpu.memref_slice %arg2[%add3A_18, %dma_wait3A_58] : memref<32768x128xf32, #tpu.memory_space<hbm>> -> memref<128x128xf32, #tpu.memory_space<hbm>>
    tpu.wait_dma2 semaphore(%arg14 : memref<!tpu.dma_semaphore, #tpu.memory_space<semaphore_mem>>) src(%dma_wait3A_59 : memref<128x128xf32, #tpu.memory_space<hbm>>) dst(%arg7 : memref<128x128xf32, #tpu.memory_space<vmem>>)
    %dma_wait3A_60 = arith.constant 1 : i32
    %dma_wait3A_61 = arith.constant 0 : i32
    %dma_wait3A_62 = tpu.memref_slice %arg3[%add3A, %dma_wait3A_60, %dma_wait3A_61] : memref<32x8x128xi32, #tpu.memory_space<hbm>> -> memref<1x1x128xi32, #tpu.memory_space<hbm>>
    %dma_wait3A_63 = tpu.memref_squeeze %dma_wait3A_62 : memref<1x1x128xi32, #tpu.memory_space<hbm>> -> memref<128xi32, #tpu.memory_space<hbm>>
    %dma_wait3A_64 = arith.constant 0 : i32
    %dma_wait3A_65 = tpu.memref_slice %arg3[%add3A, %dma_wait3A_60, %dma_wait3A_64] : memref<32x8x128xi32, #tpu.memory_space<hbm>> -> memref<1x1x128xi32, #tpu.memory_space<hbm>>
    %dma_wait3A_66 = tpu.memref_squeeze %dma_wait3A_65 : memref<1x1x128xi32, #tpu.memory_space<hbm>> -> memref<128xi32, #tpu.memory_space<hbm>>
    tpu.wait_dma2 semaphore(%arg17 : memref<!tpu.dma_semaphore, #tpu.memory_space<semaphore_mem>>) src(%dma_wait3A_66 : memref<128xi32, #tpu.memory_space<hbm>>) dst(%arg10 : memref<128xi32, #tpu.memory_space<vmem>>)
    %dma_start3A_67 = arith.constant 0 : i32
    %dma_start3A_68 = arith.constant 0 : i32
    %dma_start3A_69 = tpu.memref_slice %arg12[%dma_start3A_67, %dma_start3A_68] : memref<512x128xf32, #tpu.memory_space<vmem_shared>> -> memref<512x128xf32, #tpu.memory_space<vmem_shared>>
    tpu.enqueue_indirect_dma source(%arg7 : memref<128x128xf32, #tpu.memory_space<vmem>>) target(%dma_start3A_69 : memref<512x128xf32, #tpu.memory_space<vmem_shared>>) offsets(%arg10 : memref<128xi32, #tpu.memory_space<vmem>>) semaphore(%arg20 : memref<!tpu.dma_semaphore, #tpu.memory_space<semaphore_mem>>) {add = true}
    %dma_wait3A_70 = arith.constant 0 : i32
    %dma_wait3A_71 = tpu.memref_slice %arg2[%add3A_31, %dma_wait3A_70] : memref<32768x128xf32, #tpu.memory_space<hbm>> -> memref<128x128xf32, #tpu.memory_space<hbm>>
    %dma_wait3A_72 = arith.constant 0 : i32
    %dma_wait3A_73 = tpu.memref_slice %arg2[%add3A_31, %dma_wait3A_72] : memref<32768x128xf32, #tpu.memory_space<hbm>> -> memref<128x128xf32, #tpu.memory_space<hbm>>
    tpu.wait_dma2 semaphore(%arg15 : memref<!tpu.dma_semaphore, #tpu.memory_space<semaphore_mem>>) src(%dma_wait3A_73 : memref<128x128xf32, #tpu.memory_space<hbm>>) dst(%arg8 : memref<128x128xf32, #tpu.memory_space<vmem>>)
    %dma_wait3A_74 = arith.constant 2 : i32
    %dma_wait3A_75 = arith.constant 0 : i32
    %dma_wait3A_76 = tpu.memref_slice %arg3[%add3A, %dma_wait3A_74, %dma_wait3A_75] : memref<32x8x128xi32, #tpu.memory_space<hbm>> -> memref<1x1x128xi32, #tpu.memory_space<hbm>>
    %dma_wait3A_77 = tpu.memref_squeeze %dma_wait3A_76 : memref<1x1x128xi32, #tpu.memory_space<hbm>> -> memref<128xi32, #tpu.memory_space<hbm>>
    %dma_wait3A_78 = arith.constant 0 : i32
    %dma_wait3A_79 = tpu.memref_slice %arg3[%add3A, %dma_wait3A_74, %dma_wait3A_78] : memref<32x8x128xi32, #tpu.memory_space<hbm>> -> memref<1x1x128xi32, #tpu.memory_space<hbm>>
    %dma_wait3A_80 = tpu.memref_squeeze %dma_wait3A_79 : memref<1x1x128xi32, #tpu.memory_space<hbm>> -> memref<128xi32, #tpu.memory_space<hbm>>
    tpu.wait_dma2 semaphore(%arg18 : memref<!tpu.dma_semaphore, #tpu.memory_space<semaphore_mem>>) src(%dma_wait3A_80 : memref<128xi32, #tpu.memory_space<hbm>>) dst(%arg11 : memref<128xi32, #tpu.memory_space<vmem>>)
    %dma_start3A_81 = arith.constant 0 : i32
    %dma_start3A_82 = arith.constant 0 : i32
    %dma_start3A_83 = tpu.memref_slice %arg12[%dma_start3A_81, %dma_start3A_82] : memref<512x128xf32, #tpu.memory_space<vmem_shared>> -> memref<512x128xf32, #tpu.memory_space<vmem_shared>>
    tpu.enqueue_indirect_dma source(%arg8 : memref<128x128xf32, #tpu.memory_space<vmem>>) target(%dma_start3A_83 : memref<512x128xf32, #tpu.memory_space<vmem_shared>>) offsets(%arg11 : memref<128xi32, #tpu.memory_space<vmem>>) semaphore(%arg21 : memref<!tpu.dma_semaphore, #tpu.memory_space<semaphore_mem>>) {add = true}
    %dma_wait3A_84 = arith.constant 0 : i32
    %dma_wait3A_85 = arith.constant 0 : i32
    %dma_wait3A_86 = tpu.memref_slice %arg12[%dma_wait3A_84, %dma_wait3A_85] : memref<512x128xf32, #tpu.memory_space<vmem_shared>> -> memref<512x128xf32, #tpu.memory_space<vmem_shared>>
    tpu.wait_indirect_dma semaphore(%arg19 : memref<!tpu.dma_semaphore, #tpu.memory_space<semaphore_mem>>) src(%arg6 : memref<128x128xf32, #tpu.memory_space<vmem>>) dst(%dma_wait3A_86 : memref<512x128xf32, #tpu.memory_space<vmem_shared>>)
    %add3A_87 = arith.constant 384 : i32
    %add3A_88 = arith.addi %mul3A_4, %add3A_87 : i32
    %dma_start3A_89 = arith.constant 0 : i32
    %dma_start3A_90 = tpu.memref_slice %arg2[%add3A_88, %dma_start3A_89] : memref<32768x128xf32, #tpu.memory_space<hbm>> -> memref<128x128xf32, #tpu.memory_space<hbm>>
    %dma_start3A_91 = arith.constant 0 : i32
    %dma_start3A_92 = tpu.memref_slice %arg2[%add3A_88, %dma_start3A_91] : memref<32768x128xf32, #tpu.memory_space<hbm>> -> memref<128x128xf32, #tpu.memory_space<hbm>>
    tpu.enqueue_dma source(%dma_start3A_92 : memref<128x128xf32, #tpu.memory_space<hbm>>) target(%arg6 : memref<128x128xf32, #tpu.memory_space<vmem>>) target_semaphore(%arg13 : memref<!tpu.dma_semaphore, #tpu.memory_space<semaphore_mem>>)
    %dma_start3A_93 = arith.constant 3 : i32
    %dma_start3A_94 = arith.constant 0 : i32
    %dma_start3A_95 = tpu.memref_slice %arg3[%add3A, %dma_start3A_93, %dma_start3A_94] : memref<32x8x128xi32, #tpu.memory_space<hbm>> -> memref<1x1x128xi32, #tpu.memory_space<hbm>>
    %dma_start3A_96 = tpu.memref_squeeze %dma_start3A_95 : memref<1x1x128xi32, #tpu.memory_space<hbm>> -> memref<128xi32, #tpu.memory_space<hbm>>
    %dma_start3A_97 = arith.constant 0 : i32
    %dma_start3A_98 = tpu.memref_slice %arg3[%add3A, %dma_start3A_93, %dma_start3A_97] : memref<32x8x128xi32, #tpu.memory_space<hbm>> -> memref<1x1x128xi32, #tpu.memory_space<hbm>>
    %dma_start3A_99 = tpu.memref_squeeze %dma_start3A_98 : memref<1x1x128xi32, #tpu.memory_space<hbm>> -> memref<128xi32, #tpu.memory_space<hbm>>
    tpu.enqueue_dma source(%dma_start3A_99 : memref<128xi32, #tpu.memory_space<hbm>>) target(%arg9 : memref<128xi32, #tpu.memory_space<vmem>>) target_semaphore(%arg16 : memref<!tpu.dma_semaphore, #tpu.memory_space<semaphore_mem>>)
    %dma_wait3A_100 = arith.constant 0 : i32
    %dma_wait3A_101 = tpu.memref_slice %arg2[%add3A_88, %dma_wait3A_100] : memref<32768x128xf32, #tpu.memory_space<hbm>> -> memref<128x128xf32, #tpu.memory_space<hbm>>
    %dma_wait3A_102 = arith.constant 0 : i32
    %dma_wait3A_103 = tpu.memref_slice %arg2[%add3A_88, %dma_wait3A_102] : memref<32768x128xf32, #tpu.memory_space<hbm>> -> memref<128x128xf32, #tpu.memory_space<hbm>>
    tpu.wait_dma2 semaphore(%arg13 : memref<!tpu.dma_semaphore, #tpu.memory_space<semaphore_mem>>) src(%dma_wait3A_103 : memref<128x128xf32, #tpu.memory_space<hbm>>) dst(%arg6 : memref<128x128xf32, #tpu.memory_space<vmem>>)
    %dma_wait3A_104 = arith.constant 3 : i32
    %dma_wait3A_105 = arith.constant 0 : i32
    %dma_wait3A_106 = tpu.memref_slice %arg3[%add3A, %dma_wait3A_104, %dma_wait3A_105] : memref<32x8x128xi32, #tpu.memory_space<hbm>> -> memref<1x1x128xi32, #tpu.memory_space<hbm>>
    %dma_wait3A_107 = tpu.memref_squeeze %dma_wait3A_106 : memref<1x1x128xi32, #tpu.memory_space<hbm>> -> memref<128xi32, #tpu.memory_space<hbm>>
    %dma_wait3A_108 = arith.constant 0 : i32
    %dma_wait3A_109 = tpu.memref_slice %arg3[%add3A, %dma_wait3A_104, %dma_wait3A_108] : memref<32x8x128xi32, #tpu.memory_space<hbm>> -> memref<1x1x128xi32, #tpu.memory_space<hbm>>
    %dma_wait3A_110 = tpu.memref_squeeze %dma_wait3A_109 : memref<1x1x128xi32, #tpu.memory_space<hbm>> -> memref<128xi32, #tpu.memory_space<hbm>>
    tpu.wait_dma2 semaphore(%arg16 : memref<!tpu.dma_semaphore, #tpu.memory_space<semaphore_mem>>) src(%dma_wait3A_110 : memref<128xi32, #tpu.memory_space<hbm>>) dst(%arg9 : memref<128xi32, #tpu.memory_space<vmem>>)
    %dma_start3A_111 = arith.constant 0 : i32
    %dma_start3A_112 = arith.constant 0 : i32
    %dma_start3A_113 = tpu.memref_slice %arg12[%dma_start3A_111, %dma_start3A_112] : memref<512x128xf32, #tpu.memory_space<vmem_shared>> -> memref<512x128xf32, #tpu.memory_space<vmem_shared>>
    tpu.enqueue_indirect_dma source(%arg6 : memref<128x128xf32, #tpu.memory_space<vmem>>) target(%dma_start3A_113 : memref<512x128xf32, #tpu.memory_space<vmem_shared>>) offsets(%arg9 : memref<128xi32, #tpu.memory_space<vmem>>) semaphore(%arg19 : memref<!tpu.dma_semaphore, #tpu.memory_space<semaphore_mem>>) {add = true}
    %dma_wait3A_114 = arith.constant 0 : i32
    %dma_wait3A_115 = arith.constant 0 : i32
    %dma_wait3A_116 = tpu.memref_slice %arg12[%dma_wait3A_114, %dma_wait3A_115] : memref<512x128xf32, #tpu.memory_space<vmem_shared>> -> memref<512x128xf32, #tpu.memory_space<vmem_shared>>
    tpu.wait_indirect_dma semaphore(%arg20 : memref<!tpu.dma_semaphore, #tpu.memory_space<semaphore_mem>>) src(%arg7 : memref<128x128xf32, #tpu.memory_space<vmem>>) dst(%dma_wait3A_116 : memref<512x128xf32, #tpu.memory_space<vmem_shared>>)
    %add3A_117 = arith.constant 512 : i32
    %add3A_118 = arith.addi %mul3A_4, %add3A_117 : i32
    %dma_start3A_119 = arith.constant 0 : i32
    %dma_start3A_120 = tpu.memref_slice %arg2[%add3A_118, %dma_start3A_119] : memref<32768x128xf32, #tpu.memory_space<hbm>> -> memref<128x128xf32, #tpu.memory_space<hbm>>
    %dma_start3A_121 = arith.constant 0 : i32
    %dma_start3A_122 = tpu.memref_slice %arg2[%add3A_118, %dma_start3A_121] : memref<32768x128xf32, #tpu.memory_space<hbm>> -> memref<128x128xf32, #tpu.memory_space<hbm>>
    tpu.enqueue_dma source(%dma_start3A_122 : memref<128x128xf32, #tpu.memory_space<hbm>>) target(%arg7 : memref<128x128xf32, #tpu.memory_space<vmem>>) target_semaphore(%arg14 : memref<!tpu.dma_semaphore, #tpu.memory_space<semaphore_mem>>)
    %dma_start3A_123 = arith.constant 4 : i32
    %dma_start3A_124 = arith.constant 0 : i32
    %dma_start3A_125 = tpu.memref_slice %arg3[%add3A, %dma_start3A_123, %dma_start3A_124] : memref<32x8x128xi32, #tpu.memory_space<hbm>> -> memref<1x1x128xi32, #tpu.memory_space<hbm>>
    %dma_start3A_126 = tpu.memref_squeeze %dma_start3A_125 : memref<1x1x128xi32, #tpu.memory_space<hbm>> -> memref<128xi32, #tpu.memory_space<hbm>>
    %dma_start3A_127 = arith.constant 0 : i32
    %dma_start3A_128 = tpu.memref_slice %arg3[%add3A, %dma_start3A_123, %dma_start3A_127] : memref<32x8x128xi32, #tpu.memory_space<hbm>> -> memref<1x1x128xi32, #tpu.memory_space<hbm>>
    %dma_start3A_129 = tpu.memref_squeeze %dma_start3A_128 : memref<1x1x128xi32, #tpu.memory_space<hbm>> -> memref<128xi32, #tpu.memory_space<hbm>>
    tpu.enqueue_dma source(%dma_start3A_129 : memref<128xi32, #tpu.memory_space<hbm>>) target(%arg10 : memref<128xi32, #tpu.memory_space<vmem>>) target_semaphore(%arg17 : memref<!tpu.dma_semaphore, #tpu.memory_space<semaphore_mem>>)
    %dma_wait3A_130 = arith.constant 0 : i32
    %dma_wait3A_131 = tpu.memref_slice %arg2[%add3A_118, %dma_wait3A_130] : memref<32768x128xf32, #tpu.memory_space<hbm>> -> memref<128x128xf32, #tpu.memory_space<hbm>>
    %dma_wait3A_132 = arith.constant 0 : i32
    %dma_wait3A_133 = tpu.memref_slice %arg2[%add3A_118, %dma_wait3A_132] : memref<32768x128xf32, #tpu.memory_space<hbm>> -> memref<128x128xf32, #tpu.memory_space<hbm>>
    tpu.wait_dma2 semaphore(%arg14 : memref<!tpu.dma_semaphore, #tpu.memory_space<semaphore_mem>>) src(%dma_wait3A_133 : memref<128x128xf32, #tpu.memory_space<hbm>>) dst(%arg7 : memref<128x128xf32, #tpu.memory_space<vmem>>)
    %dma_wait3A_134 = arith.constant 4 : i32
    %dma_wait3A_135 = arith.constant 0 : i32
    %dma_wait3A_136 = tpu.memref_slice %arg3[%add3A, %dma_wait3A_134, %dma_wait3A_135] : memref<32x8x128xi32, #tpu.memory_space<hbm>> -> memref<1x1x128xi32, #tpu.memory_space<hbm>>
    %dma_wait3A_137 = tpu.memref_squeeze %dma_wait3A_136 : memref<1x1x128xi32, #tpu.memory_space<hbm>> -> memref<128xi32, #tpu.memory_space<hbm>>
    %dma_wait3A_138 = arith.constant 0 : i32
    %dma_wait3A_139 = tpu.memref_slice %arg3[%add3A, %dma_wait3A_134, %dma_wait3A_138] : memref<32x8x128xi32, #tpu.memory_space<hbm>> -> memref<1x1x128xi32, #tpu.memory_space<hbm>>
    %dma_wait3A_140 = tpu.memref_squeeze %dma_wait3A_139 : memref<1x1x128xi32, #tpu.memory_space<hbm>> -> memref<128xi32, #tpu.memory_space<hbm>>
    tpu.wait_dma2 semaphore(%arg17 : memref<!tpu.dma_semaphore, #tpu.memory_space<semaphore_mem>>) src(%dma_wait3A_140 : memref<128xi32, #tpu.memory_space<hbm>>) dst(%arg10 : memref<128xi32, #tpu.memory_space<vmem>>)
    %dma_start3A_141 = arith.constant 0 : i32
    %dma_start3A_142 = arith.constant 0 : i32
    %dma_start3A_143 = tpu.memref_slice %arg12[%dma_start3A_141, %dma_start3A_142] : memref<512x128xf32, #tpu.memory_space<vmem_shared>> -> memref<512x128xf32, #tpu.memory_space<vmem_shared>>
    tpu.enqueue_indirect_dma source(%arg7 : memref<128x128xf32, #tpu.memory_space<vmem>>) target(%dma_start3A_143 : memref<512x128xf32, #tpu.memory_space<vmem_shared>>) offsets(%arg10 : memref<128xi32, #tpu.memory_space<vmem>>) semaphore(%arg20 : memref<!tpu.dma_semaphore, #tpu.memory_space<semaphore_mem>>) {add = true}
    %dma_wait3A_144 = arith.constant 0 : i32
    %dma_wait3A_145 = arith.constant 0 : i32
    %dma_wait3A_146 = tpu.memref_slice %arg12[%dma_wait3A_144, %dma_wait3A_145] : memref<512x128xf32, #tpu.memory_space<vmem_shared>> -> memref<512x128xf32, #tpu.memory_space<vmem_shared>>
    tpu.wait_indirect_dma semaphore(%arg21 : memref<!tpu.dma_semaphore, #tpu.memory_space<semaphore_mem>>) src(%arg8 : memref<128x128xf32, #tpu.memory_space<vmem>>) dst(%dma_wait3A_146 : memref<512x128xf32, #tpu.memory_space<vmem_shared>>)
    %add3A_147 = arith.constant 640 : i32
    %add3A_148 = arith.addi %mul3A_4, %add3A_147 : i32
    %dma_start3A_149 = arith.constant 0 : i32
    %dma_start3A_150 = tpu.memref_slice %arg2[%add3A_148, %dma_start3A_149] : memref<32768x128xf32, #tpu.memory_space<hbm>> -> memref<128x128xf32, #tpu.memory_space<hbm>>
    %dma_start3A_151 = arith.constant 0 : i32
    %dma_start3A_152 = tpu.memref_slice %arg2[%add3A_148, %dma_start3A_151] : memref<32768x128xf32, #tpu.memory_space<hbm>> -> memref<128x128xf32, #tpu.memory_space<hbm>>
    tpu.enqueue_dma source(%dma_start3A_152 : memref<128x128xf32, #tpu.memory_space<hbm>>) target(%arg8 : memref<128x128xf32, #tpu.memory_space<vmem>>) target_semaphore(%arg15 : memref<!tpu.dma_semaphore, #tpu.memory_space<semaphore_mem>>)
    %dma_start3A_153 = arith.constant 5 : i32
    %dma_start3A_154 = arith.constant 0 : i32
    %dma_start3A_155 = tpu.memref_slice %arg3[%add3A, %dma_start3A_153, %dma_start3A_154] : memref<32x8x128xi32, #tpu.memory_space<hbm>> -> memref<1x1x128xi32, #tpu.memory_space<hbm>>
    %dma_start3A_156 = tpu.memref_squeeze %dma_start3A_155 : memref<1x1x128xi32, #tpu.memory_space<hbm>> -> memref<128xi32, #tpu.memory_space<hbm>>
    %dma_start3A_157 = arith.constant 0 : i32
    %dma_start3A_158 = tpu.memref_slice %arg3[%add3A, %dma_start3A_153, %dma_start3A_157] : memref<32x8x128xi32, #tpu.memory_space<hbm>> -> memref<1x1x128xi32, #tpu.memory_space<hbm>>
    %dma_start3A_159 = tpu.memref_squeeze %dma_start3A_158 : memref<1x1x128xi32, #tpu.memory_space<hbm>> -> memref<128xi32, #tpu.memory_space<hbm>>
    tpu.enqueue_dma source(%dma_start3A_159 : memref<128xi32, #tpu.memory_space<hbm>>) target(%arg11 : memref<128xi32, #tpu.memory_space<vmem>>) target_semaphore(%arg18 : memref<!tpu.dma_semaphore, #tpu.memory_space<semaphore_mem>>)
    %dma_wait3A_160 = arith.constant 0 : i32
    %dma_wait3A_161 = tpu.memref_slice %arg2[%add3A_148, %dma_wait3A_160] : memref<32768x128xf32, #tpu.memory_space<hbm>> -> memref<128x128xf32, #tpu.memory_space<hbm>>
    %dma_wait3A_162 = arith.constant 0 : i32
    %dma_wait3A_163 = tpu.memref_slice %arg2[%add3A_148, %dma_wait3A_162] : memref<32768x128xf32, #tpu.memory_space<hbm>> -> memref<128x128xf32, #tpu.memory_space<hbm>>
    tpu.wait_dma2 semaphore(%arg15 : memref<!tpu.dma_semaphore, #tpu.memory_space<semaphore_mem>>) src(%dma_wait3A_163 : memref<128x128xf32, #tpu.memory_space<hbm>>) dst(%arg8 : memref<128x128xf32, #tpu.memory_space<vmem>>)
    %dma_wait3A_164 = arith.constant 5 : i32
    %dma_wait3A_165 = arith.constant 0 : i32
    %dma_wait3A_166 = tpu.memref_slice %arg3[%add3A, %dma_wait3A_164, %dma_wait3A_165] : memref<32x8x128xi32, #tpu.memory_space<hbm>> -> memref<1x1x128xi32, #tpu.memory_space<hbm>>
    %dma_wait3A_167 = tpu.memref_squeeze %dma_wait3A_166 : memref<1x1x128xi32, #tpu.memory_space<hbm>> -> memref<128xi32, #tpu.memory_space<hbm>>
    %dma_wait3A_168 = arith.constant 0 : i32
    %dma_wait3A_169 = tpu.memref_slice %arg3[%add3A, %dma_wait3A_164, %dma_wait3A_168] : memref<32x8x128xi32, #tpu.memory_space<hbm>> -> memref<1x1x128xi32, #tpu.memory_space<hbm>>
    %dma_wait3A_170 = tpu.memref_squeeze %dma_wait3A_169 : memref<1x1x128xi32, #tpu.memory_space<hbm>> -> memref<128xi32, #tpu.memory_space<hbm>>
    tpu.wait_dma2 semaphore(%arg18 : memref<!tpu.dma_semaphore, #tpu.memory_space<semaphore_mem>>) src(%dma_wait3A_170 : memref<128xi32, #tpu.memory_space<hbm>>) dst(%arg11 : memref<128xi32, #tpu.memory_space<vmem>>)
    %dma_start3A_171 = arith.constant 0 : i32
    %dma_start3A_172 = arith.constant 0 : i32
    %dma_start3A_173 = tpu.memref_slice %arg12[%dma_start3A_171, %dma_start3A_172] : memref<512x128xf32, #tpu.memory_space<vmem_shared>> -> memref<512x128xf32, #tpu.memory_space<vmem_shared>>
    tpu.enqueue_indirect_dma source(%arg8 : memref<128x128xf32, #tpu.memory_space<vmem>>) target(%dma_start3A_173 : memref<512x128xf32, #tpu.memory_space<vmem_shared>>) offsets(%arg11 : memref<128xi32, #tpu.memory_space<vmem>>) semaphore(%arg21 : memref<!tpu.dma_semaphore, #tpu.memory_space<semaphore_mem>>) {add = true}
    %dma_wait3A_174 = arith.constant 0 : i32
    %dma_wait3A_175 = arith.constant 0 : i32
    %dma_wait3A_176 = tpu.memref_slice %arg12[%dma_wait3A_174, %dma_wait3A_175] : memref<512x128xf32, #tpu.memory_space<vmem_shared>> -> memref<512x128xf32, #tpu.memory_space<vmem_shared>>
    tpu.wait_indirect_dma semaphore(%arg19 : memref<!tpu.dma_semaphore, #tpu.memory_space<semaphore_mem>>) src(%arg6 : memref<128x128xf32, #tpu.memory_space<vmem>>) dst(%dma_wait3A_176 : memref<512x128xf32, #tpu.memory_space<vmem_shared>>)
    %add3A_177 = arith.constant 768 : i32
    %add3A_178 = arith.addi %mul3A_4, %add3A_177 : i32
    %dma_start3A_179 = arith.constant 0 : i32
    %dma_start3A_180 = tpu.memref_slice %arg2[%add3A_178, %dma_start3A_179] : memref<32768x128xf32, #tpu.memory_space<hbm>> -> memref<128x128xf32, #tpu.memory_space<hbm>>
    %dma_start3A_181 = arith.constant 0 : i32
    %dma_start3A_182 = tpu.memref_slice %arg2[%add3A_178, %dma_start3A_181] : memref<32768x128xf32, #tpu.memory_space<hbm>> -> memref<128x128xf32, #tpu.memory_space<hbm>>
    tpu.enqueue_dma source(%dma_start3A_182 : memref<128x128xf32, #tpu.memory_space<hbm>>) target(%arg6 : memref<128x128xf32, #tpu.memory_space<vmem>>) target_semaphore(%arg13 : memref<!tpu.dma_semaphore, #tpu.memory_space<semaphore_mem>>)
    %dma_start3A_183 = arith.constant 6 : i32
    %dma_start3A_184 = arith.constant 0 : i32
    %dma_start3A_185 = tpu.memref_slice %arg3[%add3A, %dma_start3A_183, %dma_start3A_184] : memref<32x8x128xi32, #tpu.memory_space<hbm>> -> memref<1x1x128xi32, #tpu.memory_space<hbm>>
    %dma_start3A_186 = tpu.memref_squeeze %dma_start3A_185 : memref<1x1x128xi32, #tpu.memory_space<hbm>> -> memref<128xi32, #tpu.memory_space<hbm>>
    %dma_start3A_187 = arith.constant 0 : i32
    %dma_start3A_188 = tpu.memref_slice %arg3[%add3A, %dma_start3A_183, %dma_start3A_187] : memref<32x8x128xi32, #tpu.memory_space<hbm>> -> memref<1x1x128xi32, #tpu.memory_space<hbm>>
    %dma_start3A_189 = tpu.memref_squeeze %dma_start3A_188 : memref<1x1x128xi32, #tpu.memory_space<hbm>> -> memref<128xi32, #tpu.memory_space<hbm>>
    tpu.enqueue_dma source(%dma_start3A_189 : memref<128xi32, #tpu.memory_space<hbm>>) target(%arg9 : memref<128xi32, #tpu.memory_space<vmem>>) target_semaphore(%arg16 : memref<!tpu.dma_semaphore, #tpu.memory_space<semaphore_mem>>)
    %dma_wait3A_190 = arith.constant 0 : i32
    %dma_wait3A_191 = tpu.memref_slice %arg2[%add3A_178, %dma_wait3A_190] : memref<32768x128xf32, #tpu.memory_space<hbm>> -> memref<128x128xf32, #tpu.memory_space<hbm>>
    %dma_wait3A_192 = arith.constant 0 : i32
    %dma_wait3A_193 = tpu.memref_slice %arg2[%add3A_178, %dma_wait3A_192] : memref<32768x128xf32, #tpu.memory_space<hbm>> -> memref<128x128xf32, #tpu.memory_space<hbm>>
    tpu.wait_dma2 semaphore(%arg13 : memref<!tpu.dma_semaphore, #tpu.memory_space<semaphore_mem>>) src(%dma_wait3A_193 : memref<128x128xf32, #tpu.memory_space<hbm>>) dst(%arg6 : memref<128x128xf32, #tpu.memory_space<vmem>>)
    %dma_wait3A_194 = arith.constant 6 : i32
    %dma_wait3A_195 = arith.constant 0 : i32
    %dma_wait3A_196 = tpu.memref_slice %arg3[%add3A, %dma_wait3A_194, %dma_wait3A_195] : memref<32x8x128xi32, #tpu.memory_space<hbm>> -> memref<1x1x128xi32, #tpu.memory_space<hbm>>
    %dma_wait3A_197 = tpu.memref_squeeze %dma_wait3A_196 : memref<1x1x128xi32, #tpu.memory_space<hbm>> -> memref<128xi32, #tpu.memory_space<hbm>>
    %dma_wait3A_198 = arith.constant 0 : i32
    %dma_wait3A_199 = tpu.memref_slice %arg3[%add3A, %dma_wait3A_194, %dma_wait3A_198] : memref<32x8x128xi32, #tpu.memory_space<hbm>> -> memref<1x1x128xi32, #tpu.memory_space<hbm>>
    %dma_wait3A_200 = tpu.memref_squeeze %dma_wait3A_199 : memref<1x1x128xi32, #tpu.memory_space<hbm>> -> memref<128xi32, #tpu.memory_space<hbm>>
    tpu.wait_dma2 semaphore(%arg16 : memref<!tpu.dma_semaphore, #tpu.memory_space<semaphore_mem>>) src(%dma_wait3A_200 : memref<128xi32, #tpu.memory_space<hbm>>) dst(%arg9 : memref<128xi32, #tpu.memory_space<vmem>>)
    %dma_start3A_201 = arith.constant 0 : i32
    %dma_start3A_202 = arith.constant 0 : i32
    %dma_start3A_203 = tpu.memref_slice %arg12[%dma_start3A_201, %dma_start3A_202] : memref<512x128xf32, #tpu.memory_space<vmem_shared>> -> memref<512x128xf32, #tpu.memory_space<vmem_shared>>
    tpu.enqueue_indirect_dma source(%arg6 : memref<128x128xf32, #tpu.memory_space<vmem>>) target(%dma_start3A_203 : memref<512x128xf32, #tpu.memory_space<vmem_shared>>) offsets(%arg9 : memref<128xi32, #tpu.memory_space<vmem>>) semaphore(%arg19 : memref<!tpu.dma_semaphore, #tpu.memory_space<semaphore_mem>>) {add = true}
    %dma_wait3A_204 = arith.constant 0 : i32
    %dma_wait3A_205 = arith.constant 0 : i32
    %dma_wait3A_206 = tpu.memref_slice %arg12[%dma_wait3A_204, %dma_wait3A_205] : memref<512x128xf32, #tpu.memory_space<vmem_shared>> -> memref<512x128xf32, #tpu.memory_space<vmem_shared>>
    tpu.wait_indirect_dma semaphore(%arg20 : memref<!tpu.dma_semaphore, #tpu.memory_space<semaphore_mem>>) src(%arg7 : memref<128x128xf32, #tpu.memory_space<vmem>>) dst(%dma_wait3A_206 : memref<512x128xf32, #tpu.memory_space<vmem_shared>>)
    %add3A_207 = arith.constant 896 : i32
    %add3A_208 = arith.addi %mul3A_4, %add3A_207 : i32
    %dma_start3A_209 = arith.constant 0 : i32
    %dma_start3A_210 = tpu.memref_slice %arg2[%add3A_208, %dma_start3A_209] : memref<32768x128xf32, #tpu.memory_space<hbm>> -> memref<128x128xf32, #tpu.memory_space<hbm>>
    %dma_start3A_211 = arith.constant 0 : i32
    %dma_start3A_212 = tpu.memref_slice %arg2[%add3A_208, %dma_start3A_211] : memref<32768x128xf32, #tpu.memory_space<hbm>> -> memref<128x128xf32, #tpu.memory_space<hbm>>
    tpu.enqueue_dma source(%dma_start3A_212 : memref<128x128xf32, #tpu.memory_space<hbm>>) target(%arg7 : memref<128x128xf32, #tpu.memory_space<vmem>>) target_semaphore(%arg14 : memref<!tpu.dma_semaphore, #tpu.memory_space<semaphore_mem>>)
    %dma_start3A_213 = arith.constant 7 : i32
    %dma_start3A_214 = arith.constant 0 : i32
    %dma_start3A_215 = tpu.memref_slice %arg3[%add3A, %dma_start3A_213, %dma_start3A_214] : memref<32x8x128xi32, #tpu.memory_space<hbm>> -> memref<1x1x128xi32, #tpu.memory_space<hbm>>
    %dma_start3A_216 = tpu.memref_squeeze %dma_start3A_215 : memref<1x1x128xi32, #tpu.memory_space<hbm>> -> memref<128xi32, #tpu.memory_space<hbm>>
    %dma_start3A_217 = arith.constant 0 : i32
    %dma_start3A_218 = tpu.memref_slice %arg3[%add3A, %dma_start3A_213, %dma_start3A_217] : memref<32x8x128xi32, #tpu.memory_space<hbm>> -> memref<1x1x128xi32, #tpu.memory_space<hbm>>
    %dma_start3A_219 = tpu.memref_squeeze %dma_start3A_218 : memref<1x1x128xi32, #tpu.memory_space<hbm>> -> memref<128xi32, #tpu.memory_space<hbm>>
    tpu.enqueue_dma source(%dma_start3A_219 : memref<128xi32, #tpu.memory_space<hbm>>) target(%arg10 : memref<128xi32, #tpu.memory_space<vmem>>) target_semaphore(%arg17 : memref<!tpu.dma_semaphore, #tpu.memory_space<semaphore_mem>>)
    %dma_wait3A_220 = arith.constant 0 : i32
    %dma_wait3A_221 = tpu.memref_slice %arg2[%add3A_208, %dma_wait3A_220] : memref<32768x128xf32, #tpu.memory_space<hbm>> -> memref<128x128xf32, #tpu.memory_space<hbm>>
    %dma_wait3A_222 = arith.constant 0 : i32
    %dma_wait3A_223 = tpu.memref_slice %arg2[%add3A_208, %dma_wait3A_222] : memref<32768x128xf32, #tpu.memory_space<hbm>> -> memref<128x128xf32, #tpu.memory_space<hbm>>
    tpu.wait_dma2 semaphore(%arg14 : memref<!tpu.dma_semaphore, #tpu.memory_space<semaphore_mem>>) src(%dma_wait3A_223 : memref<128x128xf32, #tpu.memory_space<hbm>>) dst(%arg7 : memref<128x128xf32, #tpu.memory_space<vmem>>)
    %dma_wait3A_224 = arith.constant 7 : i32
    %dma_wait3A_225 = arith.constant 0 : i32
    %dma_wait3A_226 = tpu.memref_slice %arg3[%add3A, %dma_wait3A_224, %dma_wait3A_225] : memref<32x8x128xi32, #tpu.memory_space<hbm>> -> memref<1x1x128xi32, #tpu.memory_space<hbm>>
    %dma_wait3A_227 = tpu.memref_squeeze %dma_wait3A_226 : memref<1x1x128xi32, #tpu.memory_space<hbm>> -> memref<128xi32, #tpu.memory_space<hbm>>
    %dma_wait3A_228 = arith.constant 0 : i32
    %dma_wait3A_229 = tpu.memref_slice %arg3[%add3A, %dma_wait3A_224, %dma_wait3A_228] : memref<32x8x128xi32, #tpu.memory_space<hbm>> -> memref<1x1x128xi32, #tpu.memory_space<hbm>>
    %dma_wait3A_230 = tpu.memref_squeeze %dma_wait3A_229 : memref<1x1x128xi32, #tpu.memory_space<hbm>> -> memref<128xi32, #tpu.memory_space<hbm>>
    tpu.wait_dma2 semaphore(%arg17 : memref<!tpu.dma_semaphore, #tpu.memory_space<semaphore_mem>>) src(%dma_wait3A_230 : memref<128xi32, #tpu.memory_space<hbm>>) dst(%arg10 : memref<128xi32, #tpu.memory_space<vmem>>)
    %dma_start3A_231 = arith.constant 0 : i32
    %dma_start3A_232 = arith.constant 0 : i32
    %dma_start3A_233 = tpu.memref_slice %arg12[%dma_start3A_231, %dma_start3A_232] : memref<512x128xf32, #tpu.memory_space<vmem_shared>> -> memref<512x128xf32, #tpu.memory_space<vmem_shared>>
    tpu.enqueue_indirect_dma source(%arg7 : memref<128x128xf32, #tpu.memory_space<vmem>>) target(%dma_start3A_233 : memref<512x128xf32, #tpu.memory_space<vmem_shared>>) offsets(%arg10 : memref<128xi32, #tpu.memory_space<vmem>>) semaphore(%arg20 : memref<!tpu.dma_semaphore, #tpu.memory_space<semaphore_mem>>) {add = true}
    %dma_wait3A_234 = arith.constant 0 : i32
    %dma_wait3A_235 = arith.constant 0 : i32
    %dma_wait3A_236 = tpu.memref_slice %arg12[%dma_wait3A_234, %dma_wait3A_235] : memref<512x128xf32, #tpu.memory_space<vmem_shared>> -> memref<512x128xf32, #tpu.memory_space<vmem_shared>>
    tpu.wait_indirect_dma semaphore(%arg19 : memref<!tpu.dma_semaphore, #tpu.memory_space<semaphore_mem>>) src(%arg6 : memref<128x128xf32, #tpu.memory_space<vmem>>) dst(%dma_wait3A_236 : memref<512x128xf32, #tpu.memory_space<vmem_shared>>)
    %dma_wait3A_237 = arith.constant 0 : i32
    %dma_wait3A_238 = arith.constant 0 : i32
    %dma_wait3A_239 = tpu.memref_slice %arg12[%dma_wait3A_237, %dma_wait3A_238] : memref<512x128xf32, #tpu.memory_space<vmem_shared>> -> memref<512x128xf32, #tpu.memory_space<vmem_shared>>
    tpu.wait_indirect_dma semaphore(%arg20 : memref<!tpu.dma_semaphore, #tpu.memory_space<semaphore_mem>>) src(%arg7 : memref<128x128xf32, #tpu.memory_space<vmem>>) dst(%dma_wait3A_239 : memref<512x128xf32, #tpu.memory_space<vmem_shared>>)
    %dma_wait3A_240 = arith.constant 0 : i32
    %dma_wait3A_241 = arith.constant 0 : i32
    %dma_wait3A_242 = tpu.memref_slice %arg12[%dma_wait3A_240, %dma_wait3A_241] : memref<512x128xf32, #tpu.memory_space<vmem_shared>> -> memref<512x128xf32, #tpu.memory_space<vmem_shared>>
    tpu.wait_indirect_dma semaphore(%arg21 : memref<!tpu.dma_semaphore, #tpu.memory_space<semaphore_mem>>) src(%arg8 : memref<128x128xf32, #tpu.memory_space<vmem>>) dst(%dma_wait3A_242 : memref<512x128xf32, #tpu.memory_space<vmem_shared>>)
    %barrier3A_243 = arith.constant 0 : index
    tpu.barrier barrier_id(%barrier3A_243)
    "tpu.region"() ({
      %run_scoped3A = tpu.sem_alloc : memref<!tpu.dma_semaphore, #tpu.memory_space<semaphore_mem>>
      %dma_start3A_244 = arith.constant 0 : i32
      %dma_start3A_245 = tpu.memref_slice %arg5[%arg0, %mul3A_0, %dma_start3A_244] : memref<2x512x128xf32, #tpu.memory_space<hbm>> -> memref<1x32x128xf32, #tpu.memory_space<hbm>>
      %dma_start3A_246 = tpu.memref_squeeze %dma_start3A_245 : memref<1x32x128xf32, #tpu.memory_space<hbm>> -> memref<32x128xf32, #tpu.memory_space<hbm>>
      %dma_start3A_247 = arith.constant 0 : i32
      %dma_start3A_248 = tpu.memref_slice %arg12[%mul3A_0, %dma_start3A_247] : memref<512x128xf32, #tpu.memory_space<vmem_shared>> -> memref<32x128xf32, #tpu.memory_space<vmem_shared>>
      tpu.enqueue_dma source(%dma_start3A_248 : memref<32x128xf32, #tpu.memory_space<vmem_shared>>) target(%dma_start3A_246 : memref<32x128xf32, #tpu.memory_space<hbm>>) target_semaphore(%run_scoped3A : memref<!tpu.dma_semaphore, #tpu.memory_space<semaphore_mem>>)
      %dma_wait3A_249 = arith.constant 0 : i32
      %dma_wait3A_250 = tpu.memref_slice %arg5[%arg0, %mul3A_0, %dma_wait3A_249] : memref<2x512x128xf32, #tpu.memory_space<hbm>> -> memref<1x32x128xf32, #tpu.memory_space<hbm>>
      %dma_wait3A_251 = tpu.memref_squeeze %dma_wait3A_250 : memref<1x32x128xf32, #tpu.memory_space<hbm>> -> memref<32x128xf32, #tpu.memory_space<hbm>>
      %dma_wait3A_252 = arith.constant 0 : i32
      %dma_wait3A_253 = tpu.memref_slice %arg12[%mul3A_0, %dma_wait3A_252] : memref<512x128xf32, #tpu.memory_space<vmem_shared>> -> memref<32x128xf32, #tpu.memory_space<vmem_shared>>
      tpu.wait_dma2 semaphore(%run_scoped3A : memref<!tpu.dma_semaphore, #tpu.memory_space<semaphore_mem>>) src(%dma_wait3A_253 : memref<32x128xf32, #tpu.memory_space<vmem_shared>>) dst(%dma_wait3A_251 : memref<32x128xf32, #tpu.memory_space<hbm>>)
      tpu.yield
    }) : () -> ()
    return
  }
}

#map = affine_map<(d0, d1) -> (0, 0)>
#map1 = affine_map<(d0, d1) -> (0, 0, 0)>
module attributes {stable_mosaic.version = 14 : i64} {
  func.func @_sc_gather_body(%arg0: i32, %arg1: i32, %arg2: memref<512x128xf32, #tpu.memory_space<hbm>>, %arg3: memref<512x128xf32, #tpu.memory_space<hbm>>, %arg4: memref<32x8x128xi32, #tpu.memory_space<hbm>>, %arg5: memref<32768x128xf32, #tpu.memory_space<hbm>>, %arg6: memref<32x128xf32, #tpu.memory_space<vmem>>, %arg7: memref<32x128xf32, #tpu.memory_space<vmem>>, %arg8: memref<8x128xi32, #tpu.memory_space<vmem>>, %arg9: memref<128x128xf32, #tpu.memory_space<vmem>>, %arg10: memref<128x128xf32, #tpu.memory_space<vmem>>, %arg11: memref<128x128xf32, #tpu.memory_space<vmem>>, %arg12: memref<512x128xf32, #tpu.memory_space<vmem_shared>>, %arg13: memref<!tpu.dma_semaphore, #tpu.memory_space<semaphore_mem>>, %arg14: memref<!tpu.dma_semaphore, #tpu.memory_space<semaphore_mem>>, %arg15: memref<!tpu.dma_semaphore, #tpu.memory_space<semaphore_mem>>, %arg16: memref<!tpu.dma_semaphore, #tpu.memory_space<semaphore_mem>>, %arg17: memref<!tpu.dma_semaphore, #tpu.memory_space<semaphore_mem>>, %arg18: memref<!tpu.dma_semaphore, #tpu.memory_space<semaphore_mem>>, %arg19: memref<!tpu.dma_semaphore, #tpu.memory_space<semaphore_mem>>) attributes {dimension_semantics = [#tpu.dimension_semantics<core_parallel>, #tpu.dimension_semantics<subcore_parallel>], iteration_bounds = array<i64: 2, 16>, scalar_prefetch = 0 : i64, scratch_operands = 14 : i64, tpu.core_type = #tpu.core_type<sc_vector_subcore>, window_params = [{transform_indices = #map}, {transform_indices = #map}, {transform_indices = #map1}, {transform_indices = #map}]} {
    %mul3A = arith.constant 32 : i32
    %mul3A_0 = arith.muli %arg1, %mul3A : i32
    "tpu.region"() ({
      %run_scoped3A = tpu.sem_alloc : memref<!tpu.dma_semaphore, #tpu.memory_space<semaphore_mem>>
      %dma_start3A_3055 = arith.constant 0 : i32
      %dma_start3A_3056 = tpu.memref_slice %arg2[%mul3A_0, %dma_start3A_3055] : memref<512x128xf32, #tpu.memory_space<hbm>> -> memref<32x128xf32, #tpu.memory_space<hbm>>
      %dma_start3A_3057 = arith.constant 0 : i32
      %dma_start3A_3058 = tpu.memref_slice %arg2[%mul3A_0, %dma_start3A_3057] : memref<512x128xf32, #tpu.memory_space<hbm>> -> memref<32x128xf32, #tpu.memory_space<hbm>>
      tpu.enqueue_dma source(%dma_start3A_3058 : memref<32x128xf32, #tpu.memory_space<hbm>>) target(%arg6 : memref<32x128xf32, #tpu.memory_space<vmem>>) target_semaphore(%run_scoped3A : memref<!tpu.dma_semaphore, #tpu.memory_space<semaphore_mem>>)
      %dma_wait3A_3059 = arith.constant 0 : i32
      %dma_wait3A_3060 = tpu.memref_slice %arg2[%mul3A_0, %dma_wait3A_3059] : memref<512x128xf32, #tpu.memory_space<hbm>> -> memref<32x128xf32, #tpu.memory_space<hbm>>
      %dma_wait3A_3061 = arith.constant 0 : i32
      %dma_wait3A_3062 = tpu.memref_slice %arg2[%mul3A_0, %dma_wait3A_3061] : memref<512x128xf32, #tpu.memory_space<hbm>> -> memref<32x128xf32, #tpu.memory_space<hbm>>
      tpu.wait_dma2 semaphore(%run_scoped3A : memref<!tpu.dma_semaphore, #tpu.memory_space<semaphore_mem>>) src(%dma_wait3A_3062 : memref<32x128xf32, #tpu.memory_space<hbm>>) dst(%arg6 : memref<32x128xf32, #tpu.memory_space<vmem>>)
      tpu.yield
    }) : () -> ()
    "tpu.region"() ({
      %run_scoped3A = tpu.sem_alloc : memref<!tpu.dma_semaphore, #tpu.memory_space<semaphore_mem>>
      %dma_start3A_3055 = arith.constant 0 : i32
      %dma_start3A_3056 = tpu.memref_slice %arg3[%mul3A_0, %dma_start3A_3055] : memref<512x128xf32, #tpu.memory_space<hbm>> -> memref<32x128xf32, #tpu.memory_space<hbm>>
      %dma_start3A_3057 = arith.constant 0 : i32
      %dma_start3A_3058 = tpu.memref_slice %arg3[%mul3A_0, %dma_start3A_3057] : memref<512x128xf32, #tpu.memory_space<hbm>> -> memref<32x128xf32, #tpu.memory_space<hbm>>
      tpu.enqueue_dma source(%dma_start3A_3058 : memref<32x128xf32, #tpu.memory_space<hbm>>) target(%arg7 : memref<32x128xf32, #tpu.memory_space<vmem>>) target_semaphore(%run_scoped3A : memref<!tpu.dma_semaphore, #tpu.memory_space<semaphore_mem>>)
      %dma_wait3A_3059 = arith.constant 0 : i32
      %dma_wait3A_3060 = tpu.memref_slice %arg3[%mul3A_0, %dma_wait3A_3059] : memref<512x128xf32, #tpu.memory_space<hbm>> -> memref<32x128xf32, #tpu.memory_space<hbm>>
      %dma_wait3A_3061 = arith.constant 0 : i32
      %dma_wait3A_3062 = tpu.memref_slice %arg3[%mul3A_0, %dma_wait3A_3061] : memref<512x128xf32, #tpu.memory_space<hbm>> -> memref<32x128xf32, #tpu.memory_space<hbm>>
      tpu.wait_dma2 semaphore(%run_scoped3A : memref<!tpu.dma_semaphore, #tpu.memory_space<semaphore_mem>>) src(%dma_wait3A_3062 : memref<32x128xf32, #tpu.memory_space<hbm>>) dst(%arg7 : memref<32x128xf32, #tpu.memory_space<vmem>>)
      tpu.yield
    }) : () -> ()
    %get3A = arith.constant 0 : i32
    %get3A_1 = arith.index_cast %get3A : i32 to index
    %get3A_2 = arith.constant 64 : index
    %get3A_3 = tpu.vector_load %arg6[%get3A_1, %get3A_2] {strides = array<i32>} : memref<32x128xf32, #tpu.memory_space<vmem>>, vector<1x16xf32>,
    %get3A_4 = vector.shape_cast %get3A_3 : vector<1x16xf32> to vector<16xf32>
    %get3A_5 = arith.constant 0 : i32
    %get3A_6 = arith.index_cast %get3A_5 : i32 to index
    %get3A_7 = arith.constant 64 : index
    %get3A_8 = tpu.vector_load %arg7[%get3A_6, %get3A_7] {strides = array<i32>} : memref<32x128xf32, #tpu.memory_space<vmem>>, vector<1x16xf32>,
    %get3A_9 = vector.shape_cast %get3A_8 : vector<1x16xf32> to vector<16xf32>
    %add3A = arith.addf %get3A_4, %get3A_9 : vector<16xf32>
    %max3A = arith.constant 1.000000e+00 : f32
    %max3A_10 = vector.broadcast %max3A : f32 to vector<16xf32>
    %max3A_11 = arith.maximumf %add3A, %max3A_10 : vector<16xf32>
    %div3A = arith.constant 1.000000e+00 : f32
    %div3A_12 = vector.broadcast %div3A : f32 to vector<16xf32>
    %div3A_13 = arith.divf %div3A_12, %max3A_11 : vector<16xf32>
    %get3A_14 = arith.constant 0 : i32
    %get3A_15 = arith.index_cast %get3A_14 : i32 to index
    %get3A_16 = arith.constant 0 : index
    %get3A_17 = tpu.vector_load %arg6[%get3A_15, %get3A_16] {strides = array<i32>} : memref<32x128xf32, #tpu.memory_space<vmem>>, vector<1x16xf32>,
    %get3A_18 = vector.shape_cast %get3A_17 : vector<1x16xf32> to vector<16xf32>
    %get3A_19 = arith.constant 0 : i32
    %get3A_20 = arith.index_cast %get3A_19 : i32 to index
    %get3A_21 = arith.constant 0 : index
    %get3A_22 = tpu.vector_load %arg7[%get3A_20, %get3A_21] {strides = array<i32>} : memref<32x128xf32, #tpu.memory_space<vmem>>, vector<1x16xf32>,
    %get3A_23 = vector.shape_cast %get3A_22 : vector<1x16xf32> to vector<16xf32>
    %add3A_24 = arith.addf %get3A_18, %get3A_23 : vector<16xf32>
    %mul3A_25 = arith.mulf %add3A_24, %div3A_13 : vector<16xf32>
    %swap3A = arith.constant 0 : i32
    %swap3A_26 = arith.index_cast %swap3A : i32 to index
    %swap3A_27 = arith.constant 0 : index
    %swap3A_28 = tpu.vector_load %arg6[%swap3A_26, %swap3A_27] {strides = array<i32>} : memref<32x128xf32, #tpu.memory_space<vmem>>, vector<1x16xf32>,
    %swap3A_29 = vector.shape_cast %swap3A_28 : vector<1x16xf32> to vector<16xf32>
    %swap3A_30 = vector.shape_cast %mul3A_25 : vector<16xf32> to vector<1x16xf32>
    tpu.vector_store %arg6[%swap3A_26, %swap3A_27], %swap3A_30 {strides = array<i32>} : memref<32x128xf32, #tpu.memory_space<vmem>>, vector<1x16xf32>,
    %get3A_31 = arith.constant 0 : i32
    %get3A_32 = arith.index_cast %get3A_31 : i32 to index
    %get3A_33 = arith.constant 16 : index
    %get3A_34 = tpu.vector_load %arg6[%get3A_32, %get3A_33] {strides = array<i32>} : memref<32x128xf32, #tpu.memory_space<vmem>>, vector<1x16xf32>,
    %get3A_35 = vector.shape_cast %get3A_34 : vector<1x16xf32> to vector<16xf32>
    %get3A_36 = arith.constant 0 : i32
    %get3A_37 = arith.index_cast %get3A_36 : i32 to index
    %get3A_38 = arith.constant 16 : index
    %get3A_39 = tpu.vector_load %arg7[%get3A_37, %get3A_38] {strides = array<i32>} : memref<32x128xf32, #tpu.memory_space<vmem>>, vector<1x16xf32>,
    %get3A_40 = vector.shape_cast %get3A_39 : vector<1x16xf32> to vector<16xf32>
    %add3A_41 = arith.addf %get3A_35, %get3A_40 : vector<16xf32>
    %mul3A_42 = arith.mulf %add3A_41, %div3A_13 : vector<16xf32>
    %swap3A_43 = arith.constant 0 : i32
    %swap3A_44 = arith.index_cast %swap3A_43 : i32 to index
    %swap3A_45 = arith.constant 16 : index
    %swap3A_46 = tpu.vector_load %arg6[%swap3A_44, %swap3A_45] {strides = array<i32>} : memref<32x128xf32, #tpu.memory_space<vmem>>, vector<1x16xf32>,
    %swap3A_47 = vector.shape_cast %swap3A_46 : vector<1x16xf32> to vector<16xf32>
    %swap3A_48 = vector.shape_cast %mul3A_42 : vector<16xf32> to vector<1x16xf32>
    tpu.vector_store %arg6[%swap3A_44, %swap3A_45], %swap3A_48 {strides = array<i32>} : memref<32x128xf32, #tpu.memory_space<vmem>>, vector<1x16xf32>,
    %get3A_49 = arith.constant 0 : i32
    %get3A_50 = arith.index_cast %get3A_49 : i32 to index
    %get3A_51 = arith.constant 32 : index
    %get3A_52 = tpu.vector_load %arg6[%get3A_50, %get3A_51] {strides = array<i32>} : memref<32x128xf32, #tpu.memory_space<vmem>>, vector<1x16xf32>,
    %get3A_53 = vector.shape_cast %get3A_52 : vector<1x16xf32> to vector<16xf32>
    %get3A_54 = arith.constant 0 : i32
    %get3A_55 = arith.index_cast %get3A_54 : i32 to index
    %get3A_56 = arith.constant 32 : index
    %get3A_57 = tpu.vector_load %arg7[%get3A_55, %get3A_56] {strides = array<i32>} : memref<32x128xf32, #tpu.memory_space<vmem>>, vector<1x16xf32>,
    %get3A_58 = vector.shape_cast %get3A_57 : vector<1x16xf32> to vector<16xf32>
    %add3A_59 = arith.addf %get3A_53, %get3A_58 : vector<16xf32>
    %mul3A_60 = arith.mulf %add3A_59, %div3A_13 : vector<16xf32>
    %swap3A_61 = arith.constant 0 : i32
    %swap3A_62 = arith.index_cast %swap3A_61 : i32 to index
    %swap3A_63 = arith.constant 32 : index
    %swap3A_64 = tpu.vector_load %arg6[%swap3A_62, %swap3A_63] {strides = array<i32>} : memref<32x128xf32, #tpu.memory_space<vmem>>, vector<1x16xf32>,
    %swap3A_65 = vector.shape_cast %swap3A_64 : vector<1x16xf32> to vector<16xf32>
    %swap3A_66 = vector.shape_cast %mul3A_60 : vector<16xf32> to vector<1x16xf32>
    tpu.vector_store %arg6[%swap3A_62, %swap3A_63], %swap3A_66 {strides = array<i32>} : memref<32x128xf32, #tpu.memory_space<vmem>>, vector<1x16xf32>,
    %get3A_67 = arith.constant 0 : i32
    %get3A_68 = arith.index_cast %get3A_67 : i32 to index
    %get3A_69 = arith.constant 48 : index
    %get3A_70 = tpu.vector_load %arg6[%get3A_68, %get3A_69] {strides = array<i32>} : memref<32x128xf32, #tpu.memory_space<vmem>>, vector<1x16xf32>,
    %get3A_71 = vector.shape_cast %get3A_70 : vector<1x16xf32> to vector<16xf32>
    %get3A_72 = arith.constant 0 : i32
    %get3A_73 = arith.index_cast %get3A_72 : i32 to index
    %get3A_74 = arith.constant 48 : index
    %get3A_75 = tpu.vector_load %arg7[%get3A_73, %get3A_74] {strides = array<i32>} : memref<32x128xf32, #tpu.memory_space<vmem>>, vector<1x16xf32>,
    %get3A_76 = vector.shape_cast %get3A_75 : vector<1x16xf32> to vector<16xf32>
    %add3A_77 = arith.addf %get3A_71, %get3A_76 : vector<16xf32>
    %mul3A_78 = arith.mulf %add3A_77, %div3A_13 : vector<16xf32>
    %swap3A_79 = arith.constant 0 : i32
    %swap3A_80 = arith.index_cast %swap3A_79 : i32 to index
    %swap3A_81 = arith.constant 48 : index
    %swap3A_82 = tpu.vector_load %arg6[%swap3A_80, %swap3A_81] {strides = array<i32>} : memref<32x128xf32, #tpu.memory_space<vmem>>, vector<1x16xf32>,
    %swap3A_83 = vector.shape_cast %swap3A_82 : vector<1x16xf32> to vector<16xf32>
    %swap3A_84 = vector.shape_cast %mul3A_78 : vector<16xf32> to vector<1x16xf32>
    tpu.vector_store %arg6[%swap3A_80, %swap3A_81], %swap3A_84 {strides = array<i32>} : memref<32x128xf32, #tpu.memory_space<vmem>>, vector<1x16xf32>,
    %get3A_85 = arith.constant 1 : i32
    %get3A_86 = arith.index_cast %get3A_85 : i32 to index
    %get3A_87 = arith.constant 64 : index
    %get3A_88 = tpu.vector_load %arg6[%get3A_86, %get3A_87] {strides = array<i32>} : memref<32x128xf32, #tpu.memory_space<vmem>>, vector<1x16xf32>,
    %get3A_89 = vector.shape_cast %get3A_88 : vector<1x16xf32> to vector<16xf32>
    %get3A_90 = arith.constant 1 : i32
    %get3A_91 = arith.index_cast %get3A_90 : i32 to index
    %get3A_92 = arith.constant 64 : index
    %get3A_93 = tpu.vector_load %arg7[%get3A_91, %get3A_92] {strides = array<i32>} : memref<32x128xf32, #tpu.memory_space<vmem>>, vector<1x16xf32>,
    %get3A_94 = vector.shape_cast %get3A_93 : vector<1x16xf32> to vector<16xf32>
    %add3A_95 = arith.addf %get3A_89, %get3A_94 : vector<16xf32>
    %max3A_96 = arith.constant 1.000000e+00 : f32
    %max3A_97 = vector.broadcast %max3A_96 : f32 to vector<16xf32>
    %max3A_98 = arith.maximumf %add3A_95, %max3A_97 : vector<16xf32>
    %div3A_99 = arith.constant 1.000000e+00 : f32
    %div3A_100 = vector.broadcast %div3A_99 : f32 to vector<16xf32>
    %div3A_101 = arith.divf %div3A_100, %max3A_98 : vector<16xf32>
    %get3A_102 = arith.constant 1 : i32
    %get3A_103 = arith.index_cast %get3A_102 : i32 to index
    %get3A_104 = arith.constant 0 : index
    %get3A_105 = tpu.vector_load %arg6[%get3A_103, %get3A_104] {strides = array<i32>} : memref<32x128xf32, #tpu.memory_space<vmem>>, vector<1x16xf32>,
    %get3A_106 = vector.shape_cast %get3A_105 : vector<1x16xf32> to vector<16xf32>
    %get3A_107 = arith.constant 1 : i32
    %get3A_108 = arith.index_cast %get3A_107 : i32 to index
    %get3A_109 = arith.constant 0 : index
    %get3A_110 = tpu.vector_load %arg7[%get3A_108, %get3A_109] {strides = array<i32>} : memref<32x128xf32, #tpu.memory_space<vmem>>, vector<1x16xf32>,
    %get3A_111 = vector.shape_cast %get3A_110 : vector<1x16xf32> to vector<16xf32>
    %add3A_112 = arith.addf %get3A_106, %get3A_111 : vector<16xf32>
    %mul3A_113 = arith.mulf %add3A_112, %div3A_101 : vector<16xf32>
    %swap3A_114 = arith.constant 1 : i32
    %swap3A_115 = arith.index_cast %swap3A_114 : i32 to index
    %swap3A_116 = arith.constant 0 : index
    %swap3A_117 = tpu.vector_load %arg6[%swap3A_115, %swap3A_116] {strides = array<i32>} : memref<32x128xf32, #tpu.memory_space<vmem>>, vector<1x16xf32>,
    %swap3A_118 = vector.shape_cast %swap3A_117 : vector<1x16xf32> to vector<16xf32>
    %swap3A_119 = vector.shape_cast %mul3A_113 : vector<16xf32> to vector<1x16xf32>
    tpu.vector_store %arg6[%swap3A_115, %swap3A_116], %swap3A_119 {strides = array<i32>} : memref<32x128xf32, #tpu.memory_space<vmem>>, vector<1x16xf32>,
    %get3A_120 = arith.constant 1 : i32
    %get3A_121 = arith.index_cast %get3A_120 : i32 to index
    %get3A_122 = arith.constant 16 : index
    %get3A_123 = tpu.vector_load %arg6[%get3A_121, %get3A_122] {strides = array<i32>} : memref<32x128xf32, #tpu.memory_space<vmem>>, vector<1x16xf32>,
    %get3A_124 = vector.shape_cast %get3A_123 : vector<1x16xf32> to vector<16xf32>
    %get3A_125 = arith.constant 1 : i32
    %get3A_126 = arith.index_cast %get3A_125 : i32 to index
    %get3A_127 = arith.constant 16 : index
    %get3A_128 = tpu.vector_load %arg7[%get3A_126, %get3A_127] {strides = array<i32>} : memref<32x128xf32, #tpu.memory_space<vmem>>, vector<1x16xf32>,
    %get3A_129 = vector.shape_cast %get3A_128 : vector<1x16xf32> to vector<16xf32>
    %add3A_130 = arith.addf %get3A_124, %get3A_129 : vector<16xf32>
    %mul3A_131 = arith.mulf %add3A_130, %div3A_101 : vector<16xf32>
    %swap3A_132 = arith.constant 1 : i32
    %swap3A_133 = arith.index_cast %swap3A_132 : i32 to index
    %swap3A_134 = arith.constant 16 : index
    %swap3A_135 = tpu.vector_load %arg6[%swap3A_133, %swap3A_134] {strides = array<i32>} : memref<32x128xf32, #tpu.memory_space<vmem>>, vector<1x16xf32>,
    %swap3A_136 = vector.shape_cast %swap3A_135 : vector<1x16xf32> to vector<16xf32>
    %swap3A_137 = vector.shape_cast %mul3A_131 : vector<16xf32> to vector<1x16xf32>
    tpu.vector_store %arg6[%swap3A_133, %swap3A_134], %swap3A_137 {strides = array<i32>} : memref<32x128xf32, #tpu.memory_space<vmem>>, vector<1x16xf32>,
    %get3A_138 = arith.constant 1 : i32
    %get3A_139 = arith.index_cast %get3A_138 : i32 to index
    %get3A_140 = arith.constant 32 : index
    %get3A_141 = tpu.vector_load %arg6[%get3A_139, %get3A_140] {strides = array<i32>} : memref<32x128xf32, #tpu.memory_space<vmem>>, vector<1x16xf32>,
    %get3A_142 = vector.shape_cast %get3A_141 : vector<1x16xf32> to vector<16xf32>
    %get3A_143 = arith.constant 1 : i32
    %get3A_144 = arith.index_cast %get3A_143 : i32 to index
    %get3A_145 = arith.constant 32 : index
    %get3A_146 = tpu.vector_load %arg7[%get3A_144, %get3A_145] {strides = array<i32>} : memref<32x128xf32, #tpu.memory_space<vmem>>, vector<1x16xf32>,
    %get3A_147 = vector.shape_cast %get3A_146 : vector<1x16xf32> to vector<16xf32>
    %add3A_148 = arith.addf %get3A_142, %get3A_147 : vector<16xf32>
    %mul3A_149 = arith.mulf %add3A_148, %div3A_101 : vector<16xf32>
    %swap3A_150 = arith.constant 1 : i32
    %swap3A_151 = arith.index_cast %swap3A_150 : i32 to index
    %swap3A_152 = arith.constant 32 : index
    %swap3A_153 = tpu.vector_load %arg6[%swap3A_151, %swap3A_152] {strides = array<i32>} : memref<32x128xf32, #tpu.memory_space<vmem>>, vector<1x16xf32>,
    %swap3A_154 = vector.shape_cast %swap3A_153 : vector<1x16xf32> to vector<16xf32>
    %swap3A_155 = vector.shape_cast %mul3A_149 : vector<16xf32> to vector<1x16xf32>
    tpu.vector_store %arg6[%swap3A_151, %swap3A_152], %swap3A_155 {strides = array<i32>} : memref<32x128xf32, #tpu.memory_space<vmem>>, vector<1x16xf32>,
    %get3A_156 = arith.constant 1 : i32
    %get3A_157 = arith.index_cast %get3A_156 : i32 to index
    %get3A_158 = arith.constant 48 : index
    %get3A_159 = tpu.vector_load %arg6[%get3A_157, %get3A_158] {strides = array<i32>} : memref<32x128xf32, #tpu.memory_space<vmem>>, vector<1x16xf32>,
    %get3A_160 = vector.shape_cast %get3A_159 : vector<1x16xf32> to vector<16xf32>
    %get3A_161 = arith.constant 1 : i32
    %get3A_162 = arith.index_cast %get3A_161 : i32 to index
    %get3A_163 = arith.constant 48 : index
    %get3A_164 = tpu.vector_load %arg7[%get3A_162, %get3A_163] {strides = array<i32>} : memref<32x128xf32, #tpu.memory_space<vmem>>, vector<1x16xf32>,
    %get3A_165 = vector.shape_cast %get3A_164 : vector<1x16xf32> to vector<16xf32>
    %add3A_166 = arith.addf %get3A_160, %get3A_165 : vector<16xf32>
    %mul3A_167 = arith.mulf %add3A_166, %div3A_101 : vector<16xf32>
    %swap3A_168 = arith.constant 1 : i32
    %swap3A_169 = arith.index_cast %swap3A_168 : i32 to index
    %swap3A_170 = arith.constant 48 : index
    %swap3A_171 = tpu.vector_load %arg6[%swap3A_169, %swap3A_170] {strides = array<i32>} : memref<32x128xf32, #tpu.memory_space<vmem>>, vector<1x16xf32>,
    %swap3A_172 = vector.shape_cast %swap3A_171 : vector<1x16xf32> to vector<16xf32>
    %swap3A_173 = vector.shape_cast %mul3A_167 : vector<16xf32> to vector<1x16xf32>
    tpu.vector_store %arg6[%swap3A_169, %swap3A_170], %swap3A_173 {strides = array<i32>} : memref<32x128xf32, #tpu.memory_space<vmem>>, vector<1x16xf32>,
    %get3A_174 = arith.constant 2 : i32
    %get3A_175 = arith.index_cast %get3A_174 : i32 to index
    %get3A_176 = arith.constant 64 : index
    %get3A_177 = tpu.vector_load %arg6[%get3A_175, %get3A_176] {strides = array<i32>} : memref<32x128xf32, #tpu.memory_space<vmem>>, vector<1x16xf32>,
    %get3A_178 = vector.shape_cast %get3A_177 : vector<1x16xf32> to vector<16xf32>
    %get3A_179 = arith.constant 2 : i32
    %get3A_180 = arith.index_cast %get3A_179 : i32 to index
    %get3A_181 = arith.constant 64 : index
    %get3A_182 = tpu.vector_load %arg7[%get3A_180, %get3A_181] {strides = array<i32>} : memref<32x128xf32, #tpu.memory_space<vmem>>, vector<1x16xf32>,
    %get3A_183 = vector.shape_cast %get3A_182 : vector<1x16xf32> to vector<16xf32>
    %add3A_184 = arith.addf %get3A_178, %get3A_183 : vector<16xf32>
    %max3A_185 = arith.constant 1.000000e+00 : f32
    %max3A_186 = vector.broadcast %max3A_185 : f32 to vector<16xf32>
    %max3A_187 = arith.maximumf %add3A_184, %max3A_186 : vector<16xf32>
    %div3A_188 = arith.constant 1.000000e+00 : f32
    %div3A_189 = vector.broadcast %div3A_188 : f32 to vector<16xf32>
    %div3A_190 = arith.divf %div3A_189, %max3A_187 : vector<16xf32>
    %get3A_191 = arith.constant 2 : i32
    %get3A_192 = arith.index_cast %get3A_191 : i32 to index
    %get3A_193 = arith.constant 0 : index
    %get3A_194 = tpu.vector_load %arg6[%get3A_192, %get3A_193] {strides = array<i32>} : memref<32x128xf32, #tpu.memory_space<vmem>>, vector<1x16xf32>,
    %get3A_195 = vector.shape_cast %get3A_194 : vector<1x16xf32> to vector<16xf32>
    %get3A_196 = arith.constant 2 : i32
    %get3A_197 = arith.index_cast %get3A_196 : i32 to index
    %get3A_198 = arith.constant 0 : index
    %get3A_199 = tpu.vector_load %arg7[%get3A_197, %get3A_198] {strides = array<i32>} : memref<32x128xf32, #tpu.memory_space<vmem>>, vector<1x16xf32>,
    %get3A_200 = vector.shape_cast %get3A_199 : vector<1x16xf32> to vector<16xf32>
    %add3A_201 = arith.addf %get3A_195, %get3A_200 : vector<16xf32>
    %mul3A_202 = arith.mulf %add3A_201, %div3A_190 : vector<16xf32>
    %swap3A_203 = arith.constant 2 : i32
    %swap3A_204 = arith.index_cast %swap3A_203 : i32 to index
    %swap3A_205 = arith.constant 0 : index
    %swap3A_206 = tpu.vector_load %arg6[%swap3A_204, %swap3A_205] {strides = array<i32>} : memref<32x128xf32, #tpu.memory_space<vmem>>, vector<1x16xf32>,
    %swap3A_207 = vector.shape_cast %swap3A_206 : vector<1x16xf32> to vector<16xf32>
    %swap3A_208 = vector.shape_cast %mul3A_202 : vector<16xf32> to vector<1x16xf32>
    tpu.vector_store %arg6[%swap3A_204, %swap3A_205], %swap3A_208 {strides = array<i32>} : memref<32x128xf32, #tpu.memory_space<vmem>>, vector<1x16xf32>,
    %get3A_209 = arith.constant 2 : i32
    %get3A_210 = arith.index_cast %get3A_209 : i32 to index
    %get3A_211 = arith.constant 16 : index
    %get3A_212 = tpu.vector_load %arg6[%get3A_210, %get3A_211] {strides = array<i32>} : memref<32x128xf32, #tpu.memory_space<vmem>>, vector<1x16xf32>,
    %get3A_213 = vector.shape_cast %get3A_212 : vector<1x16xf32> to vector<16xf32>
    %get3A_214 = arith.constant 2 : i32
    %get3A_215 = arith.index_cast %get3A_214 : i32 to index
    %get3A_216 = arith.constant 16 : index
    %get3A_217 = tpu.vector_load %arg7[%get3A_215, %get3A_216] {strides = array<i32>} : memref<32x128xf32, #tpu.memory_space<vmem>>, vector<1x16xf32>,
    %get3A_218 = vector.shape_cast %get3A_217 : vector<1x16xf32> to vector<16xf32>
    %add3A_219 = arith.addf %get3A_213, %get3A_218 : vector<16xf32>
    %mul3A_220 = arith.mulf %add3A_219, %div3A_190 : vector<16xf32>
    %swap3A_221 = arith.constant 2 : i32
    %swap3A_222 = arith.index_cast %swap3A_221 : i32 to index
    %swap3A_223 = arith.constant 16 : index
    %swap3A_224 = tpu.vector_load %arg6[%swap3A_222, %swap3A_223] {strides = array<i32>} : memref<32x128xf32, #tpu.memory_space<vmem>>, vector<1x16xf32>,
    %swap3A_225 = vector.shape_cast %swap3A_224 : vector<1x16xf32> to vector<16xf32>
    %swap3A_226 = vector.shape_cast %mul3A_220 : vector<16xf32> to vector<1x16xf32>
    tpu.vector_store %arg6[%swap3A_222, %swap3A_223], %swap3A_226 {strides = array<i32>} : memref<32x128xf32, #tpu.memory_space<vmem>>, vector<1x16xf32>,
    %get3A_227 = arith.constant 2 : i32
    %get3A_228 = arith.index_cast %get3A_227 : i32 to index
    %get3A_229 = arith.constant 32 : index
    %get3A_230 = tpu.vector_load %arg6[%get3A_228, %get3A_229] {strides = array<i32>} : memref<32x128xf32, #tpu.memory_space<vmem>>, vector<1x16xf32>,
    %get3A_231 = vector.shape_cast %get3A_230 : vector<1x16xf32> to vector<16xf32>
    %get3A_232 = arith.constant 2 : i32
    %get3A_233 = arith.index_cast %get3A_232 : i32 to index
    %get3A_234 = arith.constant 32 : index
    %get3A_235 = tpu.vector_load %arg7[%get3A_233, %get3A_234] {strides = array<i32>} : memref<32x128xf32, #tpu.memory_space<vmem>>, vector<1x16xf32>,
    %get3A_236 = vector.shape_cast %get3A_235 : vector<1x16xf32> to vector<16xf32>
    %add3A_237 = arith.addf %get3A_231, %get3A_236 : vector<16xf32>
    %mul3A_238 = arith.mulf %add3A_237, %div3A_190 : vector<16xf32>
    %swap3A_239 = arith.constant 2 : i32
    %swap3A_240 = arith.index_cast %swap3A_239 : i32 to index
    %swap3A_241 = arith.constant 32 : index
    %swap3A_242 = tpu.vector_load %arg6[%swap3A_240, %swap3A_241] {strides = array<i32>} : memref<32x128xf32, #tpu.memory_space<vmem>>, vector<1x16xf32>,
    %swap3A_243 = vector.shape_cast %swap3A_242 : vector<1x16xf32> to vector<16xf32>
    %swap3A_244 = vector.shape_cast %mul3A_238 : vector<16xf32> to vector<1x16xf32>
    tpu.vector_store %arg6[%swap3A_240, %swap3A_241], %swap3A_244 {strides = array<i32>} : memref<32x128xf32, #tpu.memory_space<vmem>>, vector<1x16xf32>,
    %get3A_245 = arith.constant 2 : i32
    %get3A_246 = arith.index_cast %get3A_245 : i32 to index
    %get3A_247 = arith.constant 48 : index
    %get3A_248 = tpu.vector_load %arg6[%get3A_246, %get3A_247] {strides = array<i32>} : memref<32x128xf32, #tpu.memory_space<vmem>>, vector<1x16xf32>,
    %get3A_249 = vector.shape_cast %get3A_248 : vector<1x16xf32> to vector<16xf32>
    %get3A_250 = arith.constant 2 : i32
    %get3A_251 = arith.index_cast %get3A_250 : i32 to index
    %get3A_252 = arith.constant 48 : index
    %get3A_253 = tpu.vector_load %arg7[%get3A_251, %get3A_252] {strides = array<i32>} : memref<32x128xf32, #tpu.memory_space<vmem>>, vector<1x16xf32>,
    %get3A_254 = vector.shape_cast %get3A_253 : vector<1x16xf32> to vector<16xf32>
    %add3A_255 = arith.addf %get3A_249, %get3A_254 : vector<16xf32>
    %mul3A_256 = arith.mulf %add3A_255, %div3A_190 : vector<16xf32>
    %swap3A_257 = arith.constant 2 : i32
    %swap3A_258 = arith.index_cast %swap3A_257 : i32 to index
    %swap3A_259 = arith.constant 48 : index
    %swap3A_260 = tpu.vector_load %arg6[%swap3A_258, %swap3A_259] {strides = array<i32>} : memref<32x128xf32, #tpu.memory_space<vmem>>, vector<1x16xf32>,
    %swap3A_261 = vector.shape_cast %swap3A_260 : vector<1x16xf32> to vector<16xf32>
    %swap3A_262 = vector.shape_cast %mul3A_256 : vector<16xf32> to vector<1x16xf32>
    tpu.vector_store %arg6[%swap3A_258, %swap3A_259], %swap3A_262 {strides = array<i32>} : memref<32x128xf32, #tpu.memory_space<vmem>>, vector<1x16xf32>,
    %get3A_263 = arith.constant 3 : i32
    %get3A_264 = arith.index_cast %get3A_263 : i32 to index
    %get3A_265 = arith.constant 64 : index
    %get3A_266 = tpu.vector_load %arg6[%get3A_264, %get3A_265] {strides = array<i32>} : memref<32x128xf32, #tpu.memory_space<vmem>>, vector<1x16xf32>,
    %get3A_267 = vector.shape_cast %get3A_266 : vector<1x16xf32> to vector<16xf32>
    %get3A_268 = arith.constant 3 : i32
    %get3A_269 = arith.index_cast %get3A_268 : i32 to index
    %get3A_270 = arith.constant 64 : index
    %get3A_271 = tpu.vector_load %arg7[%get3A_269, %get3A_270] {strides = array<i32>} : memref<32x128xf32, #tpu.memory_space<vmem>>, vector<1x16xf32>,
    %get3A_272 = vector.shape_cast %get3A_271 : vector<1x16xf32> to vector<16xf32>
    %add3A_273 = arith.addf %get3A_267, %get3A_272 : vector<16xf32>
    %max3A_274 = arith.constant 1.000000e+00 : f32
    %max3A_275 = vector.broadcast %max3A_274 : f32 to vector<16xf32>
    %max3A_276 = arith.maximumf %add3A_273, %max3A_275 : vector<16xf32>
    %div3A_277 = arith.constant 1.000000e+00 : f32
    %div3A_278 = vector.broadcast %div3A_277 : f32 to vector<16xf32>
    %div3A_279 = arith.divf %div3A_278, %max3A_276 : vector<16xf32>
    %get3A_280 = arith.constant 3 : i32
    %get3A_281 = arith.index_cast %get3A_280 : i32 to index
    %get3A_282 = arith.constant 0 : index
    %get3A_283 = tpu.vector_load %arg6[%get3A_281, %get3A_282] {strides = array<i32>} : memref<32x128xf32, #tpu.memory_space<vmem>>, vector<1x16xf32>,
    %get3A_284 = vector.shape_cast %get3A_283 : vector<1x16xf32> to vector<16xf32>
    %get3A_285 = arith.constant 3 : i32
    %get3A_286 = arith.index_cast %get3A_285 : i32 to index
    %get3A_287 = arith.constant 0 : index
    %get3A_288 = tpu.vector_load %arg7[%get3A_286, %get3A_287] {strides = array<i32>} : memref<32x128xf32, #tpu.memory_space<vmem>>, vector<1x16xf32>,
    %get3A_289 = vector.shape_cast %get3A_288 : vector<1x16xf32> to vector<16xf32>
    %add3A_290 = arith.addf %get3A_284, %get3A_289 : vector<16xf32>
    %mul3A_291 = arith.mulf %add3A_290, %div3A_279 : vector<16xf32>
    %swap3A_292 = arith.constant 3 : i32
    %swap3A_293 = arith.index_cast %swap3A_292 : i32 to index
    %swap3A_294 = arith.constant 0 : index
    %swap3A_295 = tpu.vector_load %arg6[%swap3A_293, %swap3A_294] {strides = array<i32>} : memref<32x128xf32, #tpu.memory_space<vmem>>, vector<1x16xf32>,
    %swap3A_296 = vector.shape_cast %swap3A_295 : vector<1x16xf32> to vector<16xf32>
    %swap3A_297 = vector.shape_cast %mul3A_291 : vector<16xf32> to vector<1x16xf32>
    tpu.vector_store %arg6[%swap3A_293, %swap3A_294], %swap3A_297 {strides = array<i32>} : memref<32x128xf32, #tpu.memory_space<vmem>>, vector<1x16xf32>,
    %get3A_298 = arith.constant 3 : i32
    %get3A_299 = arith.index_cast %get3A_298 : i32 to index
    %get3A_300 = arith.constant 16 : index
    %get3A_301 = tpu.vector_load %arg6[%get3A_299, %get3A_300] {strides = array<i32>} : memref<32x128xf32, #tpu.memory_space<vmem>>, vector<1x16xf32>,
    %get3A_302 = vector.shape_cast %get3A_301 : vector<1x16xf32> to vector<16xf32>
    %get3A_303 = arith.constant 3 : i32
    %get3A_304 = arith.index_cast %get3A_303 : i32 to index
    %get3A_305 = arith.constant 16 : index
    %get3A_306 = tpu.vector_load %arg7[%get3A_304, %get3A_305] {strides = array<i32>} : memref<32x128xf32, #tpu.memory_space<vmem>>, vector<1x16xf32>,
    %get3A_307 = vector.shape_cast %get3A_306 : vector<1x16xf32> to vector<16xf32>
    %add3A_308 = arith.addf %get3A_302, %get3A_307 : vector<16xf32>
    %mul3A_309 = arith.mulf %add3A_308, %div3A_279 : vector<16xf32>
    %swap3A_310 = arith.constant 3 : i32
    %swap3A_311 = arith.index_cast %swap3A_310 : i32 to index
    %swap3A_312 = arith.constant 16 : index
    %swap3A_313 = tpu.vector_load %arg6[%swap3A_311, %swap3A_312] {strides = array<i32>} : memref<32x128xf32, #tpu.memory_space<vmem>>, vector<1x16xf32>,
    %swap3A_314 = vector.shape_cast %swap3A_313 : vector<1x16xf32> to vector<16xf32>
    %swap3A_315 = vector.shape_cast %mul3A_309 : vector<16xf32> to vector<1x16xf32>
    tpu.vector_store %arg6[%swap3A_311, %swap3A_312], %swap3A_315 {strides = array<i32>} : memref<32x128xf32, #tpu.memory_space<vmem>>, vector<1x16xf32>,
    %get3A_316 = arith.constant 3 : i32
    %get3A_317 = arith.index_cast %get3A_316 : i32 to index
    %get3A_318 = arith.constant 32 : index
    %get3A_319 = tpu.vector_load %arg6[%get3A_317, %get3A_318] {strides = array<i32>} : memref<32x128xf32, #tpu.memory_space<vmem>>, vector<1x16xf32>,
    %get3A_320 = vector.shape_cast %get3A_319 : vector<1x16xf32> to vector<16xf32>
    %get3A_321 = arith.constant 3 : i32
    %get3A_322 = arith.index_cast %get3A_321 : i32 to index
    %get3A_323 = arith.constant 32 : index
    %get3A_324 = tpu.vector_load %arg7[%get3A_322, %get3A_323] {strides = array<i32>} : memref<32x128xf32, #tpu.memory_space<vmem>>, vector<1x16xf32>,
    %get3A_325 = vector.shape_cast %get3A_324 : vector<1x16xf32> to vector<16xf32>
    %add3A_326 = arith.addf %get3A_320, %get3A_325 : vector<16xf32>
    %mul3A_327 = arith.mulf %add3A_326, %div3A_279 : vector<16xf32>
    %swap3A_328 = arith.constant 3 : i32
    %swap3A_329 = arith.index_cast %swap3A_328 : i32 to index
    %swap3A_330 = arith.constant 32 : index
    %swap3A_331 = tpu.vector_load %arg6[%swap3A_329, %swap3A_330] {strides = array<i32>} : memref<32x128xf32, #tpu.memory_space<vmem>>, vector<1x16xf32>,
    %swap3A_332 = vector.shape_cast %swap3A_331 : vector<1x16xf32> to vector<16xf32>
    %swap3A_333 = vector.shape_cast %mul3A_327 : vector<16xf32> to vector<1x16xf32>
    tpu.vector_store %arg6[%swap3A_329, %swap3A_330], %swap3A_333 {strides = array<i32>} : memref<32x128xf32, #tpu.memory_space<vmem>>, vector<1x16xf32>,
    %get3A_334 = arith.constant 3 : i32
    %get3A_335 = arith.index_cast %get3A_334 : i32 to index
    %get3A_336 = arith.constant 48 : index
    %get3A_337 = tpu.vector_load %arg6[%get3A_335, %get3A_336] {strides = array<i32>} : memref<32x128xf32, #tpu.memory_space<vmem>>, vector<1x16xf32>,
    %get3A_338 = vector.shape_cast %get3A_337 : vector<1x16xf32> to vector<16xf32>
    %get3A_339 = arith.constant 3 : i32
    %get3A_340 = arith.index_cast %get3A_339 : i32 to index
    %get3A_341 = arith.constant 48 : index
    %get3A_342 = tpu.vector_load %arg7[%get3A_340, %get3A_341] {strides = array<i32>} : memref<32x128xf32, #tpu.memory_space<vmem>>, vector<1x16xf32>,
    %get3A_343 = vector.shape_cast %get3A_342 : vector<1x16xf32> to vector<16xf32>
    %add3A_344 = arith.addf %get3A_338, %get3A_343 : vector<16xf32>
    %mul3A_345 = arith.mulf %add3A_344, %div3A_279 : vector<16xf32>
    %swap3A_346 = arith.constant 3 : i32
    %swap3A_347 = arith.index_cast %swap3A_346 : i32 to index
    %swap3A_348 = arith.constant 48 : index
    %swap3A_349 = tpu.vector_load %arg6[%swap3A_347, %swap3A_348] {strides = array<i32>} : memref<32x128xf32, #tpu.memory_space<vmem>>, vector<1x16xf32>,
    %swap3A_350 = vector.shape_cast %swap3A_349 : vector<1x16xf32> to vector<16xf32>
    %swap3A_351 = vector.shape_cast %mul3A_345 : vector<16xf32> to vector<1x16xf32>
    tpu.vector_store %arg6[%swap3A_347, %swap3A_348], %swap3A_351 {strides = array<i32>} : memref<32x128xf32, #tpu.memory_space<vmem>>, vector<1x16xf32>,
    %get3A_352 = arith.constant 4 : i32
    %get3A_353 = arith.index_cast %get3A_352 : i32 to index
    %get3A_354 = arith.constant 64 : index
    %get3A_355 = tpu.vector_load %arg6[%get3A_353, %get3A_354] {strides = array<i32>} : memref<32x128xf32, #tpu.memory_space<vmem>>, vector<1x16xf32>,
    %get3A_356 = vector.shape_cast %get3A_355 : vector<1x16xf32> to vector<16xf32>
    %get3A_357 = arith.constant 4 : i32
    %get3A_358 = arith.index_cast %get3A_357 : i32 to index
    %get3A_359 = arith.constant 64 : index
    %get3A_360 = tpu.vector_load %arg7[%get3A_358, %get3A_359] {strides = array<i32>} : memref<32x128xf32, #tpu.memory_space<vmem>>, vector<1x16xf32>,
    %get3A_361 = vector.shape_cast %get3A_360 : vector<1x16xf32> to vector<16xf32>
    %add3A_362 = arith.addf %get3A_356, %get3A_361 : vector<16xf32>
    %max3A_363 = arith.constant 1.000000e+00 : f32
    %max3A_364 = vector.broadcast %max3A_363 : f32 to vector<16xf32>
    %max3A_365 = arith.maximumf %add3A_362, %max3A_364 : vector<16xf32>
    %div3A_366 = arith.constant 1.000000e+00 : f32
    %div3A_367 = vector.broadcast %div3A_366 : f32 to vector<16xf32>
    %div3A_368 = arith.divf %div3A_367, %max3A_365 : vector<16xf32>
    %get3A_369 = arith.constant 4 : i32
    %get3A_370 = arith.index_cast %get3A_369 : i32 to index
    %get3A_371 = arith.constant 0 : index
    %get3A_372 = tpu.vector_load %arg6[%get3A_370, %get3A_371] {strides = array<i32>} : memref<32x128xf32, #tpu.memory_space<vmem>>, vector<1x16xf32>,
    %get3A_373 = vector.shape_cast %get3A_372 : vector<1x16xf32> to vector<16xf32>
    %get3A_374 = arith.constant 4 : i32
    %get3A_375 = arith.index_cast %get3A_374 : i32 to index
    %get3A_376 = arith.constant 0 : index
    %get3A_377 = tpu.vector_load %arg7[%get3A_375, %get3A_376] {strides = array<i32>} : memref<32x128xf32, #tpu.memory_space<vmem>>, vector<1x16xf32>,
    %get3A_378 = vector.shape_cast %get3A_377 : vector<1x16xf32> to vector<16xf32>
    %add3A_379 = arith.addf %get3A_373, %get3A_378 : vector<16xf32>
    %mul3A_380 = arith.mulf %add3A_379, %div3A_368 : vector<16xf32>
    %swap3A_381 = arith.constant 4 : i32
    %swap3A_382 = arith.index_cast %swap3A_381 : i32 to index
    %swap3A_383 = arith.constant 0 : index
    %swap3A_384 = tpu.vector_load %arg6[%swap3A_382, %swap3A_383] {strides = array<i32>} : memref<32x128xf32, #tpu.memory_space<vmem>>, vector<1x16xf32>,
    %swap3A_385 = vector.shape_cast %swap3A_384 : vector<1x16xf32> to vector<16xf32>
    %swap3A_386 = vector.shape_cast %mul3A_380 : vector<16xf32> to vector<1x16xf32>
    tpu.vector_store %arg6[%swap3A_382, %swap3A_383], %swap3A_386 {strides = array<i32>} : memref<32x128xf32, #tpu.memory_space<vmem>>, vector<1x16xf32>,
    %get3A_387 = arith.constant 4 : i32
    %get3A_388 = arith.index_cast %get3A_387 : i32 to index
    %get3A_389 = arith.constant 16 : index
    %get3A_390 = tpu.vector_load %arg6[%get3A_388, %get3A_389] {strides = array<i32>} : memref<32x128xf32, #tpu.memory_space<vmem>>, vector<1x16xf32>,
    %get3A_391 = vector.shape_cast %get3A_390 : vector<1x16xf32> to vector<16xf32>
    %get3A_392 = arith.constant 4 : i32
    %get3A_393 = arith.index_cast %get3A_392 : i32 to index
    %get3A_394 = arith.constant 16 : index
    %get3A_395 = tpu.vector_load %arg7[%get3A_393, %get3A_394] {strides = array<i32>} : memref<32x128xf32, #tpu.memory_space<vmem>>, vector<1x16xf32>,
    %get3A_396 = vector.shape_cast %get3A_395 : vector<1x16xf32> to vector<16xf32>
    %add3A_397 = arith.addf %get3A_391, %get3A_396 : vector<16xf32>
    %mul3A_398 = arith.mulf %add3A_397, %div3A_368 : vector<16xf32>
    %swap3A_399 = arith.constant 4 : i32
    %swap3A_400 = arith.index_cast %swap3A_399 : i32 to index
    %swap3A_401 = arith.constant 16 : index
    %swap3A_402 = tpu.vector_load %arg6[%swap3A_400, %swap3A_401] {strides = array<i32>} : memref<32x128xf32, #tpu.memory_space<vmem>>, vector<1x16xf32>,
    %swap3A_403 = vector.shape_cast %swap3A_402 : vector<1x16xf32> to vector<16xf32>
    %swap3A_404 = vector.shape_cast %mul3A_398 : vector<16xf32> to vector<1x16xf32>
    tpu.vector_store %arg6[%swap3A_400, %swap3A_401], %swap3A_404 {strides = array<i32>} : memref<32x128xf32, #tpu.memory_space<vmem>>, vector<1x16xf32>,
    %get3A_405 = arith.constant 4 : i32
    %get3A_406 = arith.index_cast %get3A_405 : i32 to index
    %get3A_407 = arith.constant 32 : index
    %get3A_408 = tpu.vector_load %arg6[%get3A_406, %get3A_407] {strides = array<i32>} : memref<32x128xf32, #tpu.memory_space<vmem>>, vector<1x16xf32>,
    %get3A_409 = vector.shape_cast %get3A_408 : vector<1x16xf32> to vector<16xf32>
    %get3A_410 = arith.constant 4 : i32
    %get3A_411 = arith.index_cast %get3A_410 : i32 to index
    %get3A_412 = arith.constant 32 : index
    %get3A_413 = tpu.vector_load %arg7[%get3A_411, %get3A_412] {strides = array<i32>} : memref<32x128xf32, #tpu.memory_space<vmem>>, vector<1x16xf32>,
    %get3A_414 = vector.shape_cast %get3A_413 : vector<1x16xf32> to vector<16xf32>
    %add3A_415 = arith.addf %get3A_409, %get3A_414 : vector<16xf32>
    %mul3A_416 = arith.mulf %add3A_415, %div3A_368 : vector<16xf32>
    %swap3A_417 = arith.constant 4 : i32
    %swap3A_418 = arith.index_cast %swap3A_417 : i32 to index
    %swap3A_419 = arith.constant 32 : index
    %swap3A_420 = tpu.vector_load %arg6[%swap3A_418, %swap3A_419] {strides = array<i32>} : memref<32x128xf32, #tpu.memory_space<vmem>>, vector<1x16xf32>,
    %swap3A_421 = vector.shape_cast %swap3A_420 : vector<1x16xf32> to vector<16xf32>
    %swap3A_422 = vector.shape_cast %mul3A_416 : vector<16xf32> to vector<1x16xf32>
    tpu.vector_store %arg6[%swap3A_418, %swap3A_419], %swap3A_422 {strides = array<i32>} : memref<32x128xf32, #tpu.memory_space<vmem>>, vector<1x16xf32>,
    %get3A_423 = arith.constant 4 : i32
    %get3A_424 = arith.index_cast %get3A_423 : i32 to index
    %get3A_425 = arith.constant 48 : index
    %get3A_426 = tpu.vector_load %arg6[%get3A_424, %get3A_425] {strides = array<i32>} : memref<32x128xf32, #tpu.memory_space<vmem>>, vector<1x16xf32>,
    %get3A_427 = vector.shape_cast %get3A_426 : vector<1x16xf32> to vector<16xf32>
    %get3A_428 = arith.constant 4 : i32
    %get3A_429 = arith.index_cast %get3A_428 : i32 to index
    %get3A_430 = arith.constant 48 : index
    %get3A_431 = tpu.vector_load %arg7[%get3A_429, %get3A_430] {strides = array<i32>} : memref<32x128xf32, #tpu.memory_space<vmem>>, vector<1x16xf32>,
    %get3A_432 = vector.shape_cast %get3A_431 : vector<1x16xf32> to vector<16xf32>
    %add3A_433 = arith.addf %get3A_427, %get3A_432 : vector<16xf32>
    %mul3A_434 = arith.mulf %add3A_433, %div3A_368 : vector<16xf32>
    %swap3A_435 = arith.constant 4 : i32
    %swap3A_436 = arith.index_cast %swap3A_435 : i32 to index
    %swap3A_437 = arith.constant 48 : index
    %swap3A_438 = tpu.vector_load %arg6[%swap3A_436, %swap3A_437] {strides = array<i32>} : memref<32x128xf32, #tpu.memory_space<vmem>>, vector<1x16xf32>,
    %swap3A_439 = vector.shape_cast %swap3A_438 : vector<1x16xf32> to vector<16xf32>
    %swap3A_440 = vector.shape_cast %mul3A_434 : vector<16xf32> to vector<1x16xf32>
    tpu.vector_store %arg6[%swap3A_436, %swap3A_437], %swap3A_440 {strides = array<i32>} : memref<32x128xf32, #tpu.memory_space<vmem>>, vector<1x16xf32>,
    %get3A_441 = arith.constant 5 : i32
    %get3A_442 = arith.index_cast %get3A_441 : i32 to index
    %get3A_443 = arith.constant 64 : index
    %get3A_444 = tpu.vector_load %arg6[%get3A_442, %get3A_443] {strides = array<i32>} : memref<32x128xf32, #tpu.memory_space<vmem>>, vector<1x16xf32>,
    %get3A_445 = vector.shape_cast %get3A_444 : vector<1x16xf32> to vector<16xf32>
    %get3A_446 = arith.constant 5 : i32
    %get3A_447 = arith.index_cast %get3A_446 : i32 to index
    %get3A_448 = arith.constant 64 : index
    %get3A_449 = tpu.vector_load %arg7[%get3A_447, %get3A_448] {strides = array<i32>} : memref<32x128xf32, #tpu.memory_space<vmem>>, vector<1x16xf32>,
    %get3A_450 = vector.shape_cast %get3A_449 : vector<1x16xf32> to vector<16xf32>
    %add3A_451 = arith.addf %get3A_445, %get3A_450 : vector<16xf32>
    %max3A_452 = arith.constant 1.000000e+00 : f32
    %max3A_453 = vector.broadcast %max3A_452 : f32 to vector<16xf32>
    %max3A_454 = arith.maximumf %add3A_451, %max3A_453 : vector<16xf32>
    %div3A_455 = arith.constant 1.000000e+00 : f32
    %div3A_456 = vector.broadcast %div3A_455 : f32 to vector<16xf32>
    %div3A_457 = arith.divf %div3A_456, %max3A_454 : vector<16xf32>
    %get3A_458 = arith.constant 5 : i32
    %get3A_459 = arith.index_cast %get3A_458 : i32 to index
    %get3A_460 = arith.constant 0 : index
    %get3A_461 = tpu.vector_load %arg6[%get3A_459, %get3A_460] {strides = array<i32>} : memref<32x128xf32, #tpu.memory_space<vmem>>, vector<1x16xf32>,
    %get3A_462 = vector.shape_cast %get3A_461 : vector<1x16xf32> to vector<16xf32>
    %get3A_463 = arith.constant 5 : i32
    %get3A_464 = arith.index_cast %get3A_463 : i32 to index
    %get3A_465 = arith.constant 0 : index
    %get3A_466 = tpu.vector_load %arg7[%get3A_464, %get3A_465] {strides = array<i32>} : memref<32x128xf32, #tpu.memory_space<vmem>>, vector<1x16xf32>,
    %get3A_467 = vector.shape_cast %get3A_466 : vector<1x16xf32> to vector<16xf32>
    %add3A_468 = arith.addf %get3A_462, %get3A_467 : vector<16xf32>
    %mul3A_469 = arith.mulf %add3A_468, %div3A_457 : vector<16xf32>
    %swap3A_470 = arith.constant 5 : i32
    %swap3A_471 = arith.index_cast %swap3A_470 : i32 to index
    %swap3A_472 = arith.constant 0 : index
    %swap3A_473 = tpu.vector_load %arg6[%swap3A_471, %swap3A_472] {strides = array<i32>} : memref<32x128xf32, #tpu.memory_space<vmem>>, vector<1x16xf32>,
    %swap3A_474 = vector.shape_cast %swap3A_473 : vector<1x16xf32> to vector<16xf32>
    %swap3A_475 = vector.shape_cast %mul3A_469 : vector<16xf32> to vector<1x16xf32>
    tpu.vector_store %arg6[%swap3A_471, %swap3A_472], %swap3A_475 {strides = array<i32>} : memref<32x128xf32, #tpu.memory_space<vmem>>, vector<1x16xf32>,
    %get3A_476 = arith.constant 5 : i32
    %get3A_477 = arith.index_cast %get3A_476 : i32 to index
    %get3A_478 = arith.constant 16 : index
    %get3A_479 = tpu.vector_load %arg6[%get3A_477, %get3A_478] {strides = array<i32>} : memref<32x128xf32, #tpu.memory_space<vmem>>, vector<1x16xf32>,
    %get3A_480 = vector.shape_cast %get3A_479 : vector<1x16xf32> to vector<16xf32>
    %get3A_481 = arith.constant 5 : i32
    %get3A_482 = arith.index_cast %get3A_481 : i32 to index
    %get3A_483 = arith.constant 16 : index
    %get3A_484 = tpu.vector_load %arg7[%get3A_482, %get3A_483] {strides = array<i32>} : memref<32x128xf32, #tpu.memory_space<vmem>>, vector<1x16xf32>,
    %get3A_485 = vector.shape_cast %get3A_484 : vector<1x16xf32> to vector<16xf32>
    %add3A_486 = arith.addf %get3A_480, %get3A_485 : vector<16xf32>
    %mul3A_487 = arith.mulf %add3A_486, %div3A_457 : vector<16xf32>
    %swap3A_488 = arith.constant 5 : i32
    %swap3A_489 = arith.index_cast %swap3A_488 : i32 to index
    %swap3A_490 = arith.constant 16 : index
    %swap3A_491 = tpu.vector_load %arg6[%swap3A_489, %swap3A_490] {strides = array<i32>} : memref<32x128xf32, #tpu.memory_space<vmem>>, vector<1x16xf32>,
    %swap3A_492 = vector.shape_cast %swap3A_491 : vector<1x16xf32> to vector<16xf32>
    %swap3A_493 = vector.shape_cast %mul3A_487 : vector<16xf32> to vector<1x16xf32>
    tpu.vector_store %arg6[%swap3A_489, %swap3A_490], %swap3A_493 {strides = array<i32>} : memref<32x128xf32, #tpu.memory_space<vmem>>, vector<1x16xf32>,
    %get3A_494 = arith.constant 5 : i32
    %get3A_495 = arith.index_cast %get3A_494 : i32 to index
    %get3A_496 = arith.constant 32 : index
    %get3A_497 = tpu.vector_load %arg6[%get3A_495, %get3A_496] {strides = array<i32>} : memref<32x128xf32, #tpu.memory_space<vmem>>, vector<1x16xf32>,
    %get3A_498 = vector.shape_cast %get3A_497 : vector<1x16xf32> to vector<16xf32>
    %get3A_499 = arith.constant 5 : i32
    %get3A_500 = arith.index_cast %get3A_499 : i32 to index
    %get3A_501 = arith.constant 32 : index
    %get3A_502 = tpu.vector_load %arg7[%get3A_500, %get3A_501] {strides = array<i32>} : memref<32x128xf32, #tpu.memory_space<vmem>>, vector<1x16xf32>,
    %get3A_503 = vector.shape_cast %get3A_502 : vector<1x16xf32> to vector<16xf32>
    %add3A_504 = arith.addf %get3A_498, %get3A_503 : vector<16xf32>
    %mul3A_505 = arith.mulf %add3A_504, %div3A_457 : vector<16xf32>
    %swap3A_506 = arith.constant 5 : i32
    %swap3A_507 = arith.index_cast %swap3A_506 : i32 to index
    %swap3A_508 = arith.constant 32 : index
    %swap3A_509 = tpu.vector_load %arg6[%swap3A_507, %swap3A_508] {strides = array<i32>} : memref<32x128xf32, #tpu.memory_space<vmem>>, vector<1x16xf32>,
    %swap3A_510 = vector.shape_cast %swap3A_509 : vector<1x16xf32> to vector<16xf32>
    %swap3A_511 = vector.shape_cast %mul3A_505 : vector<16xf32> to vector<1x16xf32>
    tpu.vector_store %arg6[%swap3A_507, %swap3A_508], %swap3A_511 {strides = array<i32>} : memref<32x128xf32, #tpu.memory_space<vmem>>, vector<1x16xf32>,
    %get3A_512 = arith.constant 5 : i32
    %get3A_513 = arith.index_cast %get3A_512 : i32 to index
    %get3A_514 = arith.constant 48 : index
    %get3A_515 = tpu.vector_load %arg6[%get3A_513, %get3A_514] {strides = array<i32>} : memref<32x128xf32, #tpu.memory_space<vmem>>, vector<1x16xf32>,
    %get3A_516 = vector.shape_cast %get3A_515 : vector<1x16xf32> to vector<16xf32>
    %get3A_517 = arith.constant 5 : i32
    %get3A_518 = arith.index_cast %get3A_517 : i32 to index
    %get3A_519 = arith.constant 48 : index
    %get3A_520 = tpu.vector_load %arg7[%get3A_518, %get3A_519] {strides = array<i32>} : memref<32x128xf32, #tpu.memory_space<vmem>>, vector<1x16xf32>,
    %get3A_521 = vector.shape_cast %get3A_520 : vector<1x16xf32> to vector<16xf32>
    %add3A_522 = arith.addf %get3A_516, %get3A_521 : vector<16xf32>
    %mul3A_523 = arith.mulf %add3A_522, %div3A_457 : vector<16xf32>
    %swap3A_524 = arith.constant 5 : i32
    %swap3A_525 = arith.index_cast %swap3A_524 : i32 to index
    %swap3A_526 = arith.constant 48 : index
    %swap3A_527 = tpu.vector_load %arg6[%swap3A_525, %swap3A_526] {strides = array<i32>} : memref<32x128xf32, #tpu.memory_space<vmem>>, vector<1x16xf32>,
    %swap3A_528 = vector.shape_cast %swap3A_527 : vector<1x16xf32> to vector<16xf32>
    %swap3A_529 = vector.shape_cast %mul3A_523 : vector<16xf32> to vector<1x16xf32>
    tpu.vector_store %arg6[%swap3A_525, %swap3A_526], %swap3A_529 {strides = array<i32>} : memref<32x128xf32, #tpu.memory_space<vmem>>, vector<1x16xf32>,
    %get3A_530 = arith.constant 6 : i32
    %get3A_531 = arith.index_cast %get3A_530 : i32 to index
    %get3A_532 = arith.constant 64 : index
    %get3A_533 = tpu.vector_load %arg6[%get3A_531, %get3A_532] {strides = array<i32>} : memref<32x128xf32, #tpu.memory_space<vmem>>, vector<1x16xf32>,
    %get3A_534 = vector.shape_cast %get3A_533 : vector<1x16xf32> to vector<16xf32>
    %get3A_535 = arith.constant 6 : i32
    %get3A_536 = arith.index_cast %get3A_535 : i32 to index
    %get3A_537 = arith.constant 64 : index
    %get3A_538 = tpu.vector_load %arg7[%get3A_536, %get3A_537] {strides = array<i32>} : memref<32x128xf32, #tpu.memory_space<vmem>>, vector<1x16xf32>,
    %get3A_539 = vector.shape_cast %get3A_538 : vector<1x16xf32> to vector<16xf32>
    %add3A_540 = arith.addf %get3A_534, %get3A_539 : vector<16xf32>
    %max3A_541 = arith.constant 1.000000e+00 : f32
    %max3A_542 = vector.broadcast %max3A_541 : f32 to vector<16xf32>
    %max3A_543 = arith.maximumf %add3A_540, %max3A_542 : vector<16xf32>
    %div3A_544 = arith.constant 1.000000e+00 : f32
    %div3A_545 = vector.broadcast %div3A_544 : f32 to vector<16xf32>
    %div3A_546 = arith.divf %div3A_545, %max3A_543 : vector<16xf32>
    %get3A_547 = arith.constant 6 : i32
    %get3A_548 = arith.index_cast %get3A_547 : i32 to index
    %get3A_549 = arith.constant 0 : index
    %get3A_550 = tpu.vector_load %arg6[%get3A_548, %get3A_549] {strides = array<i32>} : memref<32x128xf32, #tpu.memory_space<vmem>>, vector<1x16xf32>,
    %get3A_551 = vector.shape_cast %get3A_550 : vector<1x16xf32> to vector<16xf32>
    %get3A_552 = arith.constant 6 : i32
    %get3A_553 = arith.index_cast %get3A_552 : i32 to index
    %get3A_554 = arith.constant 0 : index
    %get3A_555 = tpu.vector_load %arg7[%get3A_553, %get3A_554] {strides = array<i32>} : memref<32x128xf32, #tpu.memory_space<vmem>>, vector<1x16xf32>,
    %get3A_556 = vector.shape_cast %get3A_555 : vector<1x16xf32> to vector<16xf32>
    %add3A_557 = arith.addf %get3A_551, %get3A_556 : vector<16xf32>
    %mul3A_558 = arith.mulf %add3A_557, %div3A_546 : vector<16xf32>
    %swap3A_559 = arith.constant 6 : i32
    %swap3A_560 = arith.index_cast %swap3A_559 : i32 to index
    %swap3A_561 = arith.constant 0 : index
    %swap3A_562 = tpu.vector_load %arg6[%swap3A_560, %swap3A_561] {strides = array<i32>} : memref<32x128xf32, #tpu.memory_space<vmem>>, vector<1x16xf32>,
    %swap3A_563 = vector.shape_cast %swap3A_562 : vector<1x16xf32> to vector<16xf32>
    %swap3A_564 = vector.shape_cast %mul3A_558 : vector<16xf32> to vector<1x16xf32>
    tpu.vector_store %arg6[%swap3A_560, %swap3A_561], %swap3A_564 {strides = array<i32>} : memref<32x128xf32, #tpu.memory_space<vmem>>, vector<1x16xf32>,
    %get3A_565 = arith.constant 6 : i32
    %get3A_566 = arith.index_cast %get3A_565 : i32 to index
    %get3A_567 = arith.constant 16 : index
    %get3A_568 = tpu.vector_load %arg6[%get3A_566, %get3A_567] {strides = array<i32>} : memref<32x128xf32, #tpu.memory_space<vmem>>, vector<1x16xf32>,
    %get3A_569 = vector.shape_cast %get3A_568 : vector<1x16xf32> to vector<16xf32>
    %get3A_570 = arith.constant 6 : i32
    %get3A_571 = arith.index_cast %get3A_570 : i32 to index
    %get3A_572 = arith.constant 16 : index
    %get3A_573 = tpu.vector_load %arg7[%get3A_571, %get3A_572] {strides = array<i32>} : memref<32x128xf32, #tpu.memory_space<vmem>>, vector<1x16xf32>,
    %get3A_574 = vector.shape_cast %get3A_573 : vector<1x16xf32> to vector<16xf32>
    %add3A_575 = arith.addf %get3A_569, %get3A_574 : vector<16xf32>
    %mul3A_576 = arith.mulf %add3A_575, %div3A_546 : vector<16xf32>
    %swap3A_577 = arith.constant 6 : i32
    %swap3A_578 = arith.index_cast %swap3A_577 : i32 to index
    %swap3A_579 = arith.constant 16 : index
    %swap3A_580 = tpu.vector_load %arg6[%swap3A_578, %swap3A_579] {strides = array<i32>} : memref<32x128xf32, #tpu.memory_space<vmem>>, vector<1x16xf32>,
    %swap3A_581 = vector.shape_cast %swap3A_580 : vector<1x16xf32> to vector<16xf32>
    %swap3A_582 = vector.shape_cast %mul3A_576 : vector<16xf32> to vector<1x16xf32>
    tpu.vector_store %arg6[%swap3A_578, %swap3A_579], %swap3A_582 {strides = array<i32>} : memref<32x128xf32, #tpu.memory_space<vmem>>, vector<1x16xf32>,
    %get3A_583 = arith.constant 6 : i32
    %get3A_584 = arith.index_cast %get3A_583 : i32 to index
    %get3A_585 = arith.constant 32 : index
    %get3A_586 = tpu.vector_load %arg6[%get3A_584, %get3A_585] {strides = array<i32>} : memref<32x128xf32, #tpu.memory_space<vmem>>, vector<1x16xf32>,
    %get3A_587 = vector.shape_cast %get3A_586 : vector<1x16xf32> to vector<16xf32>
    %get3A_588 = arith.constant 6 : i32
    %get3A_589 = arith.index_cast %get3A_588 : i32 to index
    %get3A_590 = arith.constant 32 : index
    %get3A_591 = tpu.vector_load %arg7[%get3A_589, %get3A_590] {strides = array<i32>} : memref<32x128xf32, #tpu.memory_space<vmem>>, vector<1x16xf32>,
    %get3A_592 = vector.shape_cast %get3A_591 : vector<1x16xf32> to vector<16xf32>
    %add3A_593 = arith.addf %get3A_587, %get3A_592 : vector<16xf32>
    %mul3A_594 = arith.mulf %add3A_593, %div3A_546 : vector<16xf32>
    %swap3A_595 = arith.constant 6 : i32
    %swap3A_596 = arith.index_cast %swap3A_595 : i32 to index
    %swap3A_597 = arith.constant 32 : index
    %swap3A_598 = tpu.vector_load %arg6[%swap3A_596, %swap3A_597] {strides = array<i32>} : memref<32x128xf32, #tpu.memory_space<vmem>>, vector<1x16xf32>,
    %swap3A_599 = vector.shape_cast %swap3A_598 : vector<1x16xf32> to vector<16xf32>
    %swap3A_600 = vector.shape_cast %mul3A_594 : vector<16xf32> to vector<1x16xf32>
    tpu.vector_store %arg6[%swap3A_596, %swap3A_597], %swap3A_600 {strides = array<i32>} : memref<32x128xf32, #tpu.memory_space<vmem>>, vector<1x16xf32>,
    %get3A_601 = arith.constant 6 : i32
    %get3A_602 = arith.index_cast %get3A_601 : i32 to index
    %get3A_603 = arith.constant 48 : index
    %get3A_604 = tpu.vector_load %arg6[%get3A_602, %get3A_603] {strides = array<i32>} : memref<32x128xf32, #tpu.memory_space<vmem>>, vector<1x16xf32>,
    %get3A_605 = vector.shape_cast %get3A_604 : vector<1x16xf32> to vector<16xf32>
    %get3A_606 = arith.constant 6 : i32
    %get3A_607 = arith.index_cast %get3A_606 : i32 to index
    %get3A_608 = arith.constant 48 : index
    %get3A_609 = tpu.vector_load %arg7[%get3A_607, %get3A_608] {strides = array<i32>} : memref<32x128xf32, #tpu.memory_space<vmem>>, vector<1x16xf32>,
    %get3A_610 = vector.shape_cast %get3A_609 : vector<1x16xf32> to vector<16xf32>
    %add3A_611 = arith.addf %get3A_605, %get3A_610 : vector<16xf32>
    %mul3A_612 = arith.mulf %add3A_611, %div3A_546 : vector<16xf32>
    %swap3A_613 = arith.constant 6 : i32
    %swap3A_614 = arith.index_cast %swap3A_613 : i32 to index
    %swap3A_615 = arith.constant 48 : index
    %swap3A_616 = tpu.vector_load %arg6[%swap3A_614, %swap3A_615] {strides = array<i32>} : memref<32x128xf32, #tpu.memory_space<vmem>>, vector<1x16xf32>,
    %swap3A_617 = vector.shape_cast %swap3A_616 : vector<1x16xf32> to vector<16xf32>
    %swap3A_618 = vector.shape_cast %mul3A_612 : vector<16xf32> to vector<1x16xf32>
    tpu.vector_store %arg6[%swap3A_614, %swap3A_615], %swap3A_618 {strides = array<i32>} : memref<32x128xf32, #tpu.memory_space<vmem>>, vector<1x16xf32>,
    %get3A_619 = arith.constant 7 : i32
    %get3A_620 = arith.index_cast %get3A_619 : i32 to index
    %get3A_621 = arith.constant 64 : index
    %get3A_622 = tpu.vector_load %arg6[%get3A_620, %get3A_621] {strides = array<i32>} : memref<32x128xf32, #tpu.memory_space<vmem>>, vector<1x16xf32>,
    %get3A_623 = vector.shape_cast %get3A_622 : vector<1x16xf32> to vector<16xf32>
    %get3A_624 = arith.constant 7 : i32
    %get3A_625 = arith.index_cast %get3A_624 : i32 to index
    %get3A_626 = arith.constant 64 : index
    %get3A_627 = tpu.vector_load %arg7[%get3A_625, %get3A_626] {strides = array<i32>} : memref<32x128xf32, #tpu.memory_space<vmem>>, vector<1x16xf32>,
    %get3A_628 = vector.shape_cast %get3A_627 : vector<1x16xf32> to vector<16xf32>
    %add3A_629 = arith.addf %get3A_623, %get3A_628 : vector<16xf32>
    %max3A_630 = arith.constant 1.000000e+00 : f32
    %max3A_631 = vector.broadcast %max3A_630 : f32 to vector<16xf32>
    %max3A_632 = arith.maximumf %add3A_629, %max3A_631 : vector<16xf32>
    %div3A_633 = arith.constant 1.000000e+00 : f32
    %div3A_634 = vector.broadcast %div3A_633 : f32 to vector<16xf32>
    %div3A_635 = arith.divf %div3A_634, %max3A_632 : vector<16xf32>
    %get3A_636 = arith.constant 7 : i32
    %get3A_637 = arith.index_cast %get3A_636 : i32 to index
    %get3A_638 = arith.constant 0 : index
    %get3A_639 = tpu.vector_load %arg6[%get3A_637, %get3A_638] {strides = array<i32>} : memref<32x128xf32, #tpu.memory_space<vmem>>, vector<1x16xf32>,
    %get3A_640 = vector.shape_cast %get3A_639 : vector<1x16xf32> to vector<16xf32>
    %get3A_641 = arith.constant 7 : i32
    %get3A_642 = arith.index_cast %get3A_641 : i32 to index
    %get3A_643 = arith.constant 0 : index
    %get3A_644 = tpu.vector_load %arg7[%get3A_642, %get3A_643] {strides = array<i32>} : memref<32x128xf32, #tpu.memory_space<vmem>>, vector<1x16xf32>,
    %get3A_645 = vector.shape_cast %get3A_644 : vector<1x16xf32> to vector<16xf32>
    %add3A_646 = arith.addf %get3A_640, %get3A_645 : vector<16xf32>
    %mul3A_647 = arith.mulf %add3A_646, %div3A_635 : vector<16xf32>
    %swap3A_648 = arith.constant 7 : i32
    %swap3A_649 = arith.index_cast %swap3A_648 : i32 to index
    %swap3A_650 = arith.constant 0 : index
    %swap3A_651 = tpu.vector_load %arg6[%swap3A_649, %swap3A_650] {strides = array<i32>} : memref<32x128xf32, #tpu.memory_space<vmem>>, vector<1x16xf32>,
    %swap3A_652 = vector.shape_cast %swap3A_651 : vector<1x16xf32> to vector<16xf32>
    %swap3A_653 = vector.shape_cast %mul3A_647 : vector<16xf32> to vector<1x16xf32>
    tpu.vector_store %arg6[%swap3A_649, %swap3A_650], %swap3A_653 {strides = array<i32>} : memref<32x128xf32, #tpu.memory_space<vmem>>, vector<1x16xf32>,
    %get3A_654 = arith.constant 7 : i32
    %get3A_655 = arith.index_cast %get3A_654 : i32 to index
    %get3A_656 = arith.constant 16 : index
    %get3A_657 = tpu.vector_load %arg6[%get3A_655, %get3A_656] {strides = array<i32>} : memref<32x128xf32, #tpu.memory_space<vmem>>, vector<1x16xf32>,
    %get3A_658 = vector.shape_cast %get3A_657 : vector<1x16xf32> to vector<16xf32>
    %get3A_659 = arith.constant 7 : i32
    %get3A_660 = arith.index_cast %get3A_659 : i32 to index
    %get3A_661 = arith.constant 16 : index
    %get3A_662 = tpu.vector_load %arg7[%get3A_660, %get3A_661] {strides = array<i32>} : memref<32x128xf32, #tpu.memory_space<vmem>>, vector<1x16xf32>,
    %get3A_663 = vector.shape_cast %get3A_662 : vector<1x16xf32> to vector<16xf32>
    %add3A_664 = arith.addf %get3A_658, %get3A_663 : vector<16xf32>
    %mul3A_665 = arith.mulf %add3A_664, %div3A_635 : vector<16xf32>
    %swap3A_666 = arith.constant 7 : i32
    %swap3A_667 = arith.index_cast %swap3A_666 : i32 to index
    %swap3A_668 = arith.constant 16 : index
    %swap3A_669 = tpu.vector_load %arg6[%swap3A_667, %swap3A_668] {strides = array<i32>} : memref<32x128xf32, #tpu.memory_space<vmem>>, vector<1x16xf32>,
    %swap3A_670 = vector.shape_cast %swap3A_669 : vector<1x16xf32> to vector<16xf32>
    %swap3A_671 = vector.shape_cast %mul3A_665 : vector<16xf32> to vector<1x16xf32>
    tpu.vector_store %arg6[%swap3A_667, %swap3A_668], %swap3A_671 {strides = array<i32>} : memref<32x128xf32, #tpu.memory_space<vmem>>, vector<1x16xf32>,
    %get3A_672 = arith.constant 7 : i32
    %get3A_673 = arith.index_cast %get3A_672 : i32 to index
    %get3A_674 = arith.constant 32 : index
    %get3A_675 = tpu.vector_load %arg6[%get3A_673, %get3A_674] {strides = array<i32>} : memref<32x128xf32, #tpu.memory_space<vmem>>, vector<1x16xf32>,
    %get3A_676 = vector.shape_cast %get3A_675 : vector<1x16xf32> to vector<16xf32>
    %get3A_677 = arith.constant 7 : i32
    %get3A_678 = arith.index_cast %get3A_677 : i32 to index
    %get3A_679 = arith.constant 32 : index
    %get3A_680 = tpu.vector_load %arg7[%get3A_678, %get3A_679] {strides = array<i32>} : memref<32x128xf32, #tpu.memory_space<vmem>>, vector<1x16xf32>,
    %get3A_681 = vector.shape_cast %get3A_680 : vector<1x16xf32> to vector<16xf32>
    %add3A_682 = arith.addf %get3A_676, %get3A_681 : vector<16xf32>
    %mul3A_683 = arith.mulf %add3A_682, %div3A_635 : vector<16xf32>
    %swap3A_684 = arith.constant 7 : i32
    %swap3A_685 = arith.index_cast %swap3A_684 : i32 to index
    %swap3A_686 = arith.constant 32 : index
    %swap3A_687 = tpu.vector_load %arg6[%swap3A_685, %swap3A_686] {strides = array<i32>} : memref<32x128xf32, #tpu.memory_space<vmem>>, vector<1x16xf32>,
    %swap3A_688 = vector.shape_cast %swap3A_687 : vector<1x16xf32> to vector<16xf32>
    %swap3A_689 = vector.shape_cast %mul3A_683 : vector<16xf32> to vector<1x16xf32>
    tpu.vector_store %arg6[%swap3A_685, %swap3A_686], %swap3A_689 {strides = array<i32>} : memref<32x128xf32, #tpu.memory_space<vmem>>, vector<1x16xf32>,
    %get3A_690 = arith.constant 7 : i32
    %get3A_691 = arith.index_cast %get3A_690 : i32 to index
    %get3A_692 = arith.constant 48 : index
    %get3A_693 = tpu.vector_load %arg6[%get3A_691, %get3A_692] {strides = array<i32>} : memref<32x128xf32, #tpu.memory_space<vmem>>, vector<1x16xf32>,
    %get3A_694 = vector.shape_cast %get3A_693 : vector<1x16xf32> to vector<16xf32>
    %get3A_695 = arith.constant 7 : i32
    %get3A_696 = arith.index_cast %get3A_695 : i32 to index
    %get3A_697 = arith.constant 48 : index
    %get3A_698 = tpu.vector_load %arg7[%get3A_696, %get3A_697] {strides = array<i32>} : memref<32x128xf32, #tpu.memory_space<vmem>>, vector<1x16xf32>,
    %get3A_699 = vector.shape_cast %get3A_698 : vector<1x16xf32> to vector<16xf32>
    %add3A_700 = arith.addf %get3A_694, %get3A_699 : vector<16xf32>
    %mul3A_701 = arith.mulf %add3A_700, %div3A_635 : vector<16xf32>
    %swap3A_702 = arith.constant 7 : i32
    %swap3A_703 = arith.index_cast %swap3A_702 : i32 to index
    %swap3A_704 = arith.constant 48 : index
    %swap3A_705 = tpu.vector_load %arg6[%swap3A_703, %swap3A_704] {strides = array<i32>} : memref<32x128xf32, #tpu.memory_space<vmem>>, vector<1x16xf32>,
    %swap3A_706 = vector.shape_cast %swap3A_705 : vector<1x16xf32> to vector<16xf32>
    %swap3A_707 = vector.shape_cast %mul3A_701 : vector<16xf32> to vector<1x16xf32>
    tpu.vector_store %arg6[%swap3A_703, %swap3A_704], %swap3A_707 {strides = array<i32>} : memref<32x128xf32, #tpu.memory_space<vmem>>, vector<1x16xf32>,
    %get3A_708 = arith.constant 8 : i32
    %get3A_709 = arith.index_cast %get3A_708 : i32 to index
    %get3A_710 = arith.constant 64 : index
    %get3A_711 = tpu.vector_load %arg6[%get3A_709, %get3A_710] {strides = array<i32>} : memref<32x128xf32, #tpu.memory_space<vmem>>, vector<1x16xf32>,
    %get3A_712 = vector.shape_cast %get3A_711 : vector<1x16xf32> to vector<16xf32>
    %get3A_713 = arith.constant 8 : i32
    %get3A_714 = arith.index_cast %get3A_713 : i32 to index
    %get3A_715 = arith.constant 64 : index
    %get3A_716 = tpu.vector_load %arg7[%get3A_714, %get3A_715] {strides = array<i32>} : memref<32x128xf32, #tpu.memory_space<vmem>>, vector<1x16xf32>,
    %get3A_717 = vector.shape_cast %get3A_716 : vector<1x16xf32> to vector<16xf32>
    %add3A_718 = arith.addf %get3A_712, %get3A_717 : vector<16xf32>
    %max3A_719 = arith.constant 1.000000e+00 : f32
    %max3A_720 = vector.broadcast %max3A_719 : f32 to vector<16xf32>
    %max3A_721 = arith.maximumf %add3A_718, %max3A_720 : vector<16xf32>
    %div3A_722 = arith.constant 1.000000e+00 : f32
    %div3A_723 = vector.broadcast %div3A_722 : f32 to vector<16xf32>
    %div3A_724 = arith.divf %div3A_723, %max3A_721 : vector<16xf32>
    %get3A_725 = arith.constant 8 : i32
    %get3A_726 = arith.index_cast %get3A_725 : i32 to index
    %get3A_727 = arith.constant 0 : index
    %get3A_728 = tpu.vector_load %arg6[%get3A_726, %get3A_727] {strides = array<i32>} : memref<32x128xf32, #tpu.memory_space<vmem>>, vector<1x16xf32>,
    %get3A_729 = vector.shape_cast %get3A_728 : vector<1x16xf32> to vector<16xf32>
    %get3A_730 = arith.constant 8 : i32
    %get3A_731 = arith.index_cast %get3A_730 : i32 to index
    %get3A_732 = arith.constant 0 : index
    %get3A_733 = tpu.vector_load %arg7[%get3A_731, %get3A_732] {strides = array<i32>} : memref<32x128xf32, #tpu.memory_space<vmem>>, vector<1x16xf32>,
    %get3A_734 = vector.shape_cast %get3A_733 : vector<1x16xf32> to vector<16xf32>
    %add3A_735 = arith.addf %get3A_729, %get3A_734 : vector<16xf32>
    %mul3A_736 = arith.mulf %add3A_735, %div3A_724 : vector<16xf32>
    %swap3A_737 = arith.constant 8 : i32
    %swap3A_738 = arith.index_cast %swap3A_737 : i32 to index
    %swap3A_739 = arith.constant 0 : index
    %swap3A_740 = tpu.vector_load %arg6[%swap3A_738, %swap3A_739] {strides = array<i32>} : memref<32x128xf32, #tpu.memory_space<vmem>>, vector<1x16xf32>,
    %swap3A_741 = vector.shape_cast %swap3A_740 : vector<1x16xf32> to vector<16xf32>
    %swap3A_742 = vector.shape_cast %mul3A_736 : vector<16xf32> to vector<1x16xf32>
    tpu.vector_store %arg6[%swap3A_738, %swap3A_739], %swap3A_742 {strides = array<i32>} : memref<32x128xf32, #tpu.memory_space<vmem>>, vector<1x16xf32>,
    %get3A_743 = arith.constant 8 : i32
    %get3A_744 = arith.index_cast %get3A_743 : i32 to index
    %get3A_745 = arith.constant 16 : index
    %get3A_746 = tpu.vector_load %arg6[%get3A_744, %get3A_745] {strides = array<i32>} : memref<32x128xf32, #tpu.memory_space<vmem>>, vector<1x16xf32>,
    %get3A_747 = vector.shape_cast %get3A_746 : vector<1x16xf32> to vector<16xf32>
    %get3A_748 = arith.constant 8 : i32
    %get3A_749 = arith.index_cast %get3A_748 : i32 to index
    %get3A_750 = arith.constant 16 : index
    %get3A_751 = tpu.vector_load %arg7[%get3A_749, %get3A_750] {strides = array<i32>} : memref<32x128xf32, #tpu.memory_space<vmem>>, vector<1x16xf32>,
    %get3A_752 = vector.shape_cast %get3A_751 : vector<1x16xf32> to vector<16xf32>
    %add3A_753 = arith.addf %get3A_747, %get3A_752 : vector<16xf32>
    %mul3A_754 = arith.mulf %add3A_753, %div3A_724 : vector<16xf32>
    %swap3A_755 = arith.constant 8 : i32
    %swap3A_756 = arith.index_cast %swap3A_755 : i32 to index
    %swap3A_757 = arith.constant 16 : index
    %swap3A_758 = tpu.vector_load %arg6[%swap3A_756, %swap3A_757] {strides = array<i32>} : memref<32x128xf32, #tpu.memory_space<vmem>>, vector<1x16xf32>,
    %swap3A_759 = vector.shape_cast %swap3A_758 : vector<1x16xf32> to vector<16xf32>
    %swap3A_760 = vector.shape_cast %mul3A_754 : vector<16xf32> to vector<1x16xf32>
    tpu.vector_store %arg6[%swap3A_756, %swap3A_757], %swap3A_760 {strides = array<i32>} : memref<32x128xf32, #tpu.memory_space<vmem>>, vector<1x16xf32>,
    %get3A_761 = arith.constant 8 : i32
    %get3A_762 = arith.index_cast %get3A_761 : i32 to index
    %get3A_763 = arith.constant 32 : index
    %get3A_764 = tpu.vector_load %arg6[%get3A_762, %get3A_763] {strides = array<i32>} : memref<32x128xf32, #tpu.memory_space<vmem>>, vector<1x16xf32>,
    %get3A_765 = vector.shape_cast %get3A_764 : vector<1x16xf32> to vector<16xf32>
    %get3A_766 = arith.constant 8 : i32
    %get3A_767 = arith.index_cast %get3A_766 : i32 to index
    %get3A_768 = arith.constant 32 : index
    %get3A_769 = tpu.vector_load %arg7[%get3A_767, %get3A_768] {strides = array<i32>} : memref<32x128xf32, #tpu.memory_space<vmem>>, vector<1x16xf32>,
    %get3A_770 = vector.shape_cast %get3A_769 : vector<1x16xf32> to vector<16xf32>
    %add3A_771 = arith.addf %get3A_765, %get3A_770 : vector<16xf32>
    %mul3A_772 = arith.mulf %add3A_771, %div3A_724 : vector<16xf32>
    %swap3A_773 = arith.constant 8 : i32
    %swap3A_774 = arith.index_cast %swap3A_773 : i32 to index
    %swap3A_775 = arith.constant 32 : index
    %swap3A_776 = tpu.vector_load %arg6[%swap3A_774, %swap3A_775] {strides = array<i32>} : memref<32x128xf32, #tpu.memory_space<vmem>>, vector<1x16xf32>,
    %swap3A_777 = vector.shape_cast %swap3A_776 : vector<1x16xf32> to vector<16xf32>
    %swap3A_778 = vector.shape_cast %mul3A_772 : vector<16xf32> to vector<1x16xf32>
    tpu.vector_store %arg6[%swap3A_774, %swap3A_775], %swap3A_778 {strides = array<i32>} : memref<32x128xf32, #tpu.memory_space<vmem>>, vector<1x16xf32>,
    %get3A_779 = arith.constant 8 : i32
    %get3A_780 = arith.index_cast %get3A_779 : i32 to index
    %get3A_781 = arith.constant 48 : index
    %get3A_782 = tpu.vector_load %arg6[%get3A_780, %get3A_781] {strides = array<i32>} : memref<32x128xf32, #tpu.memory_space<vmem>>, vector<1x16xf32>,
    %get3A_783 = vector.shape_cast %get3A_782 : vector<1x16xf32> to vector<16xf32>
    %get3A_784 = arith.constant 8 : i32
    %get3A_785 = arith.index_cast %get3A_784 : i32 to index
    %get3A_786 = arith.constant 48 : index
    %get3A_787 = tpu.vector_load %arg7[%get3A_785, %get3A_786] {strides = array<i32>} : memref<32x128xf32, #tpu.memory_space<vmem>>, vector<1x16xf32>,
    %get3A_788 = vector.shape_cast %get3A_787 : vector<1x16xf32> to vector<16xf32>
    %add3A_789 = arith.addf %get3A_783, %get3A_788 : vector<16xf32>
    %mul3A_790 = arith.mulf %add3A_789, %div3A_724 : vector<16xf32>
    %swap3A_791 = arith.constant 8 : i32
    %swap3A_792 = arith.index_cast %swap3A_791 : i32 to index
    %swap3A_793 = arith.constant 48 : index
    %swap3A_794 = tpu.vector_load %arg6[%swap3A_792, %swap3A_793] {strides = array<i32>} : memref<32x128xf32, #tpu.memory_space<vmem>>, vector<1x16xf32>,
    %swap3A_795 = vector.shape_cast %swap3A_794 : vector<1x16xf32> to vector<16xf32>
    %swap3A_796 = vector.shape_cast %mul3A_790 : vector<16xf32> to vector<1x16xf32>
    tpu.vector_store %arg6[%swap3A_792, %swap3A_793], %swap3A_796 {strides = array<i32>} : memref<32x128xf32, #tpu.memory_space<vmem>>, vector<1x16xf32>,
    %get3A_797 = arith.constant 9 : i32
    %get3A_798 = arith.index_cast %get3A_797 : i32 to index
    %get3A_799 = arith.constant 64 : index
    %get3A_800 = tpu.vector_load %arg6[%get3A_798, %get3A_799] {strides = array<i32>} : memref<32x128xf32, #tpu.memory_space<vmem>>, vector<1x16xf32>,
    %get3A_801 = vector.shape_cast %get3A_800 : vector<1x16xf32> to vector<16xf32>
    %get3A_802 = arith.constant 9 : i32
    %get3A_803 = arith.index_cast %get3A_802 : i32 to index
    %get3A_804 = arith.constant 64 : index
    %get3A_805 = tpu.vector_load %arg7[%get3A_803, %get3A_804] {strides = array<i32>} : memref<32x128xf32, #tpu.memory_space<vmem>>, vector<1x16xf32>,
    %get3A_806 = vector.shape_cast %get3A_805 : vector<1x16xf32> to vector<16xf32>
    %add3A_807 = arith.addf %get3A_801, %get3A_806 : vector<16xf32>
    %max3A_808 = arith.constant 1.000000e+00 : f32
    %max3A_809 = vector.broadcast %max3A_808 : f32 to vector<16xf32>
    %max3A_810 = arith.maximumf %add3A_807, %max3A_809 : vector<16xf32>
    %div3A_811 = arith.constant 1.000000e+00 : f32
    %div3A_812 = vector.broadcast %div3A_811 : f32 to vector<16xf32>
    %div3A_813 = arith.divf %div3A_812, %max3A_810 : vector<16xf32>
    %get3A_814 = arith.constant 9 : i32
    %get3A_815 = arith.index_cast %get3A_814 : i32 to index
    %get3A_816 = arith.constant 0 : index
    %get3A_817 = tpu.vector_load %arg6[%get3A_815, %get3A_816] {strides = array<i32>} : memref<32x128xf32, #tpu.memory_space<vmem>>, vector<1x16xf32>,
    %get3A_818 = vector.shape_cast %get3A_817 : vector<1x16xf32> to vector<16xf32>
    %get3A_819 = arith.constant 9 : i32
    %get3A_820 = arith.index_cast %get3A_819 : i32 to index
    %get3A_821 = arith.constant 0 : index
    %get3A_822 = tpu.vector_load %arg7[%get3A_820, %get3A_821] {strides = array<i32>} : memref<32x128xf32, #tpu.memory_space<vmem>>, vector<1x16xf32>,
    %get3A_823 = vector.shape_cast %get3A_822 : vector<1x16xf32> to vector<16xf32>
    %add3A_824 = arith.addf %get3A_818, %get3A_823 : vector<16xf32>
    %mul3A_825 = arith.mulf %add3A_824, %div3A_813 : vector<16xf32>
    %swap3A_826 = arith.constant 9 : i32
    %swap3A_827 = arith.index_cast %swap3A_826 : i32 to index
    %swap3A_828 = arith.constant 0 : index
    %swap3A_829 = tpu.vector_load %arg6[%swap3A_827, %swap3A_828] {strides = array<i32>} : memref<32x128xf32, #tpu.memory_space<vmem>>, vector<1x16xf32>,
    %swap3A_830 = vector.shape_cast %swap3A_829 : vector<1x16xf32> to vector<16xf32>
    %swap3A_831 = vector.shape_cast %mul3A_825 : vector<16xf32> to vector<1x16xf32>
    tpu.vector_store %arg6[%swap3A_827, %swap3A_828], %swap3A_831 {strides = array<i32>} : memref<32x128xf32, #tpu.memory_space<vmem>>, vector<1x16xf32>,
    %get3A_832 = arith.constant 9 : i32
    %get3A_833 = arith.index_cast %get3A_832 : i32 to index
    %get3A_834 = arith.constant 16 : index
    %get3A_835 = tpu.vector_load %arg6[%get3A_833, %get3A_834] {strides = array<i32>} : memref<32x128xf32, #tpu.memory_space<vmem>>, vector<1x16xf32>,
    %get3A_836 = vector.shape_cast %get3A_835 : vector<1x16xf32> to vector<16xf32>
    %get3A_837 = arith.constant 9 : i32
    %get3A_838 = arith.index_cast %get3A_837 : i32 to index
    %get3A_839 = arith.constant 16 : index
    %get3A_840 = tpu.vector_load %arg7[%get3A_838, %get3A_839] {strides = array<i32>} : memref<32x128xf32, #tpu.memory_space<vmem>>, vector<1x16xf32>,
    %get3A_841 = vector.shape_cast %get3A_840 : vector<1x16xf32> to vector<16xf32>
    %add3A_842 = arith.addf %get3A_836, %get3A_841 : vector<16xf32>
    %mul3A_843 = arith.mulf %add3A_842, %div3A_813 : vector<16xf32>
    %swap3A_844 = arith.constant 9 : i32
    %swap3A_845 = arith.index_cast %swap3A_844 : i32 to index
    %swap3A_846 = arith.constant 16 : index
    %swap3A_847 = tpu.vector_load %arg6[%swap3A_845, %swap3A_846] {strides = array<i32>} : memref<32x128xf32, #tpu.memory_space<vmem>>, vector<1x16xf32>,
    %swap3A_848 = vector.shape_cast %swap3A_847 : vector<1x16xf32> to vector<16xf32>
    %swap3A_849 = vector.shape_cast %mul3A_843 : vector<16xf32> to vector<1x16xf32>
    tpu.vector_store %arg6[%swap3A_845, %swap3A_846], %swap3A_849 {strides = array<i32>} : memref<32x128xf32, #tpu.memory_space<vmem>>, vector<1x16xf32>,
    %get3A_850 = arith.constant 9 : i32
    %get3A_851 = arith.index_cast %get3A_850 : i32 to index
    %get3A_852 = arith.constant 32 : index
    %get3A_853 = tpu.vector_load %arg6[%get3A_851, %get3A_852] {strides = array<i32>} : memref<32x128xf32, #tpu.memory_space<vmem>>, vector<1x16xf32>,
    %get3A_854 = vector.shape_cast %get3A_853 : vector<1x16xf32> to vector<16xf32>
    %get3A_855 = arith.constant 9 : i32
    %get3A_856 = arith.index_cast %get3A_855 : i32 to index
    %get3A_857 = arith.constant 32 : index
    %get3A_858 = tpu.vector_load %arg7[%get3A_856, %get3A_857] {strides = array<i32>} : memref<32x128xf32, #tpu.memory_space<vmem>>, vector<1x16xf32>,
    %get3A_859 = vector.shape_cast %get3A_858 : vector<1x16xf32> to vector<16xf32>
    %add3A_860 = arith.addf %get3A_854, %get3A_859 : vector<16xf32>
    %mul3A_861 = arith.mulf %add3A_860, %div3A_813 : vector<16xf32>
    %swap3A_862 = arith.constant 9 : i32
    %swap3A_863 = arith.index_cast %swap3A_862 : i32 to index
    %swap3A_864 = arith.constant 32 : index
    %swap3A_865 = tpu.vector_load %arg6[%swap3A_863, %swap3A_864] {strides = array<i32>} : memref<32x128xf32, #tpu.memory_space<vmem>>, vector<1x16xf32>,
    %swap3A_866 = vector.shape_cast %swap3A_865 : vector<1x16xf32> to vector<16xf32>
    %swap3A_867 = vector.shape_cast %mul3A_861 : vector<16xf32> to vector<1x16xf32>
    tpu.vector_store %arg6[%swap3A_863, %swap3A_864], %swap3A_867 {strides = array<i32>} : memref<32x128xf32, #tpu.memory_space<vmem>>, vector<1x16xf32>,
    %get3A_868 = arith.constant 9 : i32
    %get3A_869 = arith.index_cast %get3A_868 : i32 to index
    %get3A_870 = arith.constant 48 : index
    %get3A_871 = tpu.vector_load %arg6[%get3A_869, %get3A_870] {strides = array<i32>} : memref<32x128xf32, #tpu.memory_space<vmem>>, vector<1x16xf32>,
    %get3A_872 = vector.shape_cast %get3A_871 : vector<1x16xf32> to vector<16xf32>
    %get3A_873 = arith.constant 9 : i32
    %get3A_874 = arith.index_cast %get3A_873 : i32 to index
    %get3A_875 = arith.constant 48 : index
    %get3A_876 = tpu.vector_load %arg7[%get3A_874, %get3A_875] {strides = array<i32>} : memref<32x128xf32, #tpu.memory_space<vmem>>, vector<1x16xf32>,
    %get3A_877 = vector.shape_cast %get3A_876 : vector<1x16xf32> to vector<16xf32>
    %add3A_878 = arith.addf %get3A_872, %get3A_877 : vector<16xf32>
    %mul3A_879 = arith.mulf %add3A_878, %div3A_813 : vector<16xf32>
    %swap3A_880 = arith.constant 9 : i32
    %swap3A_881 = arith.index_cast %swap3A_880 : i32 to index
    %swap3A_882 = arith.constant 48 : index
    %swap3A_883 = tpu.vector_load %arg6[%swap3A_881, %swap3A_882] {strides = array<i32>} : memref<32x128xf32, #tpu.memory_space<vmem>>, vector<1x16xf32>,
    %swap3A_884 = vector.shape_cast %swap3A_883 : vector<1x16xf32> to vector<16xf32>
    %swap3A_885 = vector.shape_cast %mul3A_879 : vector<16xf32> to vector<1x16xf32>
    tpu.vector_store %arg6[%swap3A_881, %swap3A_882], %swap3A_885 {strides = array<i32>} : memref<32x128xf32, #tpu.memory_space<vmem>>, vector<1x16xf32>,
    %get3A_886 = arith.constant 10 : i32
    %get3A_887 = arith.index_cast %get3A_886 : i32 to index
    %get3A_888 = arith.constant 64 : index
    %get3A_889 = tpu.vector_load %arg6[%get3A_887, %get3A_888] {strides = array<i32>} : memref<32x128xf32, #tpu.memory_space<vmem>>, vector<1x16xf32>,
    %get3A_890 = vector.shape_cast %get3A_889 : vector<1x16xf32> to vector<16xf32>
    %get3A_891 = arith.constant 10 : i32
    %get3A_892 = arith.index_cast %get3A_891 : i32 to index
    %get3A_893 = arith.constant 64 : index
    %get3A_894 = tpu.vector_load %arg7[%get3A_892, %get3A_893] {strides = array<i32>} : memref<32x128xf32, #tpu.memory_space<vmem>>, vector<1x16xf32>,
    %get3A_895 = vector.shape_cast %get3A_894 : vector<1x16xf32> to vector<16xf32>
    %add3A_896 = arith.addf %get3A_890, %get3A_895 : vector<16xf32>
    %max3A_897 = arith.constant 1.000000e+00 : f32
    %max3A_898 = vector.broadcast %max3A_897 : f32 to vector<16xf32>
    %max3A_899 = arith.maximumf %add3A_896, %max3A_898 : vector<16xf32>
    %div3A_900 = arith.constant 1.000000e+00 : f32
    %div3A_901 = vector.broadcast %div3A_900 : f32 to vector<16xf32>
    %div3A_902 = arith.divf %div3A_901, %max3A_899 : vector<16xf32>
    %get3A_903 = arith.constant 10 : i32
    %get3A_904 = arith.index_cast %get3A_903 : i32 to index
    %get3A_905 = arith.constant 0 : index
    %get3A_906 = tpu.vector_load %arg6[%get3A_904, %get3A_905] {strides = array<i32>} : memref<32x128xf32, #tpu.memory_space<vmem>>, vector<1x16xf32>,
    %get3A_907 = vector.shape_cast %get3A_906 : vector<1x16xf32> to vector<16xf32>
    %get3A_908 = arith.constant 10 : i32
    %get3A_909 = arith.index_cast %get3A_908 : i32 to index
    %get3A_910 = arith.constant 0 : index
    %get3A_911 = tpu.vector_load %arg7[%get3A_909, %get3A_910] {strides = array<i32>} : memref<32x128xf32, #tpu.memory_space<vmem>>, vector<1x16xf32>,
    %get3A_912 = vector.shape_cast %get3A_911 : vector<1x16xf32> to vector<16xf32>
    %add3A_913 = arith.addf %get3A_907, %get3A_912 : vector<16xf32>
    %mul3A_914 = arith.mulf %add3A_913, %div3A_902 : vector<16xf32>
    %swap3A_915 = arith.constant 10 : i32
    %swap3A_916 = arith.index_cast %swap3A_915 : i32 to index
    %swap3A_917 = arith.constant 0 : index
    %swap3A_918 = tpu.vector_load %arg6[%swap3A_916, %swap3A_917] {strides = array<i32>} : memref<32x128xf32, #tpu.memory_space<vmem>>, vector<1x16xf32>,
    %swap3A_919 = vector.shape_cast %swap3A_918 : vector<1x16xf32> to vector<16xf32>
    %swap3A_920 = vector.shape_cast %mul3A_914 : vector<16xf32> to vector<1x16xf32>
    tpu.vector_store %arg6[%swap3A_916, %swap3A_917], %swap3A_920 {strides = array<i32>} : memref<32x128xf32, #tpu.memory_space<vmem>>, vector<1x16xf32>,
    %get3A_921 = arith.constant 10 : i32
    %get3A_922 = arith.index_cast %get3A_921 : i32 to index
    %get3A_923 = arith.constant 16 : index
    %get3A_924 = tpu.vector_load %arg6[%get3A_922, %get3A_923] {strides = array<i32>} : memref<32x128xf32, #tpu.memory_space<vmem>>, vector<1x16xf32>,
    %get3A_925 = vector.shape_cast %get3A_924 : vector<1x16xf32> to vector<16xf32>
    %get3A_926 = arith.constant 10 : i32
    %get3A_927 = arith.index_cast %get3A_926 : i32 to index
    %get3A_928 = arith.constant 16 : index
    %get3A_929 = tpu.vector_load %arg7[%get3A_927, %get3A_928] {strides = array<i32>} : memref<32x128xf32, #tpu.memory_space<vmem>>, vector<1x16xf32>,
    %get3A_930 = vector.shape_cast %get3A_929 : vector<1x16xf32> to vector<16xf32>
    %add3A_931 = arith.addf %get3A_925, %get3A_930 : vector<16xf32>
    %mul3A_932 = arith.mulf %add3A_931, %div3A_902 : vector<16xf32>
    %swap3A_933 = arith.constant 10 : i32
    %swap3A_934 = arith.index_cast %swap3A_933 : i32 to index
    %swap3A_935 = arith.constant 16 : index
    %swap3A_936 = tpu.vector_load %arg6[%swap3A_934, %swap3A_935] {strides = array<i32>} : memref<32x128xf32, #tpu.memory_space<vmem>>, vector<1x16xf32>,
    %swap3A_937 = vector.shape_cast %swap3A_936 : vector<1x16xf32> to vector<16xf32>
    %swap3A_938 = vector.shape_cast %mul3A_932 : vector<16xf32> to vector<1x16xf32>
    tpu.vector_store %arg6[%swap3A_934, %swap3A_935], %swap3A_938 {strides = array<i32>} : memref<32x128xf32, #tpu.memory_space<vmem>>, vector<1x16xf32>,
    %get3A_939 = arith.constant 10 : i32
    %get3A_940 = arith.index_cast %get3A_939 : i32 to index
    %get3A_941 = arith.constant 32 : index
    %get3A_942 = tpu.vector_load %arg6[%get3A_940, %get3A_941] {strides = array<i32>} : memref<32x128xf32, #tpu.memory_space<vmem>>, vector<1x16xf32>,
    %get3A_943 = vector.shape_cast %get3A_942 : vector<1x16xf32> to vector<16xf32>
    %get3A_944 = arith.constant 10 : i32
    %get3A_945 = arith.index_cast %get3A_944 : i32 to index
    %get3A_946 = arith.constant 32 : index
    %get3A_947 = tpu.vector_load %arg7[%get3A_945, %get3A_946] {strides = array<i32>} : memref<32x128xf32, #tpu.memory_space<vmem>>, vector<1x16xf32>,
    %get3A_948 = vector.shape_cast %get3A_947 : vector<1x16xf32> to vector<16xf32>
    %add3A_949 = arith.addf %get3A_943, %get3A_948 : vector<16xf32>
    %mul3A_950 = arith.mulf %add3A_949, %div3A_902 : vector<16xf32>
    %swap3A_951 = arith.constant 10 : i32
    %swap3A_952 = arith.index_cast %swap3A_951 : i32 to index
    %swap3A_953 = arith.constant 32 : index
    %swap3A_954 = tpu.vector_load %arg6[%swap3A_952, %swap3A_953] {strides = array<i32>} : memref<32x128xf32, #tpu.memory_space<vmem>>, vector<1x16xf32>,
    %swap3A_955 = vector.shape_cast %swap3A_954 : vector<1x16xf32> to vector<16xf32>
    %swap3A_956 = vector.shape_cast %mul3A_950 : vector<16xf32> to vector<1x16xf32>
    tpu.vector_store %arg6[%swap3A_952, %swap3A_953], %swap3A_956 {strides = array<i32>} : memref<32x128xf32, #tpu.memory_space<vmem>>, vector<1x16xf32>,
    %get3A_957 = arith.constant 10 : i32
    %get3A_958 = arith.index_cast %get3A_957 : i32 to index
    %get3A_959 = arith.constant 48 : index
    %get3A_960 = tpu.vector_load %arg6[%get3A_958, %get3A_959] {strides = array<i32>} : memref<32x128xf32, #tpu.memory_space<vmem>>, vector<1x16xf32>,
    %get3A_961 = vector.shape_cast %get3A_960 : vector<1x16xf32> to vector<16xf32>
    %get3A_962 = arith.constant 10 : i32
    %get3A_963 = arith.index_cast %get3A_962 : i32 to index
    %get3A_964 = arith.constant 48 : index
    %get3A_965 = tpu.vector_load %arg7[%get3A_963, %get3A_964] {strides = array<i32>} : memref<32x128xf32, #tpu.memory_space<vmem>>, vector<1x16xf32>,
    %get3A_966 = vector.shape_cast %get3A_965 : vector<1x16xf32> to vector<16xf32>
    %add3A_967 = arith.addf %get3A_961, %get3A_966 : vector<16xf32>
    %mul3A_968 = arith.mulf %add3A_967, %div3A_902 : vector<16xf32>
    %swap3A_969 = arith.constant 10 : i32
    %swap3A_970 = arith.index_cast %swap3A_969 : i32 to index
    %swap3A_971 = arith.constant 48 : index
    %swap3A_972 = tpu.vector_load %arg6[%swap3A_970, %swap3A_971] {strides = array<i32>} : memref<32x128xf32, #tpu.memory_space<vmem>>, vector<1x16xf32>,
    %swap3A_973 = vector.shape_cast %swap3A_972 : vector<1x16xf32> to vector<16xf32>
    %swap3A_974 = vector.shape_cast %mul3A_968 : vector<16xf32> to vector<1x16xf32>
    tpu.vector_store %arg6[%swap3A_970, %swap3A_971], %swap3A_974 {strides = array<i32>} : memref<32x128xf32, #tpu.memory_space<vmem>>, vector<1x16xf32>,
    %get3A_975 = arith.constant 11 : i32
    %get3A_976 = arith.index_cast %get3A_975 : i32 to index
    %get3A_977 = arith.constant 64 : index
    %get3A_978 = tpu.vector_load %arg6[%get3A_976, %get3A_977] {strides = array<i32>} : memref<32x128xf32, #tpu.memory_space<vmem>>, vector<1x16xf32>,
    %get3A_979 = vector.shape_cast %get3A_978 : vector<1x16xf32> to vector<16xf32>
    %get3A_980 = arith.constant 11 : i32
    %get3A_981 = arith.index_cast %get3A_980 : i32 to index
    %get3A_982 = arith.constant 64 : index
    %get3A_983 = tpu.vector_load %arg7[%get3A_981, %get3A_982] {strides = array<i32>} : memref<32x128xf32, #tpu.memory_space<vmem>>, vector<1x16xf32>,
    %get3A_984 = vector.shape_cast %get3A_983 : vector<1x16xf32> to vector<16xf32>
    %add3A_985 = arith.addf %get3A_979, %get3A_984 : vector<16xf32>
    %max3A_986 = arith.constant 1.000000e+00 : f32
    %max3A_987 = vector.broadcast %max3A_986 : f32 to vector<16xf32>
    %max3A_988 = arith.maximumf %add3A_985, %max3A_987 : vector<16xf32>
    %div3A_989 = arith.constant 1.000000e+00 : f32
    %div3A_990 = vector.broadcast %div3A_989 : f32 to vector<16xf32>
    %div3A_991 = arith.divf %div3A_990, %max3A_988 : vector<16xf32>
    %get3A_992 = arith.constant 11 : i32
    %get3A_993 = arith.index_cast %get3A_992 : i32 to index
    %get3A_994 = arith.constant 0 : index
    %get3A_995 = tpu.vector_load %arg6[%get3A_993, %get3A_994] {strides = array<i32>} : memref<32x128xf32, #tpu.memory_space<vmem>>, vector<1x16xf32>,
    %get3A_996 = vector.shape_cast %get3A_995 : vector<1x16xf32> to vector<16xf32>
    %get3A_997 = arith.constant 11 : i32
    %get3A_998 = arith.index_cast %get3A_997 : i32 to index
    %get3A_999 = arith.constant 0 : index
    %get3A_1000 = tpu.vector_load %arg7[%get3A_998, %get3A_999] {strides = array<i32>} : memref<32x128xf32, #tpu.memory_space<vmem>>, vector<1x16xf32>,
    %get3A_1001 = vector.shape_cast %get3A_1000 : vector<1x16xf32> to vector<16xf32>
    %add3A_1002 = arith.addf %get3A_996, %get3A_1001 : vector<16xf32>
    %mul3A_1003 = arith.mulf %add3A_1002, %div3A_991 : vector<16xf32>
    %swap3A_1004 = arith.constant 11 : i32
    %swap3A_1005 = arith.index_cast %swap3A_1004 : i32 to index
    %swap3A_1006 = arith.constant 0 : index
    %swap3A_1007 = tpu.vector_load %arg6[%swap3A_1005, %swap3A_1006] {strides = array<i32>} : memref<32x128xf32, #tpu.memory_space<vmem>>, vector<1x16xf32>,
    %swap3A_1008 = vector.shape_cast %swap3A_1007 : vector<1x16xf32> to vector<16xf32>
    %swap3A_1009 = vector.shape_cast %mul3A_1003 : vector<16xf32> to vector<1x16xf32>
    tpu.vector_store %arg6[%swap3A_1005, %swap3A_1006], %swap3A_1009 {strides = array<i32>} : memref<32x128xf32, #tpu.memory_space<vmem>>, vector<1x16xf32>,
    %get3A_1010 = arith.constant 11 : i32
    %get3A_1011 = arith.index_cast %get3A_1010 : i32 to index
    %get3A_1012 = arith.constant 16 : index
    %get3A_1013 = tpu.vector_load %arg6[%get3A_1011, %get3A_1012] {strides = array<i32>} : memref<32x128xf32, #tpu.memory_space<vmem>>, vector<1x16xf32>,
    %get3A_1014 = vector.shape_cast %get3A_1013 : vector<1x16xf32> to vector<16xf32>
    %get3A_1015 = arith.constant 11 : i32
    %get3A_1016 = arith.index_cast %get3A_1015 : i32 to index
    %get3A_1017 = arith.constant 16 : index
    %get3A_1018 = tpu.vector_load %arg7[%get3A_1016, %get3A_1017] {strides = array<i32>} : memref<32x128xf32, #tpu.memory_space<vmem>>, vector<1x16xf32>,
    %get3A_1019 = vector.shape_cast %get3A_1018 : vector<1x16xf32> to vector<16xf32>
    %add3A_1020 = arith.addf %get3A_1014, %get3A_1019 : vector<16xf32>
    %mul3A_1021 = arith.mulf %add3A_1020, %div3A_991 : vector<16xf32>
    %swap3A_1022 = arith.constant 11 : i32
    %swap3A_1023 = arith.index_cast %swap3A_1022 : i32 to index
    %swap3A_1024 = arith.constant 16 : index
    %swap3A_1025 = tpu.vector_load %arg6[%swap3A_1023, %swap3A_1024] {strides = array<i32>} : memref<32x128xf32, #tpu.memory_space<vmem>>, vector<1x16xf32>,
    %swap3A_1026 = vector.shape_cast %swap3A_1025 : vector<1x16xf32> to vector<16xf32>
    %swap3A_1027 = vector.shape_cast %mul3A_1021 : vector<16xf32> to vector<1x16xf32>
    tpu.vector_store %arg6[%swap3A_1023, %swap3A_1024], %swap3A_1027 {strides = array<i32>} : memref<32x128xf32, #tpu.memory_space<vmem>>, vector<1x16xf32>,
    %get3A_1028 = arith.constant 11 : i32
    %get3A_1029 = arith.index_cast %get3A_1028 : i32 to index
    %get3A_1030 = arith.constant 32 : index
    %get3A_1031 = tpu.vector_load %arg6[%get3A_1029, %get3A_1030] {strides = array<i32>} : memref<32x128xf32, #tpu.memory_space<vmem>>, vector<1x16xf32>,
    %get3A_1032 = vector.shape_cast %get3A_1031 : vector<1x16xf32> to vector<16xf32>
    %get3A_1033 = arith.constant 11 : i32
    %get3A_1034 = arith.index_cast %get3A_1033 : i32 to index
    %get3A_1035 = arith.constant 32 : index
    %get3A_1036 = tpu.vector_load %arg7[%get3A_1034, %get3A_1035] {strides = array<i32>} : memref<32x128xf32, #tpu.memory_space<vmem>>, vector<1x16xf32>,
    %get3A_1037 = vector.shape_cast %get3A_1036 : vector<1x16xf32> to vector<16xf32>
    %add3A_1038 = arith.addf %get3A_1032, %get3A_1037 : vector<16xf32>
    %mul3A_1039 = arith.mulf %add3A_1038, %div3A_991 : vector<16xf32>
    %swap3A_1040 = arith.constant 11 : i32
    %swap3A_1041 = arith.index_cast %swap3A_1040 : i32 to index
    %swap3A_1042 = arith.constant 32 : index
    %swap3A_1043 = tpu.vector_load %arg6[%swap3A_1041, %swap3A_1042] {strides = array<i32>} : memref<32x128xf32, #tpu.memory_space<vmem>>, vector<1x16xf32>,
    %swap3A_1044 = vector.shape_cast %swap3A_1043 : vector<1x16xf32> to vector<16xf32>
    %swap3A_1045 = vector.shape_cast %mul3A_1039 : vector<16xf32> to vector<1x16xf32>
    tpu.vector_store %arg6[%swap3A_1041, %swap3A_1042], %swap3A_1045 {strides = array<i32>} : memref<32x128xf32, #tpu.memory_space<vmem>>, vector<1x16xf32>,
    %get3A_1046 = arith.constant 11 : i32
    %get3A_1047 = arith.index_cast %get3A_1046 : i32 to index
    %get3A_1048 = arith.constant 48 : index
    %get3A_1049 = tpu.vector_load %arg6[%get3A_1047, %get3A_1048] {strides = array<i32>} : memref<32x128xf32, #tpu.memory_space<vmem>>, vector<1x16xf32>,
    %get3A_1050 = vector.shape_cast %get3A_1049 : vector<1x16xf32> to vector<16xf32>
    %get3A_1051 = arith.constant 11 : i32
    %get3A_1052 = arith.index_cast %get3A_1051 : i32 to index
    %get3A_1053 = arith.constant 48 : index
    %get3A_1054 = tpu.vector_load %arg7[%get3A_1052, %get3A_1053] {strides = array<i32>} : memref<32x128xf32, #tpu.memory_space<vmem>>, vector<1x16xf32>,
    %get3A_1055 = vector.shape_cast %get3A_1054 : vector<1x16xf32> to vector<16xf32>
    %add3A_1056 = arith.addf %get3A_1050, %get3A_1055 : vector<16xf32>
    %mul3A_1057 = arith.mulf %add3A_1056, %div3A_991 : vector<16xf32>
    %swap3A_1058 = arith.constant 11 : i32
    %swap3A_1059 = arith.index_cast %swap3A_1058 : i32 to index
    %swap3A_1060 = arith.constant 48 : index
    %swap3A_1061 = tpu.vector_load %arg6[%swap3A_1059, %swap3A_1060] {strides = array<i32>} : memref<32x128xf32, #tpu.memory_space<vmem>>, vector<1x16xf32>,
    %swap3A_1062 = vector.shape_cast %swap3A_1061 : vector<1x16xf32> to vector<16xf32>
    %swap3A_1063 = vector.shape_cast %mul3A_1057 : vector<16xf32> to vector<1x16xf32>
    tpu.vector_store %arg6[%swap3A_1059, %swap3A_1060], %swap3A_1063 {strides = array<i32>} : memref<32x128xf32, #tpu.memory_space<vmem>>, vector<1x16xf32>,
    %get3A_1064 = arith.constant 12 : i32
    %get3A_1065 = arith.index_cast %get3A_1064 : i32 to index
    %get3A_1066 = arith.constant 64 : index
    %get3A_1067 = tpu.vector_load %arg6[%get3A_1065, %get3A_1066] {strides = array<i32>} : memref<32x128xf32, #tpu.memory_space<vmem>>, vector<1x16xf32>,
    %get3A_1068 = vector.shape_cast %get3A_1067 : vector<1x16xf32> to vector<16xf32>
    %get3A_1069 = arith.constant 12 : i32
    %get3A_1070 = arith.index_cast %get3A_1069 : i32 to index
    %get3A_1071 = arith.constant 64 : index
    %get3A_1072 = tpu.vector_load %arg7[%get3A_1070, %get3A_1071] {strides = array<i32>} : memref<32x128xf32, #tpu.memory_space<vmem>>, vector<1x16xf32>,
    %get3A_1073 = vector.shape_cast %get3A_1072 : vector<1x16xf32> to vector<16xf32>
    %add3A_1074 = arith.addf %get3A_1068, %get3A_1073 : vector<16xf32>
    %max3A_1075 = arith.constant 1.000000e+00 : f32
    %max3A_1076 = vector.broadcast %max3A_1075 : f32 to vector<16xf32>
    %max3A_1077 = arith.maximumf %add3A_1074, %max3A_1076 : vector<16xf32>
    %div3A_1078 = arith.constant 1.000000e+00 : f32
    %div3A_1079 = vector.broadcast %div3A_1078 : f32 to vector<16xf32>
    %div3A_1080 = arith.divf %div3A_1079, %max3A_1077 : vector<16xf32>
    %get3A_1081 = arith.constant 12 : i32
    %get3A_1082 = arith.index_cast %get3A_1081 : i32 to index
    %get3A_1083 = arith.constant 0 : index
    %get3A_1084 = tpu.vector_load %arg6[%get3A_1082, %get3A_1083] {strides = array<i32>} : memref<32x128xf32, #tpu.memory_space<vmem>>, vector<1x16xf32>,
    %get3A_1085 = vector.shape_cast %get3A_1084 : vector<1x16xf32> to vector<16xf32>
    %get3A_1086 = arith.constant 12 : i32
    %get3A_1087 = arith.index_cast %get3A_1086 : i32 to index
    %get3A_1088 = arith.constant 0 : index
    %get3A_1089 = tpu.vector_load %arg7[%get3A_1087, %get3A_1088] {strides = array<i32>} : memref<32x128xf32, #tpu.memory_space<vmem>>, vector<1x16xf32>,
    %get3A_1090 = vector.shape_cast %get3A_1089 : vector<1x16xf32> to vector<16xf32>
    %add3A_1091 = arith.addf %get3A_1085, %get3A_1090 : vector<16xf32>
    %mul3A_1092 = arith.mulf %add3A_1091, %div3A_1080 : vector<16xf32>
    %swap3A_1093 = arith.constant 12 : i32
    %swap3A_1094 = arith.index_cast %swap3A_1093 : i32 to index
    %swap3A_1095 = arith.constant 0 : index
    %swap3A_1096 = tpu.vector_load %arg6[%swap3A_1094, %swap3A_1095] {strides = array<i32>} : memref<32x128xf32, #tpu.memory_space<vmem>>, vector<1x16xf32>,
    %swap3A_1097 = vector.shape_cast %swap3A_1096 : vector<1x16xf32> to vector<16xf32>
    %swap3A_1098 = vector.shape_cast %mul3A_1092 : vector<16xf32> to vector<1x16xf32>
    tpu.vector_store %arg6[%swap3A_1094, %swap3A_1095], %swap3A_1098 {strides = array<i32>} : memref<32x128xf32, #tpu.memory_space<vmem>>, vector<1x16xf32>,
    %get3A_1099 = arith.constant 12 : i32
    %get3A_1100 = arith.index_cast %get3A_1099 : i32 to index
    %get3A_1101 = arith.constant 16 : index
    %get3A_1102 = tpu.vector_load %arg6[%get3A_1100, %get3A_1101] {strides = array<i32>} : memref<32x128xf32, #tpu.memory_space<vmem>>, vector<1x16xf32>,
    %get3A_1103 = vector.shape_cast %get3A_1102 : vector<1x16xf32> to vector<16xf32>
    %get3A_1104 = arith.constant 12 : i32
    %get3A_1105 = arith.index_cast %get3A_1104 : i32 to index
    %get3A_1106 = arith.constant 16 : index
    %get3A_1107 = tpu.vector_load %arg7[%get3A_1105, %get3A_1106] {strides = array<i32>} : memref<32x128xf32, #tpu.memory_space<vmem>>, vector<1x16xf32>,
    %get3A_1108 = vector.shape_cast %get3A_1107 : vector<1x16xf32> to vector<16xf32>
    %add3A_1109 = arith.addf %get3A_1103, %get3A_1108 : vector<16xf32>
    %mul3A_1110 = arith.mulf %add3A_1109, %div3A_1080 : vector<16xf32>
    %swap3A_1111 = arith.constant 12 : i32
    %swap3A_1112 = arith.index_cast %swap3A_1111 : i32 to index
    %swap3A_1113 = arith.constant 16 : index
    %swap3A_1114 = tpu.vector_load %arg6[%swap3A_1112, %swap3A_1113] {strides = array<i32>} : memref<32x128xf32, #tpu.memory_space<vmem>>, vector<1x16xf32>,
    %swap3A_1115 = vector.shape_cast %swap3A_1114 : vector<1x16xf32> to vector<16xf32>
    %swap3A_1116 = vector.shape_cast %mul3A_1110 : vector<16xf32> to vector<1x16xf32>
    tpu.vector_store %arg6[%swap3A_1112, %swap3A_1113], %swap3A_1116 {strides = array<i32>} : memref<32x128xf32, #tpu.memory_space<vmem>>, vector<1x16xf32>,
    %get3A_1117 = arith.constant 12 : i32
    %get3A_1118 = arith.index_cast %get3A_1117 : i32 to index
    %get3A_1119 = arith.constant 32 : index
    %get3A_1120 = tpu.vector_load %arg6[%get3A_1118, %get3A_1119] {strides = array<i32>} : memref<32x128xf32, #tpu.memory_space<vmem>>, vector<1x16xf32>,
    %get3A_1121 = vector.shape_cast %get3A_1120 : vector<1x16xf32> to vector<16xf32>
    %get3A_1122 = arith.constant 12 : i32
    %get3A_1123 = arith.index_cast %get3A_1122 : i32 to index
    %get3A_1124 = arith.constant 32 : index
    %get3A_1125 = tpu.vector_load %arg7[%get3A_1123, %get3A_1124] {strides = array<i32>} : memref<32x128xf32, #tpu.memory_space<vmem>>, vector<1x16xf32>,
    %get3A_1126 = vector.shape_cast %get3A_1125 : vector<1x16xf32> to vector<16xf32>
    %add3A_1127 = arith.addf %get3A_1121, %get3A_1126 : vector<16xf32>
    %mul3A_1128 = arith.mulf %add3A_1127, %div3A_1080 : vector<16xf32>
    %swap3A_1129 = arith.constant 12 : i32
    %swap3A_1130 = arith.index_cast %swap3A_1129 : i32 to index
    %swap3A_1131 = arith.constant 32 : index
    %swap3A_1132 = tpu.vector_load %arg6[%swap3A_1130, %swap3A_1131] {strides = array<i32>} : memref<32x128xf32, #tpu.memory_space<vmem>>, vector<1x16xf32>,
    %swap3A_1133 = vector.shape_cast %swap3A_1132 : vector<1x16xf32> to vector<16xf32>
    %swap3A_1134 = vector.shape_cast %mul3A_1128 : vector<16xf32> to vector<1x16xf32>
    tpu.vector_store %arg6[%swap3A_1130, %swap3A_1131], %swap3A_1134 {strides = array<i32>} : memref<32x128xf32, #tpu.memory_space<vmem>>, vector<1x16xf32>,
    %get3A_1135 = arith.constant 12 : i32
    %get3A_1136 = arith.index_cast %get3A_1135 : i32 to index
    %get3A_1137 = arith.constant 48 : index
    %get3A_1138 = tpu.vector_load %arg6[%get3A_1136, %get3A_1137] {strides = array<i32>} : memref<32x128xf32, #tpu.memory_space<vmem>>, vector<1x16xf32>,
    %get3A_1139 = vector.shape_cast %get3A_1138 : vector<1x16xf32> to vector<16xf32>
    %get3A_1140 = arith.constant 12 : i32
    %get3A_1141 = arith.index_cast %get3A_1140 : i32 to index
    %get3A_1142 = arith.constant 48 : index
    %get3A_1143 = tpu.vector_load %arg7[%get3A_1141, %get3A_1142] {strides = array<i32>} : memref<32x128xf32, #tpu.memory_space<vmem>>, vector<1x16xf32>,
    %get3A_1144 = vector.shape_cast %get3A_1143 : vector<1x16xf32> to vector<16xf32>
    %add3A_1145 = arith.addf %get3A_1139, %get3A_1144 : vector<16xf32>
    %mul3A_1146 = arith.mulf %add3A_1145, %div3A_1080 : vector<16xf32>
    %swap3A_1147 = arith.constant 12 : i32
    %swap3A_1148 = arith.index_cast %swap3A_1147 : i32 to index
    %swap3A_1149 = arith.constant 48 : index
    %swap3A_1150 = tpu.vector_load %arg6[%swap3A_1148, %swap3A_1149] {strides = array<i32>} : memref<32x128xf32, #tpu.memory_space<vmem>>, vector<1x16xf32>,
    %swap3A_1151 = vector.shape_cast %swap3A_1150 : vector<1x16xf32> to vector<16xf32>
    %swap3A_1152 = vector.shape_cast %mul3A_1146 : vector<16xf32> to vector<1x16xf32>
    tpu.vector_store %arg6[%swap3A_1148, %swap3A_1149], %swap3A_1152 {strides = array<i32>} : memref<32x128xf32, #tpu.memory_space<vmem>>, vector<1x16xf32>,
    %get3A_1153 = arith.constant 13 : i32
    %get3A_1154 = arith.index_cast %get3A_1153 : i32 to index
    %get3A_1155 = arith.constant 64 : index
    %get3A_1156 = tpu.vector_load %arg6[%get3A_1154, %get3A_1155] {strides = array<i32>} : memref<32x128xf32, #tpu.memory_space<vmem>>, vector<1x16xf32>,
    %get3A_1157 = vector.shape_cast %get3A_1156 : vector<1x16xf32> to vector<16xf32>
    %get3A_1158 = arith.constant 13 : i32
    %get3A_1159 = arith.index_cast %get3A_1158 : i32 to index
    %get3A_1160 = arith.constant 64 : index
    %get3A_1161 = tpu.vector_load %arg7[%get3A_1159, %get3A_1160] {strides = array<i32>} : memref<32x128xf32, #tpu.memory_space<vmem>>, vector<1x16xf32>,
    %get3A_1162 = vector.shape_cast %get3A_1161 : vector<1x16xf32> to vector<16xf32>
    %add3A_1163 = arith.addf %get3A_1157, %get3A_1162 : vector<16xf32>
    %max3A_1164 = arith.constant 1.000000e+00 : f32
    %max3A_1165 = vector.broadcast %max3A_1164 : f32 to vector<16xf32>
    %max3A_1166 = arith.maximumf %add3A_1163, %max3A_1165 : vector<16xf32>
    %div3A_1167 = arith.constant 1.000000e+00 : f32
    %div3A_1168 = vector.broadcast %div3A_1167 : f32 to vector<16xf32>
    %div3A_1169 = arith.divf %div3A_1168, %max3A_1166 : vector<16xf32>
    %get3A_1170 = arith.constant 13 : i32
    %get3A_1171 = arith.index_cast %get3A_1170 : i32 to index
    %get3A_1172 = arith.constant 0 : index
    %get3A_1173 = tpu.vector_load %arg6[%get3A_1171, %get3A_1172] {strides = array<i32>} : memref<32x128xf32, #tpu.memory_space<vmem>>, vector<1x16xf32>,
    %get3A_1174 = vector.shape_cast %get3A_1173 : vector<1x16xf32> to vector<16xf32>
    %get3A_1175 = arith.constant 13 : i32
    %get3A_1176 = arith.index_cast %get3A_1175 : i32 to index
    %get3A_1177 = arith.constant 0 : index
    %get3A_1178 = tpu.vector_load %arg7[%get3A_1176, %get3A_1177] {strides = array<i32>} : memref<32x128xf32, #tpu.memory_space<vmem>>, vector<1x16xf32>,
    %get3A_1179 = vector.shape_cast %get3A_1178 : vector<1x16xf32> to vector<16xf32>
    %add3A_1180 = arith.addf %get3A_1174, %get3A_1179 : vector<16xf32>
    %mul3A_1181 = arith.mulf %add3A_1180, %div3A_1169 : vector<16xf32>
    %swap3A_1182 = arith.constant 13 : i32
    %swap3A_1183 = arith.index_cast %swap3A_1182 : i32 to index
    %swap3A_1184 = arith.constant 0 : index
    %swap3A_1185 = tpu.vector_load %arg6[%swap3A_1183, %swap3A_1184] {strides = array<i32>} : memref<32x128xf32, #tpu.memory_space<vmem>>, vector<1x16xf32>,
    %swap3A_1186 = vector.shape_cast %swap3A_1185 : vector<1x16xf32> to vector<16xf32>
    %swap3A_1187 = vector.shape_cast %mul3A_1181 : vector<16xf32> to vector<1x16xf32>
    tpu.vector_store %arg6[%swap3A_1183, %swap3A_1184], %swap3A_1187 {strides = array<i32>} : memref<32x128xf32, #tpu.memory_space<vmem>>, vector<1x16xf32>,
    %get3A_1188 = arith.constant 13 : i32
    %get3A_1189 = arith.index_cast %get3A_1188 : i32 to index
    %get3A_1190 = arith.constant 16 : index
    %get3A_1191 = tpu.vector_load %arg6[%get3A_1189, %get3A_1190] {strides = array<i32>} : memref<32x128xf32, #tpu.memory_space<vmem>>, vector<1x16xf32>,
    %get3A_1192 = vector.shape_cast %get3A_1191 : vector<1x16xf32> to vector<16xf32>
    %get3A_1193 = arith.constant 13 : i32
    %get3A_1194 = arith.index_cast %get3A_1193 : i32 to index
    %get3A_1195 = arith.constant 16 : index
    %get3A_1196 = tpu.vector_load %arg7[%get3A_1194, %get3A_1195] {strides = array<i32>} : memref<32x128xf32, #tpu.memory_space<vmem>>, vector<1x16xf32>,
    %get3A_1197 = vector.shape_cast %get3A_1196 : vector<1x16xf32> to vector<16xf32>
    %add3A_1198 = arith.addf %get3A_1192, %get3A_1197 : vector<16xf32>
    %mul3A_1199 = arith.mulf %add3A_1198, %div3A_1169 : vector<16xf32>
    %swap3A_1200 = arith.constant 13 : i32
    %swap3A_1201 = arith.index_cast %swap3A_1200 : i32 to index
    %swap3A_1202 = arith.constant 16 : index
    %swap3A_1203 = tpu.vector_load %arg6[%swap3A_1201, %swap3A_1202] {strides = array<i32>} : memref<32x128xf32, #tpu.memory_space<vmem>>, vector<1x16xf32>,
    %swap3A_1204 = vector.shape_cast %swap3A_1203 : vector<1x16xf32> to vector<16xf32>
    %swap3A_1205 = vector.shape_cast %mul3A_1199 : vector<16xf32> to vector<1x16xf32>
    tpu.vector_store %arg6[%swap3A_1201, %swap3A_1202], %swap3A_1205 {strides = array<i32>} : memref<32x128xf32, #tpu.memory_space<vmem>>, vector<1x16xf32>,
    %get3A_1206 = arith.constant 13 : i32
    %get3A_1207 = arith.index_cast %get3A_1206 : i32 to index
    %get3A_1208 = arith.constant 32 : index
    %get3A_1209 = tpu.vector_load %arg6[%get3A_1207, %get3A_1208] {strides = array<i32>} : memref<32x128xf32, #tpu.memory_space<vmem>>, vector<1x16xf32>,
    %get3A_1210 = vector.shape_cast %get3A_1209 : vector<1x16xf32> to vector<16xf32>
    %get3A_1211 = arith.constant 13 : i32
    %get3A_1212 = arith.index_cast %get3A_1211 : i32 to index
    %get3A_1213 = arith.constant 32 : index
    %get3A_1214 = tpu.vector_load %arg7[%get3A_1212, %get3A_1213] {strides = array<i32>} : memref<32x128xf32, #tpu.memory_space<vmem>>, vector<1x16xf32>,
    %get3A_1215 = vector.shape_cast %get3A_1214 : vector<1x16xf32> to vector<16xf32>
    %add3A_1216 = arith.addf %get3A_1210, %get3A_1215 : vector<16xf32>
    %mul3A_1217 = arith.mulf %add3A_1216, %div3A_1169 : vector<16xf32>
    %swap3A_1218 = arith.constant 13 : i32
    %swap3A_1219 = arith.index_cast %swap3A_1218 : i32 to index
    %swap3A_1220 = arith.constant 32 : index
    %swap3A_1221 = tpu.vector_load %arg6[%swap3A_1219, %swap3A_1220] {strides = array<i32>} : memref<32x128xf32, #tpu.memory_space<vmem>>, vector<1x16xf32>,
    %swap3A_1222 = vector.shape_cast %swap3A_1221 : vector<1x16xf32> to vector<16xf32>
    %swap3A_1223 = vector.shape_cast %mul3A_1217 : vector<16xf32> to vector<1x16xf32>
    tpu.vector_store %arg6[%swap3A_1219, %swap3A_1220], %swap3A_1223 {strides = array<i32>} : memref<32x128xf32, #tpu.memory_space<vmem>>, vector<1x16xf32>,
    %get3A_1224 = arith.constant 13 : i32
    %get3A_1225 = arith.index_cast %get3A_1224 : i32 to index
    %get3A_1226 = arith.constant 48 : index
    %get3A_1227 = tpu.vector_load %arg6[%get3A_1225, %get3A_1226] {strides = array<i32>} : memref<32x128xf32, #tpu.memory_space<vmem>>, vector<1x16xf32>,
    %get3A_1228 = vector.shape_cast %get3A_1227 : vector<1x16xf32> to vector<16xf32>
    %get3A_1229 = arith.constant 13 : i32
    %get3A_1230 = arith.index_cast %get3A_1229 : i32 to index
    %get3A_1231 = arith.constant 48 : index
    %get3A_1232 = tpu.vector_load %arg7[%get3A_1230, %get3A_1231] {strides = array<i32>} : memref<32x128xf32, #tpu.memory_space<vmem>>, vector<1x16xf32>,
    %get3A_1233 = vector.shape_cast %get3A_1232 : vector<1x16xf32> to vector<16xf32>
    %add3A_1234 = arith.addf %get3A_1228, %get3A_1233 : vector<16xf32>
    %mul3A_1235 = arith.mulf %add3A_1234, %div3A_1169 : vector<16xf32>
    %swap3A_1236 = arith.constant 13 : i32
    %swap3A_1237 = arith.index_cast %swap3A_1236 : i32 to index
    %swap3A_1238 = arith.constant 48 : index
    %swap3A_1239 = tpu.vector_load %arg6[%swap3A_1237, %swap3A_1238] {strides = array<i32>} : memref<32x128xf32, #tpu.memory_space<vmem>>, vector<1x16xf32>,
    %swap3A_1240 = vector.shape_cast %swap3A_1239 : vector<1x16xf32> to vector<16xf32>
    %swap3A_1241 = vector.shape_cast %mul3A_1235 : vector<16xf32> to vector<1x16xf32>
    tpu.vector_store %arg6[%swap3A_1237, %swap3A_1238], %swap3A_1241 {strides = array<i32>} : memref<32x128xf32, #tpu.memory_space<vmem>>, vector<1x16xf32>,
    %get3A_1242 = arith.constant 14 : i32
    %get3A_1243 = arith.index_cast %get3A_1242 : i32 to index
    %get3A_1244 = arith.constant 64 : index
    %get3A_1245 = tpu.vector_load %arg6[%get3A_1243, %get3A_1244] {strides = array<i32>} : memref<32x128xf32, #tpu.memory_space<vmem>>, vector<1x16xf32>,
    %get3A_1246 = vector.shape_cast %get3A_1245 : vector<1x16xf32> to vector<16xf32>
    %get3A_1247 = arith.constant 14 : i32
    %get3A_1248 = arith.index_cast %get3A_1247 : i32 to index
    %get3A_1249 = arith.constant 64 : index
    %get3A_1250 = tpu.vector_load %arg7[%get3A_1248, %get3A_1249] {strides = array<i32>} : memref<32x128xf32, #tpu.memory_space<vmem>>, vector<1x16xf32>,
    %get3A_1251 = vector.shape_cast %get3A_1250 : vector<1x16xf32> to vector<16xf32>
    %add3A_1252 = arith.addf %get3A_1246, %get3A_1251 : vector<16xf32>
    %max3A_1253 = arith.constant 1.000000e+00 : f32
    %max3A_1254 = vector.broadcast %max3A_1253 : f32 to vector<16xf32>
    %max3A_1255 = arith.maximumf %add3A_1252, %max3A_1254 : vector<16xf32>
    %div3A_1256 = arith.constant 1.000000e+00 : f32
    %div3A_1257 = vector.broadcast %div3A_1256 : f32 to vector<16xf32>
    %div3A_1258 = arith.divf %div3A_1257, %max3A_1255 : vector<16xf32>
    %get3A_1259 = arith.constant 14 : i32
    %get3A_1260 = arith.index_cast %get3A_1259 : i32 to index
    %get3A_1261 = arith.constant 0 : index
    %get3A_1262 = tpu.vector_load %arg6[%get3A_1260, %get3A_1261] {strides = array<i32>} : memref<32x128xf32, #tpu.memory_space<vmem>>, vector<1x16xf32>,
    %get3A_1263 = vector.shape_cast %get3A_1262 : vector<1x16xf32> to vector<16xf32>
    %get3A_1264 = arith.constant 14 : i32
    %get3A_1265 = arith.index_cast %get3A_1264 : i32 to index
    %get3A_1266 = arith.constant 0 : index
    %get3A_1267 = tpu.vector_load %arg7[%get3A_1265, %get3A_1266] {strides = array<i32>} : memref<32x128xf32, #tpu.memory_space<vmem>>, vector<1x16xf32>,
    %get3A_1268 = vector.shape_cast %get3A_1267 : vector<1x16xf32> to vector<16xf32>
    %add3A_1269 = arith.addf %get3A_1263, %get3A_1268 : vector<16xf32>
    %mul3A_1270 = arith.mulf %add3A_1269, %div3A_1258 : vector<16xf32>
    %swap3A_1271 = arith.constant 14 : i32
    %swap3A_1272 = arith.index_cast %swap3A_1271 : i32 to index
    %swap3A_1273 = arith.constant 0 : index
    %swap3A_1274 = tpu.vector_load %arg6[%swap3A_1272, %swap3A_1273] {strides = array<i32>} : memref<32x128xf32, #tpu.memory_space<vmem>>, vector<1x16xf32>,
    %swap3A_1275 = vector.shape_cast %swap3A_1274 : vector<1x16xf32> to vector<16xf32>
    %swap3A_1276 = vector.shape_cast %mul3A_1270 : vector<16xf32> to vector<1x16xf32>
    tpu.vector_store %arg6[%swap3A_1272, %swap3A_1273], %swap3A_1276 {strides = array<i32>} : memref<32x128xf32, #tpu.memory_space<vmem>>, vector<1x16xf32>,
    %get3A_1277 = arith.constant 14 : i32
    %get3A_1278 = arith.index_cast %get3A_1277 : i32 to index
    %get3A_1279 = arith.constant 16 : index
    %get3A_1280 = tpu.vector_load %arg6[%get3A_1278, %get3A_1279] {strides = array<i32>} : memref<32x128xf32, #tpu.memory_space<vmem>>, vector<1x16xf32>,
    %get3A_1281 = vector.shape_cast %get3A_1280 : vector<1x16xf32> to vector<16xf32>
    %get3A_1282 = arith.constant 14 : i32
    %get3A_1283 = arith.index_cast %get3A_1282 : i32 to index
    %get3A_1284 = arith.constant 16 : index
    %get3A_1285 = tpu.vector_load %arg7[%get3A_1283, %get3A_1284] {strides = array<i32>} : memref<32x128xf32, #tpu.memory_space<vmem>>, vector<1x16xf32>,
    %get3A_1286 = vector.shape_cast %get3A_1285 : vector<1x16xf32> to vector<16xf32>
    %add3A_1287 = arith.addf %get3A_1281, %get3A_1286 : vector<16xf32>
    %mul3A_1288 = arith.mulf %add3A_1287, %div3A_1258 : vector<16xf32>
    %swap3A_1289 = arith.constant 14 : i32
    %swap3A_1290 = arith.index_cast %swap3A_1289 : i32 to index
    %swap3A_1291 = arith.constant 16 : index
    %swap3A_1292 = tpu.vector_load %arg6[%swap3A_1290, %swap3A_1291] {strides = array<i32>} : memref<32x128xf32, #tpu.memory_space<vmem>>, vector<1x16xf32>,
    %swap3A_1293 = vector.shape_cast %swap3A_1292 : vector<1x16xf32> to vector<16xf32>
    %swap3A_1294 = vector.shape_cast %mul3A_1288 : vector<16xf32> to vector<1x16xf32>
    tpu.vector_store %arg6[%swap3A_1290, %swap3A_1291], %swap3A_1294 {strides = array<i32>} : memref<32x128xf32, #tpu.memory_space<vmem>>, vector<1x16xf32>,
    %get3A_1295 = arith.constant 14 : i32
    %get3A_1296 = arith.index_cast %get3A_1295 : i32 to index
    %get3A_1297 = arith.constant 32 : index
    %get3A_1298 = tpu.vector_load %arg6[%get3A_1296, %get3A_1297] {strides = array<i32>} : memref<32x128xf32, #tpu.memory_space<vmem>>, vector<1x16xf32>,
    %get3A_1299 = vector.shape_cast %get3A_1298 : vector<1x16xf32> to vector<16xf32>
    %get3A_1300 = arith.constant 14 : i32
    %get3A_1301 = arith.index_cast %get3A_1300 : i32 to index
    %get3A_1302 = arith.constant 32 : index
    %get3A_1303 = tpu.vector_load %arg7[%get3A_1301, %get3A_1302] {strides = array<i32>} : memref<32x128xf32, #tpu.memory_space<vmem>>, vector<1x16xf32>,
    %get3A_1304 = vector.shape_cast %get3A_1303 : vector<1x16xf32> to vector<16xf32>
    %add3A_1305 = arith.addf %get3A_1299, %get3A_1304 : vector<16xf32>
    %mul3A_1306 = arith.mulf %add3A_1305, %div3A_1258 : vector<16xf32>
    %swap3A_1307 = arith.constant 14 : i32
    %swap3A_1308 = arith.index_cast %swap3A_1307 : i32 to index
    %swap3A_1309 = arith.constant 32 : index
    %swap3A_1310 = tpu.vector_load %arg6[%swap3A_1308, %swap3A_1309] {strides = array<i32>} : memref<32x128xf32, #tpu.memory_space<vmem>>, vector<1x16xf32>,
    %swap3A_1311 = vector.shape_cast %swap3A_1310 : vector<1x16xf32> to vector<16xf32>
    %swap3A_1312 = vector.shape_cast %mul3A_1306 : vector<16xf32> to vector<1x16xf32>
    tpu.vector_store %arg6[%swap3A_1308, %swap3A_1309], %swap3A_1312 {strides = array<i32>} : memref<32x128xf32, #tpu.memory_space<vmem>>, vector<1x16xf32>,
    %get3A_1313 = arith.constant 14 : i32
    %get3A_1314 = arith.index_cast %get3A_1313 : i32 to index
    %get3A_1315 = arith.constant 48 : index
    %get3A_1316 = tpu.vector_load %arg6[%get3A_1314, %get3A_1315] {strides = array<i32>} : memref<32x128xf32, #tpu.memory_space<vmem>>, vector<1x16xf32>,
    %get3A_1317 = vector.shape_cast %get3A_1316 : vector<1x16xf32> to vector<16xf32>
    %get3A_1318 = arith.constant 14 : i32
    %get3A_1319 = arith.index_cast %get3A_1318 : i32 to index
    %get3A_1320 = arith.constant 48 : index
    %get3A_1321 = tpu.vector_load %arg7[%get3A_1319, %get3A_1320] {strides = array<i32>} : memref<32x128xf32, #tpu.memory_space<vmem>>, vector<1x16xf32>,
    %get3A_1322 = vector.shape_cast %get3A_1321 : vector<1x16xf32> to vector<16xf32>
    %add3A_1323 = arith.addf %get3A_1317, %get3A_1322 : vector<16xf32>
    %mul3A_1324 = arith.mulf %add3A_1323, %div3A_1258 : vector<16xf32>
    %swap3A_1325 = arith.constant 14 : i32
    %swap3A_1326 = arith.index_cast %swap3A_1325 : i32 to index
    %swap3A_1327 = arith.constant 48 : index
    %swap3A_1328 = tpu.vector_load %arg6[%swap3A_1326, %swap3A_1327] {strides = array<i32>} : memref<32x128xf32, #tpu.memory_space<vmem>>, vector<1x16xf32>,
    %swap3A_1329 = vector.shape_cast %swap3A_1328 : vector<1x16xf32> to vector<16xf32>
    %swap3A_1330 = vector.shape_cast %mul3A_1324 : vector<16xf32> to vector<1x16xf32>
    tpu.vector_store %arg6[%swap3A_1326, %swap3A_1327], %swap3A_1330 {strides = array<i32>} : memref<32x128xf32, #tpu.memory_space<vmem>>, vector<1x16xf32>,
    %get3A_1331 = arith.constant 15 : i32
    %get3A_1332 = arith.index_cast %get3A_1331 : i32 to index
    %get3A_1333 = arith.constant 64 : index
    %get3A_1334 = tpu.vector_load %arg6[%get3A_1332, %get3A_1333] {strides = array<i32>} : memref<32x128xf32, #tpu.memory_space<vmem>>, vector<1x16xf32>,
    %get3A_1335 = vector.shape_cast %get3A_1334 : vector<1x16xf32> to vector<16xf32>
    %get3A_1336 = arith.constant 15 : i32
    %get3A_1337 = arith.index_cast %get3A_1336 : i32 to index
    %get3A_1338 = arith.constant 64 : index
    %get3A_1339 = tpu.vector_load %arg7[%get3A_1337, %get3A_1338] {strides = array<i32>} : memref<32x128xf32, #tpu.memory_space<vmem>>, vector<1x16xf32>,
    %get3A_1340 = vector.shape_cast %get3A_1339 : vector<1x16xf32> to vector<16xf32>
    %add3A_1341 = arith.addf %get3A_1335, %get3A_1340 : vector<16xf32>
    %max3A_1342 = arith.constant 1.000000e+00 : f32
    %max3A_1343 = vector.broadcast %max3A_1342 : f32 to vector<16xf32>
    %max3A_1344 = arith.maximumf %add3A_1341, %max3A_1343 : vector<16xf32>
    %div3A_1345 = arith.constant 1.000000e+00 : f32
    %div3A_1346 = vector.broadcast %div3A_1345 : f32 to vector<16xf32>
    %div3A_1347 = arith.divf %div3A_1346, %max3A_1344 : vector<16xf32>
    %get3A_1348 = arith.constant 15 : i32
    %get3A_1349 = arith.index_cast %get3A_1348 : i32 to index
    %get3A_1350 = arith.constant 0 : index
    %get3A_1351 = tpu.vector_load %arg6[%get3A_1349, %get3A_1350] {strides = array<i32>} : memref<32x128xf32, #tpu.memory_space<vmem>>, vector<1x16xf32>,
    %get3A_1352 = vector.shape_cast %get3A_1351 : vector<1x16xf32> to vector<16xf32>
    %get3A_1353 = arith.constant 15 : i32
    %get3A_1354 = arith.index_cast %get3A_1353 : i32 to index
    %get3A_1355 = arith.constant 0 : index
    %get3A_1356 = tpu.vector_load %arg7[%get3A_1354, %get3A_1355] {strides = array<i32>} : memref<32x128xf32, #tpu.memory_space<vmem>>, vector<1x16xf32>,
    %get3A_1357 = vector.shape_cast %get3A_1356 : vector<1x16xf32> to vector<16xf32>
    %add3A_1358 = arith.addf %get3A_1352, %get3A_1357 : vector<16xf32>
    %mul3A_1359 = arith.mulf %add3A_1358, %div3A_1347 : vector<16xf32>
    %swap3A_1360 = arith.constant 15 : i32
    %swap3A_1361 = arith.index_cast %swap3A_1360 : i32 to index
    %swap3A_1362 = arith.constant 0 : index
    %swap3A_1363 = tpu.vector_load %arg6[%swap3A_1361, %swap3A_1362] {strides = array<i32>} : memref<32x128xf32, #tpu.memory_space<vmem>>, vector<1x16xf32>,
    %swap3A_1364 = vector.shape_cast %swap3A_1363 : vector<1x16xf32> to vector<16xf32>
    %swap3A_1365 = vector.shape_cast %mul3A_1359 : vector<16xf32> to vector<1x16xf32>
    tpu.vector_store %arg6[%swap3A_1361, %swap3A_1362], %swap3A_1365 {strides = array<i32>} : memref<32x128xf32, #tpu.memory_space<vmem>>, vector<1x16xf32>,
    %get3A_1366 = arith.constant 15 : i32
    %get3A_1367 = arith.index_cast %get3A_1366 : i32 to index
    %get3A_1368 = arith.constant 16 : index
    %get3A_1369 = tpu.vector_load %arg6[%get3A_1367, %get3A_1368] {strides = array<i32>} : memref<32x128xf32, #tpu.memory_space<vmem>>, vector<1x16xf32>,
    %get3A_1370 = vector.shape_cast %get3A_1369 : vector<1x16xf32> to vector<16xf32>
    %get3A_1371 = arith.constant 15 : i32
    %get3A_1372 = arith.index_cast %get3A_1371 : i32 to index
    %get3A_1373 = arith.constant 16 : index
    %get3A_1374 = tpu.vector_load %arg7[%get3A_1372, %get3A_1373] {strides = array<i32>} : memref<32x128xf32, #tpu.memory_space<vmem>>, vector<1x16xf32>,
    %get3A_1375 = vector.shape_cast %get3A_1374 : vector<1x16xf32> to vector<16xf32>
    %add3A_1376 = arith.addf %get3A_1370, %get3A_1375 : vector<16xf32>
    %mul3A_1377 = arith.mulf %add3A_1376, %div3A_1347 : vector<16xf32>
    %swap3A_1378 = arith.constant 15 : i32
    %swap3A_1379 = arith.index_cast %swap3A_1378 : i32 to index
    %swap3A_1380 = arith.constant 16 : index
    %swap3A_1381 = tpu.vector_load %arg6[%swap3A_1379, %swap3A_1380] {strides = array<i32>} : memref<32x128xf32, #tpu.memory_space<vmem>>, vector<1x16xf32>,
    %swap3A_1382 = vector.shape_cast %swap3A_1381 : vector<1x16xf32> to vector<16xf32>
    %swap3A_1383 = vector.shape_cast %mul3A_1377 : vector<16xf32> to vector<1x16xf32>
    tpu.vector_store %arg6[%swap3A_1379, %swap3A_1380], %swap3A_1383 {strides = array<i32>} : memref<32x128xf32, #tpu.memory_space<vmem>>, vector<1x16xf32>,
    %get3A_1384 = arith.constant 15 : i32
    %get3A_1385 = arith.index_cast %get3A_1384 : i32 to index
    %get3A_1386 = arith.constant 32 : index
    %get3A_1387 = tpu.vector_load %arg6[%get3A_1385, %get3A_1386] {strides = array<i32>} : memref<32x128xf32, #tpu.memory_space<vmem>>, vector<1x16xf32>,
    %get3A_1388 = vector.shape_cast %get3A_1387 : vector<1x16xf32> to vector<16xf32>
    %get3A_1389 = arith.constant 15 : i32
    %get3A_1390 = arith.index_cast %get3A_1389 : i32 to index
    %get3A_1391 = arith.constant 32 : index
    %get3A_1392 = tpu.vector_load %arg7[%get3A_1390, %get3A_1391] {strides = array<i32>} : memref<32x128xf32, #tpu.memory_space<vmem>>, vector<1x16xf32>,
    %get3A_1393 = vector.shape_cast %get3A_1392 : vector<1x16xf32> to vector<16xf32>
    %add3A_1394 = arith.addf %get3A_1388, %get3A_1393 : vector<16xf32>
    %mul3A_1395 = arith.mulf %add3A_1394, %div3A_1347 : vector<16xf32>
    %swap3A_1396 = arith.constant 15 : i32
    %swap3A_1397 = arith.index_cast %swap3A_1396 : i32 to index
    %swap3A_1398 = arith.constant 32 : index
    %swap3A_1399 = tpu.vector_load %arg6[%swap3A_1397, %swap3A_1398] {strides = array<i32>} : memref<32x128xf32, #tpu.memory_space<vmem>>, vector<1x16xf32>,
    %swap3A_1400 = vector.shape_cast %swap3A_1399 : vector<1x16xf32> to vector<16xf32>
    %swap3A_1401 = vector.shape_cast %mul3A_1395 : vector<16xf32> to vector<1x16xf32>
    tpu.vector_store %arg6[%swap3A_1397, %swap3A_1398], %swap3A_1401 {strides = array<i32>} : memref<32x128xf32, #tpu.memory_space<vmem>>, vector<1x16xf32>,
    %get3A_1402 = arith.constant 15 : i32
    %get3A_1403 = arith.index_cast %get3A_1402 : i32 to index
    %get3A_1404 = arith.constant 48 : index
    %get3A_1405 = tpu.vector_load %arg6[%get3A_1403, %get3A_1404] {strides = array<i32>} : memref<32x128xf32, #tpu.memory_space<vmem>>, vector<1x16xf32>,
    %get3A_1406 = vector.shape_cast %get3A_1405 : vector<1x16xf32> to vector<16xf32>
    %get3A_1407 = arith.constant 15 : i32
    %get3A_1408 = arith.index_cast %get3A_1407 : i32 to index
    %get3A_1409 = arith.constant 48 : index
    %get3A_1410 = tpu.vector_load %arg7[%get3A_1408, %get3A_1409] {strides = array<i32>} : memref<32x128xf32, #tpu.memory_space<vmem>>, vector<1x16xf32>,
    %get3A_1411 = vector.shape_cast %get3A_1410 : vector<1x16xf32> to vector<16xf32>
    %add3A_1412 = arith.addf %get3A_1406, %get3A_1411 : vector<16xf32>
    %mul3A_1413 = arith.mulf %add3A_1412, %div3A_1347 : vector<16xf32>
    %swap3A_1414 = arith.constant 15 : i32
    %swap3A_1415 = arith.index_cast %swap3A_1414 : i32 to index
    %swap3A_1416 = arith.constant 48 : index
    %swap3A_1417 = tpu.vector_load %arg6[%swap3A_1415, %swap3A_1416] {strides = array<i32>} : memref<32x128xf32, #tpu.memory_space<vmem>>, vector<1x16xf32>,
    %swap3A_1418 = vector.shape_cast %swap3A_1417 : vector<1x16xf32> to vector<16xf32>
    %swap3A_1419 = vector.shape_cast %mul3A_1413 : vector<16xf32> to vector<1x16xf32>
    tpu.vector_store %arg6[%swap3A_1415, %swap3A_1416], %swap3A_1419 {strides = array<i32>} : memref<32x128xf32, #tpu.memory_space<vmem>>, vector<1x16xf32>,
    %get3A_1420 = arith.constant 16 : i32
    %get3A_1421 = arith.index_cast %get3A_1420 : i32 to index
    %get3A_1422 = arith.constant 64 : index
    %get3A_1423 = tpu.vector_load %arg6[%get3A_1421, %get3A_1422] {strides = array<i32>} : memref<32x128xf32, #tpu.memory_space<vmem>>, vector<1x16xf32>,
    %get3A_1424 = vector.shape_cast %get3A_1423 : vector<1x16xf32> to vector<16xf32>
    %get3A_1425 = arith.constant 16 : i32
    %get3A_1426 = arith.index_cast %get3A_1425 : i32 to index
    %get3A_1427 = arith.constant 64 : index
    %get3A_1428 = tpu.vector_load %arg7[%get3A_1426, %get3A_1427] {strides = array<i32>} : memref<32x128xf32, #tpu.memory_space<vmem>>, vector<1x16xf32>,
    %get3A_1429 = vector.shape_cast %get3A_1428 : vector<1x16xf32> to vector<16xf32>
    %add3A_1430 = arith.addf %get3A_1424, %get3A_1429 : vector<16xf32>
    %max3A_1431 = arith.constant 1.000000e+00 : f32
    %max3A_1432 = vector.broadcast %max3A_1431 : f32 to vector<16xf32>
    %max3A_1433 = arith.maximumf %add3A_1430, %max3A_1432 : vector<16xf32>
    %div3A_1434 = arith.constant 1.000000e+00 : f32
    %div3A_1435 = vector.broadcast %div3A_1434 : f32 to vector<16xf32>
    %div3A_1436 = arith.divf %div3A_1435, %max3A_1433 : vector<16xf32>
    %get3A_1437 = arith.constant 16 : i32
    %get3A_1438 = arith.index_cast %get3A_1437 : i32 to index
    %get3A_1439 = arith.constant 0 : index
    %get3A_1440 = tpu.vector_load %arg6[%get3A_1438, %get3A_1439] {strides = array<i32>} : memref<32x128xf32, #tpu.memory_space<vmem>>, vector<1x16xf32>,
    %get3A_1441 = vector.shape_cast %get3A_1440 : vector<1x16xf32> to vector<16xf32>
    %get3A_1442 = arith.constant 16 : i32
    %get3A_1443 = arith.index_cast %get3A_1442 : i32 to index
    %get3A_1444 = arith.constant 0 : index
    %get3A_1445 = tpu.vector_load %arg7[%get3A_1443, %get3A_1444] {strides = array<i32>} : memref<32x128xf32, #tpu.memory_space<vmem>>, vector<1x16xf32>,
    %get3A_1446 = vector.shape_cast %get3A_1445 : vector<1x16xf32> to vector<16xf32>
    %add3A_1447 = arith.addf %get3A_1441, %get3A_1446 : vector<16xf32>
    %mul3A_1448 = arith.mulf %add3A_1447, %div3A_1436 : vector<16xf32>
    %swap3A_1449 = arith.constant 16 : i32
    %swap3A_1450 = arith.index_cast %swap3A_1449 : i32 to index
    %swap3A_1451 = arith.constant 0 : index
    %swap3A_1452 = tpu.vector_load %arg6[%swap3A_1450, %swap3A_1451] {strides = array<i32>} : memref<32x128xf32, #tpu.memory_space<vmem>>, vector<1x16xf32>,
    %swap3A_1453 = vector.shape_cast %swap3A_1452 : vector<1x16xf32> to vector<16xf32>
    %swap3A_1454 = vector.shape_cast %mul3A_1448 : vector<16xf32> to vector<1x16xf32>
    tpu.vector_store %arg6[%swap3A_1450, %swap3A_1451], %swap3A_1454 {strides = array<i32>} : memref<32x128xf32, #tpu.memory_space<vmem>>, vector<1x16xf32>,
    %get3A_1455 = arith.constant 16 : i32
    %get3A_1456 = arith.index_cast %get3A_1455 : i32 to index
    %get3A_1457 = arith.constant 16 : index
    %get3A_1458 = tpu.vector_load %arg6[%get3A_1456, %get3A_1457] {strides = array<i32>} : memref<32x128xf32, #tpu.memory_space<vmem>>, vector<1x16xf32>,
    %get3A_1459 = vector.shape_cast %get3A_1458 : vector<1x16xf32> to vector<16xf32>
    %get3A_1460 = arith.constant 16 : i32
    %get3A_1461 = arith.index_cast %get3A_1460 : i32 to index
    %get3A_1462 = arith.constant 16 : index
    %get3A_1463 = tpu.vector_load %arg7[%get3A_1461, %get3A_1462] {strides = array<i32>} : memref<32x128xf32, #tpu.memory_space<vmem>>, vector<1x16xf32>,
    %get3A_1464 = vector.shape_cast %get3A_1463 : vector<1x16xf32> to vector<16xf32>
    %add3A_1465 = arith.addf %get3A_1459, %get3A_1464 : vector<16xf32>
    %mul3A_1466 = arith.mulf %add3A_1465, %div3A_1436 : vector<16xf32>
    %swap3A_1467 = arith.constant 16 : i32
    %swap3A_1468 = arith.index_cast %swap3A_1467 : i32 to index
    %swap3A_1469 = arith.constant 16 : index
    %swap3A_1470 = tpu.vector_load %arg6[%swap3A_1468, %swap3A_1469] {strides = array<i32>} : memref<32x128xf32, #tpu.memory_space<vmem>>, vector<1x16xf32>,
    %swap3A_1471 = vector.shape_cast %swap3A_1470 : vector<1x16xf32> to vector<16xf32>
    %swap3A_1472 = vector.shape_cast %mul3A_1466 : vector<16xf32> to vector<1x16xf32>
    tpu.vector_store %arg6[%swap3A_1468, %swap3A_1469], %swap3A_1472 {strides = array<i32>} : memref<32x128xf32, #tpu.memory_space<vmem>>, vector<1x16xf32>,
    %get3A_1473 = arith.constant 16 : i32
    %get3A_1474 = arith.index_cast %get3A_1473 : i32 to index
    %get3A_1475 = arith.constant 32 : index
    %get3A_1476 = tpu.vector_load %arg6[%get3A_1474, %get3A_1475] {strides = array<i32>} : memref<32x128xf32, #tpu.memory_space<vmem>>, vector<1x16xf32>,
    %get3A_1477 = vector.shape_cast %get3A_1476 : vector<1x16xf32> to vector<16xf32>
    %get3A_1478 = arith.constant 16 : i32
    %get3A_1479 = arith.index_cast %get3A_1478 : i32 to index
    %get3A_1480 = arith.constant 32 : index
    %get3A_1481 = tpu.vector_load %arg7[%get3A_1479, %get3A_1480] {strides = array<i32>} : memref<32x128xf32, #tpu.memory_space<vmem>>, vector<1x16xf32>,
    %get3A_1482 = vector.shape_cast %get3A_1481 : vector<1x16xf32> to vector<16xf32>
    %add3A_1483 = arith.addf %get3A_1477, %get3A_1482 : vector<16xf32>
    %mul3A_1484 = arith.mulf %add3A_1483, %div3A_1436 : vector<16xf32>
    %swap3A_1485 = arith.constant 16 : i32
    %swap3A_1486 = arith.index_cast %swap3A_1485 : i32 to index
    %swap3A_1487 = arith.constant 32 : index
    %swap3A_1488 = tpu.vector_load %arg6[%swap3A_1486, %swap3A_1487] {strides = array<i32>} : memref<32x128xf32, #tpu.memory_space<vmem>>, vector<1x16xf32>,
    %swap3A_1489 = vector.shape_cast %swap3A_1488 : vector<1x16xf32> to vector<16xf32>
    %swap3A_1490 = vector.shape_cast %mul3A_1484 : vector<16xf32> to vector<1x16xf32>
    tpu.vector_store %arg6[%swap3A_1486, %swap3A_1487], %swap3A_1490 {strides = array<i32>} : memref<32x128xf32, #tpu.memory_space<vmem>>, vector<1x16xf32>,
    %get3A_1491 = arith.constant 16 : i32
    %get3A_1492 = arith.index_cast %get3A_1491 : i32 to index
    %get3A_1493 = arith.constant 48 : index
    %get3A_1494 = tpu.vector_load %arg6[%get3A_1492, %get3A_1493] {strides = array<i32>} : memref<32x128xf32, #tpu.memory_space<vmem>>, vector<1x16xf32>,
    %get3A_1495 = vector.shape_cast %get3A_1494 : vector<1x16xf32> to vector<16xf32>
    %get3A_1496 = arith.constant 16 : i32
    %get3A_1497 = arith.index_cast %get3A_1496 : i32 to index
    %get3A_1498 = arith.constant 48 : index
    %get3A_1499 = tpu.vector_load %arg7[%get3A_1497, %get3A_1498] {strides = array<i32>} : memref<32x128xf32, #tpu.memory_space<vmem>>, vector<1x16xf32>,
    %get3A_1500 = vector.shape_cast %get3A_1499 : vector<1x16xf32> to vector<16xf32>
    %add3A_1501 = arith.addf %get3A_1495, %get3A_1500 : vector<16xf32>
    %mul3A_1502 = arith.mulf %add3A_1501, %div3A_1436 : vector<16xf32>
    %swap3A_1503 = arith.constant 16 : i32
    %swap3A_1504 = arith.index_cast %swap3A_1503 : i32 to index
    %swap3A_1505 = arith.constant 48 : index
    %swap3A_1506 = tpu.vector_load %arg6[%swap3A_1504, %swap3A_1505] {strides = array<i32>} : memref<32x128xf32, #tpu.memory_space<vmem>>, vector<1x16xf32>,
    %swap3A_1507 = vector.shape_cast %swap3A_1506 : vector<1x16xf32> to vector<16xf32>
    %swap3A_1508 = vector.shape_cast %mul3A_1502 : vector<16xf32> to vector<1x16xf32>
    tpu.vector_store %arg6[%swap3A_1504, %swap3A_1505], %swap3A_1508 {strides = array<i32>} : memref<32x128xf32, #tpu.memory_space<vmem>>, vector<1x16xf32>,
    %get3A_1509 = arith.constant 17 : i32
    %get3A_1510 = arith.index_cast %get3A_1509 : i32 to index
    %get3A_1511 = arith.constant 64 : index
    %get3A_1512 = tpu.vector_load %arg6[%get3A_1510, %get3A_1511] {strides = array<i32>} : memref<32x128xf32, #tpu.memory_space<vmem>>, vector<1x16xf32>,
    %get3A_1513 = vector.shape_cast %get3A_1512 : vector<1x16xf32> to vector<16xf32>
    %get3A_1514 = arith.constant 17 : i32
    %get3A_1515 = arith.index_cast %get3A_1514 : i32 to index
    %get3A_1516 = arith.constant 64 : index
    %get3A_1517 = tpu.vector_load %arg7[%get3A_1515, %get3A_1516] {strides = array<i32>} : memref<32x128xf32, #tpu.memory_space<vmem>>, vector<1x16xf32>,
    %get3A_1518 = vector.shape_cast %get3A_1517 : vector<1x16xf32> to vector<16xf32>
    %add3A_1519 = arith.addf %get3A_1513, %get3A_1518 : vector<16xf32>
    %max3A_1520 = arith.constant 1.000000e+00 : f32
    %max3A_1521 = vector.broadcast %max3A_1520 : f32 to vector<16xf32>
    %max3A_1522 = arith.maximumf %add3A_1519, %max3A_1521 : vector<16xf32>
    %div3A_1523 = arith.constant 1.000000e+00 : f32
    %div3A_1524 = vector.broadcast %div3A_1523 : f32 to vector<16xf32>
    %div3A_1525 = arith.divf %div3A_1524, %max3A_1522 : vector<16xf32>
    %get3A_1526 = arith.constant 17 : i32
    %get3A_1527 = arith.index_cast %get3A_1526 : i32 to index
    %get3A_1528 = arith.constant 0 : index
    %get3A_1529 = tpu.vector_load %arg6[%get3A_1527, %get3A_1528] {strides = array<i32>} : memref<32x128xf32, #tpu.memory_space<vmem>>, vector<1x16xf32>,
    %get3A_1530 = vector.shape_cast %get3A_1529 : vector<1x16xf32> to vector<16xf32>
    %get3A_1531 = arith.constant 17 : i32
    %get3A_1532 = arith.index_cast %get3A_1531 : i32 to index
    %get3A_1533 = arith.constant 0 : index
    %get3A_1534 = tpu.vector_load %arg7[%get3A_1532, %get3A_1533] {strides = array<i32>} : memref<32x128xf32, #tpu.memory_space<vmem>>, vector<1x16xf32>,
    %get3A_1535 = vector.shape_cast %get3A_1534 : vector<1x16xf32> to vector<16xf32>
    %add3A_1536 = arith.addf %get3A_1530, %get3A_1535 : vector<16xf32>
    %mul3A_1537 = arith.mulf %add3A_1536, %div3A_1525 : vector<16xf32>
    %swap3A_1538 = arith.constant 17 : i32
    %swap3A_1539 = arith.index_cast %swap3A_1538 : i32 to index
    %swap3A_1540 = arith.constant 0 : index
    %swap3A_1541 = tpu.vector_load %arg6[%swap3A_1539, %swap3A_1540] {strides = array<i32>} : memref<32x128xf32, #tpu.memory_space<vmem>>, vector<1x16xf32>,
    %swap3A_1542 = vector.shape_cast %swap3A_1541 : vector<1x16xf32> to vector<16xf32>
    %swap3A_1543 = vector.shape_cast %mul3A_1537 : vector<16xf32> to vector<1x16xf32>
    tpu.vector_store %arg6[%swap3A_1539, %swap3A_1540], %swap3A_1543 {strides = array<i32>} : memref<32x128xf32, #tpu.memory_space<vmem>>, vector<1x16xf32>,
    %get3A_1544 = arith.constant 17 : i32
    %get3A_1545 = arith.index_cast %get3A_1544 : i32 to index
    %get3A_1546 = arith.constant 16 : index
    %get3A_1547 = tpu.vector_load %arg6[%get3A_1545, %get3A_1546] {strides = array<i32>} : memref<32x128xf32, #tpu.memory_space<vmem>>, vector<1x16xf32>,
    %get3A_1548 = vector.shape_cast %get3A_1547 : vector<1x16xf32> to vector<16xf32>
    %get3A_1549 = arith.constant 17 : i32
    %get3A_1550 = arith.index_cast %get3A_1549 : i32 to index
    %get3A_1551 = arith.constant 16 : index
    %get3A_1552 = tpu.vector_load %arg7[%get3A_1550, %get3A_1551] {strides = array<i32>} : memref<32x128xf32, #tpu.memory_space<vmem>>, vector<1x16xf32>,
    %get3A_1553 = vector.shape_cast %get3A_1552 : vector<1x16xf32> to vector<16xf32>
    %add3A_1554 = arith.addf %get3A_1548, %get3A_1553 : vector<16xf32>
    %mul3A_1555 = arith.mulf %add3A_1554, %div3A_1525 : vector<16xf32>
    %swap3A_1556 = arith.constant 17 : i32
    %swap3A_1557 = arith.index_cast %swap3A_1556 : i32 to index
    %swap3A_1558 = arith.constant 16 : index
    %swap3A_1559 = tpu.vector_load %arg6[%swap3A_1557, %swap3A_1558] {strides = array<i32>} : memref<32x128xf32, #tpu.memory_space<vmem>>, vector<1x16xf32>,
    %swap3A_1560 = vector.shape_cast %swap3A_1559 : vector<1x16xf32> to vector<16xf32>
    %swap3A_1561 = vector.shape_cast %mul3A_1555 : vector<16xf32> to vector<1x16xf32>
    tpu.vector_store %arg6[%swap3A_1557, %swap3A_1558], %swap3A_1561 {strides = array<i32>} : memref<32x128xf32, #tpu.memory_space<vmem>>, vector<1x16xf32>,
    %get3A_1562 = arith.constant 17 : i32
    %get3A_1563 = arith.index_cast %get3A_1562 : i32 to index
    %get3A_1564 = arith.constant 32 : index
    %get3A_1565 = tpu.vector_load %arg6[%get3A_1563, %get3A_1564] {strides = array<i32>} : memref<32x128xf32, #tpu.memory_space<vmem>>, vector<1x16xf32>,
    %get3A_1566 = vector.shape_cast %get3A_1565 : vector<1x16xf32> to vector<16xf32>
    %get3A_1567 = arith.constant 17 : i32
    %get3A_1568 = arith.index_cast %get3A_1567 : i32 to index
    %get3A_1569 = arith.constant 32 : index
    %get3A_1570 = tpu.vector_load %arg7[%get3A_1568, %get3A_1569] {strides = array<i32>} : memref<32x128xf32, #tpu.memory_space<vmem>>, vector<1x16xf32>,
    %get3A_1571 = vector.shape_cast %get3A_1570 : vector<1x16xf32> to vector<16xf32>
    %add3A_1572 = arith.addf %get3A_1566, %get3A_1571 : vector<16xf32>
    %mul3A_1573 = arith.mulf %add3A_1572, %div3A_1525 : vector<16xf32>
    %swap3A_1574 = arith.constant 17 : i32
    %swap3A_1575 = arith.index_cast %swap3A_1574 : i32 to index
    %swap3A_1576 = arith.constant 32 : index
    %swap3A_1577 = tpu.vector_load %arg6[%swap3A_1575, %swap3A_1576] {strides = array<i32>} : memref<32x128xf32, #tpu.memory_space<vmem>>, vector<1x16xf32>,
    %swap3A_1578 = vector.shape_cast %swap3A_1577 : vector<1x16xf32> to vector<16xf32>
    %swap3A_1579 = vector.shape_cast %mul3A_1573 : vector<16xf32> to vector<1x16xf32>
    tpu.vector_store %arg6[%swap3A_1575, %swap3A_1576], %swap3A_1579 {strides = array<i32>} : memref<32x128xf32, #tpu.memory_space<vmem>>, vector<1x16xf32>,
    %get3A_1580 = arith.constant 17 : i32
    %get3A_1581 = arith.index_cast %get3A_1580 : i32 to index
    %get3A_1582 = arith.constant 48 : index
    %get3A_1583 = tpu.vector_load %arg6[%get3A_1581, %get3A_1582] {strides = array<i32>} : memref<32x128xf32, #tpu.memory_space<vmem>>, vector<1x16xf32>,
    %get3A_1584 = vector.shape_cast %get3A_1583 : vector<1x16xf32> to vector<16xf32>
    %get3A_1585 = arith.constant 17 : i32
    %get3A_1586 = arith.index_cast %get3A_1585 : i32 to index
    %get3A_1587 = arith.constant 48 : index
    %get3A_1588 = tpu.vector_load %arg7[%get3A_1586, %get3A_1587] {strides = array<i32>} : memref<32x128xf32, #tpu.memory_space<vmem>>, vector<1x16xf32>,
    %get3A_1589 = vector.shape_cast %get3A_1588 : vector<1x16xf32> to vector<16xf32>
    %add3A_1590 = arith.addf %get3A_1584, %get3A_1589 : vector<16xf32>
    %mul3A_1591 = arith.mulf %add3A_1590, %div3A_1525 : vector<16xf32>
    %swap3A_1592 = arith.constant 17 : i32
    %swap3A_1593 = arith.index_cast %swap3A_1592 : i32 to index
    %swap3A_1594 = arith.constant 48 : index
    %swap3A_1595 = tpu.vector_load %arg6[%swap3A_1593, %swap3A_1594] {strides = array<i32>} : memref<32x128xf32, #tpu.memory_space<vmem>>, vector<1x16xf32>,
    %swap3A_1596 = vector.shape_cast %swap3A_1595 : vector<1x16xf32> to vector<16xf32>
    %swap3A_1597 = vector.shape_cast %mul3A_1591 : vector<16xf32> to vector<1x16xf32>
    tpu.vector_store %arg6[%swap3A_1593, %swap3A_1594], %swap3A_1597 {strides = array<i32>} : memref<32x128xf32, #tpu.memory_space<vmem>>, vector<1x16xf32>,
    %get3A_1598 = arith.constant 18 : i32
    %get3A_1599 = arith.index_cast %get3A_1598 : i32 to index
    %get3A_1600 = arith.constant 64 : index
    %get3A_1601 = tpu.vector_load %arg6[%get3A_1599, %get3A_1600] {strides = array<i32>} : memref<32x128xf32, #tpu.memory_space<vmem>>, vector<1x16xf32>,
    %get3A_1602 = vector.shape_cast %get3A_1601 : vector<1x16xf32> to vector<16xf32>
    %get3A_1603 = arith.constant 18 : i32
    %get3A_1604 = arith.index_cast %get3A_1603 : i32 to index
    %get3A_1605 = arith.constant 64 : index
    %get3A_1606 = tpu.vector_load %arg7[%get3A_1604, %get3A_1605] {strides = array<i32>} : memref<32x128xf32, #tpu.memory_space<vmem>>, vector<1x16xf32>,
    %get3A_1607 = vector.shape_cast %get3A_1606 : vector<1x16xf32> to vector<16xf32>
    %add3A_1608 = arith.addf %get3A_1602, %get3A_1607 : vector<16xf32>
    %max3A_1609 = arith.constant 1.000000e+00 : f32
    %max3A_1610 = vector.broadcast %max3A_1609 : f32 to vector<16xf32>
    %max3A_1611 = arith.maximumf %add3A_1608, %max3A_1610 : vector<16xf32>
    %div3A_1612 = arith.constant 1.000000e+00 : f32
    %div3A_1613 = vector.broadcast %div3A_1612 : f32 to vector<16xf32>
    %div3A_1614 = arith.divf %div3A_1613, %max3A_1611 : vector<16xf32>
    %get3A_1615 = arith.constant 18 : i32
    %get3A_1616 = arith.index_cast %get3A_1615 : i32 to index
    %get3A_1617 = arith.constant 0 : index
    %get3A_1618 = tpu.vector_load %arg6[%get3A_1616, %get3A_1617] {strides = array<i32>} : memref<32x128xf32, #tpu.memory_space<vmem>>, vector<1x16xf32>,
    %get3A_1619 = vector.shape_cast %get3A_1618 : vector<1x16xf32> to vector<16xf32>
    %get3A_1620 = arith.constant 18 : i32
    %get3A_1621 = arith.index_cast %get3A_1620 : i32 to index
    %get3A_1622 = arith.constant 0 : index
    %get3A_1623 = tpu.vector_load %arg7[%get3A_1621, %get3A_1622] {strides = array<i32>} : memref<32x128xf32, #tpu.memory_space<vmem>>, vector<1x16xf32>,
    %get3A_1624 = vector.shape_cast %get3A_1623 : vector<1x16xf32> to vector<16xf32>
    %add3A_1625 = arith.addf %get3A_1619, %get3A_1624 : vector<16xf32>
    %mul3A_1626 = arith.mulf %add3A_1625, %div3A_1614 : vector<16xf32>
    %swap3A_1627 = arith.constant 18 : i32
    %swap3A_1628 = arith.index_cast %swap3A_1627 : i32 to index
    %swap3A_1629 = arith.constant 0 : index
    %swap3A_1630 = tpu.vector_load %arg6[%swap3A_1628, %swap3A_1629] {strides = array<i32>} : memref<32x128xf32, #tpu.memory_space<vmem>>, vector<1x16xf32>,
    %swap3A_1631 = vector.shape_cast %swap3A_1630 : vector<1x16xf32> to vector<16xf32>
    %swap3A_1632 = vector.shape_cast %mul3A_1626 : vector<16xf32> to vector<1x16xf32>
    tpu.vector_store %arg6[%swap3A_1628, %swap3A_1629], %swap3A_1632 {strides = array<i32>} : memref<32x128xf32, #tpu.memory_space<vmem>>, vector<1x16xf32>,
    %get3A_1633 = arith.constant 18 : i32
    %get3A_1634 = arith.index_cast %get3A_1633 : i32 to index
    %get3A_1635 = arith.constant 16 : index
    %get3A_1636 = tpu.vector_load %arg6[%get3A_1634, %get3A_1635] {strides = array<i32>} : memref<32x128xf32, #tpu.memory_space<vmem>>, vector<1x16xf32>,
    %get3A_1637 = vector.shape_cast %get3A_1636 : vector<1x16xf32> to vector<16xf32>
    %get3A_1638 = arith.constant 18 : i32
    %get3A_1639 = arith.index_cast %get3A_1638 : i32 to index
    %get3A_1640 = arith.constant 16 : index
    %get3A_1641 = tpu.vector_load %arg7[%get3A_1639, %get3A_1640] {strides = array<i32>} : memref<32x128xf32, #tpu.memory_space<vmem>>, vector<1x16xf32>,
    %get3A_1642 = vector.shape_cast %get3A_1641 : vector<1x16xf32> to vector<16xf32>
    %add3A_1643 = arith.addf %get3A_1637, %get3A_1642 : vector<16xf32>
    %mul3A_1644 = arith.mulf %add3A_1643, %div3A_1614 : vector<16xf32>
    %swap3A_1645 = arith.constant 18 : i32
    %swap3A_1646 = arith.index_cast %swap3A_1645 : i32 to index
    %swap3A_1647 = arith.constant 16 : index
    %swap3A_1648 = tpu.vector_load %arg6[%swap3A_1646, %swap3A_1647] {strides = array<i32>} : memref<32x128xf32, #tpu.memory_space<vmem>>, vector<1x16xf32>,
    %swap3A_1649 = vector.shape_cast %swap3A_1648 : vector<1x16xf32> to vector<16xf32>
    %swap3A_1650 = vector.shape_cast %mul3A_1644 : vector<16xf32> to vector<1x16xf32>
    tpu.vector_store %arg6[%swap3A_1646, %swap3A_1647], %swap3A_1650 {strides = array<i32>} : memref<32x128xf32, #tpu.memory_space<vmem>>, vector<1x16xf32>,
    %get3A_1651 = arith.constant 18 : i32
    %get3A_1652 = arith.index_cast %get3A_1651 : i32 to index
    %get3A_1653 = arith.constant 32 : index
    %get3A_1654 = tpu.vector_load %arg6[%get3A_1652, %get3A_1653] {strides = array<i32>} : memref<32x128xf32, #tpu.memory_space<vmem>>, vector<1x16xf32>,
    %get3A_1655 = vector.shape_cast %get3A_1654 : vector<1x16xf32> to vector<16xf32>
    %get3A_1656 = arith.constant 18 : i32
    %get3A_1657 = arith.index_cast %get3A_1656 : i32 to index
    %get3A_1658 = arith.constant 32 : index
    %get3A_1659 = tpu.vector_load %arg7[%get3A_1657, %get3A_1658] {strides = array<i32>} : memref<32x128xf32, #tpu.memory_space<vmem>>, vector<1x16xf32>,
    %get3A_1660 = vector.shape_cast %get3A_1659 : vector<1x16xf32> to vector<16xf32>
    %add3A_1661 = arith.addf %get3A_1655, %get3A_1660 : vector<16xf32>
    %mul3A_1662 = arith.mulf %add3A_1661, %div3A_1614 : vector<16xf32>
    %swap3A_1663 = arith.constant 18 : i32
    %swap3A_1664 = arith.index_cast %swap3A_1663 : i32 to index
    %swap3A_1665 = arith.constant 32 : index
    %swap3A_1666 = tpu.vector_load %arg6[%swap3A_1664, %swap3A_1665] {strides = array<i32>} : memref<32x128xf32, #tpu.memory_space<vmem>>, vector<1x16xf32>,
    %swap3A_1667 = vector.shape_cast %swap3A_1666 : vector<1x16xf32> to vector<16xf32>
    %swap3A_1668 = vector.shape_cast %mul3A_1662 : vector<16xf32> to vector<1x16xf32>
    tpu.vector_store %arg6[%swap3A_1664, %swap3A_1665], %swap3A_1668 {strides = array<i32>} : memref<32x128xf32, #tpu.memory_space<vmem>>, vector<1x16xf32>,
    %get3A_1669 = arith.constant 18 : i32
    %get3A_1670 = arith.index_cast %get3A_1669 : i32 to index
    %get3A_1671 = arith.constant 48 : index
    %get3A_1672 = tpu.vector_load %arg6[%get3A_1670, %get3A_1671] {strides = array<i32>} : memref<32x128xf32, #tpu.memory_space<vmem>>, vector<1x16xf32>,
    %get3A_1673 = vector.shape_cast %get3A_1672 : vector<1x16xf32> to vector<16xf32>
    %get3A_1674 = arith.constant 18 : i32
    %get3A_1675 = arith.index_cast %get3A_1674 : i32 to index
    %get3A_1676 = arith.constant 48 : index
    %get3A_1677 = tpu.vector_load %arg7[%get3A_1675, %get3A_1676] {strides = array<i32>} : memref<32x128xf32, #tpu.memory_space<vmem>>, vector<1x16xf32>,
    %get3A_1678 = vector.shape_cast %get3A_1677 : vector<1x16xf32> to vector<16xf32>
    %add3A_1679 = arith.addf %get3A_1673, %get3A_1678 : vector<16xf32>
    %mul3A_1680 = arith.mulf %add3A_1679, %div3A_1614 : vector<16xf32>
    %swap3A_1681 = arith.constant 18 : i32
    %swap3A_1682 = arith.index_cast %swap3A_1681 : i32 to index
    %swap3A_1683 = arith.constant 48 : index
    %swap3A_1684 = tpu.vector_load %arg6[%swap3A_1682, %swap3A_1683] {strides = array<i32>} : memref<32x128xf32, #tpu.memory_space<vmem>>, vector<1x16xf32>,
    %swap3A_1685 = vector.shape_cast %swap3A_1684 : vector<1x16xf32> to vector<16xf32>
    %swap3A_1686 = vector.shape_cast %mul3A_1680 : vector<16xf32> to vector<1x16xf32>
    tpu.vector_store %arg6[%swap3A_1682, %swap3A_1683], %swap3A_1686 {strides = array<i32>} : memref<32x128xf32, #tpu.memory_space<vmem>>, vector<1x16xf32>,
    %get3A_1687 = arith.constant 19 : i32
    %get3A_1688 = arith.index_cast %get3A_1687 : i32 to index
    %get3A_1689 = arith.constant 64 : index
    %get3A_1690 = tpu.vector_load %arg6[%get3A_1688, %get3A_1689] {strides = array<i32>} : memref<32x128xf32, #tpu.memory_space<vmem>>, vector<1x16xf32>,
    %get3A_1691 = vector.shape_cast %get3A_1690 : vector<1x16xf32> to vector<16xf32>
    %get3A_1692 = arith.constant 19 : i32
    %get3A_1693 = arith.index_cast %get3A_1692 : i32 to index
    %get3A_1694 = arith.constant 64 : index
    %get3A_1695 = tpu.vector_load %arg7[%get3A_1693, %get3A_1694] {strides = array<i32>} : memref<32x128xf32, #tpu.memory_space<vmem>>, vector<1x16xf32>,
    %get3A_1696 = vector.shape_cast %get3A_1695 : vector<1x16xf32> to vector<16xf32>
    %add3A_1697 = arith.addf %get3A_1691, %get3A_1696 : vector<16xf32>
    %max3A_1698 = arith.constant 1.000000e+00 : f32
    %max3A_1699 = vector.broadcast %max3A_1698 : f32 to vector<16xf32>
    %max3A_1700 = arith.maximumf %add3A_1697, %max3A_1699 : vector<16xf32>
    %div3A_1701 = arith.constant 1.000000e+00 : f32
    %div3A_1702 = vector.broadcast %div3A_1701 : f32 to vector<16xf32>
    %div3A_1703 = arith.divf %div3A_1702, %max3A_1700 : vector<16xf32>
    %get3A_1704 = arith.constant 19 : i32
    %get3A_1705 = arith.index_cast %get3A_1704 : i32 to index
    %get3A_1706 = arith.constant 0 : index
    %get3A_1707 = tpu.vector_load %arg6[%get3A_1705, %get3A_1706] {strides = array<i32>} : memref<32x128xf32, #tpu.memory_space<vmem>>, vector<1x16xf32>,
    %get3A_1708 = vector.shape_cast %get3A_1707 : vector<1x16xf32> to vector<16xf32>
    %get3A_1709 = arith.constant 19 : i32
    %get3A_1710 = arith.index_cast %get3A_1709 : i32 to index
    %get3A_1711 = arith.constant 0 : index
    %get3A_1712 = tpu.vector_load %arg7[%get3A_1710, %get3A_1711] {strides = array<i32>} : memref<32x128xf32, #tpu.memory_space<vmem>>, vector<1x16xf32>,
    %get3A_1713 = vector.shape_cast %get3A_1712 : vector<1x16xf32> to vector<16xf32>
    %add3A_1714 = arith.addf %get3A_1708, %get3A_1713 : vector<16xf32>
    %mul3A_1715 = arith.mulf %add3A_1714, %div3A_1703 : vector<16xf32>
    %swap3A_1716 = arith.constant 19 : i32
    %swap3A_1717 = arith.index_cast %swap3A_1716 : i32 to index
    %swap3A_1718 = arith.constant 0 : index
    %swap3A_1719 = tpu.vector_load %arg6[%swap3A_1717, %swap3A_1718] {strides = array<i32>} : memref<32x128xf32, #tpu.memory_space<vmem>>, vector<1x16xf32>,
    %swap3A_1720 = vector.shape_cast %swap3A_1719 : vector<1x16xf32> to vector<16xf32>
    %swap3A_1721 = vector.shape_cast %mul3A_1715 : vector<16xf32> to vector<1x16xf32>
    tpu.vector_store %arg6[%swap3A_1717, %swap3A_1718], %swap3A_1721 {strides = array<i32>} : memref<32x128xf32, #tpu.memory_space<vmem>>, vector<1x16xf32>,
    %get3A_1722 = arith.constant 19 : i32
    %get3A_1723 = arith.index_cast %get3A_1722 : i32 to index
    %get3A_1724 = arith.constant 16 : index
    %get3A_1725 = tpu.vector_load %arg6[%get3A_1723, %get3A_1724] {strides = array<i32>} : memref<32x128xf32, #tpu.memory_space<vmem>>, vector<1x16xf32>,
    %get3A_1726 = vector.shape_cast %get3A_1725 : vector<1x16xf32> to vector<16xf32>
    %get3A_1727 = arith.constant 19 : i32
    %get3A_1728 = arith.index_cast %get3A_1727 : i32 to index
    %get3A_1729 = arith.constant 16 : index
    %get3A_1730 = tpu.vector_load %arg7[%get3A_1728, %get3A_1729] {strides = array<i32>} : memref<32x128xf32, #tpu.memory_space<vmem>>, vector<1x16xf32>,
    %get3A_1731 = vector.shape_cast %get3A_1730 : vector<1x16xf32> to vector<16xf32>
    %add3A_1732 = arith.addf %get3A_1726, %get3A_1731 : vector<16xf32>
    %mul3A_1733 = arith.mulf %add3A_1732, %div3A_1703 : vector<16xf32>
    %swap3A_1734 = arith.constant 19 : i32
    %swap3A_1735 = arith.index_cast %swap3A_1734 : i32 to index
    %swap3A_1736 = arith.constant 16 : index
    %swap3A_1737 = tpu.vector_load %arg6[%swap3A_1735, %swap3A_1736] {strides = array<i32>} : memref<32x128xf32, #tpu.memory_space<vmem>>, vector<1x16xf32>,
    %swap3A_1738 = vector.shape_cast %swap3A_1737 : vector<1x16xf32> to vector<16xf32>
    %swap3A_1739 = vector.shape_cast %mul3A_1733 : vector<16xf32> to vector<1x16xf32>
    tpu.vector_store %arg6[%swap3A_1735, %swap3A_1736], %swap3A_1739 {strides = array<i32>} : memref<32x128xf32, #tpu.memory_space<vmem>>, vector<1x16xf32>,
    %get3A_1740 = arith.constant 19 : i32
    %get3A_1741 = arith.index_cast %get3A_1740 : i32 to index
    %get3A_1742 = arith.constant 32 : index
    %get3A_1743 = tpu.vector_load %arg6[%get3A_1741, %get3A_1742] {strides = array<i32>} : memref<32x128xf32, #tpu.memory_space<vmem>>, vector<1x16xf32>,
    %get3A_1744 = vector.shape_cast %get3A_1743 : vector<1x16xf32> to vector<16xf32>
    %get3A_1745 = arith.constant 19 : i32
    %get3A_1746 = arith.index_cast %get3A_1745 : i32 to index
    %get3A_1747 = arith.constant 32 : index
    %get3A_1748 = tpu.vector_load %arg7[%get3A_1746, %get3A_1747] {strides = array<i32>} : memref<32x128xf32, #tpu.memory_space<vmem>>, vector<1x16xf32>,
    %get3A_1749 = vector.shape_cast %get3A_1748 : vector<1x16xf32> to vector<16xf32>
    %add3A_1750 = arith.addf %get3A_1744, %get3A_1749 : vector<16xf32>
    %mul3A_1751 = arith.mulf %add3A_1750, %div3A_1703 : vector<16xf32>
    %swap3A_1752 = arith.constant 19 : i32
    %swap3A_1753 = arith.index_cast %swap3A_1752 : i32 to index
    %swap3A_1754 = arith.constant 32 : index
    %swap3A_1755 = tpu.vector_load %arg6[%swap3A_1753, %swap3A_1754] {strides = array<i32>} : memref<32x128xf32, #tpu.memory_space<vmem>>, vector<1x16xf32>,
    %swap3A_1756 = vector.shape_cast %swap3A_1755 : vector<1x16xf32> to vector<16xf32>
    %swap3A_1757 = vector.shape_cast %mul3A_1751 : vector<16xf32> to vector<1x16xf32>
    tpu.vector_store %arg6[%swap3A_1753, %swap3A_1754], %swap3A_1757 {strides = array<i32>} : memref<32x128xf32, #tpu.memory_space<vmem>>, vector<1x16xf32>,
    %get3A_1758 = arith.constant 19 : i32
    %get3A_1759 = arith.index_cast %get3A_1758 : i32 to index
    %get3A_1760 = arith.constant 48 : index
    %get3A_1761 = tpu.vector_load %arg6[%get3A_1759, %get3A_1760] {strides = array<i32>} : memref<32x128xf32, #tpu.memory_space<vmem>>, vector<1x16xf32>,
    %get3A_1762 = vector.shape_cast %get3A_1761 : vector<1x16xf32> to vector<16xf32>
    %get3A_1763 = arith.constant 19 : i32
    %get3A_1764 = arith.index_cast %get3A_1763 : i32 to index
    %get3A_1765 = arith.constant 48 : index
    %get3A_1766 = tpu.vector_load %arg7[%get3A_1764, %get3A_1765] {strides = array<i32>} : memref<32x128xf32, #tpu.memory_space<vmem>>, vector<1x16xf32>,
    %get3A_1767 = vector.shape_cast %get3A_1766 : vector<1x16xf32> to vector<16xf32>
    %add3A_1768 = arith.addf %get3A_1762, %get3A_1767 : vector<16xf32>
    %mul3A_1769 = arith.mulf %add3A_1768, %div3A_1703 : vector<16xf32>
    %swap3A_1770 = arith.constant 19 : i32
    %swap3A_1771 = arith.index_cast %swap3A_1770 : i32 to index
    %swap3A_1772 = arith.constant 48 : index
    %swap3A_1773 = tpu.vector_load %arg6[%swap3A_1771, %swap3A_1772] {strides = array<i32>} : memref<32x128xf32, #tpu.memory_space<vmem>>, vector<1x16xf32>,
    %swap3A_1774 = vector.shape_cast %swap3A_1773 : vector<1x16xf32> to vector<16xf32>
    %swap3A_1775 = vector.shape_cast %mul3A_1769 : vector<16xf32> to vector<1x16xf32>
    tpu.vector_store %arg6[%swap3A_1771, %swap3A_1772], %swap3A_1775 {strides = array<i32>} : memref<32x128xf32, #tpu.memory_space<vmem>>, vector<1x16xf32>,
    %get3A_1776 = arith.constant 20 : i32
    %get3A_1777 = arith.index_cast %get3A_1776 : i32 to index
    %get3A_1778 = arith.constant 64 : index
    %get3A_1779 = tpu.vector_load %arg6[%get3A_1777, %get3A_1778] {strides = array<i32>} : memref<32x128xf32, #tpu.memory_space<vmem>>, vector<1x16xf32>,
    %get3A_1780 = vector.shape_cast %get3A_1779 : vector<1x16xf32> to vector<16xf32>
    %get3A_1781 = arith.constant 20 : i32
    %get3A_1782 = arith.index_cast %get3A_1781 : i32 to index
    %get3A_1783 = arith.constant 64 : index
    %get3A_1784 = tpu.vector_load %arg7[%get3A_1782, %get3A_1783] {strides = array<i32>} : memref<32x128xf32, #tpu.memory_space<vmem>>, vector<1x16xf32>,
    %get3A_1785 = vector.shape_cast %get3A_1784 : vector<1x16xf32> to vector<16xf32>
    %add3A_1786 = arith.addf %get3A_1780, %get3A_1785 : vector<16xf32>
    %max3A_1787 = arith.constant 1.000000e+00 : f32
    %max3A_1788 = vector.broadcast %max3A_1787 : f32 to vector<16xf32>
    %max3A_1789 = arith.maximumf %add3A_1786, %max3A_1788 : vector<16xf32>
    %div3A_1790 = arith.constant 1.000000e+00 : f32
    %div3A_1791 = vector.broadcast %div3A_1790 : f32 to vector<16xf32>
    %div3A_1792 = arith.divf %div3A_1791, %max3A_1789 : vector<16xf32>
    %get3A_1793 = arith.constant 20 : i32
    %get3A_1794 = arith.index_cast %get3A_1793 : i32 to index
    %get3A_1795 = arith.constant 0 : index
    %get3A_1796 = tpu.vector_load %arg6[%get3A_1794, %get3A_1795] {strides = array<i32>} : memref<32x128xf32, #tpu.memory_space<vmem>>, vector<1x16xf32>,
    %get3A_1797 = vector.shape_cast %get3A_1796 : vector<1x16xf32> to vector<16xf32>
    %get3A_1798 = arith.constant 20 : i32
    %get3A_1799 = arith.index_cast %get3A_1798 : i32 to index
    %get3A_1800 = arith.constant 0 : index
    %get3A_1801 = tpu.vector_load %arg7[%get3A_1799, %get3A_1800] {strides = array<i32>} : memref<32x128xf32, #tpu.memory_space<vmem>>, vector<1x16xf32>,
    %get3A_1802 = vector.shape_cast %get3A_1801 : vector<1x16xf32> to vector<16xf32>
    %add3A_1803 = arith.addf %get3A_1797, %get3A_1802 : vector<16xf32>
    %mul3A_1804 = arith.mulf %add3A_1803, %div3A_1792 : vector<16xf32>
    %swap3A_1805 = arith.constant 20 : i32
    %swap3A_1806 = arith.index_cast %swap3A_1805 : i32 to index
    %swap3A_1807 = arith.constant 0 : index
    %swap3A_1808 = tpu.vector_load %arg6[%swap3A_1806, %swap3A_1807] {strides = array<i32>} : memref<32x128xf32, #tpu.memory_space<vmem>>, vector<1x16xf32>,
    %swap3A_1809 = vector.shape_cast %swap3A_1808 : vector<1x16xf32> to vector<16xf32>
    %swap3A_1810 = vector.shape_cast %mul3A_1804 : vector<16xf32> to vector<1x16xf32>
    tpu.vector_store %arg6[%swap3A_1806, %swap3A_1807], %swap3A_1810 {strides = array<i32>} : memref<32x128xf32, #tpu.memory_space<vmem>>, vector<1x16xf32>,
    %get3A_1811 = arith.constant 20 : i32
    %get3A_1812 = arith.index_cast %get3A_1811 : i32 to index
    %get3A_1813 = arith.constant 16 : index
    %get3A_1814 = tpu.vector_load %arg6[%get3A_1812, %get3A_1813] {strides = array<i32>} : memref<32x128xf32, #tpu.memory_space<vmem>>, vector<1x16xf32>,
    %get3A_1815 = vector.shape_cast %get3A_1814 : vector<1x16xf32> to vector<16xf32>
    %get3A_1816 = arith.constant 20 : i32
    %get3A_1817 = arith.index_cast %get3A_1816 : i32 to index
    %get3A_1818 = arith.constant 16 : index
    %get3A_1819 = tpu.vector_load %arg7[%get3A_1817, %get3A_1818] {strides = array<i32>} : memref<32x128xf32, #tpu.memory_space<vmem>>, vector<1x16xf32>,
    %get3A_1820 = vector.shape_cast %get3A_1819 : vector<1x16xf32> to vector<16xf32>
    %add3A_1821 = arith.addf %get3A_1815, %get3A_1820 : vector<16xf32>
    %mul3A_1822 = arith.mulf %add3A_1821, %div3A_1792 : vector<16xf32>
    %swap3A_1823 = arith.constant 20 : i32
    %swap3A_1824 = arith.index_cast %swap3A_1823 : i32 to index
    %swap3A_1825 = arith.constant 16 : index
    %swap3A_1826 = tpu.vector_load %arg6[%swap3A_1824, %swap3A_1825] {strides = array<i32>} : memref<32x128xf32, #tpu.memory_space<vmem>>, vector<1x16xf32>,
    %swap3A_1827 = vector.shape_cast %swap3A_1826 : vector<1x16xf32> to vector<16xf32>
    %swap3A_1828 = vector.shape_cast %mul3A_1822 : vector<16xf32> to vector<1x16xf32>
    tpu.vector_store %arg6[%swap3A_1824, %swap3A_1825], %swap3A_1828 {strides = array<i32>} : memref<32x128xf32, #tpu.memory_space<vmem>>, vector<1x16xf32>,
    %get3A_1829 = arith.constant 20 : i32
    %get3A_1830 = arith.index_cast %get3A_1829 : i32 to index
    %get3A_1831 = arith.constant 32 : index
    %get3A_1832 = tpu.vector_load %arg6[%get3A_1830, %get3A_1831] {strides = array<i32>} : memref<32x128xf32, #tpu.memory_space<vmem>>, vector<1x16xf32>,
    %get3A_1833 = vector.shape_cast %get3A_1832 : vector<1x16xf32> to vector<16xf32>
    %get3A_1834 = arith.constant 20 : i32
    %get3A_1835 = arith.index_cast %get3A_1834 : i32 to index
    %get3A_1836 = arith.constant 32 : index
    %get3A_1837 = tpu.vector_load %arg7[%get3A_1835, %get3A_1836] {strides = array<i32>} : memref<32x128xf32, #tpu.memory_space<vmem>>, vector<1x16xf32>,
    %get3A_1838 = vector.shape_cast %get3A_1837 : vector<1x16xf32> to vector<16xf32>
    %add3A_1839 = arith.addf %get3A_1833, %get3A_1838 : vector<16xf32>
    %mul3A_1840 = arith.mulf %add3A_1839, %div3A_1792 : vector<16xf32>
    %swap3A_1841 = arith.constant 20 : i32
    %swap3A_1842 = arith.index_cast %swap3A_1841 : i32 to index
    %swap3A_1843 = arith.constant 32 : index
    %swap3A_1844 = tpu.vector_load %arg6[%swap3A_1842, %swap3A_1843] {strides = array<i32>} : memref<32x128xf32, #tpu.memory_space<vmem>>, vector<1x16xf32>,
    %swap3A_1845 = vector.shape_cast %swap3A_1844 : vector<1x16xf32> to vector<16xf32>
    %swap3A_1846 = vector.shape_cast %mul3A_1840 : vector<16xf32> to vector<1x16xf32>
    tpu.vector_store %arg6[%swap3A_1842, %swap3A_1843], %swap3A_1846 {strides = array<i32>} : memref<32x128xf32, #tpu.memory_space<vmem>>, vector<1x16xf32>,
    %get3A_1847 = arith.constant 20 : i32
    %get3A_1848 = arith.index_cast %get3A_1847 : i32 to index
    %get3A_1849 = arith.constant 48 : index
    %get3A_1850 = tpu.vector_load %arg6[%get3A_1848, %get3A_1849] {strides = array<i32>} : memref<32x128xf32, #tpu.memory_space<vmem>>, vector<1x16xf32>,
    %get3A_1851 = vector.shape_cast %get3A_1850 : vector<1x16xf32> to vector<16xf32>
    %get3A_1852 = arith.constant 20 : i32
    %get3A_1853 = arith.index_cast %get3A_1852 : i32 to index
    %get3A_1854 = arith.constant 48 : index
    %get3A_1855 = tpu.vector_load %arg7[%get3A_1853, %get3A_1854] {strides = array<i32>} : memref<32x128xf32, #tpu.memory_space<vmem>>, vector<1x16xf32>,
    %get3A_1856 = vector.shape_cast %get3A_1855 : vector<1x16xf32> to vector<16xf32>
    %add3A_1857 = arith.addf %get3A_1851, %get3A_1856 : vector<16xf32>
    %mul3A_1858 = arith.mulf %add3A_1857, %div3A_1792 : vector<16xf32>
    %swap3A_1859 = arith.constant 20 : i32
    %swap3A_1860 = arith.index_cast %swap3A_1859 : i32 to index
    %swap3A_1861 = arith.constant 48 : index
    %swap3A_1862 = tpu.vector_load %arg6[%swap3A_1860, %swap3A_1861] {strides = array<i32>} : memref<32x128xf32, #tpu.memory_space<vmem>>, vector<1x16xf32>,
    %swap3A_1863 = vector.shape_cast %swap3A_1862 : vector<1x16xf32> to vector<16xf32>
    %swap3A_1864 = vector.shape_cast %mul3A_1858 : vector<16xf32> to vector<1x16xf32>
    tpu.vector_store %arg6[%swap3A_1860, %swap3A_1861], %swap3A_1864 {strides = array<i32>} : memref<32x128xf32, #tpu.memory_space<vmem>>, vector<1x16xf32>,
    %get3A_1865 = arith.constant 21 : i32
    %get3A_1866 = arith.index_cast %get3A_1865 : i32 to index
    %get3A_1867 = arith.constant 64 : index
    %get3A_1868 = tpu.vector_load %arg6[%get3A_1866, %get3A_1867] {strides = array<i32>} : memref<32x128xf32, #tpu.memory_space<vmem>>, vector<1x16xf32>,
    %get3A_1869 = vector.shape_cast %get3A_1868 : vector<1x16xf32> to vector<16xf32>
    %get3A_1870 = arith.constant 21 : i32
    %get3A_1871 = arith.index_cast %get3A_1870 : i32 to index
    %get3A_1872 = arith.constant 64 : index
    %get3A_1873 = tpu.vector_load %arg7[%get3A_1871, %get3A_1872] {strides = array<i32>} : memref<32x128xf32, #tpu.memory_space<vmem>>, vector<1x16xf32>,
    %get3A_1874 = vector.shape_cast %get3A_1873 : vector<1x16xf32> to vector<16xf32>
    %add3A_1875 = arith.addf %get3A_1869, %get3A_1874 : vector<16xf32>
    %max3A_1876 = arith.constant 1.000000e+00 : f32
    %max3A_1877 = vector.broadcast %max3A_1876 : f32 to vector<16xf32>
    %max3A_1878 = arith.maximumf %add3A_1875, %max3A_1877 : vector<16xf32>
    %div3A_1879 = arith.constant 1.000000e+00 : f32
    %div3A_1880 = vector.broadcast %div3A_1879 : f32 to vector<16xf32>
    %div3A_1881 = arith.divf %div3A_1880, %max3A_1878 : vector<16xf32>
    %get3A_1882 = arith.constant 21 : i32
    %get3A_1883 = arith.index_cast %get3A_1882 : i32 to index
    %get3A_1884 = arith.constant 0 : index
    %get3A_1885 = tpu.vector_load %arg6[%get3A_1883, %get3A_1884] {strides = array<i32>} : memref<32x128xf32, #tpu.memory_space<vmem>>, vector<1x16xf32>,
    %get3A_1886 = vector.shape_cast %get3A_1885 : vector<1x16xf32> to vector<16xf32>
    %get3A_1887 = arith.constant 21 : i32
    %get3A_1888 = arith.index_cast %get3A_1887 : i32 to index
    %get3A_1889 = arith.constant 0 : index
    %get3A_1890 = tpu.vector_load %arg7[%get3A_1888, %get3A_1889] {strides = array<i32>} : memref<32x128xf32, #tpu.memory_space<vmem>>, vector<1x16xf32>,
    %get3A_1891 = vector.shape_cast %get3A_1890 : vector<1x16xf32> to vector<16xf32>
    %add3A_1892 = arith.addf %get3A_1886, %get3A_1891 : vector<16xf32>
    %mul3A_1893 = arith.mulf %add3A_1892, %div3A_1881 : vector<16xf32>
    %swap3A_1894 = arith.constant 21 : i32
    %swap3A_1895 = arith.index_cast %swap3A_1894 : i32 to index
    %swap3A_1896 = arith.constant 0 : index
    %swap3A_1897 = tpu.vector_load %arg6[%swap3A_1895, %swap3A_1896] {strides = array<i32>} : memref<32x128xf32, #tpu.memory_space<vmem>>, vector<1x16xf32>,
    %swap3A_1898 = vector.shape_cast %swap3A_1897 : vector<1x16xf32> to vector<16xf32>
    %swap3A_1899 = vector.shape_cast %mul3A_1893 : vector<16xf32> to vector<1x16xf32>
    tpu.vector_store %arg6[%swap3A_1895, %swap3A_1896], %swap3A_1899 {strides = array<i32>} : memref<32x128xf32, #tpu.memory_space<vmem>>, vector<1x16xf32>,
    %get3A_1900 = arith.constant 21 : i32
    %get3A_1901 = arith.index_cast %get3A_1900 : i32 to index
    %get3A_1902 = arith.constant 16 : index
    %get3A_1903 = tpu.vector_load %arg6[%get3A_1901, %get3A_1902] {strides = array<i32>} : memref<32x128xf32, #tpu.memory_space<vmem>>, vector<1x16xf32>,
    %get3A_1904 = vector.shape_cast %get3A_1903 : vector<1x16xf32> to vector<16xf32>
    %get3A_1905 = arith.constant 21 : i32
    %get3A_1906 = arith.index_cast %get3A_1905 : i32 to index
    %get3A_1907 = arith.constant 16 : index
    %get3A_1908 = tpu.vector_load %arg7[%get3A_1906, %get3A_1907] {strides = array<i32>} : memref<32x128xf32, #tpu.memory_space<vmem>>, vector<1x16xf32>,
    %get3A_1909 = vector.shape_cast %get3A_1908 : vector<1x16xf32> to vector<16xf32>
    %add3A_1910 = arith.addf %get3A_1904, %get3A_1909 : vector<16xf32>
    %mul3A_1911 = arith.mulf %add3A_1910, %div3A_1881 : vector<16xf32>
    %swap3A_1912 = arith.constant 21 : i32
    %swap3A_1913 = arith.index_cast %swap3A_1912 : i32 to index
    %swap3A_1914 = arith.constant 16 : index
    %swap3A_1915 = tpu.vector_load %arg6[%swap3A_1913, %swap3A_1914] {strides = array<i32>} : memref<32x128xf32, #tpu.memory_space<vmem>>, vector<1x16xf32>,
    %swap3A_1916 = vector.shape_cast %swap3A_1915 : vector<1x16xf32> to vector<16xf32>
    %swap3A_1917 = vector.shape_cast %mul3A_1911 : vector<16xf32> to vector<1x16xf32>
    tpu.vector_store %arg6[%swap3A_1913, %swap3A_1914], %swap3A_1917 {strides = array<i32>} : memref<32x128xf32, #tpu.memory_space<vmem>>, vector<1x16xf32>,
    %get3A_1918 = arith.constant 21 : i32
    %get3A_1919 = arith.index_cast %get3A_1918 : i32 to index
    %get3A_1920 = arith.constant 32 : index
    %get3A_1921 = tpu.vector_load %arg6[%get3A_1919, %get3A_1920] {strides = array<i32>} : memref<32x128xf32, #tpu.memory_space<vmem>>, vector<1x16xf32>,
    %get3A_1922 = vector.shape_cast %get3A_1921 : vector<1x16xf32> to vector<16xf32>
    %get3A_1923 = arith.constant 21 : i32
    %get3A_1924 = arith.index_cast %get3A_1923 : i32 to index
    %get3A_1925 = arith.constant 32 : index
    %get3A_1926 = tpu.vector_load %arg7[%get3A_1924, %get3A_1925] {strides = array<i32>} : memref<32x128xf32, #tpu.memory_space<vmem>>, vector<1x16xf32>,
    %get3A_1927 = vector.shape_cast %get3A_1926 : vector<1x16xf32> to vector<16xf32>
    %add3A_1928 = arith.addf %get3A_1922, %get3A_1927 : vector<16xf32>
    %mul3A_1929 = arith.mulf %add3A_1928, %div3A_1881 : vector<16xf32>
    %swap3A_1930 = arith.constant 21 : i32
    %swap3A_1931 = arith.index_cast %swap3A_1930 : i32 to index
    %swap3A_1932 = arith.constant 32 : index
    %swap3A_1933 = tpu.vector_load %arg6[%swap3A_1931, %swap3A_1932] {strides = array<i32>} : memref<32x128xf32, #tpu.memory_space<vmem>>, vector<1x16xf32>,
    %swap3A_1934 = vector.shape_cast %swap3A_1933 : vector<1x16xf32> to vector<16xf32>
    %swap3A_1935 = vector.shape_cast %mul3A_1929 : vector<16xf32> to vector<1x16xf32>
    tpu.vector_store %arg6[%swap3A_1931, %swap3A_1932], %swap3A_1935 {strides = array<i32>} : memref<32x128xf32, #tpu.memory_space<vmem>>, vector<1x16xf32>,
    %get3A_1936 = arith.constant 21 : i32
    %get3A_1937 = arith.index_cast %get3A_1936 : i32 to index
    %get3A_1938 = arith.constant 48 : index
    %get3A_1939 = tpu.vector_load %arg6[%get3A_1937, %get3A_1938] {strides = array<i32>} : memref<32x128xf32, #tpu.memory_space<vmem>>, vector<1x16xf32>,
    %get3A_1940 = vector.shape_cast %get3A_1939 : vector<1x16xf32> to vector<16xf32>
    %get3A_1941 = arith.constant 21 : i32
    %get3A_1942 = arith.index_cast %get3A_1941 : i32 to index
    %get3A_1943 = arith.constant 48 : index
    %get3A_1944 = tpu.vector_load %arg7[%get3A_1942, %get3A_1943] {strides = array<i32>} : memref<32x128xf32, #tpu.memory_space<vmem>>, vector<1x16xf32>,
    %get3A_1945 = vector.shape_cast %get3A_1944 : vector<1x16xf32> to vector<16xf32>
    %add3A_1946 = arith.addf %get3A_1940, %get3A_1945 : vector<16xf32>
    %mul3A_1947 = arith.mulf %add3A_1946, %div3A_1881 : vector<16xf32>
    %swap3A_1948 = arith.constant 21 : i32
    %swap3A_1949 = arith.index_cast %swap3A_1948 : i32 to index
    %swap3A_1950 = arith.constant 48 : index
    %swap3A_1951 = tpu.vector_load %arg6[%swap3A_1949, %swap3A_1950] {strides = array<i32>} : memref<32x128xf32, #tpu.memory_space<vmem>>, vector<1x16xf32>,
    %swap3A_1952 = vector.shape_cast %swap3A_1951 : vector<1x16xf32> to vector<16xf32>
    %swap3A_1953 = vector.shape_cast %mul3A_1947 : vector<16xf32> to vector<1x16xf32>
    tpu.vector_store %arg6[%swap3A_1949, %swap3A_1950], %swap3A_1953 {strides = array<i32>} : memref<32x128xf32, #tpu.memory_space<vmem>>, vector<1x16xf32>,
    %get3A_1954 = arith.constant 22 : i32
    %get3A_1955 = arith.index_cast %get3A_1954 : i32 to index
    %get3A_1956 = arith.constant 64 : index
    %get3A_1957 = tpu.vector_load %arg6[%get3A_1955, %get3A_1956] {strides = array<i32>} : memref<32x128xf32, #tpu.memory_space<vmem>>, vector<1x16xf32>,
    %get3A_1958 = vector.shape_cast %get3A_1957 : vector<1x16xf32> to vector<16xf32>
    %get3A_1959 = arith.constant 22 : i32
    %get3A_1960 = arith.index_cast %get3A_1959 : i32 to index
    %get3A_1961 = arith.constant 64 : index
    %get3A_1962 = tpu.vector_load %arg7[%get3A_1960, %get3A_1961] {strides = array<i32>} : memref<32x128xf32, #tpu.memory_space<vmem>>, vector<1x16xf32>,
    %get3A_1963 = vector.shape_cast %get3A_1962 : vector<1x16xf32> to vector<16xf32>
    %add3A_1964 = arith.addf %get3A_1958, %get3A_1963 : vector<16xf32>
    %max3A_1965 = arith.constant 1.000000e+00 : f32
    %max3A_1966 = vector.broadcast %max3A_1965 : f32 to vector<16xf32>
    %max3A_1967 = arith.maximumf %add3A_1964, %max3A_1966 : vector<16xf32>
    %div3A_1968 = arith.constant 1.000000e+00 : f32
    %div3A_1969 = vector.broadcast %div3A_1968 : f32 to vector<16xf32>
    %div3A_1970 = arith.divf %div3A_1969, %max3A_1967 : vector<16xf32>
    %get3A_1971 = arith.constant 22 : i32
    %get3A_1972 = arith.index_cast %get3A_1971 : i32 to index
    %get3A_1973 = arith.constant 0 : index
    %get3A_1974 = tpu.vector_load %arg6[%get3A_1972, %get3A_1973] {strides = array<i32>} : memref<32x128xf32, #tpu.memory_space<vmem>>, vector<1x16xf32>,
    %get3A_1975 = vector.shape_cast %get3A_1974 : vector<1x16xf32> to vector<16xf32>
    %get3A_1976 = arith.constant 22 : i32
    %get3A_1977 = arith.index_cast %get3A_1976 : i32 to index
    %get3A_1978 = arith.constant 0 : index
    %get3A_1979 = tpu.vector_load %arg7[%get3A_1977, %get3A_1978] {strides = array<i32>} : memref<32x128xf32, #tpu.memory_space<vmem>>, vector<1x16xf32>,
    %get3A_1980 = vector.shape_cast %get3A_1979 : vector<1x16xf32> to vector<16xf32>
    %add3A_1981 = arith.addf %get3A_1975, %get3A_1980 : vector<16xf32>
    %mul3A_1982 = arith.mulf %add3A_1981, %div3A_1970 : vector<16xf32>
    %swap3A_1983 = arith.constant 22 : i32
    %swap3A_1984 = arith.index_cast %swap3A_1983 : i32 to index
    %swap3A_1985 = arith.constant 0 : index
    %swap3A_1986 = tpu.vector_load %arg6[%swap3A_1984, %swap3A_1985] {strides = array<i32>} : memref<32x128xf32, #tpu.memory_space<vmem>>, vector<1x16xf32>,
    %swap3A_1987 = vector.shape_cast %swap3A_1986 : vector<1x16xf32> to vector<16xf32>
    %swap3A_1988 = vector.shape_cast %mul3A_1982 : vector<16xf32> to vector<1x16xf32>
    tpu.vector_store %arg6[%swap3A_1984, %swap3A_1985], %swap3A_1988 {strides = array<i32>} : memref<32x128xf32, #tpu.memory_space<vmem>>, vector<1x16xf32>,
    %get3A_1989 = arith.constant 22 : i32
    %get3A_1990 = arith.index_cast %get3A_1989 : i32 to index
    %get3A_1991 = arith.constant 16 : index
    %get3A_1992 = tpu.vector_load %arg6[%get3A_1990, %get3A_1991] {strides = array<i32>} : memref<32x128xf32, #tpu.memory_space<vmem>>, vector<1x16xf32>,
    %get3A_1993 = vector.shape_cast %get3A_1992 : vector<1x16xf32> to vector<16xf32>
    %get3A_1994 = arith.constant 22 : i32
    %get3A_1995 = arith.index_cast %get3A_1994 : i32 to index
    %get3A_1996 = arith.constant 16 : index
    %get3A_1997 = tpu.vector_load %arg7[%get3A_1995, %get3A_1996] {strides = array<i32>} : memref<32x128xf32, #tpu.memory_space<vmem>>, vector<1x16xf32>,
    %get3A_1998 = vector.shape_cast %get3A_1997 : vector<1x16xf32> to vector<16xf32>
    %add3A_1999 = arith.addf %get3A_1993, %get3A_1998 : vector<16xf32>
    %mul3A_2000 = arith.mulf %add3A_1999, %div3A_1970 : vector<16xf32>
    %swap3A_2001 = arith.constant 22 : i32
    %swap3A_2002 = arith.index_cast %swap3A_2001 : i32 to index
    %swap3A_2003 = arith.constant 16 : index
    %swap3A_2004 = tpu.vector_load %arg6[%swap3A_2002, %swap3A_2003] {strides = array<i32>} : memref<32x128xf32, #tpu.memory_space<vmem>>, vector<1x16xf32>,
    %swap3A_2005 = vector.shape_cast %swap3A_2004 : vector<1x16xf32> to vector<16xf32>
    %swap3A_2006 = vector.shape_cast %mul3A_2000 : vector<16xf32> to vector<1x16xf32>
    tpu.vector_store %arg6[%swap3A_2002, %swap3A_2003], %swap3A_2006 {strides = array<i32>} : memref<32x128xf32, #tpu.memory_space<vmem>>, vector<1x16xf32>,
    %get3A_2007 = arith.constant 22 : i32
    %get3A_2008 = arith.index_cast %get3A_2007 : i32 to index
    %get3A_2009 = arith.constant 32 : index
    %get3A_2010 = tpu.vector_load %arg6[%get3A_2008, %get3A_2009] {strides = array<i32>} : memref<32x128xf32, #tpu.memory_space<vmem>>, vector<1x16xf32>,
    %get3A_2011 = vector.shape_cast %get3A_2010 : vector<1x16xf32> to vector<16xf32>
    %get3A_2012 = arith.constant 22 : i32
    %get3A_2013 = arith.index_cast %get3A_2012 : i32 to index
    %get3A_2014 = arith.constant 32 : index
    %get3A_2015 = tpu.vector_load %arg7[%get3A_2013, %get3A_2014] {strides = array<i32>} : memref<32x128xf32, #tpu.memory_space<vmem>>, vector<1x16xf32>,
    %get3A_2016 = vector.shape_cast %get3A_2015 : vector<1x16xf32> to vector<16xf32>
    %add3A_2017 = arith.addf %get3A_2011, %get3A_2016 : vector<16xf32>
    %mul3A_2018 = arith.mulf %add3A_2017, %div3A_1970 : vector<16xf32>
    %swap3A_2019 = arith.constant 22 : i32
    %swap3A_2020 = arith.index_cast %swap3A_2019 : i32 to index
    %swap3A_2021 = arith.constant 32 : index
    %swap3A_2022 = tpu.vector_load %arg6[%swap3A_2020, %swap3A_2021] {strides = array<i32>} : memref<32x128xf32, #tpu.memory_space<vmem>>, vector<1x16xf32>,
    %swap3A_2023 = vector.shape_cast %swap3A_2022 : vector<1x16xf32> to vector<16xf32>
    %swap3A_2024 = vector.shape_cast %mul3A_2018 : vector<16xf32> to vector<1x16xf32>
    tpu.vector_store %arg6[%swap3A_2020, %swap3A_2021], %swap3A_2024 {strides = array<i32>} : memref<32x128xf32, #tpu.memory_space<vmem>>, vector<1x16xf32>,
    %get3A_2025 = arith.constant 22 : i32
    %get3A_2026 = arith.index_cast %get3A_2025 : i32 to index
    %get3A_2027 = arith.constant 48 : index
    %get3A_2028 = tpu.vector_load %arg6[%get3A_2026, %get3A_2027] {strides = array<i32>} : memref<32x128xf32, #tpu.memory_space<vmem>>, vector<1x16xf32>,
    %get3A_2029 = vector.shape_cast %get3A_2028 : vector<1x16xf32> to vector<16xf32>
    %get3A_2030 = arith.constant 22 : i32
    %get3A_2031 = arith.index_cast %get3A_2030 : i32 to index
    %get3A_2032 = arith.constant 48 : index
    %get3A_2033 = tpu.vector_load %arg7[%get3A_2031, %get3A_2032] {strides = array<i32>} : memref<32x128xf32, #tpu.memory_space<vmem>>, vector<1x16xf32>,
    %get3A_2034 = vector.shape_cast %get3A_2033 : vector<1x16xf32> to vector<16xf32>
    %add3A_2035 = arith.addf %get3A_2029, %get3A_2034 : vector<16xf32>
    %mul3A_2036 = arith.mulf %add3A_2035, %div3A_1970 : vector<16xf32>
    %swap3A_2037 = arith.constant 22 : i32
    %swap3A_2038 = arith.index_cast %swap3A_2037 : i32 to index
    %swap3A_2039 = arith.constant 48 : index
    %swap3A_2040 = tpu.vector_load %arg6[%swap3A_2038, %swap3A_2039] {strides = array<i32>} : memref<32x128xf32, #tpu.memory_space<vmem>>, vector<1x16xf32>,
    %swap3A_2041 = vector.shape_cast %swap3A_2040 : vector<1x16xf32> to vector<16xf32>
    %swap3A_2042 = vector.shape_cast %mul3A_2036 : vector<16xf32> to vector<1x16xf32>
    tpu.vector_store %arg6[%swap3A_2038, %swap3A_2039], %swap3A_2042 {strides = array<i32>} : memref<32x128xf32, #tpu.memory_space<vmem>>, vector<1x16xf32>,
    %get3A_2043 = arith.constant 23 : i32
    %get3A_2044 = arith.index_cast %get3A_2043 : i32 to index
    %get3A_2045 = arith.constant 64 : index
    %get3A_2046 = tpu.vector_load %arg6[%get3A_2044, %get3A_2045] {strides = array<i32>} : memref<32x128xf32, #tpu.memory_space<vmem>>, vector<1x16xf32>,
    %get3A_2047 = vector.shape_cast %get3A_2046 : vector<1x16xf32> to vector<16xf32>
    %get3A_2048 = arith.constant 23 : i32
    %get3A_2049 = arith.index_cast %get3A_2048 : i32 to index
    %get3A_2050 = arith.constant 64 : index
    %get3A_2051 = tpu.vector_load %arg7[%get3A_2049, %get3A_2050] {strides = array<i32>} : memref<32x128xf32, #tpu.memory_space<vmem>>, vector<1x16xf32>,
    %get3A_2052 = vector.shape_cast %get3A_2051 : vector<1x16xf32> to vector<16xf32>
    %add3A_2053 = arith.addf %get3A_2047, %get3A_2052 : vector<16xf32>
    %max3A_2054 = arith.constant 1.000000e+00 : f32
    %max3A_2055 = vector.broadcast %max3A_2054 : f32 to vector<16xf32>
    %max3A_2056 = arith.maximumf %add3A_2053, %max3A_2055 : vector<16xf32>
    %div3A_2057 = arith.constant 1.000000e+00 : f32
    %div3A_2058 = vector.broadcast %div3A_2057 : f32 to vector<16xf32>
    %div3A_2059 = arith.divf %div3A_2058, %max3A_2056 : vector<16xf32>
    %get3A_2060 = arith.constant 23 : i32
    %get3A_2061 = arith.index_cast %get3A_2060 : i32 to index
    %get3A_2062 = arith.constant 0 : index
    %get3A_2063 = tpu.vector_load %arg6[%get3A_2061, %get3A_2062] {strides = array<i32>} : memref<32x128xf32, #tpu.memory_space<vmem>>, vector<1x16xf32>,
    %get3A_2064 = vector.shape_cast %get3A_2063 : vector<1x16xf32> to vector<16xf32>
    %get3A_2065 = arith.constant 23 : i32
    %get3A_2066 = arith.index_cast %get3A_2065 : i32 to index
    %get3A_2067 = arith.constant 0 : index
    %get3A_2068 = tpu.vector_load %arg7[%get3A_2066, %get3A_2067] {strides = array<i32>} : memref<32x128xf32, #tpu.memory_space<vmem>>, vector<1x16xf32>,
    %get3A_2069 = vector.shape_cast %get3A_2068 : vector<1x16xf32> to vector<16xf32>
    %add3A_2070 = arith.addf %get3A_2064, %get3A_2069 : vector<16xf32>
    %mul3A_2071 = arith.mulf %add3A_2070, %div3A_2059 : vector<16xf32>
    %swap3A_2072 = arith.constant 23 : i32
    %swap3A_2073 = arith.index_cast %swap3A_2072 : i32 to index
    %swap3A_2074 = arith.constant 0 : index
    %swap3A_2075 = tpu.vector_load %arg6[%swap3A_2073, %swap3A_2074] {strides = array<i32>} : memref<32x128xf32, #tpu.memory_space<vmem>>, vector<1x16xf32>,
    %swap3A_2076 = vector.shape_cast %swap3A_2075 : vector<1x16xf32> to vector<16xf32>
    %swap3A_2077 = vector.shape_cast %mul3A_2071 : vector<16xf32> to vector<1x16xf32>
    tpu.vector_store %arg6[%swap3A_2073, %swap3A_2074], %swap3A_2077 {strides = array<i32>} : memref<32x128xf32, #tpu.memory_space<vmem>>, vector<1x16xf32>,
    %get3A_2078 = arith.constant 23 : i32
    %get3A_2079 = arith.index_cast %get3A_2078 : i32 to index
    %get3A_2080 = arith.constant 16 : index
    %get3A_2081 = tpu.vector_load %arg6[%get3A_2079, %get3A_2080] {strides = array<i32>} : memref<32x128xf32, #tpu.memory_space<vmem>>, vector<1x16xf32>,
    %get3A_2082 = vector.shape_cast %get3A_2081 : vector<1x16xf32> to vector<16xf32>
    %get3A_2083 = arith.constant 23 : i32
    %get3A_2084 = arith.index_cast %get3A_2083 : i32 to index
    %get3A_2085 = arith.constant 16 : index
    %get3A_2086 = tpu.vector_load %arg7[%get3A_2084, %get3A_2085] {strides = array<i32>} : memref<32x128xf32, #tpu.memory_space<vmem>>, vector<1x16xf32>,
    %get3A_2087 = vector.shape_cast %get3A_2086 : vector<1x16xf32> to vector<16xf32>
    %add3A_2088 = arith.addf %get3A_2082, %get3A_2087 : vector<16xf32>
    %mul3A_2089 = arith.mulf %add3A_2088, %div3A_2059 : vector<16xf32>
    %swap3A_2090 = arith.constant 23 : i32
    %swap3A_2091 = arith.index_cast %swap3A_2090 : i32 to index
    %swap3A_2092 = arith.constant 16 : index
    %swap3A_2093 = tpu.vector_load %arg6[%swap3A_2091, %swap3A_2092] {strides = array<i32>} : memref<32x128xf32, #tpu.memory_space<vmem>>, vector<1x16xf32>,
    %swap3A_2094 = vector.shape_cast %swap3A_2093 : vector<1x16xf32> to vector<16xf32>
    %swap3A_2095 = vector.shape_cast %mul3A_2089 : vector<16xf32> to vector<1x16xf32>
    tpu.vector_store %arg6[%swap3A_2091, %swap3A_2092], %swap3A_2095 {strides = array<i32>} : memref<32x128xf32, #tpu.memory_space<vmem>>, vector<1x16xf32>,
    %get3A_2096 = arith.constant 23 : i32
    %get3A_2097 = arith.index_cast %get3A_2096 : i32 to index
    %get3A_2098 = arith.constant 32 : index
    %get3A_2099 = tpu.vector_load %arg6[%get3A_2097, %get3A_2098] {strides = array<i32>} : memref<32x128xf32, #tpu.memory_space<vmem>>, vector<1x16xf32>,
    %get3A_2100 = vector.shape_cast %get3A_2099 : vector<1x16xf32> to vector<16xf32>
    %get3A_2101 = arith.constant 23 : i32
    %get3A_2102 = arith.index_cast %get3A_2101 : i32 to index
    %get3A_2103 = arith.constant 32 : index
    %get3A_2104 = tpu.vector_load %arg7[%get3A_2102, %get3A_2103] {strides = array<i32>} : memref<32x128xf32, #tpu.memory_space<vmem>>, vector<1x16xf32>,
    %get3A_2105 = vector.shape_cast %get3A_2104 : vector<1x16xf32> to vector<16xf32>
    %add3A_2106 = arith.addf %get3A_2100, %get3A_2105 : vector<16xf32>
    %mul3A_2107 = arith.mulf %add3A_2106, %div3A_2059 : vector<16xf32>
    %swap3A_2108 = arith.constant 23 : i32
    %swap3A_2109 = arith.index_cast %swap3A_2108 : i32 to index
    %swap3A_2110 = arith.constant 32 : index
    %swap3A_2111 = tpu.vector_load %arg6[%swap3A_2109, %swap3A_2110] {strides = array<i32>} : memref<32x128xf32, #tpu.memory_space<vmem>>, vector<1x16xf32>,
    %swap3A_2112 = vector.shape_cast %swap3A_2111 : vector<1x16xf32> to vector<16xf32>
    %swap3A_2113 = vector.shape_cast %mul3A_2107 : vector<16xf32> to vector<1x16xf32>
    tpu.vector_store %arg6[%swap3A_2109, %swap3A_2110], %swap3A_2113 {strides = array<i32>} : memref<32x128xf32, #tpu.memory_space<vmem>>, vector<1x16xf32>,
    %get3A_2114 = arith.constant 23 : i32
    %get3A_2115 = arith.index_cast %get3A_2114 : i32 to index
    %get3A_2116 = arith.constant 48 : index
    %get3A_2117 = tpu.vector_load %arg6[%get3A_2115, %get3A_2116] {strides = array<i32>} : memref<32x128xf32, #tpu.memory_space<vmem>>, vector<1x16xf32>,
    %get3A_2118 = vector.shape_cast %get3A_2117 : vector<1x16xf32> to vector<16xf32>
    %get3A_2119 = arith.constant 23 : i32
    %get3A_2120 = arith.index_cast %get3A_2119 : i32 to index
    %get3A_2121 = arith.constant 48 : index
    %get3A_2122 = tpu.vector_load %arg7[%get3A_2120, %get3A_2121] {strides = array<i32>} : memref<32x128xf32, #tpu.memory_space<vmem>>, vector<1x16xf32>,
    %get3A_2123 = vector.shape_cast %get3A_2122 : vector<1x16xf32> to vector<16xf32>
    %add3A_2124 = arith.addf %get3A_2118, %get3A_2123 : vector<16xf32>
    %mul3A_2125 = arith.mulf %add3A_2124, %div3A_2059 : vector<16xf32>
    %swap3A_2126 = arith.constant 23 : i32
    %swap3A_2127 = arith.index_cast %swap3A_2126 : i32 to index
    %swap3A_2128 = arith.constant 48 : index
    %swap3A_2129 = tpu.vector_load %arg6[%swap3A_2127, %swap3A_2128] {strides = array<i32>} : memref<32x128xf32, #tpu.memory_space<vmem>>, vector<1x16xf32>,
    %swap3A_2130 = vector.shape_cast %swap3A_2129 : vector<1x16xf32> to vector<16xf32>
    %swap3A_2131 = vector.shape_cast %mul3A_2125 : vector<16xf32> to vector<1x16xf32>
    tpu.vector_store %arg6[%swap3A_2127, %swap3A_2128], %swap3A_2131 {strides = array<i32>} : memref<32x128xf32, #tpu.memory_space<vmem>>, vector<1x16xf32>,
    %get3A_2132 = arith.constant 24 : i32
    %get3A_2133 = arith.index_cast %get3A_2132 : i32 to index
    %get3A_2134 = arith.constant 64 : index
    %get3A_2135 = tpu.vector_load %arg6[%get3A_2133, %get3A_2134] {strides = array<i32>} : memref<32x128xf32, #tpu.memory_space<vmem>>, vector<1x16xf32>,
    %get3A_2136 = vector.shape_cast %get3A_2135 : vector<1x16xf32> to vector<16xf32>
    %get3A_2137 = arith.constant 24 : i32
    %get3A_2138 = arith.index_cast %get3A_2137 : i32 to index
    %get3A_2139 = arith.constant 64 : index
    %get3A_2140 = tpu.vector_load %arg7[%get3A_2138, %get3A_2139] {strides = array<i32>} : memref<32x128xf32, #tpu.memory_space<vmem>>, vector<1x16xf32>,
    %get3A_2141 = vector.shape_cast %get3A_2140 : vector<1x16xf32> to vector<16xf32>
    %add3A_2142 = arith.addf %get3A_2136, %get3A_2141 : vector<16xf32>
    %max3A_2143 = arith.constant 1.000000e+00 : f32
    %max3A_2144 = vector.broadcast %max3A_2143 : f32 to vector<16xf32>
    %max3A_2145 = arith.maximumf %add3A_2142, %max3A_2144 : vector<16xf32>
    %div3A_2146 = arith.constant 1.000000e+00 : f32
    %div3A_2147 = vector.broadcast %div3A_2146 : f32 to vector<16xf32>
    %div3A_2148 = arith.divf %div3A_2147, %max3A_2145 : vector<16xf32>
    %get3A_2149 = arith.constant 24 : i32
    %get3A_2150 = arith.index_cast %get3A_2149 : i32 to index
    %get3A_2151 = arith.constant 0 : index
    %get3A_2152 = tpu.vector_load %arg6[%get3A_2150, %get3A_2151] {strides = array<i32>} : memref<32x128xf32, #tpu.memory_space<vmem>>, vector<1x16xf32>,
    %get3A_2153 = vector.shape_cast %get3A_2152 : vector<1x16xf32> to vector<16xf32>
    %get3A_2154 = arith.constant 24 : i32
    %get3A_2155 = arith.index_cast %get3A_2154 : i32 to index
    %get3A_2156 = arith.constant 0 : index
    %get3A_2157 = tpu.vector_load %arg7[%get3A_2155, %get3A_2156] {strides = array<i32>} : memref<32x128xf32, #tpu.memory_space<vmem>>, vector<1x16xf32>,
    %get3A_2158 = vector.shape_cast %get3A_2157 : vector<1x16xf32> to vector<16xf32>
    %add3A_2159 = arith.addf %get3A_2153, %get3A_2158 : vector<16xf32>
    %mul3A_2160 = arith.mulf %add3A_2159, %div3A_2148 : vector<16xf32>
    %swap3A_2161 = arith.constant 24 : i32
    %swap3A_2162 = arith.index_cast %swap3A_2161 : i32 to index
    %swap3A_2163 = arith.constant 0 : index
    %swap3A_2164 = tpu.vector_load %arg6[%swap3A_2162, %swap3A_2163] {strides = array<i32>} : memref<32x128xf32, #tpu.memory_space<vmem>>, vector<1x16xf32>,
    %swap3A_2165 = vector.shape_cast %swap3A_2164 : vector<1x16xf32> to vector<16xf32>
    %swap3A_2166 = vector.shape_cast %mul3A_2160 : vector<16xf32> to vector<1x16xf32>
    tpu.vector_store %arg6[%swap3A_2162, %swap3A_2163], %swap3A_2166 {strides = array<i32>} : memref<32x128xf32, #tpu.memory_space<vmem>>, vector<1x16xf32>,
    %get3A_2167 = arith.constant 24 : i32
    %get3A_2168 = arith.index_cast %get3A_2167 : i32 to index
    %get3A_2169 = arith.constant 16 : index
    %get3A_2170 = tpu.vector_load %arg6[%get3A_2168, %get3A_2169] {strides = array<i32>} : memref<32x128xf32, #tpu.memory_space<vmem>>, vector<1x16xf32>,
    %get3A_2171 = vector.shape_cast %get3A_2170 : vector<1x16xf32> to vector<16xf32>
    %get3A_2172 = arith.constant 24 : i32
    %get3A_2173 = arith.index_cast %get3A_2172 : i32 to index
    %get3A_2174 = arith.constant 16 : index
    %get3A_2175 = tpu.vector_load %arg7[%get3A_2173, %get3A_2174] {strides = array<i32>} : memref<32x128xf32, #tpu.memory_space<vmem>>, vector<1x16xf32>,
    %get3A_2176 = vector.shape_cast %get3A_2175 : vector<1x16xf32> to vector<16xf32>
    %add3A_2177 = arith.addf %get3A_2171, %get3A_2176 : vector<16xf32>
    %mul3A_2178 = arith.mulf %add3A_2177, %div3A_2148 : vector<16xf32>
    %swap3A_2179 = arith.constant 24 : i32
    %swap3A_2180 = arith.index_cast %swap3A_2179 : i32 to index
    %swap3A_2181 = arith.constant 16 : index
    %swap3A_2182 = tpu.vector_load %arg6[%swap3A_2180, %swap3A_2181] {strides = array<i32>} : memref<32x128xf32, #tpu.memory_space<vmem>>, vector<1x16xf32>,
    %swap3A_2183 = vector.shape_cast %swap3A_2182 : vector<1x16xf32> to vector<16xf32>
    %swap3A_2184 = vector.shape_cast %mul3A_2178 : vector<16xf32> to vector<1x16xf32>
    tpu.vector_store %arg6[%swap3A_2180, %swap3A_2181], %swap3A_2184 {strides = array<i32>} : memref<32x128xf32, #tpu.memory_space<vmem>>, vector<1x16xf32>,
    %get3A_2185 = arith.constant 24 : i32
    %get3A_2186 = arith.index_cast %get3A_2185 : i32 to index
    %get3A_2187 = arith.constant 32 : index
    %get3A_2188 = tpu.vector_load %arg6[%get3A_2186, %get3A_2187] {strides = array<i32>} : memref<32x128xf32, #tpu.memory_space<vmem>>, vector<1x16xf32>,
    %get3A_2189 = vector.shape_cast %get3A_2188 : vector<1x16xf32> to vector<16xf32>
    %get3A_2190 = arith.constant 24 : i32
    %get3A_2191 = arith.index_cast %get3A_2190 : i32 to index
    %get3A_2192 = arith.constant 32 : index
    %get3A_2193 = tpu.vector_load %arg7[%get3A_2191, %get3A_2192] {strides = array<i32>} : memref<32x128xf32, #tpu.memory_space<vmem>>, vector<1x16xf32>,
    %get3A_2194 = vector.shape_cast %get3A_2193 : vector<1x16xf32> to vector<16xf32>
    %add3A_2195 = arith.addf %get3A_2189, %get3A_2194 : vector<16xf32>
    %mul3A_2196 = arith.mulf %add3A_2195, %div3A_2148 : vector<16xf32>
    %swap3A_2197 = arith.constant 24 : i32
    %swap3A_2198 = arith.index_cast %swap3A_2197 : i32 to index
    %swap3A_2199 = arith.constant 32 : index
    %swap3A_2200 = tpu.vector_load %arg6[%swap3A_2198, %swap3A_2199] {strides = array<i32>} : memref<32x128xf32, #tpu.memory_space<vmem>>, vector<1x16xf32>,
    %swap3A_2201 = vector.shape_cast %swap3A_2200 : vector<1x16xf32> to vector<16xf32>
    %swap3A_2202 = vector.shape_cast %mul3A_2196 : vector<16xf32> to vector<1x16xf32>
    tpu.vector_store %arg6[%swap3A_2198, %swap3A_2199], %swap3A_2202 {strides = array<i32>} : memref<32x128xf32, #tpu.memory_space<vmem>>, vector<1x16xf32>,
    %get3A_2203 = arith.constant 24 : i32
    %get3A_2204 = arith.index_cast %get3A_2203 : i32 to index
    %get3A_2205 = arith.constant 48 : index
    %get3A_2206 = tpu.vector_load %arg6[%get3A_2204, %get3A_2205] {strides = array<i32>} : memref<32x128xf32, #tpu.memory_space<vmem>>, vector<1x16xf32>,
    %get3A_2207 = vector.shape_cast %get3A_2206 : vector<1x16xf32> to vector<16xf32>
    %get3A_2208 = arith.constant 24 : i32
    %get3A_2209 = arith.index_cast %get3A_2208 : i32 to index
    %get3A_2210 = arith.constant 48 : index
    %get3A_2211 = tpu.vector_load %arg7[%get3A_2209, %get3A_2210] {strides = array<i32>} : memref<32x128xf32, #tpu.memory_space<vmem>>, vector<1x16xf32>,
    %get3A_2212 = vector.shape_cast %get3A_2211 : vector<1x16xf32> to vector<16xf32>
    %add3A_2213 = arith.addf %get3A_2207, %get3A_2212 : vector<16xf32>
    %mul3A_2214 = arith.mulf %add3A_2213, %div3A_2148 : vector<16xf32>
    %swap3A_2215 = arith.constant 24 : i32
    %swap3A_2216 = arith.index_cast %swap3A_2215 : i32 to index
    %swap3A_2217 = arith.constant 48 : index
    %swap3A_2218 = tpu.vector_load %arg6[%swap3A_2216, %swap3A_2217] {strides = array<i32>} : memref<32x128xf32, #tpu.memory_space<vmem>>, vector<1x16xf32>,
    %swap3A_2219 = vector.shape_cast %swap3A_2218 : vector<1x16xf32> to vector<16xf32>
    %swap3A_2220 = vector.shape_cast %mul3A_2214 : vector<16xf32> to vector<1x16xf32>
    tpu.vector_store %arg6[%swap3A_2216, %swap3A_2217], %swap3A_2220 {strides = array<i32>} : memref<32x128xf32, #tpu.memory_space<vmem>>, vector<1x16xf32>,
    %get3A_2221 = arith.constant 25 : i32
    %get3A_2222 = arith.index_cast %get3A_2221 : i32 to index
    %get3A_2223 = arith.constant 64 : index
    %get3A_2224 = tpu.vector_load %arg6[%get3A_2222, %get3A_2223] {strides = array<i32>} : memref<32x128xf32, #tpu.memory_space<vmem>>, vector<1x16xf32>,
    %get3A_2225 = vector.shape_cast %get3A_2224 : vector<1x16xf32> to vector<16xf32>
    %get3A_2226 = arith.constant 25 : i32
    %get3A_2227 = arith.index_cast %get3A_2226 : i32 to index
    %get3A_2228 = arith.constant 64 : index
    %get3A_2229 = tpu.vector_load %arg7[%get3A_2227, %get3A_2228] {strides = array<i32>} : memref<32x128xf32, #tpu.memory_space<vmem>>, vector<1x16xf32>,
    %get3A_2230 = vector.shape_cast %get3A_2229 : vector<1x16xf32> to vector<16xf32>
    %add3A_2231 = arith.addf %get3A_2225, %get3A_2230 : vector<16xf32>
    %max3A_2232 = arith.constant 1.000000e+00 : f32
    %max3A_2233 = vector.broadcast %max3A_2232 : f32 to vector<16xf32>
    %max3A_2234 = arith.maximumf %add3A_2231, %max3A_2233 : vector<16xf32>
    %div3A_2235 = arith.constant 1.000000e+00 : f32
    %div3A_2236 = vector.broadcast %div3A_2235 : f32 to vector<16xf32>
    %div3A_2237 = arith.divf %div3A_2236, %max3A_2234 : vector<16xf32>
    %get3A_2238 = arith.constant 25 : i32
    %get3A_2239 = arith.index_cast %get3A_2238 : i32 to index
    %get3A_2240 = arith.constant 0 : index
    %get3A_2241 = tpu.vector_load %arg6[%get3A_2239, %get3A_2240] {strides = array<i32>} : memref<32x128xf32, #tpu.memory_space<vmem>>, vector<1x16xf32>,
    %get3A_2242 = vector.shape_cast %get3A_2241 : vector<1x16xf32> to vector<16xf32>
    %get3A_2243 = arith.constant 25 : i32
    %get3A_2244 = arith.index_cast %get3A_2243 : i32 to index
    %get3A_2245 = arith.constant 0 : index
    %get3A_2246 = tpu.vector_load %arg7[%get3A_2244, %get3A_2245] {strides = array<i32>} : memref<32x128xf32, #tpu.memory_space<vmem>>, vector<1x16xf32>,
    %get3A_2247 = vector.shape_cast %get3A_2246 : vector<1x16xf32> to vector<16xf32>
    %add3A_2248 = arith.addf %get3A_2242, %get3A_2247 : vector<16xf32>
    %mul3A_2249 = arith.mulf %add3A_2248, %div3A_2237 : vector<16xf32>
    %swap3A_2250 = arith.constant 25 : i32
    %swap3A_2251 = arith.index_cast %swap3A_2250 : i32 to index
    %swap3A_2252 = arith.constant 0 : index
    %swap3A_2253 = tpu.vector_load %arg6[%swap3A_2251, %swap3A_2252] {strides = array<i32>} : memref<32x128xf32, #tpu.memory_space<vmem>>, vector<1x16xf32>,
    %swap3A_2254 = vector.shape_cast %swap3A_2253 : vector<1x16xf32> to vector<16xf32>
    %swap3A_2255 = vector.shape_cast %mul3A_2249 : vector<16xf32> to vector<1x16xf32>
    tpu.vector_store %arg6[%swap3A_2251, %swap3A_2252], %swap3A_2255 {strides = array<i32>} : memref<32x128xf32, #tpu.memory_space<vmem>>, vector<1x16xf32>,
    %get3A_2256 = arith.constant 25 : i32
    %get3A_2257 = arith.index_cast %get3A_2256 : i32 to index
    %get3A_2258 = arith.constant 16 : index
    %get3A_2259 = tpu.vector_load %arg6[%get3A_2257, %get3A_2258] {strides = array<i32>} : memref<32x128xf32, #tpu.memory_space<vmem>>, vector<1x16xf32>,
    %get3A_2260 = vector.shape_cast %get3A_2259 : vector<1x16xf32> to vector<16xf32>
    %get3A_2261 = arith.constant 25 : i32
    %get3A_2262 = arith.index_cast %get3A_2261 : i32 to index
    %get3A_2263 = arith.constant 16 : index
    %get3A_2264 = tpu.vector_load %arg7[%get3A_2262, %get3A_2263] {strides = array<i32>} : memref<32x128xf32, #tpu.memory_space<vmem>>, vector<1x16xf32>,
    %get3A_2265 = vector.shape_cast %get3A_2264 : vector<1x16xf32> to vector<16xf32>
    %add3A_2266 = arith.addf %get3A_2260, %get3A_2265 : vector<16xf32>
    %mul3A_2267 = arith.mulf %add3A_2266, %div3A_2237 : vector<16xf32>
    %swap3A_2268 = arith.constant 25 : i32
    %swap3A_2269 = arith.index_cast %swap3A_2268 : i32 to index
    %swap3A_2270 = arith.constant 16 : index
    %swap3A_2271 = tpu.vector_load %arg6[%swap3A_2269, %swap3A_2270] {strides = array<i32>} : memref<32x128xf32, #tpu.memory_space<vmem>>, vector<1x16xf32>,
    %swap3A_2272 = vector.shape_cast %swap3A_2271 : vector<1x16xf32> to vector<16xf32>
    %swap3A_2273 = vector.shape_cast %mul3A_2267 : vector<16xf32> to vector<1x16xf32>
    tpu.vector_store %arg6[%swap3A_2269, %swap3A_2270], %swap3A_2273 {strides = array<i32>} : memref<32x128xf32, #tpu.memory_space<vmem>>, vector<1x16xf32>,
    %get3A_2274 = arith.constant 25 : i32
    %get3A_2275 = arith.index_cast %get3A_2274 : i32 to index
    %get3A_2276 = arith.constant 32 : index
    %get3A_2277 = tpu.vector_load %arg6[%get3A_2275, %get3A_2276] {strides = array<i32>} : memref<32x128xf32, #tpu.memory_space<vmem>>, vector<1x16xf32>,
    %get3A_2278 = vector.shape_cast %get3A_2277 : vector<1x16xf32> to vector<16xf32>
    %get3A_2279 = arith.constant 25 : i32
    %get3A_2280 = arith.index_cast %get3A_2279 : i32 to index
    %get3A_2281 = arith.constant 32 : index
    %get3A_2282 = tpu.vector_load %arg7[%get3A_2280, %get3A_2281] {strides = array<i32>} : memref<32x128xf32, #tpu.memory_space<vmem>>, vector<1x16xf32>,
    %get3A_2283 = vector.shape_cast %get3A_2282 : vector<1x16xf32> to vector<16xf32>
    %add3A_2284 = arith.addf %get3A_2278, %get3A_2283 : vector<16xf32>
    %mul3A_2285 = arith.mulf %add3A_2284, %div3A_2237 : vector<16xf32>
    %swap3A_2286 = arith.constant 25 : i32
    %swap3A_2287 = arith.index_cast %swap3A_2286 : i32 to index
    %swap3A_2288 = arith.constant 32 : index
    %swap3A_2289 = tpu.vector_load %arg6[%swap3A_2287, %swap3A_2288] {strides = array<i32>} : memref<32x128xf32, #tpu.memory_space<vmem>>, vector<1x16xf32>,
    %swap3A_2290 = vector.shape_cast %swap3A_2289 : vector<1x16xf32> to vector<16xf32>
    %swap3A_2291 = vector.shape_cast %mul3A_2285 : vector<16xf32> to vector<1x16xf32>
    tpu.vector_store %arg6[%swap3A_2287, %swap3A_2288], %swap3A_2291 {strides = array<i32>} : memref<32x128xf32, #tpu.memory_space<vmem>>, vector<1x16xf32>,
    %get3A_2292 = arith.constant 25 : i32
    %get3A_2293 = arith.index_cast %get3A_2292 : i32 to index
    %get3A_2294 = arith.constant 48 : index
    %get3A_2295 = tpu.vector_load %arg6[%get3A_2293, %get3A_2294] {strides = array<i32>} : memref<32x128xf32, #tpu.memory_space<vmem>>, vector<1x16xf32>,
    %get3A_2296 = vector.shape_cast %get3A_2295 : vector<1x16xf32> to vector<16xf32>
    %get3A_2297 = arith.constant 25 : i32
    %get3A_2298 = arith.index_cast %get3A_2297 : i32 to index
    %get3A_2299 = arith.constant 48 : index
    %get3A_2300 = tpu.vector_load %arg7[%get3A_2298, %get3A_2299] {strides = array<i32>} : memref<32x128xf32, #tpu.memory_space<vmem>>, vector<1x16xf32>,
    %get3A_2301 = vector.shape_cast %get3A_2300 : vector<1x16xf32> to vector<16xf32>
    %add3A_2302 = arith.addf %get3A_2296, %get3A_2301 : vector<16xf32>
    %mul3A_2303 = arith.mulf %add3A_2302, %div3A_2237 : vector<16xf32>
    %swap3A_2304 = arith.constant 25 : i32
    %swap3A_2305 = arith.index_cast %swap3A_2304 : i32 to index
    %swap3A_2306 = arith.constant 48 : index
    %swap3A_2307 = tpu.vector_load %arg6[%swap3A_2305, %swap3A_2306] {strides = array<i32>} : memref<32x128xf32, #tpu.memory_space<vmem>>, vector<1x16xf32>,
    %swap3A_2308 = vector.shape_cast %swap3A_2307 : vector<1x16xf32> to vector<16xf32>
    %swap3A_2309 = vector.shape_cast %mul3A_2303 : vector<16xf32> to vector<1x16xf32>
    tpu.vector_store %arg6[%swap3A_2305, %swap3A_2306], %swap3A_2309 {strides = array<i32>} : memref<32x128xf32, #tpu.memory_space<vmem>>, vector<1x16xf32>,
    %get3A_2310 = arith.constant 26 : i32
    %get3A_2311 = arith.index_cast %get3A_2310 : i32 to index
    %get3A_2312 = arith.constant 64 : index
    %get3A_2313 = tpu.vector_load %arg6[%get3A_2311, %get3A_2312] {strides = array<i32>} : memref<32x128xf32, #tpu.memory_space<vmem>>, vector<1x16xf32>,
    %get3A_2314 = vector.shape_cast %get3A_2313 : vector<1x16xf32> to vector<16xf32>
    %get3A_2315 = arith.constant 26 : i32
    %get3A_2316 = arith.index_cast %get3A_2315 : i32 to index
    %get3A_2317 = arith.constant 64 : index
    %get3A_2318 = tpu.vector_load %arg7[%get3A_2316, %get3A_2317] {strides = array<i32>} : memref<32x128xf32, #tpu.memory_space<vmem>>, vector<1x16xf32>,
    %get3A_2319 = vector.shape_cast %get3A_2318 : vector<1x16xf32> to vector<16xf32>
    %add3A_2320 = arith.addf %get3A_2314, %get3A_2319 : vector<16xf32>
    %max3A_2321 = arith.constant 1.000000e+00 : f32
    %max3A_2322 = vector.broadcast %max3A_2321 : f32 to vector<16xf32>
    %max3A_2323 = arith.maximumf %add3A_2320, %max3A_2322 : vector<16xf32>
    %div3A_2324 = arith.constant 1.000000e+00 : f32
    %div3A_2325 = vector.broadcast %div3A_2324 : f32 to vector<16xf32>
    %div3A_2326 = arith.divf %div3A_2325, %max3A_2323 : vector<16xf32>
    %get3A_2327 = arith.constant 26 : i32
    %get3A_2328 = arith.index_cast %get3A_2327 : i32 to index
    %get3A_2329 = arith.constant 0 : index
    %get3A_2330 = tpu.vector_load %arg6[%get3A_2328, %get3A_2329] {strides = array<i32>} : memref<32x128xf32, #tpu.memory_space<vmem>>, vector<1x16xf32>,
    %get3A_2331 = vector.shape_cast %get3A_2330 : vector<1x16xf32> to vector<16xf32>
    %get3A_2332 = arith.constant 26 : i32
    %get3A_2333 = arith.index_cast %get3A_2332 : i32 to index
    %get3A_2334 = arith.constant 0 : index
    %get3A_2335 = tpu.vector_load %arg7[%get3A_2333, %get3A_2334] {strides = array<i32>} : memref<32x128xf32, #tpu.memory_space<vmem>>, vector<1x16xf32>,
    %get3A_2336 = vector.shape_cast %get3A_2335 : vector<1x16xf32> to vector<16xf32>
    %add3A_2337 = arith.addf %get3A_2331, %get3A_2336 : vector<16xf32>
    %mul3A_2338 = arith.mulf %add3A_2337, %div3A_2326 : vector<16xf32>
    %swap3A_2339 = arith.constant 26 : i32
    %swap3A_2340 = arith.index_cast %swap3A_2339 : i32 to index
    %swap3A_2341 = arith.constant 0 : index
    %swap3A_2342 = tpu.vector_load %arg6[%swap3A_2340, %swap3A_2341] {strides = array<i32>} : memref<32x128xf32, #tpu.memory_space<vmem>>, vector<1x16xf32>,
    %swap3A_2343 = vector.shape_cast %swap3A_2342 : vector<1x16xf32> to vector<16xf32>
    %swap3A_2344 = vector.shape_cast %mul3A_2338 : vector<16xf32> to vector<1x16xf32>
    tpu.vector_store %arg6[%swap3A_2340, %swap3A_2341], %swap3A_2344 {strides = array<i32>} : memref<32x128xf32, #tpu.memory_space<vmem>>, vector<1x16xf32>,
    %get3A_2345 = arith.constant 26 : i32
    %get3A_2346 = arith.index_cast %get3A_2345 : i32 to index
    %get3A_2347 = arith.constant 16 : index
    %get3A_2348 = tpu.vector_load %arg6[%get3A_2346, %get3A_2347] {strides = array<i32>} : memref<32x128xf32, #tpu.memory_space<vmem>>, vector<1x16xf32>,
    %get3A_2349 = vector.shape_cast %get3A_2348 : vector<1x16xf32> to vector<16xf32>
    %get3A_2350 = arith.constant 26 : i32
    %get3A_2351 = arith.index_cast %get3A_2350 : i32 to index
    %get3A_2352 = arith.constant 16 : index
    %get3A_2353 = tpu.vector_load %arg7[%get3A_2351, %get3A_2352] {strides = array<i32>} : memref<32x128xf32, #tpu.memory_space<vmem>>, vector<1x16xf32>,
    %get3A_2354 = vector.shape_cast %get3A_2353 : vector<1x16xf32> to vector<16xf32>
    %add3A_2355 = arith.addf %get3A_2349, %get3A_2354 : vector<16xf32>
    %mul3A_2356 = arith.mulf %add3A_2355, %div3A_2326 : vector<16xf32>
    %swap3A_2357 = arith.constant 26 : i32
    %swap3A_2358 = arith.index_cast %swap3A_2357 : i32 to index
    %swap3A_2359 = arith.constant 16 : index
    %swap3A_2360 = tpu.vector_load %arg6[%swap3A_2358, %swap3A_2359] {strides = array<i32>} : memref<32x128xf32, #tpu.memory_space<vmem>>, vector<1x16xf32>,
    %swap3A_2361 = vector.shape_cast %swap3A_2360 : vector<1x16xf32> to vector<16xf32>
    %swap3A_2362 = vector.shape_cast %mul3A_2356 : vector<16xf32> to vector<1x16xf32>
    tpu.vector_store %arg6[%swap3A_2358, %swap3A_2359], %swap3A_2362 {strides = array<i32>} : memref<32x128xf32, #tpu.memory_space<vmem>>, vector<1x16xf32>,
    %get3A_2363 = arith.constant 26 : i32
    %get3A_2364 = arith.index_cast %get3A_2363 : i32 to index
    %get3A_2365 = arith.constant 32 : index
    %get3A_2366 = tpu.vector_load %arg6[%get3A_2364, %get3A_2365] {strides = array<i32>} : memref<32x128xf32, #tpu.memory_space<vmem>>, vector<1x16xf32>,
    %get3A_2367 = vector.shape_cast %get3A_2366 : vector<1x16xf32> to vector<16xf32>
    %get3A_2368 = arith.constant 26 : i32
    %get3A_2369 = arith.index_cast %get3A_2368 : i32 to index
    %get3A_2370 = arith.constant 32 : index
    %get3A_2371 = tpu.vector_load %arg7[%get3A_2369, %get3A_2370] {strides = array<i32>} : memref<32x128xf32, #tpu.memory_space<vmem>>, vector<1x16xf32>,
    %get3A_2372 = vector.shape_cast %get3A_2371 : vector<1x16xf32> to vector<16xf32>
    %add3A_2373 = arith.addf %get3A_2367, %get3A_2372 : vector<16xf32>
    %mul3A_2374 = arith.mulf %add3A_2373, %div3A_2326 : vector<16xf32>
    %swap3A_2375 = arith.constant 26 : i32
    %swap3A_2376 = arith.index_cast %swap3A_2375 : i32 to index
    %swap3A_2377 = arith.constant 32 : index
    %swap3A_2378 = tpu.vector_load %arg6[%swap3A_2376, %swap3A_2377] {strides = array<i32>} : memref<32x128xf32, #tpu.memory_space<vmem>>, vector<1x16xf32>,
    %swap3A_2379 = vector.shape_cast %swap3A_2378 : vector<1x16xf32> to vector<16xf32>
    %swap3A_2380 = vector.shape_cast %mul3A_2374 : vector<16xf32> to vector<1x16xf32>
    tpu.vector_store %arg6[%swap3A_2376, %swap3A_2377], %swap3A_2380 {strides = array<i32>} : memref<32x128xf32, #tpu.memory_space<vmem>>, vector<1x16xf32>,
    %get3A_2381 = arith.constant 26 : i32
    %get3A_2382 = arith.index_cast %get3A_2381 : i32 to index
    %get3A_2383 = arith.constant 48 : index
    %get3A_2384 = tpu.vector_load %arg6[%get3A_2382, %get3A_2383] {strides = array<i32>} : memref<32x128xf32, #tpu.memory_space<vmem>>, vector<1x16xf32>,
    %get3A_2385 = vector.shape_cast %get3A_2384 : vector<1x16xf32> to vector<16xf32>
    %get3A_2386 = arith.constant 26 : i32
    %get3A_2387 = arith.index_cast %get3A_2386 : i32 to index
    %get3A_2388 = arith.constant 48 : index
    %get3A_2389 = tpu.vector_load %arg7[%get3A_2387, %get3A_2388] {strides = array<i32>} : memref<32x128xf32, #tpu.memory_space<vmem>>, vector<1x16xf32>,
    %get3A_2390 = vector.shape_cast %get3A_2389 : vector<1x16xf32> to vector<16xf32>
    %add3A_2391 = arith.addf %get3A_2385, %get3A_2390 : vector<16xf32>
    %mul3A_2392 = arith.mulf %add3A_2391, %div3A_2326 : vector<16xf32>
    %swap3A_2393 = arith.constant 26 : i32
    %swap3A_2394 = arith.index_cast %swap3A_2393 : i32 to index
    %swap3A_2395 = arith.constant 48 : index
    %swap3A_2396 = tpu.vector_load %arg6[%swap3A_2394, %swap3A_2395] {strides = array<i32>} : memref<32x128xf32, #tpu.memory_space<vmem>>, vector<1x16xf32>,
    %swap3A_2397 = vector.shape_cast %swap3A_2396 : vector<1x16xf32> to vector<16xf32>
    %swap3A_2398 = vector.shape_cast %mul3A_2392 : vector<16xf32> to vector<1x16xf32>
    tpu.vector_store %arg6[%swap3A_2394, %swap3A_2395], %swap3A_2398 {strides = array<i32>} : memref<32x128xf32, #tpu.memory_space<vmem>>, vector<1x16xf32>,
    %get3A_2399 = arith.constant 27 : i32
    %get3A_2400 = arith.index_cast %get3A_2399 : i32 to index
    %get3A_2401 = arith.constant 64 : index
    %get3A_2402 = tpu.vector_load %arg6[%get3A_2400, %get3A_2401] {strides = array<i32>} : memref<32x128xf32, #tpu.memory_space<vmem>>, vector<1x16xf32>,
    %get3A_2403 = vector.shape_cast %get3A_2402 : vector<1x16xf32> to vector<16xf32>
    %get3A_2404 = arith.constant 27 : i32
    %get3A_2405 = arith.index_cast %get3A_2404 : i32 to index
    %get3A_2406 = arith.constant 64 : index
    %get3A_2407 = tpu.vector_load %arg7[%get3A_2405, %get3A_2406] {strides = array<i32>} : memref<32x128xf32, #tpu.memory_space<vmem>>, vector<1x16xf32>,
    %get3A_2408 = vector.shape_cast %get3A_2407 : vector<1x16xf32> to vector<16xf32>
    %add3A_2409 = arith.addf %get3A_2403, %get3A_2408 : vector<16xf32>
    %max3A_2410 = arith.constant 1.000000e+00 : f32
    %max3A_2411 = vector.broadcast %max3A_2410 : f32 to vector<16xf32>
    %max3A_2412 = arith.maximumf %add3A_2409, %max3A_2411 : vector<16xf32>
    %div3A_2413 = arith.constant 1.000000e+00 : f32
    %div3A_2414 = vector.broadcast %div3A_2413 : f32 to vector<16xf32>
    %div3A_2415 = arith.divf %div3A_2414, %max3A_2412 : vector<16xf32>
    %get3A_2416 = arith.constant 27 : i32
    %get3A_2417 = arith.index_cast %get3A_2416 : i32 to index
    %get3A_2418 = arith.constant 0 : index
    %get3A_2419 = tpu.vector_load %arg6[%get3A_2417, %get3A_2418] {strides = array<i32>} : memref<32x128xf32, #tpu.memory_space<vmem>>, vector<1x16xf32>,
    %get3A_2420 = vector.shape_cast %get3A_2419 : vector<1x16xf32> to vector<16xf32>
    %get3A_2421 = arith.constant 27 : i32
    %get3A_2422 = arith.index_cast %get3A_2421 : i32 to index
    %get3A_2423 = arith.constant 0 : index
    %get3A_2424 = tpu.vector_load %arg7[%get3A_2422, %get3A_2423] {strides = array<i32>} : memref<32x128xf32, #tpu.memory_space<vmem>>, vector<1x16xf32>,
    %get3A_2425 = vector.shape_cast %get3A_2424 : vector<1x16xf32> to vector<16xf32>
    %add3A_2426 = arith.addf %get3A_2420, %get3A_2425 : vector<16xf32>
    %mul3A_2427 = arith.mulf %add3A_2426, %div3A_2415 : vector<16xf32>
    %swap3A_2428 = arith.constant 27 : i32
    %swap3A_2429 = arith.index_cast %swap3A_2428 : i32 to index
    %swap3A_2430 = arith.constant 0 : index
    %swap3A_2431 = tpu.vector_load %arg6[%swap3A_2429, %swap3A_2430] {strides = array<i32>} : memref<32x128xf32, #tpu.memory_space<vmem>>, vector<1x16xf32>,
    %swap3A_2432 = vector.shape_cast %swap3A_2431 : vector<1x16xf32> to vector<16xf32>
    %swap3A_2433 = vector.shape_cast %mul3A_2427 : vector<16xf32> to vector<1x16xf32>
    tpu.vector_store %arg6[%swap3A_2429, %swap3A_2430], %swap3A_2433 {strides = array<i32>} : memref<32x128xf32, #tpu.memory_space<vmem>>, vector<1x16xf32>,
    %get3A_2434 = arith.constant 27 : i32
    %get3A_2435 = arith.index_cast %get3A_2434 : i32 to index
    %get3A_2436 = arith.constant 16 : index
    %get3A_2437 = tpu.vector_load %arg6[%get3A_2435, %get3A_2436] {strides = array<i32>} : memref<32x128xf32, #tpu.memory_space<vmem>>, vector<1x16xf32>,
    %get3A_2438 = vector.shape_cast %get3A_2437 : vector<1x16xf32> to vector<16xf32>
    %get3A_2439 = arith.constant 27 : i32
    %get3A_2440 = arith.index_cast %get3A_2439 : i32 to index
    %get3A_2441 = arith.constant 16 : index
    %get3A_2442 = tpu.vector_load %arg7[%get3A_2440, %get3A_2441] {strides = array<i32>} : memref<32x128xf32, #tpu.memory_space<vmem>>, vector<1x16xf32>,
    %get3A_2443 = vector.shape_cast %get3A_2442 : vector<1x16xf32> to vector<16xf32>
    %add3A_2444 = arith.addf %get3A_2438, %get3A_2443 : vector<16xf32>
    %mul3A_2445 = arith.mulf %add3A_2444, %div3A_2415 : vector<16xf32>
    %swap3A_2446 = arith.constant 27 : i32
    %swap3A_2447 = arith.index_cast %swap3A_2446 : i32 to index
    %swap3A_2448 = arith.constant 16 : index
    %swap3A_2449 = tpu.vector_load %arg6[%swap3A_2447, %swap3A_2448] {strides = array<i32>} : memref<32x128xf32, #tpu.memory_space<vmem>>, vector<1x16xf32>,
    %swap3A_2450 = vector.shape_cast %swap3A_2449 : vector<1x16xf32> to vector<16xf32>
    %swap3A_2451 = vector.shape_cast %mul3A_2445 : vector<16xf32> to vector<1x16xf32>
    tpu.vector_store %arg6[%swap3A_2447, %swap3A_2448], %swap3A_2451 {strides = array<i32>} : memref<32x128xf32, #tpu.memory_space<vmem>>, vector<1x16xf32>,
    %get3A_2452 = arith.constant 27 : i32
    %get3A_2453 = arith.index_cast %get3A_2452 : i32 to index
    %get3A_2454 = arith.constant 32 : index
    %get3A_2455 = tpu.vector_load %arg6[%get3A_2453, %get3A_2454] {strides = array<i32>} : memref<32x128xf32, #tpu.memory_space<vmem>>, vector<1x16xf32>,
    %get3A_2456 = vector.shape_cast %get3A_2455 : vector<1x16xf32> to vector<16xf32>
    %get3A_2457 = arith.constant 27 : i32
    %get3A_2458 = arith.index_cast %get3A_2457 : i32 to index
    %get3A_2459 = arith.constant 32 : index
    %get3A_2460 = tpu.vector_load %arg7[%get3A_2458, %get3A_2459] {strides = array<i32>} : memref<32x128xf32, #tpu.memory_space<vmem>>, vector<1x16xf32>,
    %get3A_2461 = vector.shape_cast %get3A_2460 : vector<1x16xf32> to vector<16xf32>
    %add3A_2462 = arith.addf %get3A_2456, %get3A_2461 : vector<16xf32>
    %mul3A_2463 = arith.mulf %add3A_2462, %div3A_2415 : vector<16xf32>
    %swap3A_2464 = arith.constant 27 : i32
    %swap3A_2465 = arith.index_cast %swap3A_2464 : i32 to index
    %swap3A_2466 = arith.constant 32 : index
    %swap3A_2467 = tpu.vector_load %arg6[%swap3A_2465, %swap3A_2466] {strides = array<i32>} : memref<32x128xf32, #tpu.memory_space<vmem>>, vector<1x16xf32>,
    %swap3A_2468 = vector.shape_cast %swap3A_2467 : vector<1x16xf32> to vector<16xf32>
    %swap3A_2469 = vector.shape_cast %mul3A_2463 : vector<16xf32> to vector<1x16xf32>
    tpu.vector_store %arg6[%swap3A_2465, %swap3A_2466], %swap3A_2469 {strides = array<i32>} : memref<32x128xf32, #tpu.memory_space<vmem>>, vector<1x16xf32>,
    %get3A_2470 = arith.constant 27 : i32
    %get3A_2471 = arith.index_cast %get3A_2470 : i32 to index
    %get3A_2472 = arith.constant 48 : index
    %get3A_2473 = tpu.vector_load %arg6[%get3A_2471, %get3A_2472] {strides = array<i32>} : memref<32x128xf32, #tpu.memory_space<vmem>>, vector<1x16xf32>,
    %get3A_2474 = vector.shape_cast %get3A_2473 : vector<1x16xf32> to vector<16xf32>
    %get3A_2475 = arith.constant 27 : i32
    %get3A_2476 = arith.index_cast %get3A_2475 : i32 to index
    %get3A_2477 = arith.constant 48 : index
    %get3A_2478 = tpu.vector_load %arg7[%get3A_2476, %get3A_2477] {strides = array<i32>} : memref<32x128xf32, #tpu.memory_space<vmem>>, vector<1x16xf32>,
    %get3A_2479 = vector.shape_cast %get3A_2478 : vector<1x16xf32> to vector<16xf32>
    %add3A_2480 = arith.addf %get3A_2474, %get3A_2479 : vector<16xf32>
    %mul3A_2481 = arith.mulf %add3A_2480, %div3A_2415 : vector<16xf32>
    %swap3A_2482 = arith.constant 27 : i32
    %swap3A_2483 = arith.index_cast %swap3A_2482 : i32 to index
    %swap3A_2484 = arith.constant 48 : index
    %swap3A_2485 = tpu.vector_load %arg6[%swap3A_2483, %swap3A_2484] {strides = array<i32>} : memref<32x128xf32, #tpu.memory_space<vmem>>, vector<1x16xf32>,
    %swap3A_2486 = vector.shape_cast %swap3A_2485 : vector<1x16xf32> to vector<16xf32>
    %swap3A_2487 = vector.shape_cast %mul3A_2481 : vector<16xf32> to vector<1x16xf32>
    tpu.vector_store %arg6[%swap3A_2483, %swap3A_2484], %swap3A_2487 {strides = array<i32>} : memref<32x128xf32, #tpu.memory_space<vmem>>, vector<1x16xf32>,
    %get3A_2488 = arith.constant 28 : i32
    %get3A_2489 = arith.index_cast %get3A_2488 : i32 to index
    %get3A_2490 = arith.constant 64 : index
    %get3A_2491 = tpu.vector_load %arg6[%get3A_2489, %get3A_2490] {strides = array<i32>} : memref<32x128xf32, #tpu.memory_space<vmem>>, vector<1x16xf32>,
    %get3A_2492 = vector.shape_cast %get3A_2491 : vector<1x16xf32> to vector<16xf32>
    %get3A_2493 = arith.constant 28 : i32
    %get3A_2494 = arith.index_cast %get3A_2493 : i32 to index
    %get3A_2495 = arith.constant 64 : index
    %get3A_2496 = tpu.vector_load %arg7[%get3A_2494, %get3A_2495] {strides = array<i32>} : memref<32x128xf32, #tpu.memory_space<vmem>>, vector<1x16xf32>,
    %get3A_2497 = vector.shape_cast %get3A_2496 : vector<1x16xf32> to vector<16xf32>
    %add3A_2498 = arith.addf %get3A_2492, %get3A_2497 : vector<16xf32>
    %max3A_2499 = arith.constant 1.000000e+00 : f32
    %max3A_2500 = vector.broadcast %max3A_2499 : f32 to vector<16xf32>
    %max3A_2501 = arith.maximumf %add3A_2498, %max3A_2500 : vector<16xf32>
    %div3A_2502 = arith.constant 1.000000e+00 : f32
    %div3A_2503 = vector.broadcast %div3A_2502 : f32 to vector<16xf32>
    %div3A_2504 = arith.divf %div3A_2503, %max3A_2501 : vector<16xf32>
    %get3A_2505 = arith.constant 28 : i32
    %get3A_2506 = arith.index_cast %get3A_2505 : i32 to index
    %get3A_2507 = arith.constant 0 : index
    %get3A_2508 = tpu.vector_load %arg6[%get3A_2506, %get3A_2507] {strides = array<i32>} : memref<32x128xf32, #tpu.memory_space<vmem>>, vector<1x16xf32>,
    %get3A_2509 = vector.shape_cast %get3A_2508 : vector<1x16xf32> to vector<16xf32>
    %get3A_2510 = arith.constant 28 : i32
    %get3A_2511 = arith.index_cast %get3A_2510 : i32 to index
    %get3A_2512 = arith.constant 0 : index
    %get3A_2513 = tpu.vector_load %arg7[%get3A_2511, %get3A_2512] {strides = array<i32>} : memref<32x128xf32, #tpu.memory_space<vmem>>, vector<1x16xf32>,
    %get3A_2514 = vector.shape_cast %get3A_2513 : vector<1x16xf32> to vector<16xf32>
    %add3A_2515 = arith.addf %get3A_2509, %get3A_2514 : vector<16xf32>
    %mul3A_2516 = arith.mulf %add3A_2515, %div3A_2504 : vector<16xf32>
    %swap3A_2517 = arith.constant 28 : i32
    %swap3A_2518 = arith.index_cast %swap3A_2517 : i32 to index
    %swap3A_2519 = arith.constant 0 : index
    %swap3A_2520 = tpu.vector_load %arg6[%swap3A_2518, %swap3A_2519] {strides = array<i32>} : memref<32x128xf32, #tpu.memory_space<vmem>>, vector<1x16xf32>,
    %swap3A_2521 = vector.shape_cast %swap3A_2520 : vector<1x16xf32> to vector<16xf32>
    %swap3A_2522 = vector.shape_cast %mul3A_2516 : vector<16xf32> to vector<1x16xf32>
    tpu.vector_store %arg6[%swap3A_2518, %swap3A_2519], %swap3A_2522 {strides = array<i32>} : memref<32x128xf32, #tpu.memory_space<vmem>>, vector<1x16xf32>,
    %get3A_2523 = arith.constant 28 : i32
    %get3A_2524 = arith.index_cast %get3A_2523 : i32 to index
    %get3A_2525 = arith.constant 16 : index
    %get3A_2526 = tpu.vector_load %arg6[%get3A_2524, %get3A_2525] {strides = array<i32>} : memref<32x128xf32, #tpu.memory_space<vmem>>, vector<1x16xf32>,
    %get3A_2527 = vector.shape_cast %get3A_2526 : vector<1x16xf32> to vector<16xf32>
    %get3A_2528 = arith.constant 28 : i32
    %get3A_2529 = arith.index_cast %get3A_2528 : i32 to index
    %get3A_2530 = arith.constant 16 : index
    %get3A_2531 = tpu.vector_load %arg7[%get3A_2529, %get3A_2530] {strides = array<i32>} : memref<32x128xf32, #tpu.memory_space<vmem>>, vector<1x16xf32>,
    %get3A_2532 = vector.shape_cast %get3A_2531 : vector<1x16xf32> to vector<16xf32>
    %add3A_2533 = arith.addf %get3A_2527, %get3A_2532 : vector<16xf32>
    %mul3A_2534 = arith.mulf %add3A_2533, %div3A_2504 : vector<16xf32>
    %swap3A_2535 = arith.constant 28 : i32
    %swap3A_2536 = arith.index_cast %swap3A_2535 : i32 to index
    %swap3A_2537 = arith.constant 16 : index
    %swap3A_2538 = tpu.vector_load %arg6[%swap3A_2536, %swap3A_2537] {strides = array<i32>} : memref<32x128xf32, #tpu.memory_space<vmem>>, vector<1x16xf32>,
    %swap3A_2539 = vector.shape_cast %swap3A_2538 : vector<1x16xf32> to vector<16xf32>
    %swap3A_2540 = vector.shape_cast %mul3A_2534 : vector<16xf32> to vector<1x16xf32>
    tpu.vector_store %arg6[%swap3A_2536, %swap3A_2537], %swap3A_2540 {strides = array<i32>} : memref<32x128xf32, #tpu.memory_space<vmem>>, vector<1x16xf32>,
    %get3A_2541 = arith.constant 28 : i32
    %get3A_2542 = arith.index_cast %get3A_2541 : i32 to index
    %get3A_2543 = arith.constant 32 : index
    %get3A_2544 = tpu.vector_load %arg6[%get3A_2542, %get3A_2543] {strides = array<i32>} : memref<32x128xf32, #tpu.memory_space<vmem>>, vector<1x16xf32>,
    %get3A_2545 = vector.shape_cast %get3A_2544 : vector<1x16xf32> to vector<16xf32>
    %get3A_2546 = arith.constant 28 : i32
    %get3A_2547 = arith.index_cast %get3A_2546 : i32 to index
    %get3A_2548 = arith.constant 32 : index
    %get3A_2549 = tpu.vector_load %arg7[%get3A_2547, %get3A_2548] {strides = array<i32>} : memref<32x128xf32, #tpu.memory_space<vmem>>, vector<1x16xf32>,
    %get3A_2550 = vector.shape_cast %get3A_2549 : vector<1x16xf32> to vector<16xf32>
    %add3A_2551 = arith.addf %get3A_2545, %get3A_2550 : vector<16xf32>
    %mul3A_2552 = arith.mulf %add3A_2551, %div3A_2504 : vector<16xf32>
    %swap3A_2553 = arith.constant 28 : i32
    %swap3A_2554 = arith.index_cast %swap3A_2553 : i32 to index
    %swap3A_2555 = arith.constant 32 : index
    %swap3A_2556 = tpu.vector_load %arg6[%swap3A_2554, %swap3A_2555] {strides = array<i32>} : memref<32x128xf32, #tpu.memory_space<vmem>>, vector<1x16xf32>,
    %swap3A_2557 = vector.shape_cast %swap3A_2556 : vector<1x16xf32> to vector<16xf32>
    %swap3A_2558 = vector.shape_cast %mul3A_2552 : vector<16xf32> to vector<1x16xf32>
    tpu.vector_store %arg6[%swap3A_2554, %swap3A_2555], %swap3A_2558 {strides = array<i32>} : memref<32x128xf32, #tpu.memory_space<vmem>>, vector<1x16xf32>,
    %get3A_2559 = arith.constant 28 : i32
    %get3A_2560 = arith.index_cast %get3A_2559 : i32 to index
    %get3A_2561 = arith.constant 48 : index
    %get3A_2562 = tpu.vector_load %arg6[%get3A_2560, %get3A_2561] {strides = array<i32>} : memref<32x128xf32, #tpu.memory_space<vmem>>, vector<1x16xf32>,
    %get3A_2563 = vector.shape_cast %get3A_2562 : vector<1x16xf32> to vector<16xf32>
    %get3A_2564 = arith.constant 28 : i32
    %get3A_2565 = arith.index_cast %get3A_2564 : i32 to index
    %get3A_2566 = arith.constant 48 : index
    %get3A_2567 = tpu.vector_load %arg7[%get3A_2565, %get3A_2566] {strides = array<i32>} : memref<32x128xf32, #tpu.memory_space<vmem>>, vector<1x16xf32>,
    %get3A_2568 = vector.shape_cast %get3A_2567 : vector<1x16xf32> to vector<16xf32>
    %add3A_2569 = arith.addf %get3A_2563, %get3A_2568 : vector<16xf32>
    %mul3A_2570 = arith.mulf %add3A_2569, %div3A_2504 : vector<16xf32>
    %swap3A_2571 = arith.constant 28 : i32
    %swap3A_2572 = arith.index_cast %swap3A_2571 : i32 to index
    %swap3A_2573 = arith.constant 48 : index
    %swap3A_2574 = tpu.vector_load %arg6[%swap3A_2572, %swap3A_2573] {strides = array<i32>} : memref<32x128xf32, #tpu.memory_space<vmem>>, vector<1x16xf32>,
    %swap3A_2575 = vector.shape_cast %swap3A_2574 : vector<1x16xf32> to vector<16xf32>
    %swap3A_2576 = vector.shape_cast %mul3A_2570 : vector<16xf32> to vector<1x16xf32>
    tpu.vector_store %arg6[%swap3A_2572, %swap3A_2573], %swap3A_2576 {strides = array<i32>} : memref<32x128xf32, #tpu.memory_space<vmem>>, vector<1x16xf32>,
    %get3A_2577 = arith.constant 29 : i32
    %get3A_2578 = arith.index_cast %get3A_2577 : i32 to index
    %get3A_2579 = arith.constant 64 : index
    %get3A_2580 = tpu.vector_load %arg6[%get3A_2578, %get3A_2579] {strides = array<i32>} : memref<32x128xf32, #tpu.memory_space<vmem>>, vector<1x16xf32>,
    %get3A_2581 = vector.shape_cast %get3A_2580 : vector<1x16xf32> to vector<16xf32>
    %get3A_2582 = arith.constant 29 : i32
    %get3A_2583 = arith.index_cast %get3A_2582 : i32 to index
    %get3A_2584 = arith.constant 64 : index
    %get3A_2585 = tpu.vector_load %arg7[%get3A_2583, %get3A_2584] {strides = array<i32>} : memref<32x128xf32, #tpu.memory_space<vmem>>, vector<1x16xf32>,
    %get3A_2586 = vector.shape_cast %get3A_2585 : vector<1x16xf32> to vector<16xf32>
    %add3A_2587 = arith.addf %get3A_2581, %get3A_2586 : vector<16xf32>
    %max3A_2588 = arith.constant 1.000000e+00 : f32
    %max3A_2589 = vector.broadcast %max3A_2588 : f32 to vector<16xf32>
    %max3A_2590 = arith.maximumf %add3A_2587, %max3A_2589 : vector<16xf32>
    %div3A_2591 = arith.constant 1.000000e+00 : f32
    %div3A_2592 = vector.broadcast %div3A_2591 : f32 to vector<16xf32>
    %div3A_2593 = arith.divf %div3A_2592, %max3A_2590 : vector<16xf32>
    %get3A_2594 = arith.constant 29 : i32
    %get3A_2595 = arith.index_cast %get3A_2594 : i32 to index
    %get3A_2596 = arith.constant 0 : index
    %get3A_2597 = tpu.vector_load %arg6[%get3A_2595, %get3A_2596] {strides = array<i32>} : memref<32x128xf32, #tpu.memory_space<vmem>>, vector<1x16xf32>,
    %get3A_2598 = vector.shape_cast %get3A_2597 : vector<1x16xf32> to vector<16xf32>
    %get3A_2599 = arith.constant 29 : i32
    %get3A_2600 = arith.index_cast %get3A_2599 : i32 to index
    %get3A_2601 = arith.constant 0 : index
    %get3A_2602 = tpu.vector_load %arg7[%get3A_2600, %get3A_2601] {strides = array<i32>} : memref<32x128xf32, #tpu.memory_space<vmem>>, vector<1x16xf32>,
    %get3A_2603 = vector.shape_cast %get3A_2602 : vector<1x16xf32> to vector<16xf32>
    %add3A_2604 = arith.addf %get3A_2598, %get3A_2603 : vector<16xf32>
    %mul3A_2605 = arith.mulf %add3A_2604, %div3A_2593 : vector<16xf32>
    %swap3A_2606 = arith.constant 29 : i32
    %swap3A_2607 = arith.index_cast %swap3A_2606 : i32 to index
    %swap3A_2608 = arith.constant 0 : index
    %swap3A_2609 = tpu.vector_load %arg6[%swap3A_2607, %swap3A_2608] {strides = array<i32>} : memref<32x128xf32, #tpu.memory_space<vmem>>, vector<1x16xf32>,
    %swap3A_2610 = vector.shape_cast %swap3A_2609 : vector<1x16xf32> to vector<16xf32>
    %swap3A_2611 = vector.shape_cast %mul3A_2605 : vector<16xf32> to vector<1x16xf32>
    tpu.vector_store %arg6[%swap3A_2607, %swap3A_2608], %swap3A_2611 {strides = array<i32>} : memref<32x128xf32, #tpu.memory_space<vmem>>, vector<1x16xf32>,
    %get3A_2612 = arith.constant 29 : i32
    %get3A_2613 = arith.index_cast %get3A_2612 : i32 to index
    %get3A_2614 = arith.constant 16 : index
    %get3A_2615 = tpu.vector_load %arg6[%get3A_2613, %get3A_2614] {strides = array<i32>} : memref<32x128xf32, #tpu.memory_space<vmem>>, vector<1x16xf32>,
    %get3A_2616 = vector.shape_cast %get3A_2615 : vector<1x16xf32> to vector<16xf32>
    %get3A_2617 = arith.constant 29 : i32
    %get3A_2618 = arith.index_cast %get3A_2617 : i32 to index
    %get3A_2619 = arith.constant 16 : index
    %get3A_2620 = tpu.vector_load %arg7[%get3A_2618, %get3A_2619] {strides = array<i32>} : memref<32x128xf32, #tpu.memory_space<vmem>>, vector<1x16xf32>,
    %get3A_2621 = vector.shape_cast %get3A_2620 : vector<1x16xf32> to vector<16xf32>
    %add3A_2622 = arith.addf %get3A_2616, %get3A_2621 : vector<16xf32>
    %mul3A_2623 = arith.mulf %add3A_2622, %div3A_2593 : vector<16xf32>
    %swap3A_2624 = arith.constant 29 : i32
    %swap3A_2625 = arith.index_cast %swap3A_2624 : i32 to index
    %swap3A_2626 = arith.constant 16 : index
    %swap3A_2627 = tpu.vector_load %arg6[%swap3A_2625, %swap3A_2626] {strides = array<i32>} : memref<32x128xf32, #tpu.memory_space<vmem>>, vector<1x16xf32>,
    %swap3A_2628 = vector.shape_cast %swap3A_2627 : vector<1x16xf32> to vector<16xf32>
    %swap3A_2629 = vector.shape_cast %mul3A_2623 : vector<16xf32> to vector<1x16xf32>
    tpu.vector_store %arg6[%swap3A_2625, %swap3A_2626], %swap3A_2629 {strides = array<i32>} : memref<32x128xf32, #tpu.memory_space<vmem>>, vector<1x16xf32>,
    %get3A_2630 = arith.constant 29 : i32
    %get3A_2631 = arith.index_cast %get3A_2630 : i32 to index
    %get3A_2632 = arith.constant 32 : index
    %get3A_2633 = tpu.vector_load %arg6[%get3A_2631, %get3A_2632] {strides = array<i32>} : memref<32x128xf32, #tpu.memory_space<vmem>>, vector<1x16xf32>,
    %get3A_2634 = vector.shape_cast %get3A_2633 : vector<1x16xf32> to vector<16xf32>
    %get3A_2635 = arith.constant 29 : i32
    %get3A_2636 = arith.index_cast %get3A_2635 : i32 to index
    %get3A_2637 = arith.constant 32 : index
    %get3A_2638 = tpu.vector_load %arg7[%get3A_2636, %get3A_2637] {strides = array<i32>} : memref<32x128xf32, #tpu.memory_space<vmem>>, vector<1x16xf32>,
    %get3A_2639 = vector.shape_cast %get3A_2638 : vector<1x16xf32> to vector<16xf32>
    %add3A_2640 = arith.addf %get3A_2634, %get3A_2639 : vector<16xf32>
    %mul3A_2641 = arith.mulf %add3A_2640, %div3A_2593 : vector<16xf32>
    %swap3A_2642 = arith.constant 29 : i32
    %swap3A_2643 = arith.index_cast %swap3A_2642 : i32 to index
    %swap3A_2644 = arith.constant 32 : index
    %swap3A_2645 = tpu.vector_load %arg6[%swap3A_2643, %swap3A_2644] {strides = array<i32>} : memref<32x128xf32, #tpu.memory_space<vmem>>, vector<1x16xf32>,
    %swap3A_2646 = vector.shape_cast %swap3A_2645 : vector<1x16xf32> to vector<16xf32>
    %swap3A_2647 = vector.shape_cast %mul3A_2641 : vector<16xf32> to vector<1x16xf32>
    tpu.vector_store %arg6[%swap3A_2643, %swap3A_2644], %swap3A_2647 {strides = array<i32>} : memref<32x128xf32, #tpu.memory_space<vmem>>, vector<1x16xf32>,
    %get3A_2648 = arith.constant 29 : i32
    %get3A_2649 = arith.index_cast %get3A_2648 : i32 to index
    %get3A_2650 = arith.constant 48 : index
    %get3A_2651 = tpu.vector_load %arg6[%get3A_2649, %get3A_2650] {strides = array<i32>} : memref<32x128xf32, #tpu.memory_space<vmem>>, vector<1x16xf32>,
    %get3A_2652 = vector.shape_cast %get3A_2651 : vector<1x16xf32> to vector<16xf32>
    %get3A_2653 = arith.constant 29 : i32
    %get3A_2654 = arith.index_cast %get3A_2653 : i32 to index
    %get3A_2655 = arith.constant 48 : index
    %get3A_2656 = tpu.vector_load %arg7[%get3A_2654, %get3A_2655] {strides = array<i32>} : memref<32x128xf32, #tpu.memory_space<vmem>>, vector<1x16xf32>,
    %get3A_2657 = vector.shape_cast %get3A_2656 : vector<1x16xf32> to vector<16xf32>
    %add3A_2658 = arith.addf %get3A_2652, %get3A_2657 : vector<16xf32>
    %mul3A_2659 = arith.mulf %add3A_2658, %div3A_2593 : vector<16xf32>
    %swap3A_2660 = arith.constant 29 : i32
    %swap3A_2661 = arith.index_cast %swap3A_2660 : i32 to index
    %swap3A_2662 = arith.constant 48 : index
    %swap3A_2663 = tpu.vector_load %arg6[%swap3A_2661, %swap3A_2662] {strides = array<i32>} : memref<32x128xf32, #tpu.memory_space<vmem>>, vector<1x16xf32>,
    %swap3A_2664 = vector.shape_cast %swap3A_2663 : vector<1x16xf32> to vector<16xf32>
    %swap3A_2665 = vector.shape_cast %mul3A_2659 : vector<16xf32> to vector<1x16xf32>
    tpu.vector_store %arg6[%swap3A_2661, %swap3A_2662], %swap3A_2665 {strides = array<i32>} : memref<32x128xf32, #tpu.memory_space<vmem>>, vector<1x16xf32>,
    %get3A_2666 = arith.constant 30 : i32
    %get3A_2667 = arith.index_cast %get3A_2666 : i32 to index
    %get3A_2668 = arith.constant 64 : index
    %get3A_2669 = tpu.vector_load %arg6[%get3A_2667, %get3A_2668] {strides = array<i32>} : memref<32x128xf32, #tpu.memory_space<vmem>>, vector<1x16xf32>,
    %get3A_2670 = vector.shape_cast %get3A_2669 : vector<1x16xf32> to vector<16xf32>
    %get3A_2671 = arith.constant 30 : i32
    %get3A_2672 = arith.index_cast %get3A_2671 : i32 to index
    %get3A_2673 = arith.constant 64 : index
    %get3A_2674 = tpu.vector_load %arg7[%get3A_2672, %get3A_2673] {strides = array<i32>} : memref<32x128xf32, #tpu.memory_space<vmem>>, vector<1x16xf32>,
    %get3A_2675 = vector.shape_cast %get3A_2674 : vector<1x16xf32> to vector<16xf32>
    %add3A_2676 = arith.addf %get3A_2670, %get3A_2675 : vector<16xf32>
    %max3A_2677 = arith.constant 1.000000e+00 : f32
    %max3A_2678 = vector.broadcast %max3A_2677 : f32 to vector<16xf32>
    %max3A_2679 = arith.maximumf %add3A_2676, %max3A_2678 : vector<16xf32>
    %div3A_2680 = arith.constant 1.000000e+00 : f32
    %div3A_2681 = vector.broadcast %div3A_2680 : f32 to vector<16xf32>
    %div3A_2682 = arith.divf %div3A_2681, %max3A_2679 : vector<16xf32>
    %get3A_2683 = arith.constant 30 : i32
    %get3A_2684 = arith.index_cast %get3A_2683 : i32 to index
    %get3A_2685 = arith.constant 0 : index
    %get3A_2686 = tpu.vector_load %arg6[%get3A_2684, %get3A_2685] {strides = array<i32>} : memref<32x128xf32, #tpu.memory_space<vmem>>, vector<1x16xf32>,
    %get3A_2687 = vector.shape_cast %get3A_2686 : vector<1x16xf32> to vector<16xf32>
    %get3A_2688 = arith.constant 30 : i32
    %get3A_2689 = arith.index_cast %get3A_2688 : i32 to index
    %get3A_2690 = arith.constant 0 : index
    %get3A_2691 = tpu.vector_load %arg7[%get3A_2689, %get3A_2690] {strides = array<i32>} : memref<32x128xf32, #tpu.memory_space<vmem>>, vector<1x16xf32>,
    %get3A_2692 = vector.shape_cast %get3A_2691 : vector<1x16xf32> to vector<16xf32>
    %add3A_2693 = arith.addf %get3A_2687, %get3A_2692 : vector<16xf32>
    %mul3A_2694 = arith.mulf %add3A_2693, %div3A_2682 : vector<16xf32>
    %swap3A_2695 = arith.constant 30 : i32
    %swap3A_2696 = arith.index_cast %swap3A_2695 : i32 to index
    %swap3A_2697 = arith.constant 0 : index
    %swap3A_2698 = tpu.vector_load %arg6[%swap3A_2696, %swap3A_2697] {strides = array<i32>} : memref<32x128xf32, #tpu.memory_space<vmem>>, vector<1x16xf32>,
    %swap3A_2699 = vector.shape_cast %swap3A_2698 : vector<1x16xf32> to vector<16xf32>
    %swap3A_2700 = vector.shape_cast %mul3A_2694 : vector<16xf32> to vector<1x16xf32>
    tpu.vector_store %arg6[%swap3A_2696, %swap3A_2697], %swap3A_2700 {strides = array<i32>} : memref<32x128xf32, #tpu.memory_space<vmem>>, vector<1x16xf32>,
    %get3A_2701 = arith.constant 30 : i32
    %get3A_2702 = arith.index_cast %get3A_2701 : i32 to index
    %get3A_2703 = arith.constant 16 : index
    %get3A_2704 = tpu.vector_load %arg6[%get3A_2702, %get3A_2703] {strides = array<i32>} : memref<32x128xf32, #tpu.memory_space<vmem>>, vector<1x16xf32>,
    %get3A_2705 = vector.shape_cast %get3A_2704 : vector<1x16xf32> to vector<16xf32>
    %get3A_2706 = arith.constant 30 : i32
    %get3A_2707 = arith.index_cast %get3A_2706 : i32 to index
    %get3A_2708 = arith.constant 16 : index
    %get3A_2709 = tpu.vector_load %arg7[%get3A_2707, %get3A_2708] {strides = array<i32>} : memref<32x128xf32, #tpu.memory_space<vmem>>, vector<1x16xf32>,
    %get3A_2710 = vector.shape_cast %get3A_2709 : vector<1x16xf32> to vector<16xf32>
    %add3A_2711 = arith.addf %get3A_2705, %get3A_2710 : vector<16xf32>
    %mul3A_2712 = arith.mulf %add3A_2711, %div3A_2682 : vector<16xf32>
    %swap3A_2713 = arith.constant 30 : i32
    %swap3A_2714 = arith.index_cast %swap3A_2713 : i32 to index
    %swap3A_2715 = arith.constant 16 : index
    %swap3A_2716 = tpu.vector_load %arg6[%swap3A_2714, %swap3A_2715] {strides = array<i32>} : memref<32x128xf32, #tpu.memory_space<vmem>>, vector<1x16xf32>,
    %swap3A_2717 = vector.shape_cast %swap3A_2716 : vector<1x16xf32> to vector<16xf32>
    %swap3A_2718 = vector.shape_cast %mul3A_2712 : vector<16xf32> to vector<1x16xf32>
    tpu.vector_store %arg6[%swap3A_2714, %swap3A_2715], %swap3A_2718 {strides = array<i32>} : memref<32x128xf32, #tpu.memory_space<vmem>>, vector<1x16xf32>,
    %get3A_2719 = arith.constant 30 : i32
    %get3A_2720 = arith.index_cast %get3A_2719 : i32 to index
    %get3A_2721 = arith.constant 32 : index
    %get3A_2722 = tpu.vector_load %arg6[%get3A_2720, %get3A_2721] {strides = array<i32>} : memref<32x128xf32, #tpu.memory_space<vmem>>, vector<1x16xf32>,
    %get3A_2723 = vector.shape_cast %get3A_2722 : vector<1x16xf32> to vector<16xf32>
    %get3A_2724 = arith.constant 30 : i32
    %get3A_2725 = arith.index_cast %get3A_2724 : i32 to index
    %get3A_2726 = arith.constant 32 : index
    %get3A_2727 = tpu.vector_load %arg7[%get3A_2725, %get3A_2726] {strides = array<i32>} : memref<32x128xf32, #tpu.memory_space<vmem>>, vector<1x16xf32>,
    %get3A_2728 = vector.shape_cast %get3A_2727 : vector<1x16xf32> to vector<16xf32>
    %add3A_2729 = arith.addf %get3A_2723, %get3A_2728 : vector<16xf32>
    %mul3A_2730 = arith.mulf %add3A_2729, %div3A_2682 : vector<16xf32>
    %swap3A_2731 = arith.constant 30 : i32
    %swap3A_2732 = arith.index_cast %swap3A_2731 : i32 to index
    %swap3A_2733 = arith.constant 32 : index
    %swap3A_2734 = tpu.vector_load %arg6[%swap3A_2732, %swap3A_2733] {strides = array<i32>} : memref<32x128xf32, #tpu.memory_space<vmem>>, vector<1x16xf32>,
    %swap3A_2735 = vector.shape_cast %swap3A_2734 : vector<1x16xf32> to vector<16xf32>
    %swap3A_2736 = vector.shape_cast %mul3A_2730 : vector<16xf32> to vector<1x16xf32>
    tpu.vector_store %arg6[%swap3A_2732, %swap3A_2733], %swap3A_2736 {strides = array<i32>} : memref<32x128xf32, #tpu.memory_space<vmem>>, vector<1x16xf32>,
    %get3A_2737 = arith.constant 30 : i32
    %get3A_2738 = arith.index_cast %get3A_2737 : i32 to index
    %get3A_2739 = arith.constant 48 : index
    %get3A_2740 = tpu.vector_load %arg6[%get3A_2738, %get3A_2739] {strides = array<i32>} : memref<32x128xf32, #tpu.memory_space<vmem>>, vector<1x16xf32>,
    %get3A_2741 = vector.shape_cast %get3A_2740 : vector<1x16xf32> to vector<16xf32>
    %get3A_2742 = arith.constant 30 : i32
    %get3A_2743 = arith.index_cast %get3A_2742 : i32 to index
    %get3A_2744 = arith.constant 48 : index
    %get3A_2745 = tpu.vector_load %arg7[%get3A_2743, %get3A_2744] {strides = array<i32>} : memref<32x128xf32, #tpu.memory_space<vmem>>, vector<1x16xf32>,
    %get3A_2746 = vector.shape_cast %get3A_2745 : vector<1x16xf32> to vector<16xf32>
    %add3A_2747 = arith.addf %get3A_2741, %get3A_2746 : vector<16xf32>
    %mul3A_2748 = arith.mulf %add3A_2747, %div3A_2682 : vector<16xf32>
    %swap3A_2749 = arith.constant 30 : i32
    %swap3A_2750 = arith.index_cast %swap3A_2749 : i32 to index
    %swap3A_2751 = arith.constant 48 : index
    %swap3A_2752 = tpu.vector_load %arg6[%swap3A_2750, %swap3A_2751] {strides = array<i32>} : memref<32x128xf32, #tpu.memory_space<vmem>>, vector<1x16xf32>,
    %swap3A_2753 = vector.shape_cast %swap3A_2752 : vector<1x16xf32> to vector<16xf32>
    %swap3A_2754 = vector.shape_cast %mul3A_2748 : vector<16xf32> to vector<1x16xf32>
    tpu.vector_store %arg6[%swap3A_2750, %swap3A_2751], %swap3A_2754 {strides = array<i32>} : memref<32x128xf32, #tpu.memory_space<vmem>>, vector<1x16xf32>,
    %get3A_2755 = arith.constant 31 : i32
    %get3A_2756 = arith.index_cast %get3A_2755 : i32 to index
    %get3A_2757 = arith.constant 64 : index
    %get3A_2758 = tpu.vector_load %arg6[%get3A_2756, %get3A_2757] {strides = array<i32>} : memref<32x128xf32, #tpu.memory_space<vmem>>, vector<1x16xf32>,
    %get3A_2759 = vector.shape_cast %get3A_2758 : vector<1x16xf32> to vector<16xf32>
    %get3A_2760 = arith.constant 31 : i32
    %get3A_2761 = arith.index_cast %get3A_2760 : i32 to index
    %get3A_2762 = arith.constant 64 : index
    %get3A_2763 = tpu.vector_load %arg7[%get3A_2761, %get3A_2762] {strides = array<i32>} : memref<32x128xf32, #tpu.memory_space<vmem>>, vector<1x16xf32>,
    %get3A_2764 = vector.shape_cast %get3A_2763 : vector<1x16xf32> to vector<16xf32>
    %add3A_2765 = arith.addf %get3A_2759, %get3A_2764 : vector<16xf32>
    %max3A_2766 = arith.constant 1.000000e+00 : f32
    %max3A_2767 = vector.broadcast %max3A_2766 : f32 to vector<16xf32>
    %max3A_2768 = arith.maximumf %add3A_2765, %max3A_2767 : vector<16xf32>
    %div3A_2769 = arith.constant 1.000000e+00 : f32
    %div3A_2770 = vector.broadcast %div3A_2769 : f32 to vector<16xf32>
    %div3A_2771 = arith.divf %div3A_2770, %max3A_2768 : vector<16xf32>
    %get3A_2772 = arith.constant 31 : i32
    %get3A_2773 = arith.index_cast %get3A_2772 : i32 to index
    %get3A_2774 = arith.constant 0 : index
    %get3A_2775 = tpu.vector_load %arg6[%get3A_2773, %get3A_2774] {strides = array<i32>} : memref<32x128xf32, #tpu.memory_space<vmem>>, vector<1x16xf32>,
    %get3A_2776 = vector.shape_cast %get3A_2775 : vector<1x16xf32> to vector<16xf32>
    %get3A_2777 = arith.constant 31 : i32
    %get3A_2778 = arith.index_cast %get3A_2777 : i32 to index
    %get3A_2779 = arith.constant 0 : index
    %get3A_2780 = tpu.vector_load %arg7[%get3A_2778, %get3A_2779] {strides = array<i32>} : memref<32x128xf32, #tpu.memory_space<vmem>>, vector<1x16xf32>,
    %get3A_2781 = vector.shape_cast %get3A_2780 : vector<1x16xf32> to vector<16xf32>
    %add3A_2782 = arith.addf %get3A_2776, %get3A_2781 : vector<16xf32>
    %mul3A_2783 = arith.mulf %add3A_2782, %div3A_2771 : vector<16xf32>
    %swap3A_2784 = arith.constant 31 : i32
    %swap3A_2785 = arith.index_cast %swap3A_2784 : i32 to index
    %swap3A_2786 = arith.constant 0 : index
    %swap3A_2787 = tpu.vector_load %arg6[%swap3A_2785, %swap3A_2786] {strides = array<i32>} : memref<32x128xf32, #tpu.memory_space<vmem>>, vector<1x16xf32>,
    %swap3A_2788 = vector.shape_cast %swap3A_2787 : vector<1x16xf32> to vector<16xf32>
    %swap3A_2789 = vector.shape_cast %mul3A_2783 : vector<16xf32> to vector<1x16xf32>
    tpu.vector_store %arg6[%swap3A_2785, %swap3A_2786], %swap3A_2789 {strides = array<i32>} : memref<32x128xf32, #tpu.memory_space<vmem>>, vector<1x16xf32>,
    %get3A_2790 = arith.constant 31 : i32
    %get3A_2791 = arith.index_cast %get3A_2790 : i32 to index
    %get3A_2792 = arith.constant 16 : index
    %get3A_2793 = tpu.vector_load %arg6[%get3A_2791, %get3A_2792] {strides = array<i32>} : memref<32x128xf32, #tpu.memory_space<vmem>>, vector<1x16xf32>,
    %get3A_2794 = vector.shape_cast %get3A_2793 : vector<1x16xf32> to vector<16xf32>
    %get3A_2795 = arith.constant 31 : i32
    %get3A_2796 = arith.index_cast %get3A_2795 : i32 to index
    %get3A_2797 = arith.constant 16 : index
    %get3A_2798 = tpu.vector_load %arg7[%get3A_2796, %get3A_2797] {strides = array<i32>} : memref<32x128xf32, #tpu.memory_space<vmem>>, vector<1x16xf32>,
    %get3A_2799 = vector.shape_cast %get3A_2798 : vector<1x16xf32> to vector<16xf32>
    %add3A_2800 = arith.addf %get3A_2794, %get3A_2799 : vector<16xf32>
    %mul3A_2801 = arith.mulf %add3A_2800, %div3A_2771 : vector<16xf32>
    %swap3A_2802 = arith.constant 31 : i32
    %swap3A_2803 = arith.index_cast %swap3A_2802 : i32 to index
    %swap3A_2804 = arith.constant 16 : index
    %swap3A_2805 = tpu.vector_load %arg6[%swap3A_2803, %swap3A_2804] {strides = array<i32>} : memref<32x128xf32, #tpu.memory_space<vmem>>, vector<1x16xf32>,
    %swap3A_2806 = vector.shape_cast %swap3A_2805 : vector<1x16xf32> to vector<16xf32>
    %swap3A_2807 = vector.shape_cast %mul3A_2801 : vector<16xf32> to vector<1x16xf32>
    tpu.vector_store %arg6[%swap3A_2803, %swap3A_2804], %swap3A_2807 {strides = array<i32>} : memref<32x128xf32, #tpu.memory_space<vmem>>, vector<1x16xf32>,
    %get3A_2808 = arith.constant 31 : i32
    %get3A_2809 = arith.index_cast %get3A_2808 : i32 to index
    %get3A_2810 = arith.constant 32 : index
    %get3A_2811 = tpu.vector_load %arg6[%get3A_2809, %get3A_2810] {strides = array<i32>} : memref<32x128xf32, #tpu.memory_space<vmem>>, vector<1x16xf32>,
    %get3A_2812 = vector.shape_cast %get3A_2811 : vector<1x16xf32> to vector<16xf32>
    %get3A_2813 = arith.constant 31 : i32
    %get3A_2814 = arith.index_cast %get3A_2813 : i32 to index
    %get3A_2815 = arith.constant 32 : index
    %get3A_2816 = tpu.vector_load %arg7[%get3A_2814, %get3A_2815] {strides = array<i32>} : memref<32x128xf32, #tpu.memory_space<vmem>>, vector<1x16xf32>,
    %get3A_2817 = vector.shape_cast %get3A_2816 : vector<1x16xf32> to vector<16xf32>
    %add3A_2818 = arith.addf %get3A_2812, %get3A_2817 : vector<16xf32>
    %mul3A_2819 = arith.mulf %add3A_2818, %div3A_2771 : vector<16xf32>
    %swap3A_2820 = arith.constant 31 : i32
    %swap3A_2821 = arith.index_cast %swap3A_2820 : i32 to index
    %swap3A_2822 = arith.constant 32 : index
    %swap3A_2823 = tpu.vector_load %arg6[%swap3A_2821, %swap3A_2822] {strides = array<i32>} : memref<32x128xf32, #tpu.memory_space<vmem>>, vector<1x16xf32>,
    %swap3A_2824 = vector.shape_cast %swap3A_2823 : vector<1x16xf32> to vector<16xf32>
    %swap3A_2825 = vector.shape_cast %mul3A_2819 : vector<16xf32> to vector<1x16xf32>
    tpu.vector_store %arg6[%swap3A_2821, %swap3A_2822], %swap3A_2825 {strides = array<i32>} : memref<32x128xf32, #tpu.memory_space<vmem>>, vector<1x16xf32>,
    %get3A_2826 = arith.constant 31 : i32
    %get3A_2827 = arith.index_cast %get3A_2826 : i32 to index
    %get3A_2828 = arith.constant 48 : index
    %get3A_2829 = tpu.vector_load %arg6[%get3A_2827, %get3A_2828] {strides = array<i32>} : memref<32x128xf32, #tpu.memory_space<vmem>>, vector<1x16xf32>,
    %get3A_2830 = vector.shape_cast %get3A_2829 : vector<1x16xf32> to vector<16xf32>
    %get3A_2831 = arith.constant 31 : i32
    %get3A_2832 = arith.index_cast %get3A_2831 : i32 to index
    %get3A_2833 = arith.constant 48 : index
    %get3A_2834 = tpu.vector_load %arg7[%get3A_2832, %get3A_2833] {strides = array<i32>} : memref<32x128xf32, #tpu.memory_space<vmem>>, vector<1x16xf32>,
    %get3A_2835 = vector.shape_cast %get3A_2834 : vector<1x16xf32> to vector<16xf32>
    %add3A_2836 = arith.addf %get3A_2830, %get3A_2835 : vector<16xf32>
    %mul3A_2837 = arith.mulf %add3A_2836, %div3A_2771 : vector<16xf32>
    %swap3A_2838 = arith.constant 31 : i32
    %swap3A_2839 = arith.index_cast %swap3A_2838 : i32 to index
    %swap3A_2840 = arith.constant 48 : index
    %swap3A_2841 = tpu.vector_load %arg6[%swap3A_2839, %swap3A_2840] {strides = array<i32>} : memref<32x128xf32, #tpu.memory_space<vmem>>, vector<1x16xf32>,
    %swap3A_2842 = vector.shape_cast %swap3A_2841 : vector<1x16xf32> to vector<16xf32>
    %swap3A_2843 = vector.shape_cast %mul3A_2837 : vector<16xf32> to vector<1x16xf32>
    tpu.vector_store %arg6[%swap3A_2839, %swap3A_2840], %swap3A_2843 {strides = array<i32>} : memref<32x128xf32, #tpu.memory_space<vmem>>, vector<1x16xf32>,
    "tpu.region"() ({
      %run_scoped3A = tpu.sem_alloc : memref<!tpu.dma_semaphore, #tpu.memory_space<semaphore_mem>>
      %dma_start3A_3055 = arith.constant 0 : i32
      %dma_start3A_3056 = tpu.memref_slice %arg12[%mul3A_0, %dma_start3A_3055] : memref<512x128xf32, #tpu.memory_space<vmem_shared>> -> memref<32x128xf32, #tpu.memory_space<vmem_shared>>
      %dma_start3A_3057 = arith.constant 0 : i32
      %dma_start3A_3058 = tpu.memref_slice %arg12[%mul3A_0, %dma_start3A_3057] : memref<512x128xf32, #tpu.memory_space<vmem_shared>> -> memref<32x128xf32, #tpu.memory_space<vmem_shared>>
      tpu.enqueue_dma source(%arg6 : memref<32x128xf32, #tpu.memory_space<vmem>>) target(%dma_start3A_3058 : memref<32x128xf32, #tpu.memory_space<vmem_shared>>) target_semaphore(%run_scoped3A : memref<!tpu.dma_semaphore, #tpu.memory_space<semaphore_mem>>)
      %dma_wait3A_3059 = arith.constant 0 : i32
      %dma_wait3A_3060 = tpu.memref_slice %arg12[%mul3A_0, %dma_wait3A_3059] : memref<512x128xf32, #tpu.memory_space<vmem_shared>> -> memref<32x128xf32, #tpu.memory_space<vmem_shared>>
      %dma_wait3A_3061 = arith.constant 0 : i32
      %dma_wait3A_3062 = tpu.memref_slice %arg12[%mul3A_0, %dma_wait3A_3061] : memref<512x128xf32, #tpu.memory_space<vmem_shared>> -> memref<32x128xf32, #tpu.memory_space<vmem_shared>>
      tpu.wait_dma2 semaphore(%run_scoped3A : memref<!tpu.dma_semaphore, #tpu.memory_space<semaphore_mem>>) src(%arg6 : memref<32x128xf32, #tpu.memory_space<vmem>>) dst(%dma_wait3A_3062 : memref<32x128xf32, #tpu.memory_space<vmem_shared>>)
      tpu.yield
    }) : () -> ()
    %barrier3A = arith.constant 0 : index
    tpu.barrier barrier_id(%barrier3A)
    %mul3A_2844 = arith.constant 2 : i32
    %mul3A_2845 = arith.muli %arg1, %mul3A_2844 : i32
    %add3A_2846 = arith.addi %mul3A_2845, %arg0 : i32
    %mul3A_2847 = arith.constant 1024 : i32
    %mul3A_2848 = arith.muli %add3A_2846, %mul3A_2847 : i32
    %dma_start3A = arith.constant 0 : i32
    %dma_start3A_2849 = arith.constant 0 : i32
    %dma_start3A_2850 = tpu.memref_slice %arg4[%add3A_2846, %dma_start3A, %dma_start3A_2849] : memref<32x8x128xi32, #tpu.memory_space<hbm>> -> memref<1x8x128xi32, #tpu.memory_space<hbm>>
    %dma_start3A_2851 = tpu.memref_squeeze %dma_start3A_2850 : memref<1x8x128xi32, #tpu.memory_space<hbm>> -> memref<8x128xi32, #tpu.memory_space<hbm>>
    %dma_start3A_2852 = arith.constant 0 : i32
    %dma_start3A_2853 = arith.constant 0 : i32
    %dma_start3A_2854 = tpu.memref_slice %arg4[%add3A_2846, %dma_start3A_2852, %dma_start3A_2853] : memref<32x8x128xi32, #tpu.memory_space<hbm>> -> memref<1x8x128xi32, #tpu.memory_space<hbm>>
    %dma_start3A_2855 = tpu.memref_squeeze %dma_start3A_2854 : memref<1x8x128xi32, #tpu.memory_space<hbm>> -> memref<8x128xi32, #tpu.memory_space<hbm>>
    tpu.enqueue_dma source(%dma_start3A_2855 : memref<8x128xi32, #tpu.memory_space<hbm>>) target(%arg8 : memref<8x128xi32, #tpu.memory_space<vmem>>) target_semaphore(%arg13 : memref<!tpu.dma_semaphore, #tpu.memory_space<semaphore_mem>>)
    %dma_wait3A = arith.constant 0 : i32
    %dma_wait3A_2856 = arith.constant 0 : i32
    %dma_wait3A_2857 = tpu.memref_slice %arg4[%add3A_2846, %dma_wait3A, %dma_wait3A_2856] : memref<32x8x128xi32, #tpu.memory_space<hbm>> -> memref<1x8x128xi32, #tpu.memory_space<hbm>>
    %dma_wait3A_2858 = tpu.memref_squeeze %dma_wait3A_2857 : memref<1x8x128xi32, #tpu.memory_space<hbm>> -> memref<8x128xi32, #tpu.memory_space<hbm>>
    %dma_wait3A_2859 = arith.constant 0 : i32
    %dma_wait3A_2860 = arith.constant 0 : i32
    %dma_wait3A_2861 = tpu.memref_slice %arg4[%add3A_2846, %dma_wait3A_2859, %dma_wait3A_2860] : memref<32x8x128xi32, #tpu.memory_space<hbm>> -> memref<1x8x128xi32, #tpu.memory_space<hbm>>
    %dma_wait3A_2862 = tpu.memref_squeeze %dma_wait3A_2861 : memref<1x8x128xi32, #tpu.memory_space<hbm>> -> memref<8x128xi32, #tpu.memory_space<hbm>>
    tpu.wait_dma2 semaphore(%arg13 : memref<!tpu.dma_semaphore, #tpu.memory_space<semaphore_mem>>) src(%dma_wait3A_2862 : memref<8x128xi32, #tpu.memory_space<hbm>>) dst(%arg8 : memref<8x128xi32, #tpu.memory_space<vmem>>)
    %dma_start3A_2863 = arith.constant 0 : i32
    %dma_start3A_2864 = arith.constant 0 : i32
    %dma_start3A_2865 = tpu.memref_slice %arg8[%dma_start3A_2863, %dma_start3A_2864] : memref<8x128xi32, #tpu.memory_space<vmem>> -> memref<1x128xi32, #tpu.memory_space<vmem>>
    %dma_start3A_2866 = tpu.memref_squeeze %dma_start3A_2865 : memref<1x128xi32, #tpu.memory_space<vmem>> -> memref<128xi32, #tpu.memory_space<vmem>>
    %dma_start3A_2867 = arith.constant 0 : i32
    %dma_start3A_2868 = arith.constant 0 : i32
    %dma_start3A_2869 = tpu.memref_slice %arg12[%dma_start3A_2867, %dma_start3A_2868] : memref<512x128xf32, #tpu.memory_space<vmem_shared>> -> memref<512x128xf32, #tpu.memory_space<vmem_shared>>
    tpu.enqueue_indirect_dma source(%dma_start3A_2869 : memref<512x128xf32, #tpu.memory_space<vmem_shared>>) target(%arg9 : memref<128x128xf32, #tpu.memory_space<vmem>>) offsets(%dma_start3A_2866 : memref<128xi32, #tpu.memory_space<vmem>>) semaphore(%arg14 : memref<!tpu.dma_semaphore, #tpu.memory_space<semaphore_mem>>)
    %dma_start3A_2870 = arith.constant 1 : i32
    %dma_start3A_2871 = arith.constant 0 : i32
    %dma_start3A_2872 = tpu.memref_slice %arg8[%dma_start3A_2870, %dma_start3A_2871] : memref<8x128xi32, #tpu.memory_space<vmem>> -> memref<1x128xi32, #tpu.memory_space<vmem>>
    %dma_start3A_2873 = tpu.memref_squeeze %dma_start3A_2872 : memref<1x128xi32, #tpu.memory_space<vmem>> -> memref<128xi32, #tpu.memory_space<vmem>>
    %dma_start3A_2874 = arith.constant 0 : i32
    %dma_start3A_2875 = arith.constant 0 : i32
    %dma_start3A_2876 = tpu.memref_slice %arg12[%dma_start3A_2874, %dma_start3A_2875] : memref<512x128xf32, #tpu.memory_space<vmem_shared>> -> memref<512x128xf32, #tpu.memory_space<vmem_shared>>
    tpu.enqueue_indirect_dma source(%dma_start3A_2876 : memref<512x128xf32, #tpu.memory_space<vmem_shared>>) target(%arg10 : memref<128x128xf32, #tpu.memory_space<vmem>>) offsets(%dma_start3A_2873 : memref<128xi32, #tpu.memory_space<vmem>>) semaphore(%arg15 : memref<!tpu.dma_semaphore, #tpu.memory_space<semaphore_mem>>)
    %dma_start3A_2877 = arith.constant 2 : i32
    %dma_start3A_2878 = arith.constant 0 : i32
    %dma_start3A_2879 = tpu.memref_slice %arg8[%dma_start3A_2877, %dma_start3A_2878] : memref<8x128xi32, #tpu.memory_space<vmem>> -> memref<1x128xi32, #tpu.memory_space<vmem>>
    %dma_start3A_2880 = tpu.memref_squeeze %dma_start3A_2879 : memref<1x128xi32, #tpu.memory_space<vmem>> -> memref<128xi32, #tpu.memory_space<vmem>>
    %dma_start3A_2881 = arith.constant 0 : i32
    %dma_start3A_2882 = arith.constant 0 : i32
    %dma_start3A_2883 = tpu.memref_slice %arg12[%dma_start3A_2881, %dma_start3A_2882] : memref<512x128xf32, #tpu.memory_space<vmem_shared>> -> memref<512x128xf32, #tpu.memory_space<vmem_shared>>
    tpu.enqueue_indirect_dma source(%dma_start3A_2883 : memref<512x128xf32, #tpu.memory_space<vmem_shared>>) target(%arg11 : memref<128x128xf32, #tpu.memory_space<vmem>>) offsets(%dma_start3A_2880 : memref<128xi32, #tpu.memory_space<vmem>>) semaphore(%arg16 : memref<!tpu.dma_semaphore, #tpu.memory_space<semaphore_mem>>)
    %dma_wait3A_2884 = arith.constant 0 : i32
    %dma_wait3A_2885 = arith.constant 0 : i32
    %dma_wait3A_2886 = tpu.memref_slice %arg8[%dma_wait3A_2884, %dma_wait3A_2885] : memref<8x128xi32, #tpu.memory_space<vmem>> -> memref<1x128xi32, #tpu.memory_space<vmem>>
    %dma_wait3A_2887 = tpu.memref_squeeze %dma_wait3A_2886 : memref<1x128xi32, #tpu.memory_space<vmem>> -> memref<128xi32, #tpu.memory_space<vmem>>
    %dma_wait3A_2888 = arith.constant 0 : i32
    %dma_wait3A_2889 = arith.constant 0 : i32
    %dma_wait3A_2890 = tpu.memref_slice %arg12[%dma_wait3A_2888, %dma_wait3A_2889] : memref<512x128xf32, #tpu.memory_space<vmem_shared>> -> memref<512x128xf32, #tpu.memory_space<vmem_shared>>
    tpu.wait_indirect_dma semaphore(%arg14 : memref<!tpu.dma_semaphore, #tpu.memory_space<semaphore_mem>>) src(%dma_wait3A_2890 : memref<512x128xf32, #tpu.memory_space<vmem_shared>>) dst(%arg9 : memref<128x128xf32, #tpu.memory_space<vmem>>)
    %add3A_2891 = arith.constant 0 : i32
    %add3A_2892 = arith.addi %mul3A_2848, %add3A_2891 : i32
    %dma_start3A_2893 = arith.constant 0 : i32
    %dma_start3A_2894 = tpu.memref_slice %arg5[%add3A_2892, %dma_start3A_2893] : memref<32768x128xf32, #tpu.memory_space<hbm>> -> memref<128x128xf32, #tpu.memory_space<hbm>>
    %dma_start3A_2895 = arith.constant 0 : i32
    %dma_start3A_2896 = tpu.memref_slice %arg5[%add3A_2892, %dma_start3A_2895] : memref<32768x128xf32, #tpu.memory_space<hbm>> -> memref<128x128xf32, #tpu.memory_space<hbm>>
    tpu.enqueue_dma source(%arg9 : memref<128x128xf32, #tpu.memory_space<vmem>>) target(%dma_start3A_2896 : memref<128x128xf32, #tpu.memory_space<hbm>>) target_semaphore(%arg17 : memref<!tpu.dma_semaphore, #tpu.memory_space<semaphore_mem>>)
    %dma_wait3A_2897 = arith.constant 0 : i32
    %dma_wait3A_2898 = tpu.memref_slice %arg5[%add3A_2892, %dma_wait3A_2897] : memref<32768x128xf32, #tpu.memory_space<hbm>> -> memref<128x128xf32, #tpu.memory_space<hbm>>
    %dma_wait3A_2899 = arith.constant 0 : i32
    %dma_wait3A_2900 = tpu.memref_slice %arg5[%add3A_2892, %dma_wait3A_2899] : memref<32768x128xf32, #tpu.memory_space<hbm>> -> memref<128x128xf32, #tpu.memory_space<hbm>>
    tpu.wait_dma2 semaphore(%arg17 : memref<!tpu.dma_semaphore, #tpu.memory_space<semaphore_mem>>) src(%arg9 : memref<128x128xf32, #tpu.memory_space<vmem>>) dst(%dma_wait3A_2900 : memref<128x128xf32, #tpu.memory_space<hbm>>)
    %dma_start3A_2901 = arith.constant 3 : i32
    %dma_start3A_2902 = arith.constant 0 : i32
    %dma_start3A_2903 = tpu.memref_slice %arg8[%dma_start3A_2901, %dma_start3A_2902] : memref<8x128xi32, #tpu.memory_space<vmem>> -> memref<1x128xi32, #tpu.memory_space<vmem>>
    %dma_start3A_2904 = tpu.memref_squeeze %dma_start3A_2903 : memref<1x128xi32, #tpu.memory_space<vmem>> -> memref<128xi32, #tpu.memory_space<vmem>>
    %dma_start3A_2905 = arith.constant 0 : i32
    %dma_start3A_2906 = arith.constant 0 : i32
    %dma_start3A_2907 = tpu.memref_slice %arg12[%dma_start3A_2905, %dma_start3A_2906] : memref<512x128xf32, #tpu.memory_space<vmem_shared>> -> memref<512x128xf32, #tpu.memory_space<vmem_shared>>
    tpu.enqueue_indirect_dma source(%dma_start3A_2907 : memref<512x128xf32, #tpu.memory_space<vmem_shared>>) target(%arg9 : memref<128x128xf32, #tpu.memory_space<vmem>>) offsets(%dma_start3A_2904 : memref<128xi32, #tpu.memory_space<vmem>>) semaphore(%arg14 : memref<!tpu.dma_semaphore, #tpu.memory_space<semaphore_mem>>)
    %dma_wait3A_2908 = arith.constant 1 : i32
    %dma_wait3A_2909 = arith.constant 0 : i32
    %dma_wait3A_2910 = tpu.memref_slice %arg8[%dma_wait3A_2908, %dma_wait3A_2909] : memref<8x128xi32, #tpu.memory_space<vmem>> -> memref<1x128xi32, #tpu.memory_space<vmem>>
    %dma_wait3A_2911 = tpu.memref_squeeze %dma_wait3A_2910 : memref<1x128xi32, #tpu.memory_space<vmem>> -> memref<128xi32, #tpu.memory_space<vmem>>
    %dma_wait3A_2912 = arith.constant 0 : i32
    %dma_wait3A_2913 = arith.constant 0 : i32
    %dma_wait3A_2914 = tpu.memref_slice %arg12[%dma_wait3A_2912, %dma_wait3A_2913] : memref<512x128xf32, #tpu.memory_space<vmem_shared>> -> memref<512x128xf32, #tpu.memory_space<vmem_shared>>
    tpu.wait_indirect_dma semaphore(%arg15 : memref<!tpu.dma_semaphore, #tpu.memory_space<semaphore_mem>>) src(%dma_wait3A_2914 : memref<512x128xf32, #tpu.memory_space<vmem_shared>>) dst(%arg10 : memref<128x128xf32, #tpu.memory_space<vmem>>)
    %add3A_2915 = arith.constant 128 : i32
    %add3A_2916 = arith.addi %mul3A_2848, %add3A_2915 : i32
    %dma_start3A_2917 = arith.constant 0 : i32
    %dma_start3A_2918 = tpu.memref_slice %arg5[%add3A_2916, %dma_start3A_2917] : memref<32768x128xf32, #tpu.memory_space<hbm>> -> memref<128x128xf32, #tpu.memory_space<hbm>>
    %dma_start3A_2919 = arith.constant 0 : i32
    %dma_start3A_2920 = tpu.memref_slice %arg5[%add3A_2916, %dma_start3A_2919] : memref<32768x128xf32, #tpu.memory_space<hbm>> -> memref<128x128xf32, #tpu.memory_space<hbm>>
    tpu.enqueue_dma source(%arg10 : memref<128x128xf32, #tpu.memory_space<vmem>>) target(%dma_start3A_2920 : memref<128x128xf32, #tpu.memory_space<hbm>>) target_semaphore(%arg18 : memref<!tpu.dma_semaphore, #tpu.memory_space<semaphore_mem>>)
    %dma_wait3A_2921 = arith.constant 0 : i32
    %dma_wait3A_2922 = tpu.memref_slice %arg5[%add3A_2916, %dma_wait3A_2921] : memref<32768x128xf32, #tpu.memory_space<hbm>> -> memref<128x128xf32, #tpu.memory_space<hbm>>
    %dma_wait3A_2923 = arith.constant 0 : i32
    %dma_wait3A_2924 = tpu.memref_slice %arg5[%add3A_2916, %dma_wait3A_2923] : memref<32768x128xf32, #tpu.memory_space<hbm>> -> memref<128x128xf32, #tpu.memory_space<hbm>>
    tpu.wait_dma2 semaphore(%arg18 : memref<!tpu.dma_semaphore, #tpu.memory_space<semaphore_mem>>) src(%arg10 : memref<128x128xf32, #tpu.memory_space<vmem>>) dst(%dma_wait3A_2924 : memref<128x128xf32, #tpu.memory_space<hbm>>)
    %dma_start3A_2925 = arith.constant 4 : i32
    %dma_start3A_2926 = arith.constant 0 : i32
    %dma_start3A_2927 = tpu.memref_slice %arg8[%dma_start3A_2925, %dma_start3A_2926] : memref<8x128xi32, #tpu.memory_space<vmem>> -> memref<1x128xi32, #tpu.memory_space<vmem>>
    %dma_start3A_2928 = tpu.memref_squeeze %dma_start3A_2927 : memref<1x128xi32, #tpu.memory_space<vmem>> -> memref<128xi32, #tpu.memory_space<vmem>>
    %dma_start3A_2929 = arith.constant 0 : i32
    %dma_start3A_2930 = arith.constant 0 : i32
    %dma_start3A_2931 = tpu.memref_slice %arg12[%dma_start3A_2929, %dma_start3A_2930] : memref<512x128xf32, #tpu.memory_space<vmem_shared>> -> memref<512x128xf32, #tpu.memory_space<vmem_shared>>
    tpu.enqueue_indirect_dma source(%dma_start3A_2931 : memref<512x128xf32, #tpu.memory_space<vmem_shared>>) target(%arg10 : memref<128x128xf32, #tpu.memory_space<vmem>>) offsets(%dma_start3A_2928 : memref<128xi32, #tpu.memory_space<vmem>>) semaphore(%arg15 : memref<!tpu.dma_semaphore, #tpu.memory_space<semaphore_mem>>)
    %dma_wait3A_2932 = arith.constant 2 : i32
    %dma_wait3A_2933 = arith.constant 0 : i32
    %dma_wait3A_2934 = tpu.memref_slice %arg8[%dma_wait3A_2932, %dma_wait3A_2933] : memref<8x128xi32, #tpu.memory_space<vmem>> -> memref<1x128xi32, #tpu.memory_space<vmem>>
    %dma_wait3A_2935 = tpu.memref_squeeze %dma_wait3A_2934 : memref<1x128xi32, #tpu.memory_space<vmem>> -> memref<128xi32, #tpu.memory_space<vmem>>
    %dma_wait3A_2936 = arith.constant 0 : i32
    %dma_wait3A_2937 = arith.constant 0 : i32
    %dma_wait3A_2938 = tpu.memref_slice %arg12[%dma_wait3A_2936, %dma_wait3A_2937] : memref<512x128xf32, #tpu.memory_space<vmem_shared>> -> memref<512x128xf32, #tpu.memory_space<vmem_shared>>
    tpu.wait_indirect_dma semaphore(%arg16 : memref<!tpu.dma_semaphore, #tpu.memory_space<semaphore_mem>>) src(%dma_wait3A_2938 : memref<512x128xf32, #tpu.memory_space<vmem_shared>>) dst(%arg11 : memref<128x128xf32, #tpu.memory_space<vmem>>)
    %add3A_2939 = arith.constant 256 : i32
    %add3A_2940 = arith.addi %mul3A_2848, %add3A_2939 : i32
    %dma_start3A_2941 = arith.constant 0 : i32
    %dma_start3A_2942 = tpu.memref_slice %arg5[%add3A_2940, %dma_start3A_2941] : memref<32768x128xf32, #tpu.memory_space<hbm>> -> memref<128x128xf32, #tpu.memory_space<hbm>>
    %dma_start3A_2943 = arith.constant 0 : i32
    %dma_start3A_2944 = tpu.memref_slice %arg5[%add3A_2940, %dma_start3A_2943] : memref<32768x128xf32, #tpu.memory_space<hbm>> -> memref<128x128xf32, #tpu.memory_space<hbm>>
    tpu.enqueue_dma source(%arg11 : memref<128x128xf32, #tpu.memory_space<vmem>>) target(%dma_start3A_2944 : memref<128x128xf32, #tpu.memory_space<hbm>>) target_semaphore(%arg19 : memref<!tpu.dma_semaphore, #tpu.memory_space<semaphore_mem>>)
    %dma_wait3A_2945 = arith.constant 0 : i32
    %dma_wait3A_2946 = tpu.memref_slice %arg5[%add3A_2940, %dma_wait3A_2945] : memref<32768x128xf32, #tpu.memory_space<hbm>> -> memref<128x128xf32, #tpu.memory_space<hbm>>
    %dma_wait3A_2947 = arith.constant 0 : i32
    %dma_wait3A_2948 = tpu.memref_slice %arg5[%add3A_2940, %dma_wait3A_2947] : memref<32768x128xf32, #tpu.memory_space<hbm>> -> memref<128x128xf32, #tpu.memory_space<hbm>>
    tpu.wait_dma2 semaphore(%arg19 : memref<!tpu.dma_semaphore, #tpu.memory_space<semaphore_mem>>) src(%arg11 : memref<128x128xf32, #tpu.memory_space<vmem>>) dst(%dma_wait3A_2948 : memref<128x128xf32, #tpu.memory_space<hbm>>)
    %dma_start3A_2949 = arith.constant 5 : i32
    %dma_start3A_2950 = arith.constant 0 : i32
    %dma_start3A_2951 = tpu.memref_slice %arg8[%dma_start3A_2949, %dma_start3A_2950] : memref<8x128xi32, #tpu.memory_space<vmem>> -> memref<1x128xi32, #tpu.memory_space<vmem>>
    %dma_start3A_2952 = tpu.memref_squeeze %dma_start3A_2951 : memref<1x128xi32, #tpu.memory_space<vmem>> -> memref<128xi32, #tpu.memory_space<vmem>>
    %dma_start3A_2953 = arith.constant 0 : i32
    %dma_start3A_2954 = arith.constant 0 : i32
    %dma_start3A_2955 = tpu.memref_slice %arg12[%dma_start3A_2953, %dma_start3A_2954] : memref<512x128xf32, #tpu.memory_space<vmem_shared>> -> memref<512x128xf32, #tpu.memory_space<vmem_shared>>
    tpu.enqueue_indirect_dma source(%dma_start3A_2955 : memref<512x128xf32, #tpu.memory_space<vmem_shared>>) target(%arg11 : memref<128x128xf32, #tpu.memory_space<vmem>>) offsets(%dma_start3A_2952 : memref<128xi32, #tpu.memory_space<vmem>>) semaphore(%arg16 : memref<!tpu.dma_semaphore, #tpu.memory_space<semaphore_mem>>)
    %dma_wait3A_2956 = arith.constant 3 : i32
    %dma_wait3A_2957 = arith.constant 0 : i32
    %dma_wait3A_2958 = tpu.memref_slice %arg8[%dma_wait3A_2956, %dma_wait3A_2957] : memref<8x128xi32, #tpu.memory_space<vmem>> -> memref<1x128xi32, #tpu.memory_space<vmem>>
    %dma_wait3A_2959 = tpu.memref_squeeze %dma_wait3A_2958 : memref<1x128xi32, #tpu.memory_space<vmem>> -> memref<128xi32, #tpu.memory_space<vmem>>
    %dma_wait3A_2960 = arith.constant 0 : i32
    %dma_wait3A_2961 = arith.constant 0 : i32
    %dma_wait3A_2962 = tpu.memref_slice %arg12[%dma_wait3A_2960, %dma_wait3A_2961] : memref<512x128xf32, #tpu.memory_space<vmem_shared>> -> memref<512x128xf32, #tpu.memory_space<vmem_shared>>
    tpu.wait_indirect_dma semaphore(%arg14 : memref<!tpu.dma_semaphore, #tpu.memory_space<semaphore_mem>>) src(%dma_wait3A_2962 : memref<512x128xf32, #tpu.memory_space<vmem_shared>>) dst(%arg9 : memref<128x128xf32, #tpu.memory_space<vmem>>)
    %add3A_2963 = arith.constant 384 : i32
    %add3A_2964 = arith.addi %mul3A_2848, %add3A_2963 : i32
    %dma_start3A_2965 = arith.constant 0 : i32
    %dma_start3A_2966 = tpu.memref_slice %arg5[%add3A_2964, %dma_start3A_2965] : memref<32768x128xf32, #tpu.memory_space<hbm>> -> memref<128x128xf32, #tpu.memory_space<hbm>>
    %dma_start3A_2967 = arith.constant 0 : i32
    %dma_start3A_2968 = tpu.memref_slice %arg5[%add3A_2964, %dma_start3A_2967] : memref<32768x128xf32, #tpu.memory_space<hbm>> -> memref<128x128xf32, #tpu.memory_space<hbm>>
    tpu.enqueue_dma source(%arg9 : memref<128x128xf32, #tpu.memory_space<vmem>>) target(%dma_start3A_2968 : memref<128x128xf32, #tpu.memory_space<hbm>>) target_semaphore(%arg17 : memref<!tpu.dma_semaphore, #tpu.memory_space<semaphore_mem>>)
    %dma_wait3A_2969 = arith.constant 0 : i32
    %dma_wait3A_2970 = tpu.memref_slice %arg5[%add3A_2964, %dma_wait3A_2969] : memref<32768x128xf32, #tpu.memory_space<hbm>> -> memref<128x128xf32, #tpu.memory_space<hbm>>
    %dma_wait3A_2971 = arith.constant 0 : i32
    %dma_wait3A_2972 = tpu.memref_slice %arg5[%add3A_2964, %dma_wait3A_2971] : memref<32768x128xf32, #tpu.memory_space<hbm>> -> memref<128x128xf32, #tpu.memory_space<hbm>>
    tpu.wait_dma2 semaphore(%arg17 : memref<!tpu.dma_semaphore, #tpu.memory_space<semaphore_mem>>) src(%arg9 : memref<128x128xf32, #tpu.memory_space<vmem>>) dst(%dma_wait3A_2972 : memref<128x128xf32, #tpu.memory_space<hbm>>)
    %dma_start3A_2973 = arith.constant 6 : i32
    %dma_start3A_2974 = arith.constant 0 : i32
    %dma_start3A_2975 = tpu.memref_slice %arg8[%dma_start3A_2973, %dma_start3A_2974] : memref<8x128xi32, #tpu.memory_space<vmem>> -> memref<1x128xi32, #tpu.memory_space<vmem>>
    %dma_start3A_2976 = tpu.memref_squeeze %dma_start3A_2975 : memref<1x128xi32, #tpu.memory_space<vmem>> -> memref<128xi32, #tpu.memory_space<vmem>>
    %dma_start3A_2977 = arith.constant 0 : i32
    %dma_start3A_2978 = arith.constant 0 : i32
    %dma_start3A_2979 = tpu.memref_slice %arg12[%dma_start3A_2977, %dma_start3A_2978] : memref<512x128xf32, #tpu.memory_space<vmem_shared>> -> memref<512x128xf32, #tpu.memory_space<vmem_shared>>
    tpu.enqueue_indirect_dma source(%dma_start3A_2979 : memref<512x128xf32, #tpu.memory_space<vmem_shared>>) target(%arg9 : memref<128x128xf32, #tpu.memory_space<vmem>>) offsets(%dma_start3A_2976 : memref<128xi32, #tpu.memory_space<vmem>>) semaphore(%arg14 : memref<!tpu.dma_semaphore, #tpu.memory_space<semaphore_mem>>)
    %dma_wait3A_2980 = arith.constant 4 : i32
    %dma_wait3A_2981 = arith.constant 0 : i32
    %dma_wait3A_2982 = tpu.memref_slice %arg8[%dma_wait3A_2980, %dma_wait3A_2981] : memref<8x128xi32, #tpu.memory_space<vmem>> -> memref<1x128xi32, #tpu.memory_space<vmem>>
    %dma_wait3A_2983 = tpu.memref_squeeze %dma_wait3A_2982 : memref<1x128xi32, #tpu.memory_space<vmem>> -> memref<128xi32, #tpu.memory_space<vmem>>
    %dma_wait3A_2984 = arith.constant 0 : i32
    %dma_wait3A_2985 = arith.constant 0 : i32
    %dma_wait3A_2986 = tpu.memref_slice %arg12[%dma_wait3A_2984, %dma_wait3A_2985] : memref<512x128xf32, #tpu.memory_space<vmem_shared>> -> memref<512x128xf32, #tpu.memory_space<vmem_shared>>
    tpu.wait_indirect_dma semaphore(%arg15 : memref<!tpu.dma_semaphore, #tpu.memory_space<semaphore_mem>>) src(%dma_wait3A_2986 : memref<512x128xf32, #tpu.memory_space<vmem_shared>>) dst(%arg10 : memref<128x128xf32, #tpu.memory_space<vmem>>)
    %add3A_2987 = arith.constant 512 : i32
    %add3A_2988 = arith.addi %mul3A_2848, %add3A_2987 : i32
    %dma_start3A_2989 = arith.constant 0 : i32
    %dma_start3A_2990 = tpu.memref_slice %arg5[%add3A_2988, %dma_start3A_2989] : memref<32768x128xf32, #tpu.memory_space<hbm>> -> memref<128x128xf32, #tpu.memory_space<hbm>>
    %dma_start3A_2991 = arith.constant 0 : i32
    %dma_start3A_2992 = tpu.memref_slice %arg5[%add3A_2988, %dma_start3A_2991] : memref<32768x128xf32, #tpu.memory_space<hbm>> -> memref<128x128xf32, #tpu.memory_space<hbm>>
    tpu.enqueue_dma source(%arg10 : memref<128x128xf32, #tpu.memory_space<vmem>>) target(%dma_start3A_2992 : memref<128x128xf32, #tpu.memory_space<hbm>>) target_semaphore(%arg18 : memref<!tpu.dma_semaphore, #tpu.memory_space<semaphore_mem>>)
    %dma_wait3A_2993 = arith.constant 0 : i32
    %dma_wait3A_2994 = tpu.memref_slice %arg5[%add3A_2988, %dma_wait3A_2993] : memref<32768x128xf32, #tpu.memory_space<hbm>> -> memref<128x128xf32, #tpu.memory_space<hbm>>
    %dma_wait3A_2995 = arith.constant 0 : i32
    %dma_wait3A_2996 = tpu.memref_slice %arg5[%add3A_2988, %dma_wait3A_2995] : memref<32768x128xf32, #tpu.memory_space<hbm>> -> memref<128x128xf32, #tpu.memory_space<hbm>>
    tpu.wait_dma2 semaphore(%arg18 : memref<!tpu.dma_semaphore, #tpu.memory_space<semaphore_mem>>) src(%arg10 : memref<128x128xf32, #tpu.memory_space<vmem>>) dst(%dma_wait3A_2996 : memref<128x128xf32, #tpu.memory_space<hbm>>)
    %dma_start3A_2997 = arith.constant 7 : i32
    %dma_start3A_2998 = arith.constant 0 : i32
    %dma_start3A_2999 = tpu.memref_slice %arg8[%dma_start3A_2997, %dma_start3A_2998] : memref<8x128xi32, #tpu.memory_space<vmem>> -> memref<1x128xi32, #tpu.memory_space<vmem>>
    %dma_start3A_3000 = tpu.memref_squeeze %dma_start3A_2999 : memref<1x128xi32, #tpu.memory_space<vmem>> -> memref<128xi32, #tpu.memory_space<vmem>>
    %dma_start3A_3001 = arith.constant 0 : i32
    %dma_start3A_3002 = arith.constant 0 : i32
    %dma_start3A_3003 = tpu.memref_slice %arg12[%dma_start3A_3001, %dma_start3A_3002] : memref<512x128xf32, #tpu.memory_space<vmem_shared>> -> memref<512x128xf32, #tpu.memory_space<vmem_shared>>
    tpu.enqueue_indirect_dma source(%dma_start3A_3003 : memref<512x128xf32, #tpu.memory_space<vmem_shared>>) target(%arg10 : memref<128x128xf32, #tpu.memory_space<vmem>>) offsets(%dma_start3A_3000 : memref<128xi32, #tpu.memory_space<vmem>>) semaphore(%arg15 : memref<!tpu.dma_semaphore, #tpu.memory_space<semaphore_mem>>)
    %dma_wait3A_3004 = arith.constant 5 : i32
    %dma_wait3A_3005 = arith.constant 0 : i32
    %dma_wait3A_3006 = tpu.memref_slice %arg8[%dma_wait3A_3004, %dma_wait3A_3005] : memref<8x128xi32, #tpu.memory_space<vmem>> -> memref<1x128xi32, #tpu.memory_space<vmem>>
    %dma_wait3A_3007 = tpu.memref_squeeze %dma_wait3A_3006 : memref<1x128xi32, #tpu.memory_space<vmem>> -> memref<128xi32, #tpu.memory_space<vmem>>
    %dma_wait3A_3008 = arith.constant 0 : i32
    %dma_wait3A_3009 = arith.constant 0 : i32
    %dma_wait3A_3010 = tpu.memref_slice %arg12[%dma_wait3A_3008, %dma_wait3A_3009] : memref<512x128xf32, #tpu.memory_space<vmem_shared>> -> memref<512x128xf32, #tpu.memory_space<vmem_shared>>
    tpu.wait_indirect_dma semaphore(%arg16 : memref<!tpu.dma_semaphore, #tpu.memory_space<semaphore_mem>>) src(%dma_wait3A_3010 : memref<512x128xf32, #tpu.memory_space<vmem_shared>>) dst(%arg11 : memref<128x128xf32, #tpu.memory_space<vmem>>)
    %add3A_3011 = arith.constant 640 : i32
    %add3A_3012 = arith.addi %mul3A_2848, %add3A_3011 : i32
    %dma_start3A_3013 = arith.constant 0 : i32
    %dma_start3A_3014 = tpu.memref_slice %arg5[%add3A_3012, %dma_start3A_3013] : memref<32768x128xf32, #tpu.memory_space<hbm>> -> memref<128x128xf32, #tpu.memory_space<hbm>>
    %dma_start3A_3015 = arith.constant 0 : i32
    %dma_start3A_3016 = tpu.memref_slice %arg5[%add3A_3012, %dma_start3A_3015] : memref<32768x128xf32, #tpu.memory_space<hbm>> -> memref<128x128xf32, #tpu.memory_space<hbm>>
    tpu.enqueue_dma source(%arg11 : memref<128x128xf32, #tpu.memory_space<vmem>>) target(%dma_start3A_3016 : memref<128x128xf32, #tpu.memory_space<hbm>>) target_semaphore(%arg19 : memref<!tpu.dma_semaphore, #tpu.memory_space<semaphore_mem>>)
    %dma_wait3A_3017 = arith.constant 6 : i32
    %dma_wait3A_3018 = arith.constant 0 : i32
    %dma_wait3A_3019 = tpu.memref_slice %arg8[%dma_wait3A_3017, %dma_wait3A_3018] : memref<8x128xi32, #tpu.memory_space<vmem>> -> memref<1x128xi32, #tpu.memory_space<vmem>>
    %dma_wait3A_3020 = tpu.memref_squeeze %dma_wait3A_3019 : memref<1x128xi32, #tpu.memory_space<vmem>> -> memref<128xi32, #tpu.memory_space<vmem>>
    %dma_wait3A_3021 = arith.constant 0 : i32
    %dma_wait3A_3022 = arith.constant 0 : i32
    %dma_wait3A_3023 = tpu.memref_slice %arg12[%dma_wait3A_3021, %dma_wait3A_3022] : memref<512x128xf32, #tpu.memory_space<vmem_shared>> -> memref<512x128xf32, #tpu.memory_space<vmem_shared>>
    tpu.wait_indirect_dma semaphore(%arg14 : memref<!tpu.dma_semaphore, #tpu.memory_space<semaphore_mem>>) src(%dma_wait3A_3023 : memref<512x128xf32, #tpu.memory_space<vmem_shared>>) dst(%arg9 : memref<128x128xf32, #tpu.memory_space<vmem>>)
    %add3A_3024 = arith.constant 768 : i32
    %add3A_3025 = arith.addi %mul3A_2848, %add3A_3024 : i32
    %dma_start3A_3026 = arith.constant 0 : i32
    %dma_start3A_3027 = tpu.memref_slice %arg5[%add3A_3025, %dma_start3A_3026] : memref<32768x128xf32, #tpu.memory_space<hbm>> -> memref<128x128xf32, #tpu.memory_space<hbm>>
    %dma_start3A_3028 = arith.constant 0 : i32
    %dma_start3A_3029 = tpu.memref_slice %arg5[%add3A_3025, %dma_start3A_3028] : memref<32768x128xf32, #tpu.memory_space<hbm>> -> memref<128x128xf32, #tpu.memory_space<hbm>>
    tpu.enqueue_dma source(%arg9 : memref<128x128xf32, #tpu.memory_space<vmem>>) target(%dma_start3A_3029 : memref<128x128xf32, #tpu.memory_space<hbm>>) target_semaphore(%arg17 : memref<!tpu.dma_semaphore, #tpu.memory_space<semaphore_mem>>)
    %dma_wait3A_3030 = arith.constant 7 : i32
    %dma_wait3A_3031 = arith.constant 0 : i32
    %dma_wait3A_3032 = tpu.memref_slice %arg8[%dma_wait3A_3030, %dma_wait3A_3031] : memref<8x128xi32, #tpu.memory_space<vmem>> -> memref<1x128xi32, #tpu.memory_space<vmem>>
    %dma_wait3A_3033 = tpu.memref_squeeze %dma_wait3A_3032 : memref<1x128xi32, #tpu.memory_space<vmem>> -> memref<128xi32, #tpu.memory_space<vmem>>
    %dma_wait3A_3034 = arith.constant 0 : i32
    %dma_wait3A_3035 = arith.constant 0 : i32
    %dma_wait3A_3036 = tpu.memref_slice %arg12[%dma_wait3A_3034, %dma_wait3A_3035] : memref<512x128xf32, #tpu.memory_space<vmem_shared>> -> memref<512x128xf32, #tpu.memory_space<vmem_shared>>
    tpu.wait_indirect_dma semaphore(%arg15 : memref<!tpu.dma_semaphore, #tpu.memory_space<semaphore_mem>>) src(%dma_wait3A_3036 : memref<512x128xf32, #tpu.memory_space<vmem_shared>>) dst(%arg10 : memref<128x128xf32, #tpu.memory_space<vmem>>)
    %add3A_3037 = arith.constant 896 : i32
    %add3A_3038 = arith.addi %mul3A_2848, %add3A_3037 : i32
    %dma_start3A_3039 = arith.constant 0 : i32
    %dma_start3A_3040 = tpu.memref_slice %arg5[%add3A_3038, %dma_start3A_3039] : memref<32768x128xf32, #tpu.memory_space<hbm>> -> memref<128x128xf32, #tpu.memory_space<hbm>>
    %dma_start3A_3041 = arith.constant 0 : i32
    %dma_start3A_3042 = tpu.memref_slice %arg5[%add3A_3038, %dma_start3A_3041] : memref<32768x128xf32, #tpu.memory_space<hbm>> -> memref<128x128xf32, #tpu.memory_space<hbm>>
    tpu.enqueue_dma source(%arg10 : memref<128x128xf32, #tpu.memory_space<vmem>>) target(%dma_start3A_3042 : memref<128x128xf32, #tpu.memory_space<hbm>>) target_semaphore(%arg18 : memref<!tpu.dma_semaphore, #tpu.memory_space<semaphore_mem>>)
    %dma_wait3A_3043 = arith.constant 0 : i32
    %dma_wait3A_3044 = tpu.memref_slice %arg5[%add3A_3025, %dma_wait3A_3043] : memref<32768x128xf32, #tpu.memory_space<hbm>> -> memref<128x128xf32, #tpu.memory_space<hbm>>
    %dma_wait3A_3045 = arith.constant 0 : i32
    %dma_wait3A_3046 = tpu.memref_slice %arg5[%add3A_3025, %dma_wait3A_3045] : memref<32768x128xf32, #tpu.memory_space<hbm>> -> memref<128x128xf32, #tpu.memory_space<hbm>>
    tpu.wait_dma2 semaphore(%arg17 : memref<!tpu.dma_semaphore, #tpu.memory_space<semaphore_mem>>) src(%arg9 : memref<128x128xf32, #tpu.memory_space<vmem>>) dst(%dma_wait3A_3046 : memref<128x128xf32, #tpu.memory_space<hbm>>)
    %dma_wait3A_3047 = arith.constant 0 : i32
    %dma_wait3A_3048 = tpu.memref_slice %arg5[%add3A_3038, %dma_wait3A_3047] : memref<32768x128xf32, #tpu.memory_space<hbm>> -> memref<128x128xf32, #tpu.memory_space<hbm>>
    %dma_wait3A_3049 = arith.constant 0 : i32
    %dma_wait3A_3050 = tpu.memref_slice %arg5[%add3A_3038, %dma_wait3A_3049] : memref<32768x128xf32, #tpu.memory_space<hbm>> -> memref<128x128xf32, #tpu.memory_space<hbm>>
    tpu.wait_dma2 semaphore(%arg18 : memref<!tpu.dma_semaphore, #tpu.memory_space<semaphore_mem>>) src(%arg10 : memref<128x128xf32, #tpu.memory_space<vmem>>) dst(%dma_wait3A_3050 : memref<128x128xf32, #tpu.memory_space<hbm>>)
    %dma_wait3A_3051 = arith.constant 0 : i32
    %dma_wait3A_3052 = tpu.memref_slice %arg5[%add3A_3012, %dma_wait3A_3051] : memref<32768x128xf32, #tpu.memory_space<hbm>> -> memref<128x128xf32, #tpu.memory_space<hbm>>
    %dma_wait3A_3053 = arith.constant 0 : i32
    %dma_wait3A_3054 = tpu.memref_slice %arg5[%add3A_3012, %dma_wait3A_3053] : memref<32768x128xf32, #tpu.memory_space<hbm>> -> memref<128x128xf32, #tpu.memory_space<hbm>>
    tpu.wait_dma2 semaphore(%arg19 : memref<!tpu.dma_semaphore, #tpu.memory_space<semaphore_mem>>) src(%arg11 : memref<128x128xf32, #tpu.memory_space<vmem>>) dst(%dma_wait3A_3054 : memref<128x128xf32, #tpu.memory_space<hbm>>)
    return
  }
}

module attributes {stable_mosaic.version = 14 : i64} {
  func.func @_mlp1_kernel(%arg0: i32, %arg1: memref<8192x16xf32, #tpu.memory_space<vmem>>, %arg2: memref<16x128xf32, #tpu.memory_space<vmem>>, %arg3: memref<1x128xf32, #tpu.memory_space<vmem>>, %arg4: memref<128x128xf32, #tpu.memory_space<vmem>>, %arg5: memref<1x128xf32, #tpu.memory_space<vmem>>, %arg6: memref<128x64xf32, #tpu.memory_space<vmem>>, %arg7: memref<1x64xf32, #tpu.memory_space<vmem>>, %arg8: memref<8192x128xf32, #tpu.memory_space<vmem>>, %arg9: memref<8192x64xbf16, #tpu.memory_space<vmem>>) attributes {dimension_semantics = [#tpu.dimension_semantics<arbitrary>], iteration_bounds = array<i64: 4>, scalar_prefetch = 0 : i64, scratch_operands = 0 : i64, tpu.core_type = #tpu.core_type<tc>, window_params = [{transform_indices = @transform_0, window_bounds = array<i64: 8192, 16>}, {pipeline_mode = #tpu.pipeline_mode<synchronous>, transform_indices = @transform_1, window_bounds = array<i64: 16, 128>}, {pipeline_mode = #tpu.pipeline_mode<synchronous>, transform_indices = @transform_2, window_bounds = array<i64: 1, 128>}, {pipeline_mode = #tpu.pipeline_mode<synchronous>, transform_indices = @transform_3, window_bounds = array<i64: 128, 128>}, {pipeline_mode = #tpu.pipeline_mode<synchronous>, transform_indices = @transform_4, window_bounds = array<i64: 1, 128>}, {pipeline_mode = #tpu.pipeline_mode<synchronous>, transform_indices = @transform_5, window_bounds = array<i64: 128, 64>}, {pipeline_mode = #tpu.pipeline_mode<synchronous>, transform_indices = @transform_6, window_bounds = array<i64: 1, 64>}, {transform_indices = @transform_7, window_bounds = array<i64: 8192, 128>}, {transform_indices = @transform_8, window_bounds = array<i64: 8192, 64>}]} {
    %get3A = arith.constant 0 : index
    %get3A_0 = arith.constant 0 : index
    %get3A_1 = vector.load %arg1[%get3A, %get3A_0] : memref<8192x16xf32, #tpu.memory_space<vmem>>, vector<8192x16xf32>
    %get3A_2 = arith.constant 0 : index
    %get3A_3 = arith.constant 0 : index
    %get3A_4 = vector.load %arg2[%get3A_2, %get3A_3] : memref<16x128xf32, #tpu.memory_space<vmem>>, vector<16x128xf32>
    %dot_general3A = arith.constant dense<0.000000e+00> : vector<8192x128xf32>
    %dot_general3A_5 = tpu.matmul %get3A_1, %get3A_4, %dot_general3A {dimension_numbers = #tpu.dot_dimension_numbers<[1], [0], [0], [1], [0, 0, 1, 1], [], []>, transpose_lhs_hint = false} : vector<8192x16xf32>, vector<16x128xf32>, vector<8192x128xf32> -> vector<8192x128xf32>
    %get3A_6 = arith.constant 0 : index
    %get3A_7 = arith.constant 0 : index
    %get3A_8 = vector.load %arg3[%get3A_6, %get3A_7] : memref<1x128xf32, #tpu.memory_space<vmem>>, vector<1x128xf32>
    %add3A = vector.broadcast %get3A_8 : vector<1x128xf32> to vector<8192x128xf32>
    %add3A_9 = arith.addf %dot_general3A_5, %add3A : vector<8192x128xf32>
    %ge3A = arith.constant 0.000000e+00 : f32
    %ge3A_10 = vector.broadcast %ge3A : f32 to vector<8192x128xf32>
    %ge3A_11 = arith.cmpf oge, %add3A_9, %ge3A_10 : vector<8192x128xf32>
    %mul3A = arith.constant 0.00999999977 : f32
    %mul3A_12 = vector.broadcast %mul3A : f32 to vector<8192x128xf32>
    %mul3A_13 = arith.mulf %mul3A_12, %add3A_9 : vector<8192x128xf32>
    %select_n3A = arith.select %ge3A_11, %add3A_9, %mul3A_13 : vector<8192x128xi1>, vector<8192x128xf32>
    %get3A_14 = arith.constant 0 : index
    %get3A_15 = arith.constant 0 : index
    %get3A_16 = vector.load %arg4[%get3A_14, %get3A_15] : memref<128x128xf32, #tpu.memory_space<vmem>>, vector<128x128xf32>
    %dot_general3A_17 = arith.constant dense<0.000000e+00> : vector<8192x128xf32>
    %dot_general3A_18 = tpu.matmul %select_n3A, %get3A_16, %dot_general3A_17 {dimension_numbers = #tpu.dot_dimension_numbers<[1], [0], [0], [1], [0, 0, 1, 1], [], []>, transpose_lhs_hint = false} : vector<8192x128xf32>, vector<128x128xf32>, vector<8192x128xf32> -> vector<8192x128xf32>
    %get3A_19 = arith.constant 0 : index
    %get3A_20 = arith.constant 0 : index
    %get3A_21 = vector.load %arg5[%get3A_19, %get3A_20] : memref<1x128xf32, #tpu.memory_space<vmem>>, vector<1x128xf32>
    %add3A_22 = vector.broadcast %get3A_21 : vector<1x128xf32> to vector<8192x128xf32>
    %add3A_23 = arith.addf %dot_general3A_18, %add3A_22 : vector<8192x128xf32>
    %ge3A_24 = arith.constant 0.000000e+00 : f32
    %ge3A_25 = vector.broadcast %ge3A_24 : f32 to vector<8192x128xf32>
    %ge3A_26 = arith.cmpf oge, %add3A_23, %ge3A_25 : vector<8192x128xf32>
    %mul3A_27 = arith.constant 0.00999999977 : f32
    %mul3A_28 = vector.broadcast %mul3A_27 : f32 to vector<8192x128xf32>
    %mul3A_29 = arith.mulf %mul3A_28, %add3A_23 : vector<8192x128xf32>
    %select_n3A_30 = arith.select %ge3A_26, %add3A_23, %mul3A_29 : vector<8192x128xi1>, vector<8192x128xf32>
    %get3A_31 = arith.constant 0 : index
    %get3A_32 = arith.constant 0 : index
    %get3A_33 = vector.load %arg6[%get3A_31, %get3A_32] : memref<128x64xf32, #tpu.memory_space<vmem>>, vector<128x64xf32>
    %dot_general3A_34 = arith.constant dense<0.000000e+00> : vector<8192x64xf32>
    %dot_general3A_35 = tpu.matmul %select_n3A_30, %get3A_33, %dot_general3A_34 {dimension_numbers = #tpu.dot_dimension_numbers<[1], [0], [0], [1], [0, 0, 1, 1], [], []>, transpose_lhs_hint = false} : vector<8192x128xf32>, vector<128x64xf32>, vector<8192x64xf32> -> vector<8192x64xf32>
    %get3A_36 = arith.constant 0 : index
    %get3A_37 = arith.constant 0 : index
    %get3A_38 = vector.load %arg7[%get3A_36, %get3A_37] : memref<1x64xf32, #tpu.memory_space<vmem>>, vector<1x64xf32>
    %add3A_39 = vector.broadcast %get3A_38 : vector<1x64xf32> to vector<8192x64xf32>
    %add3A_40 = arith.addf %dot_general3A_35, %add3A_39 : vector<8192x64xf32>
    %broadcast_in_dim3A = arith.constant 1.000000e+00 : f32
    %broadcast_in_dim3A_41 = vector.broadcast %broadcast_in_dim3A : f32 to vector<8192x16xf32>
    %broadcast_in_dim3A_42 = arith.constant 0.000000e+00 : f32
    %broadcast_in_dim3A_43 = vector.broadcast %broadcast_in_dim3A_42 : f32 to vector<8192x48xf32>
    %concatenate3A = tpu.concatenate %add3A_40, %broadcast_in_dim3A_41, %broadcast_in_dim3A_43 in 1 : vector<8192x64xf32>, vector<8192x16xf32>, vector<8192x48xf32> -> vector<8192x128xf32>
    %swap3A = arith.constant 0 : index
    %swap3A_44 = arith.constant 0 : index
    %swap3A_45 = vector.load %arg8[%swap3A, %swap3A_44] : memref<8192x128xf32, #tpu.memory_space<vmem>>, vector<8192x128xf32>
    tpu.vector_store %arg8[%swap3A, %swap3A_44], %concatenate3A {strides = array<i32>} : memref<8192x128xf32, #tpu.memory_space<vmem>>, vector<8192x128xf32>,
    %convert_element_type3A = arith.truncf %add3A_40 : vector<8192x64xf32> to vector<8192x64xbf16>
    %swap3A_46 = arith.constant 0 : index
    %swap3A_47 = arith.constant 0 : index
    %swap3A_48 = vector.load %arg9[%swap3A_46, %swap3A_47] : memref<8192x64xbf16, #tpu.memory_space<vmem>>, vector<8192x64xbf16>
    tpu.vector_store %arg9[%swap3A_46, %swap3A_47], %convert_element_type3A {strides = array<i32>} : memref<8192x64xbf16, #tpu.memory_space<vmem>>, vector<8192x64xbf16>,
    return
  }
  func.func @transform_0(%arg0: i32) -> (i32, i32) {
    %c0_i32 = arith.constant 0 : i32
    %c0_i32_0 = arith.constant 0 : i32
    return %arg0, %c0_i32 : i32, i32
  }
  func.func @transform_1(%arg0: i32) -> (i32, i32) {
    %c0_i32 = arith.constant 0 : i32
    %c0_i32_0 = arith.constant 0 : i32
    %c0_i32_1 = arith.constant 0 : i32
    return %c0_i32, %c0_i32_0 : i32, i32
  }
  func.func @transform_2(%arg0: i32) -> (i32, i32) {
    %c0_i32 = arith.constant 0 : i32
    %c0_i32_0 = arith.constant 0 : i32
    %c0_i32_1 = arith.constant 0 : i32
    return %c0_i32, %c0_i32_0 : i32, i32
  }
  func.func @transform_3(%arg0: i32) -> (i32, i32) {
    %c0_i32 = arith.constant 0 : i32
    %c0_i32_0 = arith.constant 0 : i32
    %c0_i32_1 = arith.constant 0 : i32
    return %c0_i32, %c0_i32_0 : i32, i32
  }
  func.func @transform_4(%arg0: i32) -> (i32, i32) {
    %c0_i32 = arith.constant 0 : i32
    %c0_i32_0 = arith.constant 0 : i32
    %c0_i32_1 = arith.constant 0 : i32
    return %c0_i32, %c0_i32_0 : i32, i32
  }
  func.func @transform_5(%arg0: i32) -> (i32, i32) {
    %c0_i32 = arith.constant 0 : i32
    %c0_i32_0 = arith.constant 0 : i32
    %c0_i32_1 = arith.constant 0 : i32
    return %c0_i32, %c0_i32_0 : i32, i32
  }
  func.func @transform_6(%arg0: i32) -> (i32, i32) {
    %c0_i32 = arith.constant 0 : i32
    %c0_i32_0 = arith.constant 0 : i32
    %c0_i32_1 = arith.constant 0 : i32
    return %c0_i32, %c0_i32_0 : i32, i32
  }
  func.func @transform_7(%arg0: i32) -> (i32, i32) {
    %c0_i32 = arith.constant 0 : i32
    %c0_i32_0 = arith.constant 0 : i32
    return %arg0, %c0_i32 : i32, i32
  }
  func.func @transform_8(%arg0: i32) -> (i32, i32) {
    %c0_i32 = arith.constant 0 : i32
    %c0_i32_0 = arith.constant 0 : i32
    return %arg0, %c0_i32 : i32, i32
  }
}

module attributes {stable_mosaic.version = 14 : i64} {
  func.func @_mlp2_kernel(%arg0: i32, %arg1: memref<8192x64xbf16, #tpu.memory_space<vmem>>, %arg2: memref<8192x128xf32, #tpu.memory_space<vmem>>, %arg3: memref<64x128xbf16, #tpu.memory_space<vmem>>, %arg4: memref<64x128xf32, #tpu.memory_space<vmem>>, %arg5: memref<1x128xf32, #tpu.memory_space<vmem>>, %arg6: memref<128x128xf32, #tpu.memory_space<vmem>>, %arg7: memref<1x128xf32, #tpu.memory_space<vmem>>, %arg8: memref<128x1xf32, #tpu.memory_space<vmem>>, %arg9: memref<1x1xf32, #tpu.memory_space<vmem>>, %arg10: memref<8192x1xf32, #tpu.memory_space<vmem>>) attributes {dimension_semantics = [#tpu.dimension_semantics<arbitrary>], iteration_bounds = array<i64: 4>, scalar_prefetch = 0 : i64, scratch_operands = 0 : i64, tpu.core_type = #tpu.core_type<tc>, window_params = [{transform_indices = @transform_0, window_bounds = array<i64: 8192, 64>}, {transform_indices = @transform_1, window_bounds = array<i64: 8192, 128>}, {pipeline_mode = #tpu.pipeline_mode<synchronous>, transform_indices = @transform_2, window_bounds = array<i64: 64, 128>}, {pipeline_mode = #tpu.pipeline_mode<synchronous>, transform_indices = @transform_3, window_bounds = array<i64: 64, 128>}, {pipeline_mode = #tpu.pipeline_mode<synchronous>, transform_indices = @transform_4, window_bounds = array<i64: 1, 128>}, {pipeline_mode = #tpu.pipeline_mode<synchronous>, transform_indices = @transform_5, window_bounds = array<i64: 128, 128>}, {pipeline_mode = #tpu.pipeline_mode<synchronous>, transform_indices = @transform_6, window_bounds = array<i64: 1, 128>}, {pipeline_mode = #tpu.pipeline_mode<synchronous>, transform_indices = @transform_7, window_bounds = array<i64: 128, 1>}, {pipeline_mode = #tpu.pipeline_mode<synchronous>, transform_indices = @transform_8, window_bounds = array<i64: 1, 1>}, {transform_indices = @transform_9, window_bounds = array<i64: 8192, 1>}]} {
    %get3A = arith.constant 0 : index
    %get3A_0 = arith.constant 0 : index
    %get3A_1 = vector.load %arg1[%get3A, %get3A_0] : memref<8192x64xbf16, #tpu.memory_space<vmem>>, vector<8192x64xbf16>
    %get3A_2 = arith.constant 0 : index
    %get3A_3 = arith.constant 0 : index
    %get3A_4 = vector.load %arg2[%get3A_2, %get3A_3] : memref<8192x128xf32, #tpu.memory_space<vmem>>, vector<8192x128xf32>
    %slice3A = vector.extract_strided_slice %get3A_4 {offsets = [0, 0], sizes = [8192, 64], strides = [1, 1]} : vector<8192x128xf32> to vector<8192x64xf32>
    %get3A_5 = arith.constant 0 : index
    %get3A_6 = arith.constant 0 : index
    %get3A_7 = vector.load %arg3[%get3A_5, %get3A_6] : memref<64x128xbf16, #tpu.memory_space<vmem>>, vector<64x128xbf16>
    %dot_general3A = arith.constant dense<0.000000e+00> : vector<8192x128xf32>
    %dot_general3A_8 = tpu.matmul %get3A_1, %get3A_7, %dot_general3A {dimension_numbers = #tpu.dot_dimension_numbers<[1], [0], [0], [1], [0, 0, 1, 1], [], []>, transpose_lhs_hint = false} : vector<8192x64xbf16>, vector<64x128xbf16>, vector<8192x128xf32> -> vector<8192x128xf32>
    %get3A_9 = arith.constant 0 : index
    %get3A_10 = arith.constant 0 : index
    %get3A_11 = vector.load %arg4[%get3A_9, %get3A_10] : memref<64x128xf32, #tpu.memory_space<vmem>>, vector<64x128xf32>
    %dot_general3A_12 = arith.constant dense<0.000000e+00> : vector<8192x128xf32>
    %dot_general3A_13 = tpu.matmul %slice3A, %get3A_11, %dot_general3A_12 {dimension_numbers = #tpu.dot_dimension_numbers<[1], [0], [0], [1], [0, 0, 1, 1], [], []>, transpose_lhs_hint = false} : vector<8192x64xf32>, vector<64x128xf32>, vector<8192x128xf32> -> vector<8192x128xf32>
    %add3A = arith.addf %dot_general3A_8, %dot_general3A_13 : vector<8192x128xf32>
    %get3A_14 = arith.constant 0 : index
    %get3A_15 = arith.constant 0 : index
    %get3A_16 = vector.load %arg5[%get3A_14, %get3A_15] : memref<1x128xf32, #tpu.memory_space<vmem>>, vector<1x128xf32>
    %add3A_17 = vector.broadcast %get3A_16 : vector<1x128xf32> to vector<8192x128xf32>
    %add3A_18 = arith.addf %add3A, %add3A_17 : vector<8192x128xf32>
    %ge3A = arith.constant 0.000000e+00 : f32
    %ge3A_19 = vector.broadcast %ge3A : f32 to vector<8192x128xf32>
    %ge3A_20 = arith.cmpf oge, %add3A_18, %ge3A_19 : vector<8192x128xf32>
    %mul3A = arith.constant 0.00999999977 : f32
    %mul3A_21 = vector.broadcast %mul3A : f32 to vector<8192x128xf32>
    %mul3A_22 = arith.mulf %mul3A_21, %add3A_18 : vector<8192x128xf32>
    %select_n3A = arith.select %ge3A_20, %add3A_18, %mul3A_22 : vector<8192x128xi1>, vector<8192x128xf32>
    %get3A_23 = arith.constant 0 : index
    %get3A_24 = arith.constant 0 : index
    %get3A_25 = vector.load %arg6[%get3A_23, %get3A_24] : memref<128x128xf32, #tpu.memory_space<vmem>>, vector<128x128xf32>
    %dot_general3A_26 = arith.constant dense<0.000000e+00> : vector<8192x128xf32>
    %dot_general3A_27 = tpu.matmul %select_n3A, %get3A_25, %dot_general3A_26 {dimension_numbers = #tpu.dot_dimension_numbers<[1], [0], [0], [1], [0, 0, 1, 1], [], []>, transpose_lhs_hint = false} : vector<8192x128xf32>, vector<128x128xf32>, vector<8192x128xf32> -> vector<8192x128xf32>
    %get3A_28 = arith.constant 0 : index
    %get3A_29 = arith.constant 0 : index
    %get3A_30 = vector.load %arg7[%get3A_28, %get3A_29] : memref<1x128xf32, #tpu.memory_space<vmem>>, vector<1x128xf32>
    %add3A_31 = vector.broadcast %get3A_30 : vector<1x128xf32> to vector<8192x128xf32>
    %add3A_32 = arith.addf %dot_general3A_27, %add3A_31 : vector<8192x128xf32>
    %ge3A_33 = arith.constant 0.000000e+00 : f32
    %ge3A_34 = vector.broadcast %ge3A_33 : f32 to vector<8192x128xf32>
    %ge3A_35 = arith.cmpf oge, %add3A_32, %ge3A_34 : vector<8192x128xf32>
    %mul3A_36 = arith.constant 0.00999999977 : f32
    %mul3A_37 = vector.broadcast %mul3A_36 : f32 to vector<8192x128xf32>
    %mul3A_38 = arith.mulf %mul3A_37, %add3A_32 : vector<8192x128xf32>
    %select_n3A_39 = arith.select %ge3A_35, %add3A_32, %mul3A_38 : vector<8192x128xi1>, vector<8192x128xf32>
    %get3A_40 = arith.constant 0 : index
    %get3A_41 = arith.constant 0 : index
    %get3A_42 = vector.load %arg8[%get3A_40, %get3A_41] : memref<128x1xf32, #tpu.memory_space<vmem>>, vector<128x1xf32>
    %dot_general3A_43 = arith.constant dense<0.000000e+00> : vector<8192x1xf32>
    %dot_general3A_44 = tpu.matmul %select_n3A_39, %get3A_42, %dot_general3A_43 {dimension_numbers = #tpu.dot_dimension_numbers<[1], [0], [0], [1], [0, 0, 1, 1], [], []>, transpose_lhs_hint = false} : vector<8192x128xf32>, vector<128x1xf32>, vector<8192x1xf32> -> vector<8192x1xf32>
    %get3A_45 = arith.constant 0 : index
    %get3A_46 = arith.constant 0 : index
    %get3A_47 = vector.load %arg9[%get3A_45, %get3A_46] : memref<1x1xf32, #tpu.memory_space<vmem>>, vector<1x1xf32>
    %add3A_48 = vector.broadcast %get3A_47 : vector<1x1xf32> to vector<8192x1xf32>
    %add3A_49 = arith.addf %dot_general3A_44, %add3A_48 : vector<8192x1xf32>
    %swap3A = arith.constant 0 : index
    %swap3A_50 = arith.constant 0 : index
    %swap3A_51 = vector.load %arg10[%swap3A, %swap3A_50] : memref<8192x1xf32, #tpu.memory_space<vmem>>, vector<8192x1xf32>
    tpu.vector_store %arg10[%swap3A, %swap3A_50], %add3A_49 {strides = array<i32>} : memref<8192x1xf32, #tpu.memory_space<vmem>>, vector<8192x1xf32>,
    return
  }
  func.func @transform_0(%arg0: i32) -> (i32, i32) {
    %c0_i32 = arith.constant 0 : i32
    %c0_i32_0 = arith.constant 0 : i32
    return %arg0, %c0_i32 : i32, i32
  }
  func.func @transform_1(%arg0: i32) -> (i32, i32) {
    %c0_i32 = arith.constant 0 : i32
    %c0_i32_0 = arith.constant 0 : i32
    return %arg0, %c0_i32 : i32, i32
  }
  func.func @transform_2(%arg0: i32) -> (i32, i32) {
    %c0_i32 = arith.constant 0 : i32
    %c0_i32_0 = arith.constant 0 : i32
    %c0_i32_1 = arith.constant 0 : i32
    return %c0_i32, %c0_i32_0 : i32, i32
  }
  func.func @transform_3(%arg0: i32) -> (i32, i32) {
    %c0_i32 = arith.constant 0 : i32
    %c0_i32_0 = arith.constant 0 : i32
    %c0_i32_1 = arith.constant 0 : i32
    return %c0_i32, %c0_i32_0 : i32, i32
  }
  func.func @transform_4(%arg0: i32) -> (i32, i32) {
    %c0_i32 = arith.constant 0 : i32
    %c0_i32_0 = arith.constant 0 : i32
    %c0_i32_1 = arith.constant 0 : i32
    return %c0_i32, %c0_i32_0 : i32, i32
  }
  func.func @transform_5(%arg0: i32) -> (i32, i32) {
    %c0_i32 = arith.constant 0 : i32
    %c0_i32_0 = arith.constant 0 : i32
    %c0_i32_1 = arith.constant 0 : i32
    return %c0_i32, %c0_i32_0 : i32, i32
  }
  func.func @transform_6(%arg0: i32) -> (i32, i32) {
    %c0_i32 = arith.constant 0 : i32
    %c0_i32_0 = arith.constant 0 : i32
    %c0_i32_1 = arith.constant 0 : i32
    return %c0_i32, %c0_i32_0 : i32, i32
  }
  func.func @transform_7(%arg0: i32) -> (i32, i32) {
    %c0_i32 = arith.constant 0 : i32
    %c0_i32_0 = arith.constant 0 : i32
    %c0_i32_1 = arith.constant 0 : i32
    return %c0_i32, %c0_i32_0 : i32, i32
  }
  func.func @transform_8(%arg0: i32) -> (i32, i32) {
    %c0_i32 = arith.constant 0 : i32
    %c0_i32_0 = arith.constant 0 : i32
    %c0_i32_1 = arith.constant 0 : i32
    return %c0_i32, %c0_i32_0 : i32, i32
  }
  func.func @transform_9(%arg0: i32) -> (i32, i32) {
    %c0_i32 = arith.constant 0 : i32
    %c0_i32_0 = arith.constant 0 : i32
    return %arg0, %c0_i32 : i32, i32
  }
}

</mosaic_0001>

<sc_bundles>
// kernel: kernel.6.cloned.1.call-start
scs
__scs_entry_jumppad:
0x0: {  	(pc) =	sbr.rel $0x88, $3  }
0x1: {  	(tag) =	ssettag $0x0;
	lr =	simm.s32 $0x1  }
0x2: {  	[smem:$0x3F92] =	sst lr;
	_ =	strace $0xD0000000  }
0x3: {  	_ = 	snop  }
0x4: {  	_ = 	snop  }
0x5: {  	_ = 	snop  }
0x6: {  	_ = 	snop  }
0x7: {  	_ = 	snop  }
__scs_overlays_trampoline_lowered:
0x8: {  	[smem:$0x3FA1] =	sst s0  }
0x9: {  	[smem:$0x3FA2] =	sst s1  }
0xa: {  	[smem:$0x3FA3] =	sst s2  }
0xb: {  	[smem:$0x3FA4] =	sst s3  }
0xc: {  	[smem:$0x3FA5] =	sst s4  }
0xd: {  	[smem:$0x3FA6] =	sst s5  }
0xe: {  	[smem:$0x3FA7] =	sst s6  }
0xf: {  	[smem:$0x3FA8] =	sst s7  }
0x10: {  	[smem:$0x3FA9] =	sst s8  }
0x11: {  	[smem:$0x3FAA] =	sst s9;
	s0 =	simm.s32 @!p0 $0x0  }
0x12: {  	s1 =	sld [smem:$0x3F90];
	s0 =	simm.s32 @p0 $0x1  }
0x13: {  	[smem:$0x3FAB] =	sst s0;
	s0 =	simm.s32 @!p1 $0x0  }
0x14: {  	s2 =	sld [smem:$0x3F8F];
	s0 =	simm.s32 @p1 $0x1  }
0x15: {  	[smem:$0x3FAC] =	sst s0;
	s0 =	simm.s32 @!p2 $0x0  }
0x16: {  	s3 =	sld [smem:$0x3FDB];
	s0 =	simm.s32 @p2 $0x1  }
0x17: {  	s4 =	simm.s32 $0x1BF5;
	[smem:$0x3FAE] =	sst s0  }
0x18: {  	s0 =	sld [smem:$0x3F91];
	_ =	swait.ge [sflag:s4], $0x0  }
0x19: {  	s7 =	sld [smem:$0x3F92]  }
0x1a: {  	s8 =	sadd.s32 $0xFFFFE003, lr  }
0x1b: {  	s9 =	sadd.s32 $0xFFFFFEF7, lr;
	s5 =	simm.s32 $0xFFFFFFFF;
	p2 =	slt.u32 s8, $0xFFFFF086  }
0x1c: {  	p1 =	slt.u32 s9, $0xF7A;
	s5 =	simm.s32 @!p2 $0x0  }
0x1d: {  	s5 =	simm.s32 @p1 $0x1;
	p0 =	seq.s32 s7, s2  }
0x1e: {  	s7 =	smul.u32 @!p0 $0xF7A, s2;
	p2 =	seq.s32 @!p0 s5, $0x0  }
0x1f: {  	s9 =	smul.u32 $0xF7A, s1;
	s8 =	simm.s32 @!p0 $0x1BF5;
	p2 =	por !p2, p0  }
0x20: {  	[sflag:s8] =	ssyncset.s32 @!p0 $0xFFFFF086;
	s6 =	sadd.s32 @!p0 s3, s7;
	s7 =	simm.s32 @!p0 $0x108  }
0x21: {  	s3 =	sadd.s32 s3, s9;
	s6 =	sadd.s32 @!p0 $0x88, s6;
	s7 =	simm.s32 @p2 $0x1082  }
0x22: {  	[simem:s7], [sflag:s8] =	dma.local @!p0 [hbm:s6], $0xF7A  }
0x23: {  	s9 =	sor.u32 $0xD0000000, s2;
	s6 =	simm.s32 $0x108;
	_ =	swait.ge @!p0 [sflag:s8], $0x0  }
0x24: {  	s3 =	sadd.s32 $0x88, s3;
	s6 =	simm.s32 @!p1 $0x1082;
	[sflag:s4] =	ssyncset.s32 $0xFFFFF086  }
0x25: {  	[simem:s6], [sflag:s4] =	dma.local [hbm:s3], $0xF7A  }
0x26: {  	[smem:$0x3F92] =	sst s1;
	(tag) =	ssettag s2;
	_ =	strace s9  }
0x27: {  	s1 =	sld [smem:$0x3FA2]  }
0x28: {  	s2 =	sld [smem:$0x3FA3]  }
0x29: {  	s4 =	sld [smem:$0x3FA5]  }
0x2a: {  	p0 =	seq.s32 s5, $0x0;
	s5 =	sld [smem:$0x3FA6]  }
0x2b: {  	s6 =	sld [smem:$0x3FA7]  }
0x2c: {  	s7 =	sld [smem:$0x3FA8]  }
0x2d: {  	s3 =	simm.s32 $0x108;
	s8 =	sld [smem:$0x3FA9]  }
0x2e: {  	s3 =	simm.s32 @!p0 $0x1082;
	s9 =	sld [smem:$0x3FAA]  }
0x2f: {  	lr =	sadd.s32 s0, s3;
	s0 =	sld [smem:$0x3FA1]  }
0x30: {  	s3 =	sld [smem:$0x3FA4]  }
0x31: {  	[smem:$0x3FAD] =	sst s10  }
0x32: {  	s10 =	sld [smem:$0x3FAB];
	_ =	sdelay $0x3  }
0x33: {  	p0 =	seq.s32 s10, $0x1;
	s10 =	sld [smem:$0x3FAD];
	_ =	sdelay $0x3  }
0x34: {  	[smem:$0x3FAD] =	sst s10  }
0x35: {  	s10 =	sld [smem:$0x3FAC];
	_ =	sdelay $0x3  }
0x36: {  	p1 =	seq.s32 s10, $0x1;
	s10 =	sld [smem:$0x3FAD];
	_ =	sdelay $0x3  }
0x37: {  	[smem:$0x3FAD] =	sst s10  }
0x38: {  	s10 =	sld [smem:$0x3FAE]  }
0x39: {  	_ = 	snop;
	(pc) =	sbr.ind lr, $3  }
0x3a: {  	_ = 	snop  }
0x3b: {  	_ = 	snop  }
0x3c: {  	p2 =	seq.s32 s10, $0x1;
	s10 =	sld [smem:$0x3FAD]  }
0x3d: {  	_ =	shalt  }
0x3e: {  	_ =	shalt  }
0x3f: {  	_ =	shalt  }
0x40: {  	_ =	shalt  }
0x41: {  	_ =	shalt  }
0x42: {  	_ =	shalt  }
0x43: {  	_ =	shalt  }
0x44: {  	_ =	shalt  }
0x45: {  	_ =	shalt  }
0x46: {  	_ =	shalt  }
0x47: {  	_ =	shalt  }
0x48: {  	_ =	shalt  }
0x49: {  	_ =	shalt  }
0x4a: {  	_ =	shalt  }
0x4b: {  	_ =	shalt  }
0x4c: {  	_ =	shalt  }
0x4d: {  	_ =	shalt  }
0x4e: {  	_ =	shalt  }
0x4f: {  	_ =	shalt  }
0x50: {  	_ =	shalt  }
0x51: {  	_ =	shalt  }
0x52: {  	_ =	shalt  }
0x53: {  	_ =	shalt  }
0x54: {  	_ =	shalt  }
0x55: {  	_ =	shalt  }
0x56: {  	_ =	shalt  }
0x57: {  	_ =	shalt  }
0x58: {  	_ =	shalt  }
0x59: {  	_ =	shalt  }
0x5a: {  	_ =	shalt  }
0x5b: {  	_ =	shalt  }
0x5c: {  	_ =	shalt  }
0x5d: {  	_ =	shalt  }
0x5e: {  	_ =	shalt  }
0x5f: {  	_ =	shalt  }
0x60: {  	_ =	shalt  }
0x61: {  	_ =	shalt  }
0x62: {  	_ =	shalt  }
0x63: {  	_ =	shalt  }
0x64: {  	_ =	shalt  }
0x65: {  	_ =	shalt  }
0x66: {  	_ =	shalt  }
0x67: {  	_ =	shalt  }
0x68: {  	_ =	shalt  }
0x69: {  	_ =	shalt  }
0x6a: {  	_ =	shalt  }
0x6b: {  	_ =	shalt  }
0x6c: {  	_ =	shalt  }
0x6d: {  	_ =	shalt  }
0x6e: {  	_ =	shalt  }
0x6f: {  	_ =	shalt  }
0x70: {  	_ =	shalt  }
0x71: {  	_ =	shalt  }
0x72: {  	_ =	shalt  }
0x73: {  	_ =	shalt  }
0x74: {  	_ =	shalt  }
0x75: {  	_ =	shalt  }
0x76: {  	_ =	shalt  }
0x77: {  	_ =	shalt  }
0x78: {  	_ =	shalt  }
0x79: {  	_ =	shalt  }
0x7a: {  	_ =	shalt  }
0x7b: {  	_ =	shalt  }
0x7c: {  	_ =	shalt  }
0x7d: {  	_ =	shalt  }
0x7e: {  	_ =	shalt  }
0x7f: {  	_ =	shalt  }
0x80: {  	_ =	shalt  }
0x81: {  	_ =	shalt  }
0x82: {  	_ =	shalt  }
0x83: {  	_ =	shalt  }
0x84: {  	_ =	shalt  }
0x85: {  	_ =	shalt  }
0x86: {  	_ =	shalt  }
0x87: {  	_ =	shalt  }
.Lfunc_end0:
.L_simem_size_0:
called_computation_lowered:
.L_overlay_start_0:
0x88: {  	s2 =	sld [smem:$0x3FD9]  }
0x89: {  	s3 =	sld [smem:$0x3FFE];
	_ =	sdelay $0x1  }
0x8a: {  	s1 =	srdreg.scid  }
0x8b: {  	s0 =	sand.u32 $0x1, s1  }
0x8c: {  	s17 =	sshll.u32 s0, $0xA;
	s2 =	sadd.s32 s3, s2  }
0x8d: {  	s2 =	sadd.s32 s2, s17  }
0x8e: {  	[smem:$0x3FB9] =	sst s2  }
0x8f: {  	_ = 	snop  }
0x90: {  	s2 =	sld [smem:$0x3FD0];
	(tm) =	ssettm $0x1  }
0x91: {  	s18 =	sld [smem:$0x3FFB];
	_ =	sdelay $0x3  }
0x92: {  	_ =	strace s18  }
0x93: {  	s3 =	sld [smem:$0x3FFC];
	_ =	sdelay $0x3  }
0x94: {  	_ =	strace s3  }
0x95: {  	s3 =	sld [smem:$0x3FFD];
	_ =	sdelay $0x3  }
0x96: {  	_ =	strace s3  }
0x97: {  	_ =	strace $0x8FFFFFFF  }
0x98: {  	s19 =	sld [smem:$0x3FDB];
	_ =	sdelay $0x1  }
0x99: {  	s4 =	simm.s32 $_scs_section_size  }
0x9a: {  	s5 =	simm.s32 $_size__tile_overlayer_lowered;
	s6 =	simm.s32 $_tile_overlayer_lowered  }
0x9b: {  	s22 =	simm.s32 $0x1BFF;
	s21 =	sshll.u32 s6, $0x1;
	s3 =	sadd.s32 s4, s19  }
0x9c: {  	s7 =	simm.s32 $0x0;
	s20 =	sshll.u32 s5, $0x1;
	s5 =	sadd.s32 s21, s3  }
0x9d: {  	[timem:s7], [sflag:s22] =	dma.local [hbm:s5], s20  }
0x9e: {  	_ =	swait.ge [sflag:s22], s20  }
0x9f: {  	s4 =	ssub.s32 $0x0, s20;
	[sflag:s22] =	ssyncset.done $0x0  }
0xa0: {  	[sflag:s22] =	ssyncadd.s32 s4;
	_ =	sdelay $0x1  }
0xa1: {  	s23 =	simm.s32 $0x1B8B  }
0xa2: {  	_ =	swait.ge [sflag:s23], $0x1  }
0xa3: {  	[sflag:s23] =	ssyncset.done $0x0  }
0xa4: {  	s25 =	simm.s32 $0x1B8E;
	s24 =	sld [smem:$0x3FFE];
	[sflag:s23] =	ssyncadd.s32 $0xFFFFFFFF  }
0xa5: {  	s26 =	simm.s32 $execute0_lowered;
	[smem:$0x3FD2] =	sst s25  }
0xa6: {  	s5 =	sshll.u32 s26, $0x1;
	_ =	strace $0x80000046;
	[dreg:$0x1] =	wrdreg $0xFFFFFFFF  }
0xa7: {  	s28 =	simm.s32 $_size_execute0_lowered;
	s3 =	sadd.s32 s3, s5;
	[dreg:$0x0] =	wrdreg $0x0  }
0xa8: {  	s5 =	sshll.u32 s28, $0x1;
	[dreg:$0x2] =	wrdreg s3  }
0xa9: {  	[dreg:$0x3] =	wrdreg s5  }
0xaa: {  	[dreg:$0x4] =	wrdreg $0xC0  }
0xab: {  	_ =	task [dreg:s7], $0x5FFFF  }
0xac: {  	[dreg:$0x1] =	wrdreg $0xFFFFFFFF  }
0xad: {  	[dreg:$0x0] =	wrdreg $0x60  }
0xae: {  	[dreg:$0x2] =	wrdreg s24  }
0xaf: {  	[dreg:$0x3] =	wrdreg s2  }
0xb0: {  	[dreg:$0x4] =	wrdreg $0xC1800  }
0xb1: {  	[dreg:$0x5] =	wrdreg $0x9  }
0xb2: {  	_ =	task.clear_ibuf [dreg:s7], $0x6FFFF;
	_ =	strace $0x90000046  }
0xb3: {  	s29 =	simm.s32 $0x9;
	_ =	strace $0x80000048  }
0xb4: {  	_ =	swait.ge [sflag:s29], $0x1  }
0xb5: {  	[sflag:s29] =	ssyncadd.s32 $0xFFFFFFFF  }
0xb6: {  	_ =	strace $0x90000048  }
0xb7: {  	_ =	sfence  }
0xb8: {  	s30 =	sld [smem:$0x0];
	_ =	sdelay $0x2  }
0xb9: {  	s31 =	sshll.u32 s1, $0xD;
	s1 =	sshrl.u32 s1, $0x2  }
0xba: {  	s3 =	sand.u32 $0x4000, s31;
	s1 =	sadd.s32 s1, s30  }
0xbb: {  	s0 =	sor.u32 s3, s0;
	s1 =	sshll.u32 s1, $0x11  }
0xbc: {  	s0 =	sor.u32 s1, s0  }
0xbd: {  	s0 =	sadd.s32 $0x8F2B, s0  }
0xbe: {  	[sflag:s0] =	ssyncadd.remote.s32 $0x1  }
0xbf: {  	_ =	sfence.sel $0xFFFF  }
0xc0: {  	[dreg:$0x0] =	wrdreg $0xFFFFFFFF;
	(pc) =	sbr.abs _section_cstart, $3  }
0xc1: {  	[dreg:$0x1] =	wrdreg $0xFFFFFFFF  }
0xc2: {  	_ =	task.clear_ibuf [dreg:s7], $0x2FFFF;
	_ =	strace $0x9FFFFFFF  }
0xc3: {  	(tm) =	ssettm $0x7FFFFFFF  }
tec
execute0_lowered:
.L_overlay_start_1:
0x0: {  	(tag) =	ssettag $0x1  }
0x1: {  	s1 =	rddreg [dreg:$0x0]  }
0x2: {  	s0 =	rddreg [dreg:$0x1]  }
0x3: {  	s2 =	rddreg [dreg:$0x2];
	s4 =	srdreg.scid  }
0x4: {  	s3 =	simm.s32 $0x0;
	s10 =	stileid.u32;
	s28 =	simm.s32 $0x8000  }
0x5: {  	s29 =	simm.s32 $0xC100;
	p0 =	por $0x0, $0x0;
	s31 =	simm.s32 $0x3  }
0x6: {  	s30 =	simm.s32 $0x6;
	s5 =	sand.u32 $0x1, s4;
	[smem:$0x7FF] =	sst s3  }
0x7: {  	s6 =	sshll.u32 s10, $0x9;
	s8 =	sadd.s32 $0x82600, s1;
	s25 =	sshll.u32 s10, $0xC  }
0x8: {  	s26 =	sshll.u32 s10, $0xB;
	s13 =	sshll.u32 s10, $0x6;
	s4 =	ssub.s32 $0x2, s5  }
0x9: {  	_ =	strace $0x80000047;
	s1 =	sadd.s32 s6, s1;
	s9 =	sshll.u32 s5, $0xA  }
0xa: {  	s11 =	sadd.s32 s25, s2;
	s5 =	sshll.u32 s5, $0xD;
	s7 =	sshrl.u32 s4, $0x1  }
0xb: {  	s12 =	sadd.s32 $0x2600, s1;
	s1 =	sadd.s32 s5, s1;
	s6 =	ssub.s32 s4, s7  }
0xc: {  	s7 =	sor.u32 s9, s26;
	[dreg:$0x4] =	wrdreg s12;
	s4 =	sor.u32 $0x1C0A, s13  }
0xd: {  	s5 =	sadd.s32 $0x4600, s1;
	s9 =	sshll.u32 s7, $0x4;
	s14 =	sshrl.u32 s7, $0x3  }
0xe: {  	s12 =	sor.u32 $0x80, s7;
	s20 =	sor.u32 $0x100, s7;
	s22 =	sor.u32 $0x180, s7  }
0xf: {  	s13 =	sor.u32 $0x200, s7;
	s1 =	rddreg [dreg:$0x4];
	s9 =	sadd.s32 s8, s9  }
0x10: {  	s15 =	sadd.s32 s0, s14;
	s16 =	sshll.u32 s12, $0x4;
	s18 =	sshrl.u32 s12, $0x3  }
0x11: {  	s21 =	sshll.u32 s20, $0x4;
	s10 =	sshrl.u32 s20, $0x3;
	s24 =	sshll.u32 s22, $0x4  }
0x12: {  	s26 =	sshrl.u32 s22, $0x3;
	s14 =	sshll.u32 s13, $0x4;
	[dreg:$0x5] =	wrdreg s9  }
0x13: {  	s20 =	smax.u32 s6, $0x1;
	s6 =	simm.s32 $0xA;
	[dreg:$0x6] =	wrdreg s15  }
0x14: {  	s17 =	sadd.s32 s8, s16;
	s19 =	sadd.s32 s0, s18;
	s9 =	sadd.s32 s8, s21  }
0x15: {  	s23 =	sadd.s32 s0, s10;
	s25 =	sadd.s32 s8, s24;
	[dreg:$0x7] =	wrdreg s17  }
0x16: {  	s12 =	sadd.s32 s0, s26;
	s10 =	sshrl.u32 s13, $0x3;
	[dreg:$0x8] =	wrdreg s19  }
0x17: {  	s24 =	sadd.s32 s8, s14;
	s15 =	sor.u32 $0x280, s7;
	[dreg:$0x9] =	wrdreg s9  }
0x18: {  	s13 =	sor.u32 $0x300, s7;
	s7 =	sor.u32 $0x380, s7;
	[dreg:$0xa] =	wrdreg s23  }
0x19: {  	s26 =	simm.s32 $0x1;
	p1 =	sne.s32 s20, $0x1;
	[dreg:$0xb] =	wrdreg s25  }
0x1a: {  	[dreg:$0xc] =	wrdreg s12;
	s25 =	sadd.s32 s0, s10;
	s16 =	sshll.u32 s15, $0x4  }
0x1b: {  	s9 =	sshrl.u32 s15, $0x3;
	s17 =	sshll.u32 s13, $0x4;
	s18 =	sshrl.u32 s13, $0x3  }
0x1c: {  	s19 =	sshll.u32 s7, $0x4;
	s7 =	sshrl.u32 s7, $0x3;
	s23 =	simm.s32 $0x4  }
0x1d: {  	s13 =	simm.s32 $0x80;
	s15 =	simm.s32 $0x9;
	s21 =	sadd.s32 s8, s16  }
.Ltmp0:
0x1e: {  	s22 =	sadd.s32 s0, s9;
	s12 =	sadd.s32 s8, s17;
	(pc) =	sbr.rel @!p1 .LBB2_3-.Ltmp0, $4  }
0x1f: {  	s14 =	sadd.s32 s0, s18;
	s8 =	sadd.s32 s8, s19;
	s10 =	sadd.s32 s0, s7  }
0x20: {  	s7 =	sshrl.u32 s11, $0x3;
	s17 =	simm.s32 $0xC000;
	s9 =	simm.s32 $0x4000  }
0x21: {  	s11 =	simm.s32 $0xC080;
	s18 =	simm.s32 $0x2;
	s0 =	sadd.s32 $0xFFFFFFFF, s20  }
0x22: {  	s20 =	simm.s32 $0x5;
	s19 =	simm.s32 $0x7;
	s16 =	simm.s32 $0x8  }
0x23: {  	[spmem:s7], [sflag:s4] =	dma.local [hbm:s1], $0x200  }
0x24: {  	_ =	swait.ge [sflag:s6], $0x200  }
0x25: {  	[sflag:s6] =	ssyncset.done $0x0  }
0x26: {  	[sflag:s6] =	ssyncadd.s32 $0xFFFFFE00  }
0x27: {  	[bflag:$0x0] =	sbarrier.arrive $0xFFFF  }
0x28: {  	s1 =	rddreg [dreg:$0x5]  }
0x29: {  	[dreg:$0xd] =	wrdreg s0  }
0x2a: {  	[tilespmem:s3], [sflag:$0x1] =	stream.linear.gather [hbm4b:s1+s3], $0x4000, $0x38;
	[tilespmem:$0xD180] =	vst v63  }
0x2b: {  	s0 =	rddreg [dreg:$0x6]  }
0x2c: {  	[tilespmem:s17], [sflag:$0x4] =	stream.linear.gather [hbm4b:s0+s3], $0x80, $0x38;
	[tilespmem:$0xD180] =	vst v63  }
0x2d: {  	s1 =	rddreg [dreg:$0x7]  }
0x2e: {  	[tilespmem:s9], [sflag:$0x2] =	stream.linear.gather [hbm4b:s1+s3], $0x4000, $0x38;
	[tilespmem:$0xD180] =	vst v63  }
0x2f: {  	s0 =	rddreg [dreg:$0x8]  }
0x30: {  	[tilespmem:s11], [sflag:$0x5] =	stream.linear.gather [hbm4b:s0+s3], $0x80, $0x38;
	[tilespmem:$0xD180] =	vst v63  }
0x31: {  	s1 =	rddreg [dreg:$0x9]  }
0x32: {  	[tilespmem:s28], [sflag:$0x3] =	stream.linear.gather [hbm4b:s1+s3], $0x4000, $0x38;
	[tilespmem:$0xD180] =	vst v63  }
0x33: {  	s0 =	rddreg [dreg:$0xa]  }
0x34: {  	[tilespmem:s29], [sflag:$0x6] =	stream.linear.gather [hbm4b:s0+s3], $0x80, $0x38;
	[tilespmem:$0xD180] =	vst v63  }
0x35: {  	_ =	swait.ge [sflag:s26], $0x4000  }
0x36: {  	[sflag:s26] =	ssyncset.done $0x0  }
0x37: {  	[sflag:s26] =	ssyncadd.s32 $0xFFFFC000  }
0x38: {  	_ =	swait.ge [sflag:s23], $0x80  }
0x39: {  	[sflag:s23] =	ssyncset.done $0x0  }
0x3a: {  	[sflag:s23] =	ssyncadd.s32 $0xFFFFFF80  }
0x3b: {  	[spmem:s2] =	stream.indirect.scatter.add.f32 [tilespmem:s3], [sflag:$0x7], $0x80, s17, s13, $0xb8;
	[tilespmem:$0xD180] =	vst v63  }
0x3c: {  	_ =	swait.ge [sflag:s18], $0x4000  }
0x3d: {  	[sflag:s18] =	ssyncset.done $0x0  }
0x3e: {  	[sflag:s18] =	ssyncadd.s32 $0xFFFFC000  }
0x3f: {  	_ =	swait.ge [sflag:s20], $0x80  }
0x40: {  	[sflag:s20] =	ssyncset.done $0x0  }
0x41: {  	[sflag:s20] =	ssyncadd.s32 $0xFFFFFF80  }
0x42: {  	[spmem:s2] =	stream.indirect.scatter.add.f32 [tilespmem:s9], [sflag:$0x8], $0x80, s11, s13, $0xb8;
	[tilespmem:$0xD180] =	vst v63  }
0x43: {  	_ =	swait.ge [sflag:s31], $0x4000  }
0x44: {  	[sflag:s31] =	ssyncset.done $0x0  }
0x45: {  	[sflag:s31] =	ssyncadd.s32 $0xFFFFC000  }
0x46: {  	_ =	swait.ge [sflag:s30], $0x80  }
0x47: {  	[sflag:s30] =	ssyncset.done $0x0  }
0x48: {  	[sflag:s30] =	ssyncadd.s32 $0xFFFFFF80  }
0x49: {  	[spmem:s2] =	stream.indirect.scatter.add.f32 [tilespmem:s28], [sflag:$0x9], $0x80, s29, s13, $0xb8;
	[tilespmem:$0xD180] =	vst v63  }
0x4a: {  	_ =	swait.ge [sflag:s19], $0x4000  }
0x4b: {  	[sflag:s19] =	ssyncset.done $0x0  }
0x4c: {  	s0 =	rddreg [dreg:$0xb];
	[sflag:s19] =	ssyncadd.s32 $0xFFFFC000  }
0x4d: {  	[tilespmem:s3], [sflag:$0x1] =	stream.linear.gather [hbm4b:s0+s3], $0x4000, $0x38;
	[tilespmem:$0xD180] =	vst v63  }
0x4e: {  	s1 =	rddreg [dreg:$0xc]  }
0x4f: {  	[tilespmem:s17], [sflag:$0x4] =	stream.linear.gather [hbm4b:s1+s3], $0x80, $0x38;
	[tilespmem:$0xD180] =	vst v63  }
0x50: {  	_ =	swait.ge [sflag:s26], $0x4000  }
0x51: {  	[sflag:s26] =	ssyncset.done $0x0  }
0x52: {  	[sflag:s26] =	ssyncadd.s32 $0xFFFFC000  }
0x53: {  	_ =	swait.ge [sflag:s23], $0x80  }
0x54: {  	[sflag:s23] =	ssyncset.done $0x0  }
0x55: {  	[sflag:s23] =	ssyncadd.s32 $0xFFFFFF80  }
0x56: {  	[spmem:s2] =	stream.indirect.scatter.add.f32 [tilespmem:s3], [sflag:$0x7], $0x80, s17, s13, $0xb8;
	[tilespmem:$0xD180] =	vst v63  }
0x57: {  	_ =	swait.ge [sflag:s16], $0x4000  }
0x58: {  	[sflag:s16] =	ssyncset.done $0x0  }
0x59: {  	[sflag:s16] =	ssyncadd.s32 $0xFFFFC000  }
0x5a: {  	[tilespmem:s9], [sflag:$0x2] =	stream.linear.gather [hbm4b:s24+s3], $0x4000, $0x38;
	[tilespmem:$0xD180] =	vst v63  }
0x5b: {  	_ = 	snop  }
0x5c: {  	[tilespmem:s11], [sflag:$0x5] =	stream.linear.gather [hbm4b:s25+s3], $0x80, $0x38;
	[tilespmem:$0xD180] =	vst v63  }
0x5d: {  	_ =	swait.ge [sflag:s18], $0x4000  }
0x5e: {  	[sflag:s18] =	ssyncset.done $0x0  }
0x5f: {  	[sflag:s18] =	ssyncadd.s32 $0xFFFFC000  }
0x60: {  	_ =	swait.ge [sflag:s20], $0x80  }
0x61: {  	[sflag:s20] =	ssyncset.done $0x0  }
0x62: {  	[sflag:s20] =	ssyncadd.s32 $0xFFFFFF80  }
0x63: {  	[spmem:s2] =	stream.indirect.scatter.add.f32 [tilespmem:s9], [sflag:$0x8], $0x80, s11, s13, $0xb8;
	[tilespmem:$0xD180] =	vst v63  }
0x64: {  	_ =	swait.ge [sflag:s15], $0x4000  }
0x65: {  	[sflag:s15] =	ssyncset.done $0x0  }
0x66: {  	[sflag:s15] =	ssyncadd.s32 $0xFFFFC000  }
0x67: {  	[tilespmem:s28], [sflag:$0x3] =	stream.linear.gather [hbm4b:s21+s3], $0x4000, $0x38;
	[tilespmem:$0xD180] =	vst v63  }
0x68: {  	_ = 	snop  }
0x69: {  	[tilespmem:s29], [sflag:$0x6] =	stream.linear.gather [hbm4b:s22+s3], $0x80, $0x38;
	[tilespmem:$0xD180] =	vst v63  }
0x6a: {  	_ =	swait.ge [sflag:s31], $0x4000  }
0x6b: {  	[sflag:s31] =	ssyncset.done $0x0  }
0x6c: {  	[sflag:s31] =	ssyncadd.s32 $0xFFFFC000  }
0x6d: {  	_ =	swait.ge [sflag:s30], $0x80  }
0x6e: {  	[sflag:s30] =	ssyncset.done $0x0  }
0x6f: {  	[sflag:s30] =	ssyncadd.s32 $0xFFFFFF80  }
0x70: {  	[spmem:s2] =	stream.indirect.scatter.add.f32 [tilespmem:s28], [sflag:$0x9], $0x80, s29, s13, $0xb8;
	[tilespmem:$0xD180] =	vst v63  }
0x71: {  	_ =	swait.ge [sflag:s19], $0x4000  }
0x72: {  	[sflag:s19] =	ssyncset.done $0x0  }
0x73: {  	[sflag:s19] =	ssyncadd.s32 $0xFFFFC000  }
0x74: {  	[tilespmem:s3], [sflag:$0x1] =	stream.linear.gather [hbm4b:s12+s3], $0x4000, $0x38;
	[tilespmem:$0xD180] =	vst v63  }
0x75: {  	_ = 	snop  }
0x76: {  	[tilespmem:s17], [sflag:$0x4] =	stream.linear.gather [hbm4b:s14+s3], $0x80, $0x38;
	[tilespmem:$0xD180] =	vst v63  }
0x77: {  	_ =	swait.ge [sflag:s26], $0x4000  }
0x78: {  	[sflag:s26] =	ssyncset.done $0x0  }
0x79: {  	[sflag:s26] =	ssyncadd.s32 $0xFFFFC000  }
0x7a: {  	_ =	swait.ge [sflag:s23], $0x80  }
0x7b: {  	[sflag:s23] =	ssyncset.done $0x0  }
0x7c: {  	[sflag:s23] =	ssyncadd.s32 $0xFFFFFF80  }
0x7d: {  	[spmem:s2] =	stream.indirect.scatter.add.f32 [tilespmem:s3], [sflag:$0x7], $0x80, s17, s13, $0xb8;
	[tilespmem:$0xD180] =	vst v63  }
0x7e: {  	_ =	swait.ge [sflag:s16], $0x4000  }
0x7f: {  	[sflag:s16] =	ssyncset.done $0x0  }
0x80: {  	[sflag:s16] =	ssyncadd.s32 $0xFFFFC000  }
0x81: {  	[tilespmem:s9], [sflag:$0x2] =	stream.linear.gather [hbm4b:s8+s3], $0x4000, $0x38;
	[tilespmem:$0xD180] =	vst v63  }
0x82: {  	_ = 	snop  }
0x83: {  	[tilespmem:s11], [sflag:$0x5] =	stream.linear.gather [hbm4b:s10+s3], $0x80, $0x38;
	[tilespmem:$0xD180] =	vst v63  }
0x84: {  	_ =	swait.ge [sflag:s18], $0x4000  }
0x85: {  	[sflag:s18] =	ssyncset.done $0x0  }
0x86: {  	[sflag:s18] =	ssyncadd.s32 $0xFFFFC000  }
0x87: {  	_ =	swait.ge [sflag:s20], $0x80  }
0x88: {  	[sflag:s20] =	ssyncset.done $0x0  }
0x89: {  	[sflag:s20] =	ssyncadd.s32 $0xFFFFFF80  }
0x8a: {  	[spmem:s2] =	stream.indirect.scatter.add.f32 [tilespmem:s9], [sflag:$0x8], $0x80, s11, s13, $0xb8;
	[tilespmem:$0xD180] =	vst v63  }
0x8b: {  	_ =	swait.ge [sflag:s19], $0x4000  }
0x8c: {  	[sflag:s19] =	ssyncset.done $0x0  }
0x8d: {  	[sflag:s19] =	ssyncadd.s32 $0xFFFFC000  }
0x8e: {  	_ =	swait.ge [sflag:s16], $0x4000  }
0x8f: {  	[sflag:s16] =	ssyncset.done $0x0  }
0x90: {  	[sflag:s16] =	ssyncadd.s32 $0xFFFFC000  }
0x91: {  	_ =	swait.ge [sflag:s15], $0x4000  }
0x92: {  	[sflag:s15] =	ssyncset.done $0x0  }
0x93: {  	[sflag:s15] =	ssyncadd.s32 $0xFFFFC000  }
0x94: {  	[bflag:$0x0] =	sbarrier.arrive $0xFFFF  }
0x95: {  	[hbm:s5], [sflag:s4] =	dma.local [spmem:s7], $0x200  }
0x96: {  	s1 =	rddreg [dreg:$0xd]  }
0x97: {  	p1 =	sne.s32 s1, $0x1  }
.Ltmp1:
0x98: {  	_ = 	snop;
	(pc) =	sbr.rel @!p1 .LBB2_3-.Ltmp1, $3  }
0x99: {  	_ =	sdelay $0x1  }
0x9a: {  	p0 =	por $0x1, $0x1;
	_ =	swait.ge [sflag:s6], $0x200  }
0x9b: {  	s0 =	sadd.s32 $0xFFFFFFFF, s1;
	s1 =	rddreg [dreg:$0x4];
	[sflag:s6] =	ssyncset.done $0x0  }
.LBB2_2:
0x9c: {  	[sflag:s6] =	ssyncadd.s32 $0xFFFFFE00  }
0x9d: {  	[spmem:s7], [sflag:s4] =	dma.local [hbm:s1], $0x200  }
0x9e: {  	s28 =	smov.u32 s7;
	_ =	swait.ge [sflag:s6], $0x200  }
0x9f: {  	s7 =	smov.u32 s4;
	s4 =	smov.u32 s25;
	[sflag:s6] =	ssyncset.done $0x0  }
0xa0: {  	s25 =	smov.u32 s24;
	s24 =	smov.u32 s22;
	[sflag:s6] =	ssyncadd.s32 $0xFFFFFE00  }
0xa1: {  	s22 =	smov.u32 s21;
	s21 =	smov.u32 s14;
	[bflag:$0x0] =	sbarrier.arrive $0xFFFF  }
0xa2: {  	s14 =	smov.u32 s12;
	s12 =	smov.u32 s10;
	s1 =	rddreg [dreg:$0x5]  }
0xa3: {  	[tilespmem:s3], [sflag:$0x1] =	stream.linear.gather [hbm4b:s1+s3], $0x4000, $0x38;
	[tilespmem:$0xD180] =	vst v63  }
0xa4: {  	s10 =	smov.u32 s8;
	s8 =	smov.u32 s5;
	s5 =	rddreg [dreg:$0x6]  }
0xa5: {  	[tilespmem:s17], [sflag:$0x4] =	stream.linear.gather [hbm4b:s5+s3], $0x80, $0x38;
	[tilespmem:$0xD180] =	vst v63  }
0xa6: {  	s1 =	rddreg [dreg:$0x7]  }
0xa7: {  	[tilespmem:s9], [sflag:$0x2] =	stream.linear.gather [hbm4b:s1+s3], $0x4000, $0x38;
	[tilespmem:$0xD180] =	vst v63  }
0xa8: {  	s5 =	rddreg [dreg:$0x8]  }
0xa9: {  	[tilespmem:s11], [sflag:$0x5] =	stream.linear.gather [hbm4b:s5+s3], $0x80, $0x38;
	[tilespmem:$0xD180] =	vst v63  }
0xaa: {  	s29 =	simm.s32 $0x8000;
	s1 =	rddreg [dreg:$0x9]  }
0xab: {  	[tilespmem:s29], [sflag:$0x3] =	stream.linear.gather [hbm4b:s1+s3], $0x4000, $0x38;
	[tilespmem:$0xD180] =	vst v63  }
0xac: {  	s6 =	simm.s32 $0xC100;
	s5 =	rddreg [dreg:$0xa]  }
0xad: {  	[tilespmem:s6], [sflag:$0x6] =	stream.linear.gather [hbm4b:s5+s3], $0x80, $0x38;
	[tilespmem:$0xD180] =	vst v63  }
0xae: {  	_ =	swait.ge [sflag:s26], $0x4000  }
0xaf: {  	[sflag:s26] =	ssyncset.done $0x0  }
0xb0: {  	[sflag:s26] =	ssyncadd.s32 $0xFFFFC000  }
0xb1: {  	_ =	swait.ge [sflag:s23], $0x80  }
0xb2: {  	[sflag:s23] =	ssyncset.done $0x0  }
0xb3: {  	[sflag:s23] =	ssyncadd.s32 $0xFFFFFF80  }
0xb4: {  	[spmem:s2] =	stream.indirect.scatter.add.f32 [tilespmem:s3], [sflag:$0x7], $0x80, s17, s13, $0xb8;
	[tilespmem:$0xD180] =	vst v63  }
0xb5: {  	_ =	swait.ge [sflag:s18], $0x4000  }
0xb6: {  	[sflag:s18] =	ssyncset.done $0x0  }
0xb7: {  	[sflag:s18] =	ssyncadd.s32 $0xFFFFC000  }
0xb8: {  	_ =	swait.ge [sflag:s20], $0x80  }
0xb9: {  	[sflag:s20] =	ssyncset.done $0x0  }
0xba: {  	[sflag:s20] =	ssyncadd.s32 $0xFFFFFF80  }
0xbb: {  	[spmem:s2] =	stream.indirect.scatter.add.f32 [tilespmem:s9], [sflag:$0x8], $0x80, s11, s13, $0xb8;
	[tilespmem:$0xD180] =	vst v63  }
0xbc: {  	_ =	swait.ge [sflag:s31], $0x4000  }
0xbd: {  	[sflag:s31] =	ssyncset.done $0x0  }
0xbe: {  	[sflag:s31] =	ssyncadd.s32 $0xFFFFC000  }
0xbf: {  	_ =	swait.ge [sflag:s30], $0x80  }
0xc0: {  	[sflag:s30] =	ssyncset.done $0x0  }
0xc1: {  	[sflag:s30] =	ssyncadd.s32 $0xFFFFFF80  }
0xc2: {  	[spmem:s2] =	stream.indirect.scatter.add.f32 [tilespmem:s29], [sflag:$0x9], $0x80, s6, s13, $0xb8;
	[tilespmem:$0xD180] =	vst v63  }
0xc3: {  	_ =	swait.ge [sflag:s19], $0x4000  }
0xc4: {  	[sflag:s19] =	ssyncset.done $0x0  }
0xc5: {  	s1 =	rddreg [dreg:$0xb];
	[sflag:s19] =	ssyncadd.s32 $0xFFFFC000  }
0xc6: {  	[tilespmem:s3], [sflag:$0x1] =	stream.linear.gather [hbm4b:s1+s3], $0x4000, $0x38;
	[tilespmem:$0xD180] =	vst v63  }
0xc7: {  	s5 =	rddreg [dreg:$0xc]  }
0xc8: {  	[tilespmem:s17], [sflag:$0x4] =	stream.linear.gather [hbm4b:s5+s3], $0x80, $0x38;
	[tilespmem:$0xD180] =	vst v63  }
0xc9: {  	_ =	swait.ge [sflag:s26], $0x4000  }
0xca: {  	[sflag:s26] =	ssyncset.done $0x0  }
0xcb: {  	[sflag:s26] =	ssyncadd.s32 $0xFFFFC000  }
0xcc: {  	_ =	swait.ge [sflag:s23], $0x80  }
0xcd: {  	[sflag:s23] =	ssyncset.done $0x0  }
0xce: {  	s5 =	smov.u32 s8;
	s8 =	smov.u32 s10;
	[sflag:s23] =	ssyncadd.s32 $0xFFFFFF80  }
0xcf: {  	[spmem:s2] =	stream.indirect.scatter.add.f32 [tilespmem:s3], [sflag:$0x7], $0x80, s17, s13, $0xb8;
	[tilespmem:$0xD180] =	vst v63  }
0xd0: {  	s10 =	smov.u32 s12;
	s12 =	smov.u32 s14;
	_ =	swait.ge [sflag:s16], $0x4000  }
0xd1: {  	s14 =	smov.u32 s21;
	s21 =	smov.u32 s22;
	[sflag:s16] =	ssyncset.done $0x0  }
0xd2: {  	s22 =	smov.u32 s24;
	s24 =	smov.u32 s25;
	[sflag:s16] =	ssyncadd.s32 $0xFFFFC000  }
0xd3: {  	[tilespmem:s9], [sflag:$0x2] =	stream.linear.gather [hbm4b:s24+s3], $0x4000, $0x38;
	[tilespmem:$0xD180] =	vst v63  }
0xd4: {  	s25 =	smov.u32 s4  }
0xd5: {  	[tilespmem:s11], [sflag:$0x5] =	stream.linear.gather [hbm4b:s25+s3], $0x80, $0x38;
	[tilespmem:$0xD180] =	vst v63  }
0xd6: {  	_ =	swait.ge [sflag:s18], $0x4000  }
0xd7: {  	[sflag:s18] =	ssyncset.done $0x0  }
0xd8: {  	[sflag:s18] =	ssyncadd.s32 $0xFFFFC000  }
0xd9: {  	_ =	swait.ge [sflag:s20], $0x80  }
0xda: {  	[sflag:s20] =	ssyncset.done $0x0  }
0xdb: {  	[sflag:s20] =	ssyncadd.s32 $0xFFFFFF80  }
0xdc: {  	[spmem:s2] =	stream.indirect.scatter.add.f32 [tilespmem:s9], [sflag:$0x8], $0x80, s11, s13, $0xb8;
	[tilespmem:$0xD180] =	vst v63  }
0xdd: {  	_ =	swait.ge [sflag:s15], $0x4000  }
0xde: {  	s4 =	smov.u32 s7;
	[sflag:s15] =	ssyncset.done $0x0  }
0xdf: {  	s7 =	smov.u32 s28;
	s28 =	simm.s32 $0x8000;
	[sflag:s15] =	ssyncadd.s32 $0xFFFFC000  }
0xe0: {  	[tilespmem:s28], [sflag:$0x3] =	stream.linear.gather [hbm4b:s21+s3], $0x4000, $0x38;
	[tilespmem:$0xD180] =	vst v63  }
0xe1: {  	s29 =	simm.s32 $0xC100  }
0xe2: {  	[tilespmem:s29], [sflag:$0x6] =	stream.linear.gather [hbm4b:s22+s3], $0x80, $0x38;
	[tilespmem:$0xD180] =	vst v63  }
0xe3: {  	_ =	swait.ge [sflag:s31], $0x4000  }
0xe4: {  	[sflag:s31] =	ssyncset.done $0x0  }
0xe5: {  	[sflag:s31] =	ssyncadd.s32 $0xFFFFC000  }
0xe6: {  	_ =	swait.ge [sflag:s30], $0x80  }
0xe7: {  	[sflag:s30] =	ssyncset.done $0x0  }
0xe8: {  	[sflag:s30] =	ssyncadd.s32 $0xFFFFFF80  }
0xe9: {  	[spmem:s2] =	stream.indirect.scatter.add.f32 [tilespmem:s28], [sflag:$0x9], $0x80, s29, s13, $0xb8;
	[tilespmem:$0xD180] =	vst v63  }
0xea: {  	_ =	swait.ge [sflag:s19], $0x4000  }
0xeb: {  	[sflag:s19] =	ssyncset.done $0x0  }
0xec: {  	[sflag:s19] =	ssyncadd.s32 $0xFFFFC000  }
0xed: {  	[tilespmem:s3], [sflag:$0x1] =	stream.linear.gather [hbm4b:s12+s3], $0x4000, $0x38;
	[tilespmem:$0xD180] =	vst v63  }
0xee: {  	_ = 	snop  }
0xef: {  	[tilespmem:s17], [sflag:$0x4] =	stream.linear.gather [hbm4b:s14+s3], $0x80, $0x38;
	[tilespmem:$0xD180] =	vst v63  }
0xf0: {  	_ =	swait.ge [sflag:s26], $0x4000  }
0xf1: {  	[sflag:s26] =	ssyncset.done $0x0  }
0xf2: {  	[sflag:s26] =	ssyncadd.s32 $0xFFFFC000  }
0xf3: {  	_ =	swait.ge [sflag:s23], $0x80  }
0xf4: {  	[sflag:s23] =	ssyncset.done $0x0  }
0xf5: {  	[sflag:s23] =	ssyncadd.s32 $0xFFFFFF80  }
0xf6: {  	[spmem:s2] =	stream.indirect.scatter.add.f32 [tilespmem:s3], [sflag:$0x7], $0x80, s17, s13, $0xb8;
	[tilespmem:$0xD180] =	vst v63  }
0xf7: {  	_ =	swait.ge [sflag:s16], $0x4000  }
0xf8: {  	[sflag:s16] =	ssyncset.done $0x0  }
0xf9: {  	[sflag:s16] =	ssyncadd.s32 $0xFFFFC000  }
0xfa: {  	[tilespmem:s9], [sflag:$0x2] =	stream.linear.gather [hbm4b:s8+s3], $0x4000, $0x38;
	[tilespmem:$0xD180] =	vst v63  }
0xfb: {  	_ = 	snop  }
0xfc: {  	[tilespmem:s11], [sflag:$0x5] =	stream.linear.gather [hbm4b:s10+s3], $0x80, $0x38;
	[tilespmem:$0xD180] =	vst v63  }
0xfd: {  	_ =	swait.ge [sflag:s18], $0x4000  }
0xfe: {  	[sflag:s18] =	ssyncset.done $0x0  }
0xff: {  	[sflag:s18] =	ssyncadd.s32 $0xFFFFC000  }
0x100: {  	_ =	swait.ge [sflag:s20], $0x80  }
0x101: {  	[sflag:s20] =	ssyncset.done $0x0  }
0x102: {  	[sflag:s20] =	ssyncadd.s32 $0xFFFFFF80  }
0x103: {  	[spmem:s2] =	stream.indirect.scatter.add.f32 [tilespmem:s9], [sflag:$0x8], $0x80, s11, s13, $0xb8;
	[tilespmem:$0xD180] =	vst v63  }
0x104: {  	_ =	swait.ge [sflag:s19], $0x4000  }
0x105: {  	[sflag:s19] =	ssyncset.done $0x0  }
0x106: {  	[sflag:s19] =	ssyncadd.s32 $0xFFFFC000  }
0x107: {  	_ =	swait.ge [sflag:s16], $0x4000  }
0x108: {  	[sflag:s16] =	ssyncset.done $0x0  }
0x109: {  	[sflag:s16] =	ssyncadd.s32 $0xFFFFC000  }
0x10a: {  	_ =	swait.ge [sflag:s15], $0x4000  }
0x10b: {  	p1 =	sne.s32 s0, $0x1;
	[sflag:s15] =	ssyncset.done $0x0  }
.Ltmp2:
0x10c: {  	[sflag:s15] =	ssyncadd.s32 $0xFFFFC000;
	(pc) =	sbr.rel @p1 .LBB2_2-.Ltmp2, $4  }
0x10d: {  	s6 =	simm.s32 $0xA;
	[bflag:$0x0] =	sbarrier.arrive $0xFFFF  }
0x10e: {  	[hbm:s5], [sflag:s4] =	dma.local [spmem:s7], $0x200  }
0x10f: {  	_ =	swait.ge [sflag:s6], $0x200  }
0x110: {  	s0 =	sadd.s32 $0xFFFFFFFF, s0;
	s1 =	rddreg [dreg:$0x4];
	[sflag:s6] =	ssyncset.done $0x0  }
.LBB2_3:
0x111: {  	[sflag:s6] =	ssyncadd.s32 @p0 $0xFFFFFE00  }
0x112: {  	[spmem:s7], [sflag:s4] =	dma.local [hbm:s1], $0x200  }
0x113: {  	_ =	swait.ge [sflag:s6], $0x200  }
0x114: {  	[sflag:s6] =	ssyncset.done $0x0  }
0x115: {  	[sflag:s6] =	ssyncadd.s32 $0xFFFFFE00  }
0x116: {  	[bflag:$0x0] =	sbarrier.arrive $0xFFFF  }
0x117: {  	s0 =	rddreg [dreg:$0x5]  }
0x118: {  	[tilespmem:s3], [sflag:$0x1] =	stream.linear.gather [hbm4b:s0+s3], $0x4000, $0x38;
	[tilespmem:$0xD180] =	vst v63  }
0x119: {  	s1 =	rddreg [dreg:$0x6]  }
0x11a: {  	[tilespmem:s17], [sflag:$0x4] =	stream.linear.gather [hbm4b:s1+s3], $0x80, $0x38;
	[tilespmem:$0xD180] =	vst v63  }
0x11b: {  	s0 =	rddreg [dreg:$0x7]  }
0x11c: {  	[tilespmem:s9], [sflag:$0x2] =	stream.linear.gather [hbm4b:s0+s3], $0x4000, $0x38;
	[tilespmem:$0xD180] =	vst v63  }
0x11d: {  	s1 =	rddreg [dreg:$0x8]  }
0x11e: {  	[tilespmem:s11], [sflag:$0x5] =	stream.linear.gather [hbm4b:s1+s3], $0x80, $0x38;
	[tilespmem:$0xD180] =	vst v63  }
0x11f: {  	s0 =	rddreg [dreg:$0x9]  }
0x120: {  	[tilespmem:s28], [sflag:$0x3] =	stream.linear.gather [hbm4b:s0+s3], $0x4000, $0x38;
	[tilespmem:$0xD180] =	vst v63  }
0x121: {  	s1 =	rddreg [dreg:$0xa]  }
0x122: {  	[tilespmem:s29], [sflag:$0x6] =	stream.linear.gather [hbm4b:s1+s3], $0x80, $0x38;
	[tilespmem:$0xD180] =	vst v63  }
0x123: {  	_ =	swait.ge [sflag:s26], $0x4000  }
0x124: {  	[sflag:s26] =	ssyncset.done $0x0  }
0x125: {  	[sflag:s26] =	ssyncadd.s32 $0xFFFFC000  }
0x126: {  	_ =	swait.ge [sflag:s23], $0x80  }
0x127: {  	[sflag:s23] =	ssyncset.done $0x0  }
0x128: {  	[sflag:s23] =	ssyncadd.s32 $0xFFFFFF80  }
0x129: {  	[spmem:s2] =	stream.indirect.scatter.add.f32 [tilespmem:s3], [sflag:$0x7], $0x80, s17, s13, $0xb8;
	[tilespmem:$0xD180] =	vst v63  }
0x12a: {  	_ =	swait.ge [sflag:s18], $0x4000  }
0x12b: {  	[sflag:s18] =	ssyncset.done $0x0  }
0x12c: {  	[sflag:s18] =	ssyncadd.s32 $0xFFFFC000  }
0x12d: {  	_ =	swait.ge [sflag:s20], $0x80  }
0x12e: {  	[sflag:s20] =	ssyncset.done $0x0  }
0x12f: {  	[sflag:s20] =	ssyncadd.s32 $0xFFFFFF80  }
0x130: {  	[spmem:s2] =	stream.indirect.scatter.add.f32 [tilespmem:s9], [sflag:$0x8], $0x80, s11, s13, $0xb8;
	[tilespmem:$0xD180] =	vst v63  }
0x131: {  	_ =	swait.ge [sflag:s31], $0x4000  }
0x132: {  	[sflag:s31] =	ssyncset.done $0x0  }
0x133: {  	[sflag:s31] =	ssyncadd.s32 $0xFFFFC000  }
0x134: {  	_ =	swait.ge [sflag:s30], $0x80  }
0x135: {  	[sflag:s30] =	ssyncset.done $0x0  }
0x136: {  	[sflag:s30] =	ssyncadd.s32 $0xFFFFFF80  }
0x137: {  	[spmem:s2] =	stream.indirect.scatter.add.f32 [tilespmem:s28], [sflag:$0x9], $0x80, s29, s13, $0xb8;
	[tilespmem:$0xD180] =	vst v63  }
0x138: {  	_ =	swait.ge [sflag:s19], $0x4000  }
0x139: {  	[sflag:s19] =	ssyncset.done $0x0  }
0x13a: {  	s0 =	rddreg [dreg:$0xb];
	[sflag:s19] =	ssyncadd.s32 $0xFFFFC000  }
0x13b: {  	[tilespmem:s3], [sflag:$0x1] =	stream.linear.gather [hbm4b:s0+s3], $0x4000, $0x38;
	[tilespmem:$0xD180] =	vst v63  }
0x13c: {  	s1 =	rddreg [dreg:$0xc]  }
0x13d: {  	[tilespmem:s17], [sflag:$0x4] =	stream.linear.gather [hbm4b:s1+s3], $0x80, $0x38;
	[tilespmem:$0xD180] =	vst v63  }
0x13e: {  	_ =	swait.ge [sflag:s26], $0x4000  }
0x13f: {  	[sflag:s26] =	ssyncset.done $0x0  }
0x140: {  	[sflag:s26] =	ssyncadd.s32 $0xFFFFC000  }
0x141: {  	_ =	swait.ge [sflag:s23], $0x80  }
0x142: {  	[sflag:s23] =	ssyncset.done $0x0  }
0x143: {  	[sflag:s23] =	ssyncadd.s32 $0xFFFFFF80  }
0x144: {  	[spmem:s2] =	stream.indirect.scatter.add.f32 [tilespmem:s3], [sflag:$0x7], $0x80, s17, s13, $0xb8;
	[tilespmem:$0xD180] =	vst v63  }
0x145: {  	_ =	swait.ge [sflag:s16], $0x4000  }
0x146: {  	[sflag:s16] =	ssyncset.done $0x0  }
0x147: {  	[sflag:s16] =	ssyncadd.s32 $0xFFFFC000  }
0x148: {  	[tilespmem:s9], [sflag:$0x2] =	stream.linear.gather [hbm4b:s24+s3], $0x4000, $0x38;
	[tilespmem:$0xD180] =	vst v63  }
0x149: {  	_ = 	snop  }
0x14a: {  	[tilespmem:s11], [sflag:$0x5] =	stream.linear.gather [hbm4b:s25+s3], $0x80, $0x38;
	[tilespmem:$0xD180] =	vst v63  }
0x14b: {  	_ =	swait.ge [sflag:s18], $0x4000  }
0x14c: {  	[sflag:s18] =	ssyncset.done $0x0  }
0x14d: {  	[sflag:s18] =	ssyncadd.s32 $0xFFFFC000  }
0x14e: {  	_ =	swait.ge [sflag:s20], $0x80  }
0x14f: {  	[sflag:s20] =	ssyncset.done $0x0  }
0x150: {  	[sflag:s20] =	ssyncadd.s32 $0xFFFFFF80  }
0x151: {  	[spmem:s2] =	stream.indirect.scatter.add.f32 [tilespmem:s9], [sflag:$0x8], $0x80, s11, s13, $0xb8;
	[tilespmem:$0xD180] =	vst v63  }
0x152: {  	_ =	swait.ge [sflag:s15], $0x4000  }
0x153: {  	[sflag:s15] =	ssyncset.done $0x0  }
0x154: {  	[sflag:s15] =	ssyncadd.s32 $0xFFFFC000  }
0x155: {  	[tilespmem:s28], [sflag:$0x3] =	stream.linear.gather [hbm4b:s21+s3], $0x4000, $0x38;
	[tilespmem:$0xD180] =	vst v63  }
0x156: {  	_ = 	snop  }
0x157: {  	[tilespmem:s29], [sflag:$0x6] =	stream.linear.gather [hbm4b:s22+s3], $0x80, $0x38;
	[tilespmem:$0xD180] =	vst v63  }
0x158: {  	_ =	swait.ge [sflag:s31], $0x4000  }
0x159: {  	[sflag:s31] =	ssyncset.done $0x0  }
0x15a: {  	[sflag:s31] =	ssyncadd.s32 $0xFFFFC000  }
0x15b: {  	_ =	swait.ge [sflag:s30], $0x80  }
0x15c: {  	[sflag:s30] =	ssyncset.done $0x0  }
0x15d: {  	[sflag:s30] =	ssyncadd.s32 $0xFFFFFF80  }
0x15e: {  	[spmem:s2] =	stream.indirect.scatter.add.f32 [tilespmem:s28], [sflag:$0x9], $0x80, s29, s13, $0xb8;
	[tilespmem:$0xD180] =	vst v63  }
0x15f: {  	_ =	swait.ge [sflag:s19], $0x4000  }
0x160: {  	[sflag:s19] =	ssyncset.done $0x0  }
0x161: {  	[sflag:s19] =	ssyncadd.s32 $0xFFFFC000  }
0x162: {  	[tilespmem:s3], [sflag:$0x1] =	stream.linear.gather [hbm4b:s12+s3], $0x4000, $0x38;
	[tilespmem:$0xD180] =	vst v63  }
0x163: {  	_ = 	snop  }
0x164: {  	[tilespmem:s17], [sflag:$0x4] =	stream.linear.gather [hbm4b:s14+s3], $0x80, $0x38;
	[tilespmem:$0xD180] =	vst v63  }
0x165: {  	_ =	swait.ge [sflag:s26], $0x4000  }
0x166: {  	[sflag:s26] =	ssyncset.done $0x0  }
0x167: {  	[sflag:s26] =	ssyncadd.s32 $0xFFFFC000  }
0x168: {  	_ =	swait.ge [sflag:s23], $0x80  }
0x169: {  	[sflag:s23] =	ssyncset.done $0x0  }
0x16a: {  	[sflag:s23] =	ssyncadd.s32 $0xFFFFFF80  }
0x16b: {  	[spmem:s2] =	stream.indirect.scatter.add.f32 [tilespmem:s3], [sflag:$0x7], $0x80, s17, s13, $0xb8;
	[tilespmem:$0xD180] =	vst v63  }
0x16c: {  	_ =	swait.ge [sflag:s16], $0x4000  }
0x16d: {  	[sflag:s16] =	ssyncset.done $0x0  }
0x16e: {  	[sflag:s16] =	ssyncadd.s32 $0xFFFFC000  }
0x16f: {  	[tilespmem:s9], [sflag:$0x2] =	stream.linear.gather [hbm4b:s8+s3], $0x4000, $0x38;
	[tilespmem:$0xD180] =	vst v63  }
0x170: {  	_ = 	snop  }
0x171: {  	[tilespmem:s11], [sflag:$0x5] =	stream.linear.gather [hbm4b:s10+s3], $0x80, $0x38;
	[tilespmem:$0xD180] =	vst v63  }
0x172: {  	_ =	swait.ge [sflag:s18], $0x4000  }
0x173: {  	[sflag:s18] =	ssyncset.done $0x0  }
0x174: {  	[sflag:s18] =	ssyncadd.s32 $0xFFFFC000  }
0x175: {  	_ =	swait.ge [sflag:s20], $0x80  }
0x176: {  	[sflag:s20] =	ssyncset.done $0x0  }
0x177: {  	[sflag:s20] =	ssyncadd.s32 $0xFFFFFF80  }
0x178: {  	[spmem:s2] =	stream.indirect.scatter.add.f32 [tilespmem:s9], [sflag:$0x8], $0x80, s11, s13, $0xb8;
	[tilespmem:$0xD180] =	vst v63  }
0x179: {  	_ =	swait.ge [sflag:s19], $0x4000  }
0x17a: {  	[sflag:s19] =	ssyncset.done $0x0  }
0x17b: {  	[sflag:s19] =	ssyncadd.s32 $0xFFFFC000  }
0x17c: {  	_ =	swait.ge [sflag:s16], $0x4000  }
0x17d: {  	[sflag:s16] =	ssyncset.done $0x0  }
0x17e: {  	[sflag:s16] =	ssyncadd.s32 $0xFFFFC000  }
0x17f: {  	_ =	swait.ge [sflag:s15], $0x4000  }
0x180: {  	[sflag:s15] =	ssyncset.done $0x0  }
0x181: {  	[sflag:s15] =	ssyncadd.s32 $0xFFFFC000  }
0x182: {  	[bflag:$0x0] =	sbarrier.arrive $0xFFFF  }
0x183: {  	[hbm:s5], [sflag:s4] =	dma.local [spmem:s7], $0x200  }
0x184: {  	_ =	swait.ge [sflag:s6], $0x200  }
0x185: {  	[sflag:s6] =	ssyncset.done $0x0  }
0x186: {  	[sflag:s6] =	ssyncadd.s32 $0xFFFFFE00  }
0x187: {  	_ =	sfence.sel $0x180000  }
0x188: {  	[bflag:$0x0] =	sbarrier.arrive $0xFFFF  }
0x189: {  	_ =	strace $0x90000047  }
0x18a: {  	s31 =	stileid.u32;
	[bflag:$0x2] =	sbarrier.arrive $0xFFFF  }
0x18b: {  	p0 =	sne.s32 s31, $0x0;
	s0 =	rddreg [dreg:$0x3]  }
0x18c: {  	s0 =	sadd.s32 @!p0 $0x100000, s0  }
0x18d: {  	[sflag:s0] =	ssyncadd.tile.s32 @!p0 $0x1;
	_ =	shalt  }
.Lfunc_end2:
_tile_overlayer_lowered:
.L_overlay_start_2:
0x18e: {  	(tag) =	ssettag $0x2  }
0x18f: {  	s0 =	rddreg [dreg:$0x0];
	s2 =	stileid.u32  }
0x190: {  	s1 =	rddreg [dreg:$0x1];
	p0 =	sne.s32 s2, $0x0  }
0x191: {  	s3 =	rddreg [dreg:$0x2];
	[bflag:$0x3] =	sbarrier.arrive $0xFFFF;
	s2 =	simm.s32 @!p0 $0x1C0A  }
0x192: {  	[timem:s3], [sflag:s2] =	dma.local @!p0 [hbm:s0], s1  }
0x193: {  	s0 =	simm.s32 @!p0 $0xA  }
0x194: {  	_ =	swait.ge @!p0 [sflag:s0], s1  }
0x195: {  	s1 =	ssub.s32 @!p0 $0x0, s1;
	[sflag:s0] =	ssyncset.done @!p0 $0x0  }
0x196: {  	[sflag:s0] =	ssyncadd.s32 @!p0 s1  }
0x197: {  	[bflag:$0x3] =	sbarrier.arrive $0xFFFF  }
0x198: {  	_ =	shalt  }

// kernel: kernel.9.cloned.1.call-start
scs
__scs_entry_jumppad:
0x0: {  	(pc) =	sbr.rel $0x88, $3  }
0x1: {  	(tag) =	ssettag $0x0;
	lr =	simm.s32 $0x1  }
0x2: {  	[smem:$0x3F92] =	sst lr;
	_ =	strace $0xD0000000  }
0x3: {  	_ = 	snop  }
0x4: {  	_ = 	snop  }
0x5: {  	_ = 	snop  }
0x6: {  	_ = 	snop  }
0x7: {  	_ = 	snop  }
__scs_overlays_trampoline_lowered:
0x8: {  	[smem:$0x3FA1] =	sst s0  }
0x9: {  	[smem:$0x3FA2] =	sst s1  }
0xa: {  	[smem:$0x3FA3] =	sst s2  }
0xb: {  	[smem:$0x3FA4] =	sst s3  }
0xc: {  	[smem:$0x3FA5] =	sst s4  }
0xd: {  	[smem:$0x3FA6] =	sst s5  }
0xe: {  	[smem:$0x3FA7] =	sst s6  }
0xf: {  	[smem:$0x3FA8] =	sst s7  }
0x10: {  	[smem:$0x3FA9] =	sst s8  }
0x11: {  	[smem:$0x3FAA] =	sst s9;
	s0 =	simm.s32 @!p0 $0x0  }
0x12: {  	s1 =	sld [smem:$0x3F90];
	s0 =	simm.s32 @p0 $0x1  }
0x13: {  	[smem:$0x3FAB] =	sst s0;
	s0 =	simm.s32 @!p1 $0x0  }
0x14: {  	s2 =	sld [smem:$0x3F8F];
	s0 =	simm.s32 @p1 $0x1  }
0x15: {  	[smem:$0x3FAC] =	sst s0;
	s0 =	simm.s32 @!p2 $0x0  }
0x16: {  	s3 =	sld [smem:$0x3FDB];
	s0 =	simm.s32 @p2 $0x1  }
0x17: {  	s4 =	simm.s32 $0x1BF5;
	[smem:$0x3FAE] =	sst s0  }
0x18: {  	s0 =	sld [smem:$0x3F91];
	_ =	swait.ge [sflag:s4], $0x0  }
0x19: {  	s7 =	sld [smem:$0x3F92]  }
0x1a: {  	s8 =	sadd.s32 $0xFFFFE003, lr  }
0x1b: {  	s9 =	sadd.s32 $0xFFFFFEF7, lr;
	s5 =	simm.s32 $0xFFFFFFFF;
	p2 =	slt.u32 s8, $0xFFFFF086  }
0x1c: {  	p1 =	slt.u32 s9, $0xF7A;
	s5 =	simm.s32 @!p2 $0x0  }
0x1d: {  	s5 =	simm.s32 @p1 $0x1;
	p0 =	seq.s32 s7, s2  }
0x1e: {  	s7 =	smul.u32 @!p0 $0xF7A, s2;
	p2 =	seq.s32 @!p0 s5, $0x0  }
0x1f: {  	s9 =	smul.u32 $0xF7A, s1;
	s8 =	simm.s32 @!p0 $0x1BF5;
	p2 =	por !p2, p0  }
0x20: {  	[sflag:s8] =	ssyncset.s32 @!p0 $0xFFFFF086;
	s6 =	sadd.s32 @!p0 s3, s7;
	s7 =	simm.s32 @!p0 $0x108  }
0x21: {  	s3 =	sadd.s32 s3, s9;
	s6 =	sadd.s32 @!p0 $0x88, s6;
	s7 =	simm.s32 @p2 $0x1082  }
0x22: {  	[simem:s7], [sflag:s8] =	dma.local @!p0 [hbm:s6], $0xF7A  }
0x23: {  	s9 =	sor.u32 $0xD0000000, s2;
	s6 =	simm.s32 $0x108;
	_ =	swait.ge @!p0 [sflag:s8], $0x0  }
0x24: {  	s3 =	sadd.s32 $0x88, s3;
	s6 =	simm.s32 @!p1 $0x1082;
	[sflag:s4] =	ssyncset.s32 $0xFFFFF086  }
0x25: {  	[simem:s6], [sflag:s4] =	dma.local [hbm:s3], $0xF7A  }
0x26: {  	[smem:$0x3F92] =	sst s1;
	(tag) =	ssettag s2;
	_ =	strace s9  }
0x27: {  	s1 =	sld [smem:$0x3FA2]  }
0x28: {  	s2 =	sld [smem:$0x3FA3]  }
0x29: {  	s4 =	sld [smem:$0x3FA5]  }
0x2a: {  	p0 =	seq.s32 s5, $0x0;
	s5 =	sld [smem:$0x3FA6]  }
0x2b: {  	s6 =	sld [smem:$0x3FA7]  }
0x2c: {  	s7 =	sld [smem:$0x3FA8]  }
0x2d: {  	s3 =	simm.s32 $0x108;
	s8 =	sld [smem:$0x3FA9]  }
0x2e: {  	s3 =	simm.s32 @!p0 $0x1082;
	s9 =	sld [smem:$0x3FAA]  }
0x2f: {  	lr =	sadd.s32 s0, s3;
	s0 =	sld [smem:$0x3FA1]  }
0x30: {  	s3 =	sld [smem:$0x3FA4]  }
0x31: {  	[smem:$0x3FAD] =	sst s10  }
0x32: {  	s10 =	sld [smem:$0x3FAB];
	_ =	sdelay $0x3  }
0x33: {  	p0 =	seq.s32 s10, $0x1;
	s10 =	sld [smem:$0x3FAD];
	_ =	sdelay $0x3  }
0x34: {  	[smem:$0x3FAD] =	sst s10  }
0x35: {  	s10 =	sld [smem:$0x3FAC];
	_ =	sdelay $0x3  }
0x36: {  	p1 =	seq.s32 s10, $0x1;
	s10 =	sld [smem:$0x3FAD];
	_ =	sdelay $0x3  }
0x37: {  	[smem:$0x3FAD] =	sst s10  }
0x38: {  	s10 =	sld [smem:$0x3FAE]  }
0x39: {  	_ = 	snop;
	(pc) =	sbr.ind lr, $3  }
0x3a: {  	_ = 	snop  }
0x3b: {  	_ = 	snop  }
0x3c: {  	p2 =	seq.s32 s10, $0x1;
	s10 =	sld [smem:$0x3FAD]  }
0x3d: {  	_ =	shalt  }
0x3e: {  	_ =	shalt  }
0x3f: {  	_ =	shalt  }
0x40: {  	_ =	shalt  }
0x41: {  	_ =	shalt  }
0x42: {  	_ =	shalt  }
0x43: {  	_ =	shalt  }
0x44: {  	_ =	shalt  }
0x45: {  	_ =	shalt  }
0x46: {  	_ =	shalt  }
0x47: {  	_ =	shalt  }
0x48: {  	_ =	shalt  }
0x49: {  	_ =	shalt  }
0x4a: {  	_ =	shalt  }
0x4b: {  	_ =	shalt  }
0x4c: {  	_ =	shalt  }
0x4d: {  	_ =	shalt  }
0x4e: {  	_ =	shalt  }
0x4f: {  	_ =	shalt  }
0x50: {  	_ =	shalt  }
0x51: {  	_ =	shalt  }
0x52: {  	_ =	shalt  }
0x53: {  	_ =	shalt  }
0x54: {  	_ =	shalt  }
0x55: {  	_ =	shalt  }
0x56: {  	_ =	shalt  }
0x57: {  	_ =	shalt  }
0x58: {  	_ =	shalt  }
0x59: {  	_ =	shalt  }
0x5a: {  	_ =	shalt  }
0x5b: {  	_ =	shalt  }
0x5c: {  	_ =	shalt  }
0x5d: {  	_ =	shalt  }
0x5e: {  	_ =	shalt  }
0x5f: {  	_ =	shalt  }
0x60: {  	_ =	shalt  }
0x61: {  	_ =	shalt  }
0x62: {  	_ =	shalt  }
0x63: {  	_ =	shalt  }
0x64: {  	_ =	shalt  }
0x65: {  	_ =	shalt  }
0x66: {  	_ =	shalt  }
0x67: {  	_ =	shalt  }
0x68: {  	_ =	shalt  }
0x69: {  	_ =	shalt  }
0x6a: {  	_ =	shalt  }
0x6b: {  	_ =	shalt  }
0x6c: {  	_ =	shalt  }
0x6d: {  	_ =	shalt  }
0x6e: {  	_ =	shalt  }
0x6f: {  	_ =	shalt  }
0x70: {  	_ =	shalt  }
0x71: {  	_ =	shalt  }
0x72: {  	_ =	shalt  }
0x73: {  	_ =	shalt  }
0x74: {  	_ =	shalt  }
0x75: {  	_ =	shalt  }
0x76: {  	_ =	shalt  }
0x77: {  	_ =	shalt  }
0x78: {  	_ =	shalt  }
0x79: {  	_ =	shalt  }
0x7a: {  	_ =	shalt  }
0x7b: {  	_ =	shalt  }
0x7c: {  	_ =	shalt  }
0x7d: {  	_ =	shalt  }
0x7e: {  	_ =	shalt  }
0x7f: {  	_ =	shalt  }
0x80: {  	_ =	shalt  }
0x81: {  	_ =	shalt  }
0x82: {  	_ =	shalt  }
0x83: {  	_ =	shalt  }
0x84: {  	_ =	shalt  }
0x85: {  	_ =	shalt  }
0x86: {  	_ =	shalt  }
0x87: {  	_ =	shalt  }
.Lfunc_end0:
.L_simem_size_0:
called_computation.1_lowered:
.L_overlay_start_0:
0x88: {  	s2 =	sld [smem:$0x3FD9]  }
0x89: {  	s3 =	sld [smem:$0x3FFE];
	_ =	sdelay $0x1  }
0x8a: {  	s1 =	srdreg.scid  }
0x8b: {  	s0 =	sand.u32 $0x1, s1  }
0x8c: {  	s17 =	sshll.u32 s0, $0xA;
	s2 =	sadd.s32 s3, s2  }
0x8d: {  	s2 =	sadd.s32 s2, s17  }
0x8e: {  	[smem:$0x3FB9] =	sst s2  }
0x8f: {  	_ = 	snop  }
0x90: {  	s2 =	sld [smem:$0x3FD0];
	(tm) =	ssettm $0x1  }
0x91: {  	s18 =	sld [smem:$0x3FFB];
	_ =	sdelay $0x3  }
0x92: {  	_ =	strace s18  }
0x93: {  	s3 =	sld [smem:$0x3FFC];
	_ =	sdelay $0x3  }
0x94: {  	_ =	strace s3  }
0x95: {  	s3 =	sld [smem:$0x3FFD];
	_ =	sdelay $0x3  }
0x96: {  	_ =	strace s3  }
0x97: {  	_ =	strace $0x8FFFFFFF  }
0x98: {  	s19 =	sld [smem:$0x3FDB];
	_ =	sdelay $0x1  }
0x99: {  	s4 =	simm.s32 $_scs_section_size  }
0x9a: {  	s5 =	simm.s32 $_size__tile_overlayer_lowered;
	s6 =	simm.s32 $_tile_overlayer_lowered  }
0x9b: {  	s22 =	simm.s32 $0x1BFF;
	s21 =	sshll.u32 s6, $0x1;
	s3 =	sadd.s32 s4, s19  }
0x9c: {  	s7 =	simm.s32 $0x0;
	s20 =	sshll.u32 s5, $0x1;
	s5 =	sadd.s32 s21, s3  }
0x9d: {  	[timem:s7], [sflag:s22] =	dma.local [hbm:s5], s20  }
0x9e: {  	_ =	swait.ge [sflag:s22], s20  }
0x9f: {  	s4 =	ssub.s32 $0x0, s20;
	[sflag:s22] =	ssyncset.done $0x0  }
0xa0: {  	[sflag:s22] =	ssyncadd.s32 s4;
	_ =	sdelay $0x1  }
0xa1: {  	s23 =	simm.s32 $0x1B8B  }
0xa2: {  	_ =	swait.ge [sflag:s23], $0x1  }
0xa3: {  	[sflag:s23] =	ssyncset.done $0x0  }
0xa4: {  	s25 =	simm.s32 $0x1B8E;
	s24 =	sld [smem:$0x3FFE];
	[sflag:s23] =	ssyncadd.s32 $0xFFFFFFFF  }
0xa5: {  	s26 =	simm.s32 $execute0_lowered;
	[smem:$0x3FD2] =	sst s25  }
0xa6: {  	s5 =	sshll.u32 s26, $0x1;
	_ =	strace $0x80000049;
	[dreg:$0x1] =	wrdreg $0xFFFFFFFF  }
0xa7: {  	s28 =	simm.s32 $_size_execute0_lowered;
	s3 =	sadd.s32 s3, s5;
	[dreg:$0x0] =	wrdreg $0x0  }
0xa8: {  	s5 =	sshll.u32 s28, $0x1;
	[dreg:$0x2] =	wrdreg s3  }
0xa9: {  	[dreg:$0x3] =	wrdreg s5  }
0xaa: {  	[dreg:$0x4] =	wrdreg $0xC0  }
0xab: {  	_ =	task [dreg:s7], $0x5FFFF  }
0xac: {  	[dreg:$0x1] =	wrdreg $0xFFFFFFFF  }
0xad: {  	[dreg:$0x0] =	wrdreg $0x60  }
0xae: {  	[dreg:$0x2] =	wrdreg s24  }
0xaf: {  	[dreg:$0x3] =	wrdreg s2  }
0xb0: {  	[dreg:$0x4] =	wrdreg $0xE4000  }
0xb1: {  	[dreg:$0x5] =	wrdreg $0x9  }
0xb2: {  	_ =	task.clear_ibuf [dreg:s7], $0x6FFFF;
	_ =	strace $0x90000049  }
0xb3: {  	s29 =	simm.s32 $0x9;
	_ =	strace $0x8000004B  }
0xb4: {  	_ =	swait.ge [sflag:s29], $0x1  }
0xb5: {  	[sflag:s29] =	ssyncadd.s32 $0xFFFFFFFF  }
0xb6: {  	_ =	strace $0x9000004B  }
0xb7: {  	_ =	sfence  }
0xb8: {  	s30 =	sld [smem:$0x0];
	_ =	sdelay $0x2  }
0xb9: {  	s31 =	sshll.u32 s1, $0xD;
	s1 =	sshrl.u32 s1, $0x2  }
0xba: {  	s3 =	sand.u32 $0x4000, s31;
	s1 =	sadd.s32 s1, s30  }
0xbb: {  	s0 =	sor.u32 s3, s0;
	s1 =	sshll.u32 s1, $0x11  }
0xbc: {  	s0 =	sor.u32 s1, s0  }
0xbd: {  	s0 =	sadd.s32 $0x8F2B, s0  }
0xbe: {  	[sflag:s0] =	ssyncadd.remote.s32 $0x1  }
0xbf: {  	_ =	sfence.sel $0xFFFF  }
0xc0: {  	[dreg:$0x0] =	wrdreg $0xFFFFFFFF;
	(pc) =	sbr.abs _section_cstart, $3  }
0xc1: {  	[dreg:$0x1] =	wrdreg $0xFFFFFFFF  }
0xc2: {  	_ =	task.clear_ibuf [dreg:s7], $0x2FFFF;
	_ =	strace $0x9FFFFFFF  }
0xc3: {  	(tm) =	ssettm $0x7FFFFFFF  }
tec
execute0_lowered:
.L_overlay_start_1:
0x0: {  	(tag) =	ssettag $0x1  }
0x1: {  	s0 =	rddreg [dreg:$0x0]  }
0x2: {  	s4 =	rddreg [dreg:$0x1]  }
0x3: {  	s2 =	rddreg [dreg:$0x2];
	s5 =	srdreg.scid  }
0x4: {  	s3 =	simm.s32 $0x0;
	s1 =	stileid.u32;
	s11 =	simm.s32 $0x8  }
0x5: {  	s12 =	simm.s32 $0x1000;
	s13 =	simm.s32 $0x2000;
	s14 =	simm.s32 $0x1  }
0x6: {  	s15 =	simm.s32 $0x80;
	s16 =	simm.s32 $0x2400;
	s17 =	simm.s32 $0x2080  }
0x7: {  	s18 =	simm.s32 $0x6400;
	s19 =	simm.s32 $0x2100;
	s20 =	simm.s32 $0xA400  }
0x8: {  	s21 =	simm.s32 $0x2;
	s28 =	simm.s32 $0x4;
	s29 =	simm.s32 $0x7  }
0x9: {  	s30 =	simm.s32 $0x2280;
	s31 =	simm.s32 $0x2300;
	s5 =	sand.u32 $0x1, s5  }
0xa: {  	s6 =	sshll.u32 s1, $0x9;
	s7 =	sshll.u32 s1, $0xB;
	[smem:$0x7FF] =	sst s3  }
0xb: {  	s22 =	sshll.u32 s1, $0xC;
	s8 =	sshll.u32 s5, $0xA;
	s6 =	sadd.s32 s6, s0  }
0xc: {  	_ =	strace $0x8000004A;
	s23 =	sadd.s32 s22, s2;
	s5 =	ssub.s32 $0x2, s5  }
0xd: {  	s22 =	simm.s32 $0x5;
	s7 =	sor.u32 s8, s7;
	s9 =	sadd.s32 $0x8600, s6  }
0xe: {  	s6 =	sadd.s32 $0x2600, s6;
	[dreg:$0x6] =	wrdreg s23;
	s25 =	sshrl.u32 s5, $0x1  }
0xf: {  	s23 =	simm.s32 $0x2180;
	s8 =	sshll.u32 s7, $0x4;
	[dreg:$0x4] =	wrdreg s9  }
0x10: {  	[dreg:$0x5] =	wrdreg s6;
	s7 =	sshrl.u32 s7, $0x3;
	s10 =	ssub.s32 s5, s25  }
0x11: {  	s25 =	simm.s32 $0x6;
	s0 =	sadd.s32 s8, s0;
	s4 =	sadd.s32 s4, s7  }
0x12: {  	s10 =	smax.u32 s10, $0x1;
	[dreg:$0x7] =	wrdreg s4;
	s24 =	sadd.s32 $0xA600, s0  }
0x13: {  	s26 =	sadd.s32 $0xAE00, s0;
	s4 =	sadd.s32 $0xB600, s0;
	s5 =	sadd.s32 $0xBE00, s0  }
0x14: {  	s6 =	sadd.s32 $0xC600, s0;
	s7 =	sadd.s32 $0xCE00, s0;
	s8 =	sadd.s32 $0xD600, s0  }
0x15: {  	s9 =	sadd.s32 $0xDE00, s0;
	s0 =	simm.s32 $0x2380;
	[dreg:$0x8] =	wrdreg s24  }
0x16: {  	[dreg:$0x9] =	wrdreg s26;
	s24 =	simm.s32 $0x3;
	s26 =	simm.s32 $0x2200  }
.LBB2_1:
0x17: {  	s1 =	rddreg [dreg:$0x4]  }
0x18: {  	[tilespmem:s3], [sflag:$0x8] =	stream.linear.gather [hbm4b:s1+s3], $0x1000, $0x38;
	[tilespmem:$0xF400] =	vst v63  }
0x19: {  	_ =	swait.ge [sflag:s11], $0x1000  }
0x1a: {  	[sflag:s11] =	ssyncset.done $0x0  }
0x1b: {  	s1 =	rddreg [dreg:$0x5];
	[sflag:s11] =	ssyncadd.s32 $0xFFFFF000  }
0x1c: {  	[tilespmem:s12], [sflag:$0x8] =	stream.linear.gather [hbm4b:s1+s3], $0x1000, $0x38;
	[tilespmem:$0xF400] =	vst v63  }
0x1d: {  	_ =	swait.ge [sflag:s11], $0x1000  }
0x1e: {  	[sflag:s11] =	ssyncset.done $0x0  }
0x1f: {  	[sflag:s11] =	ssyncadd.s32 $0xFFFFF000  }
0x20: {  	v63 =	vld [tilespmem:$0x180]  }
0x21: {  	v27 =	vld [tilespmem:$0x1180];
	_ =	sdelay $0x4  }
0x22: {  	v52 =	vadd.f32 v27, v63;
	v63 =	vld [tilespmem:$0x4A0];
	_ =	sdelay $0x4  }
0x23: {  	[tilespmem:$0x1F850] =	vst v63;
	v63 =	vld [tilespmem:$0x1520];
	_ =	sdelay $0x4  }
0x24: {  	[tilespmem:$0x1F8E0] =	vst v63;
	v63 =	vld [tilespmem:$0x15A0];
	_ =	sdelay $0x4  }
0x25: {  	[tilespmem:$0x1F960] =	vst v63;
	v63 =	vld [tilespmem:$0x1610];
	_ =	sdelay $0x4  }
0x26: {  	[tilespmem:$0x1F9C0] =	vst v63;
	v63 =	vld [tilespmem:$0x630];
	_ =	sdelay $0x4  }
0x27: {  	[tilespmem:$0x1FA10] =	vst v63;
	v63 =	vld [tilespmem:$0x690];
	_ =	sdelay $0x4  }
0x28: {  	[tilespmem:$0x1FA50] =	vst v63;
	v63 =	vld [tilespmem:$0x6A0];
	_ =	sdelay $0x4  }
0x29: {  	[tilespmem:$0x1FA90] =	vst v63;
	v63 =	vld [tilespmem:$0x6B0];
	_ =	sdelay $0x4  }
0x2a: {  	[tilespmem:$0x1FAB0] =	vst v63;
	v63 =	vld [tilespmem:$0x700];
	_ =	sdelay $0x4  }
0x2b: {  	[tilespmem:$0x1FAD0] =	vst v63;
	v63 =	vld [tilespmem:$0x1700];
	_ =	sdelay $0x4  }
0x2c: {  	[tilespmem:$0x1FAE0] =	vst v63;
	v63 =	vld [tilespmem:$0x710];
	_ =	sdelay $0x4  }
0x2d: {  	[tilespmem:$0x1FAF0] =	vst v63;
	v63 =	vld [tilespmem:$0x1710];
	_ =	sdelay $0x4  }
0x2e: {  	[tilespmem:$0x1FB00] =	vst v63;
	v63 =	vld [tilespmem:$0x720];
	_ =	sdelay $0x4  }
0x2f: {  	[tilespmem:$0x1FB30] =	vst v63;
	v63 =	vld [tilespmem:$0x1720];
	_ =	sdelay $0x4  }
0x30: {  	[tilespmem:$0x1FB40] =	vst v63;
	v63 =	vld [tilespmem:$0x730];
	_ =	sdelay $0x4  }
0x31: {  	[tilespmem:$0x1FB50] =	vst v63;
	v63 =	vld [tilespmem:$0x1730];
	_ =	sdelay $0x4  }
0x32: {  	[tilespmem:$0x1FB60] =	vst v63;
	v63 =	vld [tilespmem:$0x7C0];
	_ =	sdelay $0x4  }
0x33: {  	[tilespmem:$0x1F9D0] =	vst v63;
	v63 =	vld [tilespmem:$0x17C0];
	_ =	sdelay $0x4  }
0x34: {  	[tilespmem:$0x1F9E0] =	vst v63;
	v63 =	vld [tilespmem:$0x780];
	_ =	sdelay $0x4  }
0x35: {  	[tilespmem:$0x1FB70] =	vst v63;
	v63 =	vld [tilespmem:$0x1780];
	_ =	sdelay $0x4  }
0x36: {  	[tilespmem:$0x1FB80] =	vst v63;
	v63 =	vld [tilespmem:$0x790];
	_ =	sdelay $0x4  }
0x37: {  	[tilespmem:$0x1FB90] =	vst v63;
	v63 =	vld [tilespmem:$0x1790];
	_ =	sdelay $0x4  }
0x38: {  	[tilespmem:$0x1FBA0] =	vst v63;
	v63 =	vld [tilespmem:$0x7A0];
	_ =	sdelay $0x4  }
0x39: {  	[tilespmem:$0x1FBD0] =	vst v63;
	v63 =	vld [tilespmem:$0x17A0];
	_ =	sdelay $0x4  }
0x3a: {  	[tilespmem:$0x1FBE0] =	vst v63;
	v63 =	vld [tilespmem:$0x7B0];
	_ =	sdelay $0x4  }
0x3b: {  	[tilespmem:$0x1FBF0] =	vst v63;
	v63 =	vld [tilespmem:$0x17B0];
	_ =	sdelay $0x4  }
0x3c: {  	[tilespmem:$0x1FC00] =	vst v63;
	v63 =	vld [tilespmem:$0x840];
	_ =	sdelay $0x4  }
0x3d: {  	[tilespmem:$0x1FA70] =	vst v63;
	v63 =	vld [tilespmem:$0x1840];
	_ =	sdelay $0x4  }
0x3e: {  	[tilespmem:$0x1FA80] =	vst v63;
	v63 =	vld [tilespmem:$0x800];
	_ =	sdelay $0x4  }
0x3f: {  	[tilespmem:$0x1FC10] =	vst v63;
	v63 =	vld [tilespmem:$0x1800];
	_ =	sdelay $0x4  }
0x40: {  	[tilespmem:$0x1FC20] =	vst v63;
	v63 =	vld [tilespmem:$0x810];
	_ =	sdelay $0x4  }
0x41: {  	[tilespmem:$0x1FC30] =	vst v63;
	v63 =	vld [tilespmem:$0x1810];
	_ =	sdelay $0x1  }
0x42: {  	v0 =	vld [tilespmem:$0x40]  }
0x43: {  	v1 =	vld [tilespmem:$0x1040]  }
0x44: {  	v2 =	vld [tilespmem:$0x0]  }
0x45: {  	[tilespmem:$0x1FC40] =	vst v63;
	v63 =	vld [tilespmem:$0x820]  }
0x46: {  	v3 =	vld [tilespmem:$0x1000]  }
0x47: {  	v4 =	vld [tilespmem:$0x10]  }
0x48: {  	v5 =	vld [tilespmem:$0x1010]  }
0x49: {  	v6 =	vld [tilespmem:$0x20]  }
0x4a: {  	[tilespmem:$0x1FC70] =	vst v63;
	v63 =	vld [tilespmem:$0x1820]  }
0x4b: {  	v7 =	vld [tilespmem:$0x1020]  }
0x4c: {  	v8 =	vld [tilespmem:$0x30]  }
0x4d: {  	v9 =	vld [tilespmem:$0x1030]  }
0x4e: {  	v10 =	vld [tilespmem:$0xC0]  }
0x4f: {  	[tilespmem:$0x1FC80] =	vst v63;
	v63 =	vld [tilespmem:$0x830]  }
0x50: {  	v11 =	vld [tilespmem:$0x10C0]  }
0x51: {  	v12 =	vld [tilespmem:$0x80]  }
0x52: {  	v13 =	vld [tilespmem:$0x1080]  }
0x53: {  	v14 =	vld [tilespmem:$0x90]  }
0x54: {  	[tilespmem:$0x1FC90] =	vst v63;
	v63 =	vld [tilespmem:$0x1830]  }
0x55: {  	v15 =	vld [tilespmem:$0x1090]  }
0x56: {  	v16 =	vld [tilespmem:$0xA0]  }
0x57: {  	v17 =	vld [tilespmem:$0x10A0]  }
0x58: {  	v18 =	vld [tilespmem:$0xB0]  }
0x59: {  	[tilespmem:$0x1FCA0] =	vst v63;
	v63 =	vld [tilespmem:$0x8C0]  }
0x5a: {  	v19 =	vld [tilespmem:$0x10B0]  }
0x5b: {  	v20 =	vld [tilespmem:$0x140]  }
0x5c: {  	v55 =	vld [tilespmem:$0x1140]  }
0x5d: {  	v21 =	vld [tilespmem:$0x100]  }
0x5e: {  	[tilespmem:$0x1FB10] =	vst v63;
	v63 =	vld [tilespmem:$0x18C0]  }
0x5f: {  	v22 =	vld [tilespmem:$0x1100]  }
0x60: {  	v56 =	vld [tilespmem:$0x110]  }
0x61: {  	v57 =	vld [tilespmem:$0x1110]  }
0x62: {  	v23 =	vld [tilespmem:$0x120]  }
0x63: {  	[tilespmem:$0x1FB20] =	vst v63;
	v63 =	vld [tilespmem:$0x880]  }
0x64: {  	v24 =	vld [tilespmem:$0x1C0]  }
0x65: {  	v58 =	vld [tilespmem:$0x11C0]  }
0x66: {  	v59 =	vld [tilespmem:$0x1120]  }
0x67: {  	v25 =	vld [tilespmem:$0x130]  }
0x68: {  	[tilespmem:$0x1FCB0] =	vst v63;
	v63 =	vld [tilespmem:$0x1880]  }
0x69: {  	v26 =	vld [tilespmem:$0x240]  }
0x6a: {  	v60 =	vld [tilespmem:$0x1240]  }
0x6b: {  	v62 =	vld [tilespmem:$0x1130]  }
0x6c: {  	v30 =	vld [tilespmem:$0x190]  }
0x6d: {  	[tilespmem:$0x1FCC0] =	vst v63;
	v63 =	vld [tilespmem:$0x890]  }
0x6e: {  	v33 =	vld [tilespmem:$0x1190]  }
0x6f: {  	v36 =	vld [tilespmem:$0x1A0]  }
0x70: {  	v39 =	vld [tilespmem:$0x11A0]  }
0x71: {  	v42 =	vld [tilespmem:$0x1B0]  }
0x72: {  	[tilespmem:$0x1FCD0] =	vst v63;
	v63 =	vld [tilespmem:$0x1890]  }
0x73: {  	v45 =	vld [tilespmem:$0x11B0]  }
0x74: {  	v48 =	vld [tilespmem:$0x200]  }
0x75: {  	v50 =	vld [tilespmem:$0x1200]  }
0x76: {  	v35 =	vadd.f32 v17, v16;
	v16 =	vld [tilespmem:$0x210]  }
0x77: {  	[tilespmem:$0x1FCE0] =	vst v63;
	v63 =	vld [tilespmem:$0x8A0]  }
0x78: {  	v10 =	vadd.f32 v11, v10;
	v11 =	vld [tilespmem:$0x1210]  }
0x79: {  	v38 =	vadd.f32 v19, v18;
	v19 =	vld [tilespmem:$0x220]  }
0x7a: {  	v17 =	vld [tilespmem:$0x1220]  }
0x7b: {  	v0 =	vadd.f32 v1, v0;
	v1 =	vadd.f32 v55, v20;
	v20 =	vld [tilespmem:$0x230]  }
0x7c: {  	[tilespmem:$0x1FD10] =	vst v63;
	v63 =	vld [tilespmem:$0x18A0]  }
0x7d: {  	v29 =	vadd.f32 v13, v12;
	v13 =	vld [tilespmem:$0x1230]  }
0x7e: {  	v6 =	vadd.f32 v7, v6;
	v7 =	vld [tilespmem:$0x2C0]  }
0x7f: {  	v4 =	vadd.f32 v5, v4;
	v5 =	vld [tilespmem:$0x12C0]  }
0x80: {  	v18 =	vld [tilespmem:$0x280]  }
0x81: {  	[tilespmem:$0x1FD20] =	vst v63;
	v63 =	vld [tilespmem:$0x8B0]  }
0x82: {  	v32 =	vadd.f32 v15, v14;
	v14 =	vld [tilespmem:$0x1280]  }
0x83: {  	v41 =	vadd.f32 v22, v21;
	v22 =	vld [tilespmem:$0x290]  }
0x84: {  	v21 =	vld [tilespmem:$0x1290]  }
0x85: {  	v47 =	vadd.f32 v59, v23;
	v23 =	vld [tilespmem:$0x12A0]  }
0x86: {  	[tilespmem:$0x1FD30] =	vst v63;
	v63 =	vld [tilespmem:$0x18B0]  }
0x87: {  	v49 =	vadd.f32 v62, v25;
	v25 =	vld [tilespmem:$0x12B0]  }
0x88: {  	v55 =	vadd.f32 v33, v30;
	v30 =	vld [tilespmem:$0x300]  }
0x89: {  	v33 =	vld [tilespmem:$0x1320]  }
0x8a: {  	v59 =	vadd.f32 v45, v42;
	v42 =	vld [tilespmem:$0x390]  }
0x8b: {  	[tilespmem:$0x1FD40] =	vst v63;
	v63 =	vld [tilespmem:$0x940]  }
0x8c: {  	v8 =	vadd.f32 v9, v8;
	v9 =	vld [tilespmem:$0x14C0]  }
0x8d: {  	v27 =	vld [tilespmem:$0x4B0]  }
0x8e: {  	v15 =	vld [tilespmem:$0x540]  }
0x8f: {  	v12 =	vld [tilespmem:$0x1540]  }
0x90: {  	[tilespmem:$0x1FBB0] =	vst v63;
	v63 =	vld [tilespmem:$0x1940]  }
0x91: {  	v45 =	vld [tilespmem:$0x1500];
	v0 =	vmax.f32 v0, $1.000000000e+00;
	v10 =	vmax.f32 v10, $1.000000000e+00  }
0x92: {  	(erf) = vrcp.f32 v0;
	v0 =	vadd.f32 v57, v56;
	v57 =	vadd.f32 v39, v36;
	v39 =	vld [tilespmem:$0x330]  }
0x93: {  	v1 =	vmax.f32 v1, $1.000000000e+00;
	v36 =	vld [tilespmem:$0x14B0];
	(erf) = vrcp.f32 v10  }
0x94: {  	(erf) = vrcp.f32 v1;
	v1 =	vadd.f32 v60, v26;
	v26 =	vld [tilespmem:$0x14A0]  }
0x95: {  	[tilespmem:$0x1FBC0] =	vst v63;
	v63 =	vld [tilespmem:$0x900]  }
0x96: {  	v10 =	vadd.f32 v58, v24;
	[tilespmem:$0x1F870] =	vst v27;
	v27 =	vld [tilespmem:$0x5C0]  }
0x97: {  	[tilespmem:$0x1F8A0] =	vst v45;
	v45 =	vld [tilespmem:$0x1580]  }
0x98: {  	v24 =	vmax.f32 v10, $1.000000000e+00;
	v10 =	vld [tilespmem:$0x4C0]  }
0x99: {  	[tilespmem:$0x1F880] =	vst v36;
	v36 =	vld [tilespmem:$0x530]  }
0x9a: {  	[tilespmem:$0x1FD50] =	vst v63;
	v63 =	vld [tilespmem:$0x1900]  }
0x9b: {  	v2 =	vadd.f32 v3, v2;
	[tilespmem:$0x1F860] =	vst v26;
	v26 =	vld [tilespmem:$0x15C0]  }
0x9c: {  	[tilespmem:$0x1F920] =	vst v45;
	v45 =	vld [tilespmem:$0x5B0];
	v61 =	vpop (erf);
	(erf) = vrcp.f32 v24  }
0x9d: {  	v24 =	vld [tilespmem:$0x2A0];
	v2 =	vmul.f32 v61, v2;
	v4 =	vmul.f32 v4, v61  }
0x9e: {  	v28 =	vmul.f32 v6, v61;
	v3 =	vmul.f32 v8, v61;
	v61 =	vadd.f32 v50, v48;
	v48 =	vld [tilespmem:$0x3B0]  }
0x9f: {  	[tilespmem:$0x1FD60] =	vst v63;
	v63 =	vld [tilespmem:$0x910]  }
0xa0: {  	v8 =	vld [tilespmem:$0x440]  }
0xa1: {  	v6 =	vld [tilespmem:$0x1440]  }
0xa2: {  	v50 =	vld [tilespmem:$0x400]  }
0xa3: {  	[tilespmem:$0x1F8F0] =	vst v36;
	v36 =	vld [tilespmem:$0x580]  }
0xa4: {  	v31 =	vpop (erf);
	[tilespmem:$0x1FD70] =	vst v63;
	v63 =	vld [tilespmem:$0x1910]  }
0xa5: {  	v34 =	vmul.f32 v31, v29;
	v29 =	vld [tilespmem:$0x1300]  }
0xa6: {  	v37 =	vmul.f32 v32, v31;
	v32 =	vld [tilespmem:$0x310]  }
0xa7: {  	v40 =	vmul.f32 v35, v31;
	v43 =	vmul.f32 v38, v31;
	v31 =	vld [tilespmem:$0x1310]  }
0xa8: {  	v35 =	vld [tilespmem:$0x1330]  }
0xa9: {  	[tilespmem:$0x1FD80] =	vst v63;
	v63 =	vld [tilespmem:$0x920]  }
0xaa: {  	v38 =	vld [tilespmem:$0x500]  }
0xab: {  	[tilespmem:$0x20] =	vst v28;
	v28 =	vld [tilespmem:$0x2B0]  }
0xac: {  	[tilespmem:$0x10] =	vst v4;
	v4 =	vld [tilespmem:$0x340]  }
0xad: {  	[tilespmem:$0x30] =	vst v3;
	v3 =	vld [tilespmem:$0x1340]  }
0xae: {  	[tilespmem:$0x1FDB0] =	vst v63;
	v63 =	vld [tilespmem:$0x1920]  }
0xaf: {  	v44 =	vpop (erf);
	[tilespmem:$0x0] =	vst v2;
	v2 =	vld [tilespmem:$0x3C0]  }
0xb0: {  	v46 =	vmul.f32 v44, v41;
	v0 =	vmul.f32 v0, v44;
	v41 =	vld [tilespmem:$0x1390]  }
0xb1: {  	v51 =	vmul.f32 v47, v44;
	v53 =	vmul.f32 v49, v44;
	v44 =	vld [tilespmem:$0x3A0]  }
0xb2: {  	v49 =	vld [tilespmem:$0x1400]  }
0xb3: {  	[tilespmem:$0x1FDC0] =	vst v63;
	v63 =	vld [tilespmem:$0x930]  }
0xb4: {  	v47 =	vld [tilespmem:$0x510]  }
0xb5: {  	[tilespmem:$0x1F970] =	vst v45;
	v45 =	vld [tilespmem:$0x600]  }
0xb6: {  	[tilespmem:$0x80] =	vst v34;
	v34 =	vld [tilespmem:$0x320]  }
0xb7: {  	[tilespmem:$0xA0] =	vst v40;
	v40 =	vld [tilespmem:$0x380]  }
0xb8: {  	[tilespmem:$0x1FDD0] =	vst v63;
	v63 =	vld [tilespmem:$0x1930]  }
0xb9: {  	[tilespmem:$0x90] =	vst v37;
	v37 =	vld [tilespmem:$0x1380]  }
0xba: {  	[tilespmem:$0xB0] =	vst v43;
	v43 =	vld [tilespmem:$0x13A0]  }
0xbb: {  	v1 =	vmax.f32 v1, $1.000000000e+00;
	[tilespmem:$0x100] =	vst v46;
	v46 =	vld [tilespmem:$0x13B0];
	v54 =	vpop (erf)  }
0xbc: {  	(erf) = vrcp.f32 v1;
	v1 =	vmul.f32 v59, v54;
	v59 =	vld [tilespmem:$0x520]  }
0xbd: {  	[tilespmem:$0x1FDE0] =	vst v63;
	v63 =	vld [tilespmem:$0x9C0]  }
0xbe: {  	[tilespmem:$0x120] =	vst v51;
	v51 =	vld [tilespmem:$0x1410]  }
0xbf: {  	[tilespmem:$0x130] =	vst v53;
	v53 =	vld [tilespmem:$0x1420]  }
0xc0: {  	[tilespmem:$0x1F910] =	vst v36;
	v36 =	vld [tilespmem:$0x1640]  }
0xc1: {  	[tilespmem:$0x1F8D0] =	vst v59;
	v59 =	vld [tilespmem:$0x5A0]  }
0xc2: {  	[tilespmem:$0x1FC50] =	vst v63;
	v63 =	vld [tilespmem:$0x19C0]  }
0xc3: {  	[tilespmem:$0x1F890] =	vst v38;
	v38 =	vld [tilespmem:$0x1530]  }
0xc4: {  	[tilespmem:$0x1F8B0] =	vst v47;
	v47 =	vld [tilespmem:$0x590]  }
0xc5: {  	v58 =	vmul.f32 v55, v54;
	v55 =	vld [tilespmem:$0x1510]  }
0xc6: {  	[tilespmem:$0x1F950] =	vst v59;
	v59 =	vld [tilespmem:$0x610]  }
0xc7: {  	[tilespmem:$0x1FC60] =	vst v63;
	v63 =	vld [tilespmem:$0x980]  }
0xc8: {  	[tilespmem:$0x1F990] =	vst v45;
	v45 =	vld [tilespmem:$0x16C0]  }
0xc9: {  	v56 =	vmul.f32 v54, v52;
	v52 =	vld [tilespmem:$0x410]  }
0xca: {  	[tilespmem:$0x1F8C0] =	vst v55;
	v55 =	vld [tilespmem:$0x1590]  }
0xcb: {  	[tilespmem:$0x1F9B0] =	vst v59;
	v59 =	vld [tilespmem:$0x1620]  }
0xcc: {  	[tilespmem:$0x1FDF0] =	vst v63;
	v63 =	vld [tilespmem:$0x1980]  }
0xcd: {  	v60 =	vmul.f32 v57, v54;
	v54 =	vld [tilespmem:$0x420]  }
0xce: {  	[tilespmem:$0x110] =	vst v0;
	v57 =	vld [tilespmem:$0x1480]  }
0xcf: {  	[tilespmem:$0x1F940] =	vst v55;
	v55 =	vld [tilespmem:$0x1600]  }
0xd0: {  	[tilespmem:$0x1FA00] =	vst v59;
	v59 =	vld [tilespmem:$0x1680]  }
0xd1: {  	v0 =	vpop (erf);
	[tilespmem:$0x1FE00] =	vst v63;
	v63 =	vld [tilespmem:$0x990]  }
0xd2: {  	v62 =	vmul.f32 v0, v61;
	v61 =	vld [tilespmem:$0x1490];
	[tilespmem:$0x180] =	vst v56  }
0xd3: {  	[tilespmem:$0x1B0] =	vst v1;
	v1 =	vld [tilespmem:$0x13C0]  }
0xd4: {  	[tilespmem:$0x1F9A0] =	vst v55;
	v55 =	vld [tilespmem:$0x620]  }
0xd5: {  	[tilespmem:$0x1FA40] =	vst v59;
	v59 =	vld [tilespmem:$0x1690]  }
0xd6: {  	[tilespmem:$0x1FE10] =	vst v63;
	v63 =	vld [tilespmem:$0x1990]  }
0xd7: {  	[tilespmem:$0x190] =	vst v58;
	v58 =	vld [tilespmem:$0x430]  }
0xd8: {  	[tilespmem:$0x1A0] =	vst v60;
	v56 =	vld [tilespmem:$0x1430]  }
0xd9: {  	[tilespmem:$0x1F9F0] =	vst v55;
	v55 =	vld [tilespmem:$0x1630]  }
0xda: {  	[tilespmem:$0x1FA60] =	vst v59;
	v59 =	vld [tilespmem:$0x16A0]  }
0xdb: {  	[tilespmem:$0x1FE20] =	vst v63;
	v63 =	vld [tilespmem:$0x9A0]  }
0xdc: {  	v60 =	vld [tilespmem:$0x480];
	[tilespmem:$0x1F900] =	vst v38  }
0xdd: {  	[tilespmem:$0x1F930] =	vst v47;
	v47 =	vld [tilespmem:$0x15B0]  }
0xde: {  	[tilespmem:$0x1FA20] =	vst v55;
	v55 =	vld [tilespmem:$0x680]  }
0xdf: {  	[tilespmem:$0x1FAA0] =	vst v59;
	v59 =	vld [tilespmem:$0x16B0]  }
0xe0: {  	[tilespmem:$0x1FE50] =	vst v63;
	v63 =	vld [tilespmem:$0x19A0]  }
0xe1: {  	v38 =	vld [tilespmem:$0x640];
	[tilespmem:$0x200] =	vst v62  }
0xe2: {  	v62 =	vld [tilespmem:$0x490];
	[tilespmem:$0x1F980] =	vst v47  }
0xe3: {  	v47 =	vld [tilespmem:$0x6C0];
	[tilespmem:$0x1FA30] =	vst v55  }
0xe4: {  	v55 =	vld [tilespmem:$0x1740];
	[tilespmem:$0x1FAC0] =	vst v59  }
0xe5: {  	v59 =	vld [tilespmem:$0x740];
	[tilespmem:$0x1FE60] =	vst v63  }
0xe6: {  	v63 =	vld [tilespmem:$0x9B0]  }
0xe7: {  	v5 =	vadd.f32 v5, v7;
	v7 =	vld [tilespmem:$0x1A80]  }
0xe8: {  	v11 =	vadd.f32 v11, v16;
	v16 =	vld [tilespmem:$0xA90]  }
0xe9: {  	v19 =	vadd.f32 v17, v19;
	v17 =	vadd.f32 v21, v22;
	v22 =	vld [tilespmem:$0x1AB0]  }
0xea: {  	v21 =	vadd.f32 v23, v24;
	v24 =	vld [tilespmem:$0xB40]  }
0xeb: {  	v23 =	vadd.f32 v25, v28;
	v28 =	vld [tilespmem:$0x1B40]  }
0xec: {  	v25 =	vadd.f32 v29, v30;
	v29 =	vadd.f32 v31, v32;
	v32 =	vld [tilespmem:$0xB00]  }
0xed: {  	v20 =	vadd.f32 v13, v20;
	v33 =	vadd.f32 v33, v34;
	v34 =	vld [tilespmem:$0x1B00]  }
0xee: {  	v13 =	vadd.f32 v14, v18;
	v30 =	vadd.f32 v9, v10;
	v14 =	vmul.f32 v19, v0;
	v10 =	vld [tilespmem:$0xB10]  }
0xef: {  	v9 =	vadd.f32 v35, v39;
	v39 =	vld [tilespmem:$0xBC0]  }
0xf0: {  	v3 =	vadd.f32 v3, v4;
	[tilespmem:$0x220] =	vst v14;
	v14 =	vadd.f32 v41, v42;
	v41 =	vld [tilespmem:$0x1F890]  }
0xf1: {  	v5 =	vmax.f32 v5, $1.000000000e+00;
	v42 =	vld [tilespmem:$0x1F8A0]  }
0xf2: {  	v15 =	vadd.f32 v12, v15;
	v3 =	vmax.f32 v3, $1.000000000e+00;
	(erf) = vrcp.f32 v5;
	v12 =	vld [tilespmem:$0xC10]  }
0xf3: {  	v18 =	vadd.f32 v6, v8;
	(erf) = vrcp.f32 v3;
	v3 =	vmul.f32 v11, v0;
	v11 =	vld [tilespmem:$0xAA0]  }
0xf4: {  	v0 =	vmul.f32 v20, v0;
	v20 =	vld [tilespmem:$0xAB0]  }
0xf5: {  	[tilespmem:$0x210] =	vst v3;
	v3 =	vmax.f32 v18, $1.000000000e+00;
	v18 =	vadd.f32 v43, v44;
	v43 =	vld [tilespmem:$0x1F8B0]  }
0xf6: {  	v44 =	vld [tilespmem:$0x1F8C0]  }
0xf7: {  	[tilespmem:$0x1FE70] =	vst v63;
	v63 =	vld [tilespmem:$0x19B0]  }
0xf8: {  	[tilespmem:$0x1FF30] =	vst v16;
	v16 =	vld [tilespmem:$0x1AA0]  }
0xf9: {  	[tilespmem:$0x1FF80] =	vst v32;
	v32 =	vadd.f32 v57, v60;
	v57 =	vld [tilespmem:$0x1B80]  }
0xfa: {  	[tilespmem:$0x1FF90] =	vst v34;
	v34 =	vadd.f32 v36, v38;
	v36 =	vld [tilespmem:$0x1F850]  }
0xfb: {  	[tilespmem:$0x1FE30] =	vst v24;
	v24 =	vadd.f32 v51, v52;
	v52 =	vld [tilespmem:$0x1B90]  }
0xfc: {  	v38 =	vld [tilespmem:$0x1F870]  }
0xfd: {  	[tilespmem:$0x1FE40] =	vst v28;
	v28 =	vld [tilespmem:$0x1BA0]  }
0xfe: {  	[tilespmem:$0x1FF70] =	vst v22;
	v22 =	vadd.f32 v49, v50;
	v49 =	vld [tilespmem:$0x1F8E0]  }
0xff: {  	v50 =	vld [tilespmem:$0x1F8F0]  }
0x100: {  	v51 =	vld [tilespmem:$0x1F900]  }
0x101: {  	v60 =	vld [tilespmem:$0x1F940]  }
0x102: {  	v1 =	vadd.f32 v1, v2;
	[tilespmem:$0x1FFA0] =	vst v10;
	v10 =	vld [tilespmem:$0x1C00]  }
0x103: {  	[tilespmem:$0x1FF40] =	vst v11;
	v11 =	vadd.f32 v37, v40;
	v37 =	vld [tilespmem:$0x1F860]  }
0x104: {  	v1 =	vmax.f32 v1, $1.000000000e+00;
	v40 =	vld [tilespmem:$0x1F880]  }
0x105: {  	(erf) = vrcp.f32 v1;
	[tilespmem:$0x1FF60] =	vst v20;
	v20 =	vadd.f32 v46, v48;
	v48 =	vld [tilespmem:$0x1F8D0]  }
0x106: {  	v19 =	vpop (erf);
	(erf) = vrcp.f32 v3;
	v3 =	vmax.f32 v30, $1.000000000e+00;
	v30 =	vadd.f32 v56, v58;
	v56 =	vld [tilespmem:$0xB80]  }
0x107: {  	v58 =	vld [tilespmem:$0x1F930]  }
0x108: {  	[tilespmem:$0x1FE80] =	vst v63;
	v63 =	vld [tilespmem:$0xA40]  }
0x109: {  	v5 =	vmul.f32 v19, v13;
	v13 =	vld [tilespmem:$0x1B10]  }
0x10a: {  	v2 =	vmul.f32 v17, v19;
	v17 =	vld [tilespmem:$0xB20]  }
0x10b: {  	[tilespmem:$0x230] =	vst v0;
	v1 =	vmul.f32 v21, v19;
	v0 =	vmul.f32 v23, v19;
	v19 =	vld [tilespmem:$0x1B20]  }
0x10c: {  	v21 =	vld [tilespmem:$0xB30];
	[tilespmem:$0x280] =	vst v5  }
0x10d: {  	v31 =	vpop (erf);
	(erf) = vrcp.f32 v3;
	v23 =	vld [tilespmem:$0x1B30];
	[tilespmem:$0x290] =	vst v2  }
0x10e: {  	v3 =	vmax.f32 v15, $1.000000000e+00;
	v15 =	vld [tilespmem:$0xC40];
	[tilespmem:$0x2A0] =	vst v1;
	v5 =	vmul.f32 v31, v25;
	v2 =	vmul.f32 v29, v31  }
0x10f: {  	[tilespmem:$0x2B0] =	vst v0;
	v1 =	vmul.f32 v33, v31;
	v0 =	vmul.f32 v9, v31;
	v31 =	vld [tilespmem:$0x1BC0]  }
0x110: {  	v33 =	vadd.f32 v61, v62;
	v62 =	vld [tilespmem:$0xB90]  }
0x111: {  	v25 =	vadd.f32 v26, v27;
	v27 =	vadd.f32 v53, v54;
	v53 =	vld [tilespmem:$0x1F910]  }
0x112: {  	v54 =	vld [tilespmem:$0x1F920]  }
0x113: {  	v61 =	vadd.f32 v55, v59;
	v55 =	vld [tilespmem:$0x1FAC0]  }
0x114: {  	[tilespmem:$0x1FF50] =	vst v16;
	v16 =	vpop (erf);
	v59 =	vld [tilespmem:$0x1FAD0]  }
0x115: {  	[tilespmem:$0x310] =	vst v2;
	v2 =	vmul.f32 v14, v16;
	v14 =	vld [tilespmem:$0xC00]  }
0x116: {  	[tilespmem:$0x320] =	vst v1;
	v1 =	vmul.f32 v18, v16;
	v18 =	vld [tilespmem:$0x1F950]  }
0x117: {  	[tilespmem:$0x330] =	vst v0;
	v0 =	vmul.f32 v20, v16;
	v20 =	vld [tilespmem:$0x1F960]  }
0x118: {  	[tilespmem:$0x300] =	vst v5;
	v5 =	vmul.f32 v16, v11;
	v11 =	vld [tilespmem:$0x1C30]  }
0x119: {  	[tilespmem:$0x1FCF0] =	vst v63;
	v63 =	vld [tilespmem:$0x1A40]  }
0x11a: {  	[tilespmem:$0x1FFF0] =	vst v23;
	v23 =	vld [tilespmem:$0xBB0]  }
0x11b: {  	[tilespmem:$0x1FFD0] =	vst v19;
	v19 =	vld [tilespmem:$0x1BB0]  }
0x11c: {  	[tilespmem:$0x1FFC0] =	vst v17;
	v17 =	vld [tilespmem:$0x1C40]  }
0x11d: {  	[tilespmem:$0x1FFE0] =	vst v21;
	v21 =	vld [tilespmem:$0x1F970]  }
0x11e: {  	(erf) = vrcp.f32 v3;
	v3 =	vmax.f32 v25, $1.000000000e+00;
	[tilespmem:$0x1FFB0] =	vst v13;
	v13 =	vld [tilespmem:$0x1CA0]  }
0x11f: {  	[tilespmem:$0x380] =	vst v5;
	v26 =	vpop (erf);
	(erf) = vrcp.f32 v3;
	v3 =	vmax.f32 v34, $1.000000000e+00;
	v34 =	vld [tilespmem:$0x1F9D0]  }
0x120: {  	[tilespmem:$0x390] =	vst v2;
	v5 =	vmul.f32 v26, v22;
	v22 =	vld [tilespmem:$0xBA0]  }
0x121: {  	[tilespmem:$0x3A0] =	vst v1;
	v2 =	vmul.f32 v24, v26;
	v24 =	vld [tilespmem:$0x1F980]  }
0x122: {  	v46 =	vadd.f32 v45, v47;
	[tilespmem:$0x3B0] =	vst v0;
	v1 =	vmul.f32 v27, v26;
	v0 =	vmul.f32 v30, v26;
	v26 =	vld [tilespmem:$0x1F990]  }
0x123: {  	v27 =	vld [tilespmem:$0x1F9A0]  }
0x124: {  	v35 =	vpop (erf);
	(erf) = vrcp.f32 v3;
	v3 =	vmax.f32 v46, $1.000000000e+00;
	v46 =	vld [tilespmem:$0x1FA50]  }
0x125: {  	v10 =	vadd.f32 v10, v14;
	v14 =	vld [tilespmem:$0xEA0]  }
0x126: {  	[tilespmem:$0x1FD00] =	vst v63;
	v63 =	vld [tilespmem:$0xA00]  }
0x127: {  	v17 =	vadd.f32 v17, v15;
	v15 =	vld [tilespmem:$0xE00];
	[tilespmem:$0x400] =	vst v5  }
0x128: {  	[tilespmem:$0x410] =	vst v2;
	v5 =	vmul.f32 v35, v32;
	v32 =	vld [tilespmem:$0x1F9B0]  }
0x129: {  	[tilespmem:$0x420] =	vst v1;
	v2 =	vmul.f32 v33, v35;
	v33 =	vld [tilespmem:$0x1F9C0]  }
0x12a: {  	v1 =	vadd.f32 v37, v36;
	[tilespmem:$0x430] =	vst v0;
	v0 =	vadd.f32 v40, v38;
	v37 =	vld [tilespmem:$0x1F9F0]  }
0x12b: {  	v38 =	vld [tilespmem:$0x1FA00]  }
0x12c: {  	v1 =	vmul.f32 v1, v35;
	v0 =	vmul.f32 v0, v35;
	v35 =	vld [tilespmem:$0x1F9E0]  }
0x12d: {  	[tilespmem:$0x480] =	vst v5;
	v5 =	vadd.f32 v42, v41;
	v41 =	vld [tilespmem:$0x1FA10]  }
0x12e: {  	v42 =	vld [tilespmem:$0x1FA20]  }
0x12f: {  	[tilespmem:$0x490] =	vst v2;
	v2 =	vadd.f32 v44, v43;
	v43 =	vld [tilespmem:$0x1FA30]  }
0x130: {  	v44 =	vld [tilespmem:$0x1FA40]  }
0x131: {  	v6 =	vadd.f32 v24, v21;
	v24 =	vld [tilespmem:$0x1CC0]  }
0x132: {  	v21 =	vld [tilespmem:$0x1FB00]  }
0x133: {  	v47 =	vpop (erf);
	(erf) = vrcp.f32 v3;
	v3 =	vadd.f32 v27, v26;
	v27 =	vld [tilespmem:$0x1FB10]  }
0x134: {  	v22 =	vadd.f32 v28, v22;
	v28 =	vld [tilespmem:$0x1EC0]  }
0x135: {  	[tilespmem:$0x1FE90] =	vst v63;
	v63 =	vld [tilespmem:$0x1A00]  }
0x136: {  	[tilespmem:$0x4A0] =	vst v1;
	v1 =	vadd.f32 v49, v48;
	v48 =	vld [tilespmem:$0x1FA70]  }
0x137: {  	v49 =	vld [tilespmem:$0x1FA80]  }
0x138: {  	[tilespmem:$0x4B0] =	vst v0;
	v0 =	vadd.f32 v51, v50;
	v51 =	vld [tilespmem:$0x1FA90]  }
0x139: {  	v5 =	vmul.f32 v47, v5;
	v2 =	vmul.f32 v2, v47;
	v4 =	vadd.f32 v33, v32;
	v33 =	vld [tilespmem:$0x1FB30]  }
0x13a: {  	v25 =	vmax.f32 v61, $1.000000000e+00;
	v1 =	vmul.f32 v1, v47;
	v0 =	vmul.f32 v0, v47;
	v47 =	vld [tilespmem:$0x1FA60]  }
0x13b: {  	v16 =	vpop (erf);
	(erf) = vrcp.f32 v25;
	v25 =	vld [tilespmem:$0xCC0]  }
0x13c: {  	[tilespmem:$0x500] =	vst v5;
	v5 =	vadd.f32 v54, v53;
	v53 =	vld [tilespmem:$0x1FAA0]  }
0x13d: {  	v54 =	vld [tilespmem:$0x1FAB0]  }
0x13e: {  	[tilespmem:$0x510] =	vst v2;
	v2 =	vadd.f32 v60, v58;
	v60 =	vld [tilespmem:$0x1FAE0]  }
0x13f: {  	v30 =	vmul.f32 v6, v16;
	v6 =	vadd.f32 v35, v34;
	v34 =	vld [tilespmem:$0x1FB40]  }
0x140: {  	v9 =	vadd.f32 v42, v41;
	v41 =	vld [tilespmem:$0x1FB70]  }
0x141: {  	v42 =	vld [tilespmem:$0x1FB80]  }
0x142: {  	v8 =	vadd.f32 v44, v43;
	v43 =	vld [tilespmem:$0x1FB90]  }
0x143: {  	v44 =	vld [tilespmem:$0x1FBA0]  }
0x144: {  	v36 =	vpop (erf);
	[tilespmem:$0x530] =	vst v0;
	v0 =	vld [tilespmem:$0x1C10]  }
0x145: {  	v40 =	vmul.f32 v36, v3;
	v3 =	vld [tilespmem:$0x1C20]  }
0x146: {  	[tilespmem:$0x520] =	vst v1;
	v1 =	vadd.f32 v20, v18;
	v20 =	vld [tilespmem:$0x1FAF0]  }
0x147: {  	[tilespmem:$0x1FEA0] =	vst v63;
	v63 =	vld [tilespmem:$0xA10]  }
0x148: {  	v45 =	vmul.f32 v9, v36;
	v9 =	vld [tilespmem:$0x1C90]  }
0x149: {  	[tilespmem:$0x1FF20] =	vst v7;
	v7 =	vadd.f32 v49, v48;
	v48 =	vld [tilespmem:$0x1FBD0]  }
0x14a: {  	v2 =	vmul.f32 v2, v16;
	v49 =	vld [tilespmem:$0x1FBE0]  }
0x14b: {  	v5 =	vmul.f32 v16, v5;
	v50 =	vpop (erf);
	v29 =	vmul.f32 v1, v16;
	v1 =	vld [tilespmem:$0xC20]  }
0x14c: {  	v8 =	vmul.f32 v50, v8;
	[tilespmem:$0x590] =	vst v2;
	v2 =	vld [tilespmem:$0xC30]  }
0x14d: {  	[tilespmem:$0x580] =	vst v5;
	v5 =	vadd.f32 v38, v37;
	v37 =	vld [tilespmem:$0x1FB60]  }
0x14e: {  	[tilespmem:$0x680] =	vst v8;
	v8 =	vld [tilespmem:$0xC90]  }
0x14f: {  	v4 =	vmul.f32 v4, v36;
	v6 =	vmax.f32 v6, $1.000000000e+00;
	[tilespmem:$0x630] =	vst v45;
	v45 =	vld [tilespmem:$0x1FBB0]  }
0x150: {  	(erf) = vrcp.f32 v6;
	v6 =	vadd.f32 v47, v46;
	v46 =	vld [tilespmem:$0x1FBC0]  }
0x151: {  	[tilespmem:$0x610] =	vst v4;
	v4 =	vadd.f32 v55, v54;
	v54 =	vld [tilespmem:$0x1FC10]  }
0x152: {  	v55 =	vld [tilespmem:$0x1FC20]  }
0x153: {  	v16 =	vadd.f32 v60, v59;
	v59 =	vld [tilespmem:$0x1FC30]  }
0x154: {  	v60 =	vld [tilespmem:$0x1FC40]  }
0x155: {  	v24 =	vadd.f32 v24, v25;
	v25 =	vld [tilespmem:$0xE20]  }
0x156: {  	[tilespmem:$0x5A0] =	vst v29;
	v29 =	vld [tilespmem:$0x1FB20]  }
0x157: {  	v7 =	vmax.f32 v7, $1.000000000e+00;
	v5 =	vmul.f32 v5, v36;
	v36 =	vld [tilespmem:$0x1FB50]  }
0x158: {  	(erf) = vrcp.f32 v7;
	v7 =	vld [tilespmem:$0xCA0]  }
0x159: {  	v35 =	vadd.f32 v34, v33;
	v34 =	vld [tilespmem:$0xD40]  }
0x15a: {  	v18 =	vadd.f32 v42, v41;
	v41 =	vld [tilespmem:$0x1D40]  }
0x15b: {  	v42 =	vld [tilespmem:$0x1FC80]  }
0x15c: {  	v58 =	vmul.f32 v6, v50;
	v6 =	vld [tilespmem:$0xC80]  }
0x15d: {  	v26 =	vadd.f32 v21, v20;
	v20 =	vadd.f32 v44, v43;
	v44 =	vld [tilespmem:$0x1FC90]  }
0x15e: {  	v0 =	vadd.f32 v0, v12;
	v12 =	vld [tilespmem:$0xF00]  }
0x15f: {  	[tilespmem:$0x1FEB0] =	vst v63;
	v63 =	vld [tilespmem:$0x1A10]  }
0x160: {  	[tilespmem:$0x620] =	vst v5;
	v5 =	vadd.f32 v53, v51;
	v51 =	vld [tilespmem:$0x1FBF0]  }
0x161: {  	v53 =	vld [tilespmem:$0x1FC00]  }
0x162: {  	v1 =	vadd.f32 v3, v1;
	v3 =	vld [tilespmem:$0x1E90]  }
0x163: {  	v32 =	vpop (erf);
	v61 =	vmul.f32 v5, v50;
	v5 =	vld [tilespmem:$0x1C80]  }
0x164: {  	v4 =	vmul.f32 v4, v50;
	v21 =	vmul.f32 v35, v32;
	v35 =	vld [tilespmem:$0x1FC50]  }
0x165: {  	v38 =	vmul.f32 v26, v32;
	v26 =	vadd.f32 v46, v45;
	v45 =	vld [tilespmem:$0x1FCA0]  }
0x166: {  	[tilespmem:$0x6B0] =	vst v4;
	v4 =	vadd.f32 v37, v36;
	v36 =	vld [tilespmem:$0x1FC60]  }
0x167: {  	[tilespmem:$0x5B0] =	vst v30;
	v30 =	vadd.f32 v29, v27;
	v29 =	vadd.f32 v55, v54;
	v54 =	vld [tilespmem:$0x1FCF0]  }
0x168: {  	v16 =	vmul.f32 v32, v16;
	v55 =	vld [tilespmem:$0x1FD00]  }
0x169: {  	v34 =	vadd.f32 v41, v34;
	v41 =	vld [tilespmem:$0xEC0]  }
0x16a: {  	[tilespmem:$0x700] =	vst v16;
	v16 =	vld [tilespmem:$0xCB0]  }
0x16b: {  	[tilespmem:$0x720] =	vst v21;
	v21 =	vadd.f32 v49, v48;
	v48 =	vld [tilespmem:$0x1FCB0]  }
0x16c: {  	v49 =	vld [tilespmem:$0x1FCC0]  }
0x16d: {  	[tilespmem:$0x6A0] =	vst v61;
	v61 =	vadd.f32 v60, v59;
	v59 =	vld [tilespmem:$0x1FD10]  }
0x16e: {  	v60 =	vld [tilespmem:$0x1FD20]  }
0x16f: {  	[tilespmem:$0x1FEC0] =	vst v63;
	v63 =	vld [tilespmem:$0xA20]  }
0x170: {  	[tilespmem:$0x600] =	vst v40;
	v40 =	vmax.f32 v30, $1.000000000e+00;
	v47 =	vpop (erf);
	v30 =	vld [tilespmem:$0xD30]  }
0x171: {  	v50 =	vmul.f32 v47, v18;
	v18 =	vld [tilespmem:$0x1CB0]  }
0x172: {  	v26 =	vmax.f32 v26, $1.000000000e+00;
	v4 =	vmul.f32 v4, v32;
	(erf) = vrcp.f32 v40;
	v40 =	vld [tilespmem:$0x1FC70]  }
0x173: {  	(erf) = vrcp.f32 v26;
	v26 =	vld [tilespmem:$0x1D10]  }
0x174: {  	[tilespmem:$0x730] =	vst v4;
	v4 =	vadd.f32 v53, v51;
	v51 =	vld [tilespmem:$0x1FCD0]  }
0x175: {  	[tilespmem:$0x1FED0] =	vst v63;
	v63 =	vld [tilespmem:$0x1A20]  }
0x176: {  	v53 =	vld [tilespmem:$0x1FCE0]  }
0x177: {  	v46 =	vadd.f32 v45, v44;
	v44 =	vld [tilespmem:$0x1FD30]  }
0x178: {  	v45 =	vld [tilespmem:$0x1FD40]  }
0x179: {  	[tilespmem:$0x710] =	vst v38;
	v20 =	vmul.f32 v20, v47;
	v5 =	vadd.f32 v5, v6;
	v6 =	vld [tilespmem:$0x1EA0]  }
0x17a: {  	v21 =	vmul.f32 v21, v47;
	[tilespmem:$0x1FEE0] =	vst v63;
	v63 =	vld [tilespmem:$0xA30]  }
0x17b: {  	v38 =	vpop (erf);
	[tilespmem:$0x790] =	vst v20;
	v20 =	vld [tilespmem:$0x1D00]  }
0x17c: {  	[tilespmem:$0x7A0] =	vst v21;
	v27 =	vmul.f32 v61, v38;
	v21 =	vld [tilespmem:$0xD10]  }
0x17d: {  	[tilespmem:$0x690] =	vst v58;
	v58 =	vmul.f32 v4, v47;
	v4 =	vld [tilespmem:$0xD00]  }
0x17e: {  	v29 =	vmul.f32 v38, v29;
	[tilespmem:$0x810] =	vst v27;
	v27 =	vld [tilespmem:$0xD20]  }
0x17f: {  	[tilespmem:$0x1FEF0] =	vst v63;
	v63 =	vld [tilespmem:$0x1A30]  }
0x180: {  	v37 =	vadd.f32 v36, v35;
	[tilespmem:$0x800] =	vst v29;
	v29 =	vadd.f32 v49, v48;
	v48 =	vld [tilespmem:$0x1FD50]  }
0x181: {  	v49 =	vld [tilespmem:$0x1FD60]  }
0x182: {  	v47 =	vmax.f32 v37, $1.000000000e+00;
	v37 =	vadd.f32 v60, v59;
	v59 =	vld [tilespmem:$0x1FDB0]  }
0x183: {  	v60 =	vld [tilespmem:$0x1FDC0]  }
0x184: {  	[tilespmem:$0x1FF00] =	vst v63;
	v63 =	vld [tilespmem:$0xAC0]  }
0x185: {  	v32 =	vmul.f32 v46, v38;
	v33 =	vadd.f32 v53, v51;
	v51 =	vld [tilespmem:$0x1FD70]  }
0x186: {  	v53 =	vld [tilespmem:$0x1FD80]  }
0x187: {  	[tilespmem:$0x830] =	vst v32;
	v32 =	vld [tilespmem:$0x1D30]  }
0x188: {  	v35 =	vadd.f32 v55, v54;
	v43 =	vadd.f32 v42, v40;
	[tilespmem:$0x7B0] =	vst v58;
	v42 =	vld [tilespmem:$0xDC0]  }
0x189: {  	(erf) = vrcp.f32 v47;
	v58 =	vpop (erf);
	[tilespmem:$0x1FD90] =	vst v63;
	v63 =	vld [tilespmem:$0x1AC0]  }
0x18a: {  	v47 =	vmax.f32 v35, $1.000000000e+00;
	v35 =	vadd.f32 v49, v48;
	v48 =	vld [tilespmem:$0x1FDE0];
	v61 =	vmul.f32 v58, v29  }
0x18b: {  	v36 =	vadd.f32 v53, v51;
	v51 =	vld [tilespmem:$0x1FE10]  }
0x18c: {  	[tilespmem:$0x880] =	vst v61;
	v61 =	vld [tilespmem:$0x1FDD0]  }
0x18d: {  	v53 =	vld [tilespmem:$0x1FE20]  }
0x18e: {  	v54 =	vld [tilespmem:$0x1FD90];
	[tilespmem:$0x1FDA0] =	vst v63  }
0x18f: {  	v37 =	vmul.f32 v37, v58;
	v55 =	vld [tilespmem:$0x1FDA0]  }
0x190: {  	[tilespmem:$0x780] =	vst v50;
	v46 =	vadd.f32 v45, v44;
	v50 =	vmul.f32 v43, v38;
	v43 =	vld [tilespmem:$0x1DC0]  }
0x191: {  	[tilespmem:$0x8A0] =	vst v37;
	v37 =	vadd.f32 v60, v59;
	v59 =	vld [tilespmem:$0x1FE50];
	v44 =	vadd.f32 v48, v61  }
0x192: {  	[tilespmem:$0x820] =	vst v50;
	v33 =	vmul.f32 v33, v58;
	v50 =	vmul.f32 v46, v58;
	v58 =	vpop (erf);
	v60 =	vld [tilespmem:$0x1FE60]  }
0x193: {  	v40 =	vmul.f32 v44, v58;
	v44 =	vadd.f32 v53, v51;
	v51 =	vld [tilespmem:$0x1FE70]  }
0x194: {  	v38 =	vadd.f32 v55, v54;
	v54 =	vld [tilespmem:$0x1FE30]  }
0x195: {  	v55 =	vld [tilespmem:$0x1FE40]  }
0x196: {  	v53 =	vld [tilespmem:$0x1FE80]  }
0x197: {  	v49 =	vld [tilespmem:$0x1FDF0]  }
0x198: {  	[tilespmem:$0x8B0] =	vst v50;
	v50 =	vld [tilespmem:$0x1FE00]  }
0x199: {  	v29 =	vld [tilespmem:$0x1D20];
	v35 =	vmul.f32 v58, v35;
	v36 =	vmul.f32 v36, v58  }
0x19a: {  	v37 =	vmul.f32 v37, v58;
	v61 =	vadd.f32 v60, v59;
	v59 =	vld [tilespmem:$0x1FEA0];
	v58 =	vadd.f32 v55, v54  }
0x19b: {  	(erf) = vrcp.f32 v47;
	v47 =	vpop (erf);
	v54 =	vadd.f32 v53, v51;
	v53 =	vld [tilespmem:$0x1FEB0]  }
0x19c: {  	v60 =	vmul.f32 v61, v47;
	v55 =	vmax.f32 v58, $1.000000000e+00;
	v58 =	vld [tilespmem:$0x1FE90]  }
0x19d: {  	v45 =	vadd.f32 v50, v49;
	v61 =	vmul.f32 v54, v47;
	v54 =	vld [tilespmem:$0x1FEC0]  }
0x19e: {  	[tilespmem:$0x9A0] =	vst v60;
	v60 =	vld [tilespmem:$0x1FEE0]  }
0x19f: {  	v45 =	vmul.f32 v47, v45;
	v63 =	vld [tilespmem:$0xA80]  }
0x1a0: {  	[tilespmem:$0x9B0] =	vst v61;
	v61 =	vld [tilespmem:$0x1FEF0]  }
0x1a1: {  	[tilespmem:$0x980] =	vst v45;
	v45 =	vadd.f32 v59, v58;
	v59 =	vld [tilespmem:$0x1FED0]  }
0x1a2: {  	[tilespmem:$0x890] =	vst v33;
	v44 =	vmul.f32 v44, v47;
	v47 =	vadd.f32 v54, v53;
	v53 =	vld [tilespmem:$0x1FF00]  }
0x1a3: {  	v33 =	vld [tilespmem:$0xD80];
	[tilespmem:$0x900] =	vst v35  }
0x1a4: {  	v35 =	vld [tilespmem:$0x1D80];
	[tilespmem:$0x910] =	vst v36  }
0x1a5: {  	v36 =	vld [tilespmem:$0xD90];
	[tilespmem:$0x920] =	vst v37;
	v38 =	vmax.f32 v38, $1.000000000e+00  }
0x1a6: {  	v37 =	vld [tilespmem:$0xDA0];
	[tilespmem:$0x990] =	vst v44;
	(erf) = vrcp.f32 v38  }
0x1a7: {  	[tilespmem:$0x1FF10] =	vst v63;
	v63 =	vld [tilespmem:$0x1A90];
	(erf) = vrcp.f32 v55;
	v58 =	vpop (erf);
	v46 =	vadd.f32 v60, v59;
	v44 =	vadd.f32 v53, v61  }
0x1a8: {  	v45 =	vmul.f32 v58, v45;
	v47 =	vmul.f32 v47, v58;
	v59 =	vld [tilespmem:$0x1FF40]  }
0x1a9: {  	v55 =	vadd.f32 v31, v39;
	v46 =	vmul.f32 v46, v58;
	v44 =	vmul.f32 v44, v58;
	v58 =	vld [tilespmem:$0x1FF30]  }
0x1aa: {  	v60 =	vld [tilespmem:$0x1FF50]  }
0x1ab: {  	v48 =	vmax.f32 v55, $1.000000000e+00;
	v55 =	vld [tilespmem:$0x1FF20]  }
0x1ac: {  	v54 =	vld [tilespmem:$0x1FF10]  }
0x1ad: {  	v61 =	vld [tilespmem:$0x1FF60]  }
0x1ae: {  	[tilespmem:$0xA10] =	vst v47;
	v47 =	vadd.f32 v63, v58;
	v63 =	vld [tilespmem:$0x1FF70]  }
0x1af: {  	[tilespmem:$0xA20] =	vst v46;
	v46 =	vadd.f32 v60, v59;
	v59 =	vld [tilespmem:$0x1FF90]  }
0x1b0: {  	v58 =	vld [tilespmem:$0x1FF80]  }
0x1b1: {  	v50 =	vld [tilespmem:$0xE40];
	(erf) = vrcp.f32 v48;
	[tilespmem:$0xA00] =	vst v45;
	v45 =	vadd.f32 v55, v54  }
0x1b2: {  	v49 =	vpop (erf);
	v60 =	vld [tilespmem:$0x1FFA0]  }
0x1b3: {  	v45 =	vmul.f32 v49, v45;
	[tilespmem:$0xA30] =	vst v44;
	v44 =	vadd.f32 v63, v61;
	v61 =	vld [tilespmem:$0x1FFB0]  }
0x1b4: {  	v17 =	vmax.f32 v17, $1.000000000e+00;
	v63 =	vld [tilespmem:$0x1FFC0]  }
0x1b5: {  	(erf) = vrcp.f32 v17;
	[tilespmem:$0xA80] =	vst v45;
	v45 =	vadd.f32 v59, v58;
	v58 =	vld [tilespmem:$0x1FFD0]  }
0x1b6: {  	[tilespmem:$0x930] =	vst v40;
	v40 =	vld [tilespmem:$0x1DA0]  }
0x1b7: {  	v38 =	vld [tilespmem:$0x1D90];
	v47 =	vmul.f32 v47, v49  }
0x1b8: {  	v51 =	vld [tilespmem:$0x1E00];
	v46 =	vmul.f32 v46, v49  }
0x1b9: {  	v19 =	vadd.f32 v19, v23;
	[tilespmem:$0xA90] =	vst v47;
	v44 =	vmul.f32 v44, v49;
	v49 =	vpop (erf);
	v47 =	vadd.f32 v61, v60;
	v60 =	vld [tilespmem:$0x1FFE0]  }
0x1ba: {  	[tilespmem:$0xAA0] =	vst v46;
	v45 =	vmul.f32 v49, v45;
	v46 =	vadd.f32 v58, v63;
	v61 =	vld [tilespmem:$0x1FFF0];
	v58 =	vpop (erf)  }
0x1bb: {  	v24 =	vmax.f32 v24, $1.000000000e+00;
	v31 =	vld [tilespmem:$0xDB0];
	[tilespmem:$0xAB0] =	vst v44;
	v19 =	vmul.f32 v19, v58  }
0x1bc: {  	v39 =	vld [tilespmem:$0x1DB0];
	(erf) = vrcp.f32 v24;
	[tilespmem:$0xB00] =	vst v45;
	v63 =	vadd.f32 v57, v56;
	v59 =	vmul.f32 v47, v49  }
0x1bd: {  	v48 =	vld [tilespmem:$0x1E40];
	v46 =	vmul.f32 v46, v49;
	[tilespmem:$0xBB0] =	vst v19  }
0x1be: {  	v17 =	vld [tilespmem:$0x1E10];
	v57 =	vadd.f32 v52, v62;
	v62 =	vpop (erf);
	v45 =	vmul.f32 v58, v63;
	[tilespmem:$0xB10] =	vst v59  }
0x1bf: {  	v53 =	vld [tilespmem:$0xE10];
	v10 =	vmul.f32 v62, v10;
	[tilespmem:$0xB20] =	vst v46;
	v47 =	vadd.f32 v61, v60;
	v60 =	vmax.f32 v34, $1.000000000e+00  }
0x1c0: {  	v54 =	vld [tilespmem:$0x1E20];
	v0 =	vmul.f32 v0, v62;
	[tilespmem:$0xB80] =	vst v45;
	(erf) = vrcp.f32 v60  }
0x1c1: {  	v2 =	vadd.f32 v11, v2;
	v55 =	vld [tilespmem:$0xE30];
	v63 =	vadd.f32 v43, v42;
	v1 =	vmul.f32 v1, v62;
	[tilespmem:$0xC00] =	vst v10  }
0x1c2: {  	v24 =	vld [tilespmem:$0x1E30];
	v52 =	vadd.f32 v48, v50;
	v59 =	vmul.f32 v57, v58;
	[tilespmem:$0xC10] =	vst v0  }
0x1c3: {  	v48 =	vld [tilespmem:$0x1FC0];
	v50 =	vadd.f32 v38, v36;
	v45 =	vmax.f32 v63, $1.000000000e+00;
	v46 =	vmul.f32 v2, v62;
	[tilespmem:$0xC20] =	vst v1  }
0x1c4: {  	v36 =	vld [tilespmem:$0x1F80];
	v57 =	vadd.f32 v13, v7;
	v61 =	vmul.f32 v22, v58;
	[tilespmem:$0xB90] =	vst v59;
	(erf) = vrcp.f32 v45  }
0x1c5: {  	v42 =	vld [tilespmem:$0xE90];
	[tilespmem:$0xC30] =	vst v46;
	v59 =	vadd.f32 v18, v16;
	v56 =	vmul.f32 v47, v49;
	v49 =	vpop (erf)  }
0x1c6: {  	v43 =	vadd.f32 v29, v27;
	v27 =	vld [tilespmem:$0xF30];
	[tilespmem:$0xBA0] =	vst v61;
	v47 =	vadd.f32 v9, v8;
	v62 =	vmul.f32 v57, v49  }
0x1c7: {  	v63 =	vld [tilespmem:$0x1F40];
	v9 =	vmax.f32 v52, $1.000000000e+00;
	v61 =	vadd.f32 v20, v4;
	v20 =	vmul.f32 v59, v49;
	[tilespmem:$0xB30] =	vst v56  }
0x1c8: {  	v60 =	vld [tilespmem:$0xF40];
	(erf) = vrcp.f32 v9;
	v56 =	vmul.f32 v49, v5;
	[tilespmem:$0xCA0] =	vst v62  }
0x1c9: {  	v41 =	vadd.f32 v28, v41;
	v23 =	vadd.f32 v26, v21;
	v29 =	vld [tilespmem:$0x1F30];
	v58 =	vmul.f32 v47, v49;
	[tilespmem:$0xCB0] =	vst v20;
	v26 =	vpop (erf)  }
0x1ca: {  	v10 =	vld [tilespmem:$0xEB0];
	[tilespmem:$0xC80] =	vst v56;
	v1 =	vmul.f32 v26, v61  }
0x1cb: {  	v7 =	vld [tilespmem:$0x1EB0];
	v45 =	vadd.f32 v32, v30;
	v9 =	vmax.f32 v41, $1.000000000e+00;
	[tilespmem:$0xC90] =	vst v58;
	v44 =	vmul.f32 v23, v26  }
0x1cc: {  	v46 =	vld [tilespmem:$0xFC0];
	(erf) = vrcp.f32 v9;
	v4 =	vmul.f32 v43, v26;
	[tilespmem:$0xD00] =	vst v1  }
0x1cd: {  	v13 =	vld [tilespmem:$0x1F00];
	v5 =	vadd.f32 v63, v60;
	v60 =	vadd.f32 v39, v31;
	v49 =	vmul.f32 v45, v26;
	v52 =	vpop (erf);
	[tilespmem:$0xD10] =	vst v44  }
0x1ce: {  	v34 =	vld [tilespmem:$0xE80];
	v47 =	vadd.f32 v35, v33;
	v59 =	vmul.f32 v50, v52;
	[tilespmem:$0xD20] =	vst v4  }
0x1cf: {  	v22 =	vld [tilespmem:$0x1E80];
	v57 =	vadd.f32 v40, v37;
	v5 =	vmax.f32 v5, $1.000000000e+00;
	v21 =	vmul.f32 v60, v52;
	[tilespmem:$0xD30] =	vst v49  }
0x1d0: {  	v32 =	vld [tilespmem:$0xF80];
	(erf) = vrcp.f32 v5;
	v23 =	vadd.f32 v17, v53;
	v1 =	vmul.f32 v52, v47;
	[tilespmem:$0xD90] =	vst v59  }
0x1d1: {  	v28 =	vadd.f32 v54, v25;
	v40 =	vld [tilespmem:$0xF90];
	v9 =	vadd.f32 v48, v46;
	v26 =	vpop (erf);
	v4 =	vmul.f32 v57, v52;
	[tilespmem:$0xDB0] =	vst v21  }
0x1d2: {  	v56 =	vld [tilespmem:$0xF10];
	v31 =	vadd.f32 v24, v55;
	v30 =	vmul.f32 v23, v26;
	[tilespmem:$0xD80] =	vst v1  }
0x1d3: {  	v62 =	vadd.f32 v51, v15;
	v58 =	vld [tilespmem:$0x1F10];
	v9 =	vmax.f32 v9, $1.000000000e+00;
	v33 =	vmul.f32 v28, v26;
	[tilespmem:$0xDA0] =	vst v4  }
0x1d4: {  	v35 =	vadd.f32 v22, v34;
	v63 =	vld [tilespmem:$0x1F20];
	(erf) = vrcp.f32 v9;
	v38 =	vmul.f32 v31, v26;
	[tilespmem:$0xE10] =	vst v30  }
0x1d5: {  	v39 =	vadd.f32 v3, v42;
	v61 =	vld [tilespmem:$0xF20];
	v1 =	vmul.f32 v26, v62;
	[tilespmem:$0xE20] =	vst v33;
	v37 =	vpop (erf)  }
0x1d6: {  	v42 =	vadd.f32 v6, v14;
	v46 =	vld [tilespmem:$0xFA0];
	[tilespmem:$0xE30] =	vst v38;
	v41 =	vmul.f32 v37, v35  }
0x1d7: {  	v43 =	vld [tilespmem:$0x1F90];
	v45 =	vadd.f32 v7, v10;
	[tilespmem:$0xE00] =	vst v1;
	v44 =	vmul.f32 v39, v37  }
0x1d8: {  	v48 =	vadd.f32 v13, v12;
	v53 =	vld [tilespmem:$0xFB0];
	v47 =	vmul.f32 v42, v37;
	[tilespmem:$0xE80] =	vst v41  }
0x1d9: {  	v49 =	vld [tilespmem:$0x1FA0];
	v52 =	vadd.f32 v58, v56;
	v50 =	vpop (erf);
	v51 =	vmul.f32 v45, v37;
	[tilespmem:$0xE90] =	vst v44  }
0x1da: {  	v56 =	vld [tilespmem:$0x1FB0];
	v55 =	vadd.f32 v63, v61;
	v54 =	vmul.f32 v50, v48;
	[tilespmem:$0xEA0] =	vst v47  }
0x1db: {  	v57 =	vadd.f32 v29, v27;
	v2 =	vmul.f32 v52, v50;
	[tilespmem:$0xEB0] =	vst v51  }
0x1dc: {  	v58 =	vadd.f32 v36, v32;
	v4 =	vmul.f32 v55, v50;
	[tilespmem:$0xF00] =	vst v54  }
0x1dd: {  	v59 =	vadd.f32 v43, v40;
	v0 =	vmul.f32 v57, v50;
	v60 =	vpop (erf);
	[tilespmem:$0xF10] =	vst v2  }
0x1de: {  	v61 =	vadd.f32 v49, v46;
	[tilespmem:$0xF20] =	vst v4;
	v1 =	vmul.f32 v60, v58  }
0x1df: {  	v62 =	vadd.f32 v56, v53;
	[tilespmem:$0xF30] =	vst v0;
	v2 =	vmul.f32 v59, v60  }
0x1e0: {  	v63 =	vmul.f32 v61, v60;
	[tilespmem:$0xF80] =	vst v1  }
0x1e1: {  	v0 =	vmul.f32 v62, v60;
	[tilespmem:$0xF90] =	vst v2  }
0x1e2: {  	[tilespmem:$0xFA0] =	vst v63  }
0x1e3: {  	s1 =	rddreg [dreg:$0x6];
	[tilespmem:$0xFB0] =	vst v0  }
0x1e4: {  	[spmem:s1] =	stream.linear.scatter [tilespmem:s3], [sflag:$0x8], $0x1000, $0x38;
	[tilespmem:$0xF400] =	vst v63  }
0x1e5: {  	_ =	swait.ge [sflag:s11], $0x1000  }
0x1e6: {  	[sflag:s11] =	ssyncset.done $0x0  }
0x1e7: {  	[sflag:s11] =	ssyncadd.s32 $0xFFFFF000  }
0x1e8: {  	[bflag:$0x0] =	sbarrier.arrive $0xFFFF  }
0x1e9: {  	s1 =	rddreg [dreg:$0x7]  }
0x1ea: {  	[tilespmem:s13], [sflag:$0x1] =	stream.linear.gather [hbm4b:s1+s3], $0x400, $0x38;
	[tilespmem:$0xF400] =	vst v63  }
0x1eb: {  	_ =	swait.ge [sflag:s14], $0x400  }
0x1ec: {  	[sflag:s14] =	ssyncset.done $0x0  }
0x1ed: {  	[sflag:s14] =	ssyncadd.s32 $0xFFFFFC00  }
0x1ee: {  	[tilespmem:s16], [sflag:$0x2] =	stream.indirect.gather [spmem:s2], $0x80, s13, s15, $0xb8;
	[tilespmem:$0xF400] =	vst v63  }
0x1ef: {  	_ = 	snop  }
0x1f0: {  	[tilespmem:s18], [sflag:$0x3] =	stream.indirect.gather [spmem:s2], $0x80, s17, s15, $0xb8;
	[tilespmem:$0xF400] =	vst v63  }
0x1f1: {  	_ = 	snop  }
0x1f2: {  	[tilespmem:s20], [sflag:$0x4] =	stream.indirect.gather [spmem:s2], $0x80, s19, s15, $0xb8;
	[tilespmem:$0xF400] =	vst v63  }
0x1f3: {  	_ =	swait.ge [sflag:s21], $0x4000  }
0x1f4: {  	[sflag:s21] =	ssyncset.done $0x0  }
0x1f5: {  	s1 =	rddreg [dreg:$0x8];
	[sflag:s21] =	ssyncadd.s32 $0xFFFFC000  }
0x1f6: {  	[hbm4b:s1+s3] =	stream.linear.scatter [tilespmem:s16], [sflag:$0x5], $0x4000, $0x38;
	[tilespmem:$0xF400] =	vst v63  }
0x1f7: {  	_ =	swait.ge [sflag:s22], $0x4000  }
0x1f8: {  	[sflag:s22] =	ssyncset.done $0x0  }
0x1f9: {  	[sflag:s22] =	ssyncadd.s32 $0xFFFFC000  }
0x1fa: {  	[tilespmem:s16], [sflag:$0x2] =	stream.indirect.gather [spmem:s2], $0x80, s23, s15, $0xb8;
	[tilespmem:$0xF400] =	vst v63  }
0x1fb: {  	_ =	swait.ge [sflag:s24], $0x4000  }
0x1fc: {  	[sflag:s24] =	ssyncset.done $0x0  }
0x1fd: {  	s1 =	rddreg [dreg:$0x9];
	[sflag:s24] =	ssyncadd.s32 $0xFFFFC000  }
0x1fe: {  	[hbm4b:s1+s3] =	stream.linear.scatter [tilespmem:s18], [sflag:$0x6], $0x4000, $0x38;
	[tilespmem:$0xF400] =	vst v63  }
0x1ff: {  	_ =	swait.ge [sflag:s25], $0x4000  }
0x200: {  	[sflag:s25] =	ssyncset.done $0x0  }
0x201: {  	[sflag:s25] =	ssyncadd.s32 $0xFFFFC000  }
0x202: {  	[tilespmem:s18], [sflag:$0x3] =	stream.indirect.gather [spmem:s2], $0x80, s26, s15, $0xb8;
	[tilespmem:$0xF400] =	vst v63  }
0x203: {  	_ =	swait.ge [sflag:s28], $0x4000  }
0x204: {  	[sflag:s28] =	ssyncset.done $0x0  }
0x205: {  	[sflag:s28] =	ssyncadd.s32 $0xFFFFC000  }
0x206: {  	[hbm4b:s4+s3] =	stream.linear.scatter [tilespmem:s20], [sflag:$0x7], $0x4000, $0x38;
	[tilespmem:$0xF400] =	vst v63  }
0x207: {  	_ =	swait.ge [sflag:s29], $0x4000  }
0x208: {  	[sflag:s29] =	ssyncset.done $0x0  }
0x209: {  	[sflag:s29] =	ssyncadd.s32 $0xFFFFC000  }
0x20a: {  	[tilespmem:s20], [sflag:$0x4] =	stream.indirect.gather [spmem:s2], $0x80, s30, s15, $0xb8;
	[tilespmem:$0xF400] =	vst v63  }
0x20b: {  	_ =	swait.ge [sflag:s21], $0x4000  }
0x20c: {  	[sflag:s21] =	ssyncset.done $0x0  }
0x20d: {  	[sflag:s21] =	ssyncadd.s32 $0xFFFFC000  }
0x20e: {  	[hbm4b:s5+s3] =	stream.linear.scatter [tilespmem:s16], [sflag:$0x5], $0x4000, $0x38;
	[tilespmem:$0xF400] =	vst v63  }
0x20f: {  	_ =	swait.ge [sflag:s22], $0x4000  }
0x210: {  	[sflag:s22] =	ssyncset.done $0x0  }
0x211: {  	[sflag:s22] =	ssyncadd.s32 $0xFFFFC000  }
0x212: {  	[tilespmem:s16], [sflag:$0x2] =	stream.indirect.gather [spmem:s2], $0x80, s31, s15, $0xb8;
	[tilespmem:$0xF400] =	vst v63  }
0x213: {  	_ =	swait.ge [sflag:s24], $0x4000  }
0x214: {  	[sflag:s24] =	ssyncset.done $0x0  }
0x215: {  	[sflag:s24] =	ssyncadd.s32 $0xFFFFC000  }
0x216: {  	[hbm4b:s6+s3] =	stream.linear.scatter [tilespmem:s18], [sflag:$0x6], $0x4000, $0x38;
	[tilespmem:$0xF400] =	vst v63  }
0x217: {  	_ =	swait.ge [sflag:s25], $0x4000  }
0x218: {  	[sflag:s25] =	ssyncset.done $0x0  }
0x219: {  	[sflag:s25] =	ssyncadd.s32 $0xFFFFC000  }
0x21a: {  	[tilespmem:s18], [sflag:$0x3] =	stream.indirect.gather [spmem:s2], $0x80, s0, s15, $0xb8;
	[tilespmem:$0xF400] =	vst v63  }
0x21b: {  	_ =	swait.ge [sflag:s28], $0x4000  }
0x21c: {  	[sflag:s28] =	ssyncset.done $0x0  }
0x21d: {  	[sflag:s28] =	ssyncadd.s32 $0xFFFFC000  }
0x21e: {  	[hbm4b:s7+s3] =	stream.linear.scatter [tilespmem:s20], [sflag:$0x7], $0x4000, $0x38;
	[tilespmem:$0xF400] =	vst v63  }
0x21f: {  	_ =	swait.ge [sflag:s21], $0x4000  }
0x220: {  	[sflag:s21] =	ssyncset.done $0x0  }
0x221: {  	[sflag:s21] =	ssyncadd.s32 $0xFFFFC000  }
0x222: {  	[hbm4b:s8+s3] =	stream.linear.scatter [tilespmem:s16], [sflag:$0x5], $0x4000, $0x38;
	[tilespmem:$0xF400] =	vst v63  }
0x223: {  	_ =	swait.ge [sflag:s24], $0x4000  }
0x224: {  	[sflag:s24] =	ssyncset.done $0x0  }
0x225: {  	[sflag:s24] =	ssyncadd.s32 $0xFFFFC000  }
0x226: {  	[hbm4b:s9+s3] =	stream.linear.scatter [tilespmem:s18], [sflag:$0x6], $0x4000, $0x38;
	[tilespmem:$0xF400] =	vst v63  }
0x227: {  	_ =	swait.ge [sflag:s22], $0x4000  }
0x228: {  	[sflag:s22] =	ssyncset.done $0x0  }
0x229: {  	[sflag:s22] =	ssyncadd.s32 $0xFFFFC000  }
0x22a: {  	p0 =	sne.s32 s10, $0x1;
	_ =	swait.ge [sflag:s25], $0x4000  }
.Ltmp0:
0x22b: {  	[sflag:s25] =	ssyncset.done $0x0;
	(pc) =	sbr.rel @p0 .LBB2_1-.Ltmp0, $4  }
0x22c: {  	[sflag:s25] =	ssyncadd.s32 $0xFFFFC000  }
0x22d: {  	_ =	swait.ge [sflag:s29], $0x4000  }
0x22e: {  	[sflag:s29] =	ssyncset.done $0x0  }
0x22f: {  	s10 =	sadd.s32 $0xFFFFFFFF, s10;
	[sflag:s29] =	ssyncadd.s32 $0xFFFFC000  }
0x230: {  	_ =	sfence.sel $0x180000  }
0x231: {  	[bflag:$0x0] =	sbarrier.arrive $0xFFFF  }
0x232: {  	_ =	strace $0x9000004A  }
0x233: {  	s0 =	stileid.u32;
	[bflag:$0x2] =	sbarrier.arrive $0xFFFF  }
0x234: {  	p0 =	sne.s32 s0, $0x0;
	s0 =	rddreg [dreg:$0x3]  }
0x235: {  	s0 =	sadd.s32 @!p0 $0x100000, s0  }
0x236: {  	[sflag:s0] =	ssyncadd.tile.s32 @!p0 $0x1;
	_ =	shalt  }
.Lfunc_end2:
_tile_overlayer_lowered:
.L_overlay_start_2:
0x237: {  	(tag) =	ssettag $0x2  }
0x238: {  	s0 =	rddreg [dreg:$0x0];
	s2 =	stileid.u32  }
0x239: {  	s1 =	rddreg [dreg:$0x1];
	p0 =	sne.s32 s2, $0x0  }
0x23a: {  	s3 =	rddreg [dreg:$0x2];
	[bflag:$0x3] =	sbarrier.arrive $0xFFFF;
	s2 =	simm.s32 @!p0 $0x1C08  }
0x23b: {  	[timem:s3], [sflag:s2] =	dma.local @!p0 [hbm:s0], s1  }
0x23c: {  	s0 =	simm.s32 @!p0 $0x8  }
0x23d: {  	_ =	swait.ge @!p0 [sflag:s0], s1  }
0x23e: {  	s1 =	ssub.s32 @!p0 $0x0, s1;
	[sflag:s0] =	ssyncset.done @!p0 $0x0  }
0x23f: {  	[sflag:s0] =	ssyncadd.s32 @!p0 s1  }
0x240: {  	[bflag:$0x3] =	sbarrier.arrive $0xFFFF  }
0x241: {  	_ =	shalt  }

</sc_bundles>
